<compile_context>
chip_gen: v7x
topology: tpu7x:2x2x1
jax: 0.10.2.dev20260603
libtpu: 0.0.44.dev20260713+nightly
codegen_flags: <defaults>
</compile_context>

<pallas_src>
import jax
import jax.numpy as jnp
from jax import lax
from jax.experimental import pallas as pl
from jax.experimental.pallas import tpu as pltpu
from jax.experimental.pallas import tpu_sc as plsc

_HU = (-1000.0, -900.0, -400.0, -100.0, -50.0, -10.0,
       20.0, 40.0, 60.0, 100.0, 800.0, 1000.0)
_NC = 2
_NS = 16
_L = 16
_P = 4
_G = 24
_W = 96
_VD = 8
_NV = 13
_CH = _P * _P * _P * _VD
_UPW = 2 * _G * _G // (_NC * _NS)


def _bin16(xv):
    b = jnp.where(xv >= _HU[0], 1, 0)
    for t in _HU[1:]:
        b = b + jnp.where(xv >= t, 1, 0)
    return b


def _coords(u):
    b = u // (_G * _G)
    r = u % (_G * _G)
    return b, r // _G, r % _G


def _tec_body(x_hbm, vtp_hbm, out_hbm,
              xb_v, vtp_v, bp_v, out_v,
              sem_out0, sem_out1, sem_in0, sem_in1):
    wid = lax.axis_index("s") * _NC + lax.axis_index("c")
    sem_out = (sem_out0, sem_out1)
    sem_in = (sem_in0, sem_in1)

    pltpu.sync_copy(vtp_hbm, vtp_v)

    lane = lax.iota(jnp.int32, _L)
    pat_e = (2 * lane) % _L
    pat_o = (2 * lane + 1) % _L
    lo = jnp.where(lane < 8, 1, 0)

    def fire_in(u, buf):
        b, dp, hp = _coords(u)
        pltpu.async_copy(x_hbm.at[b, dp, :, hp, :, :], xb_v.at[buf],
                         sem_in[buf])

    def wait_in(u, buf):
        b, dp, hp = _coords(u)
        pltpu.make_async_copy(x_hbm.at[b, dp, :, hp, :, :], xb_v.at[buf],
                              sem_in[buf]).wait()

    def phase1(u, buf):
        def do_row(pdph, c2):
            bv = [_bin16(xb_v[buf, pdph // 4, pdph % 4, pl.ds(q * _L, _L)])
                  for q in range(6)]
            for m in range(3):
                b1, b2 = bv[2 * m], bv[2 * m + 1]
                c1 = jnp.take_along_axis(b1, pat_e, axis=0) * _L + \
                    jnp.take_along_axis(b1, pat_o, axis=0)
                c2_ = jnp.take_along_axis(b2, pat_e, axis=0) * _L + \
                    jnp.take_along_axis(b2, pat_o, axis=0)
                bp_v[pdph, pl.ds(m * _L, _L)] = c2_ + lo * (c1 - c2_)
            return c2

        lax.fori_loop(0, _P * _P, do_row, 0)

    def phase2(buf):
        def do_pdph(pdph, c3):
            off = pdph * 2 * _L
            for m in range(3):
                bpv = bp_v[pdph, pl.ds(m * _L, _L)]
                for l in range(_L):
                    p = m * _L + l
                    wp, j = p // 2, p % 2
                    out_v[buf, wp, pl.ds(j * _L + off, _L)] = vtp_v[bpv[l]]
            return c3

        lax.fori_loop(0, _P * _P, do_pdph, 0)

    def fire_out(u, buf):
        b, dp, hp = _coords(u)
        pltpu.async_copy(out_v.at[buf], out_hbm.at[b, dp, hp], sem_out[buf])

    def wait_out(u, buf):
        b, dp, hp = _coords(u)
        pltpu.make_async_copy(out_v.at[buf], out_hbm.at[b, dp, hp],
                              sem_out[buf]).wait()

    u0 = wid * _UPW
    fire_in(u0, 0)

    def body(i, carry):
        for s in range(2):
            u = u0 + 2 * i + s
            lu = 2 * i + s
            wait_in(u, s)

            @pl.when(lu < _UPW - 1)
            def _():
                fire_in(u + 1, 1 - s)

            phase1(u, s)

            @pl.when(lu >= 2)
            def _():
                wait_out(u - 2, s)

            phase2(s)
            fire_out(u, s)
        return carry

    lax.fori_loop(0, _UPW // 2, body, 0)
    wait_out(u0 + _UPW - 2, 0)
    wait_out(u0 + _UPW - 1, 1)


def _make_sc_call():
    mesh = plsc.VectorSubcoreMesh(core_axis_name="c", subcore_axis_name="s",
                                  num_cores=_NC, num_subcores=_NS)
    return pl.kernel(
        _tec_body,
        out_type=jax.ShapeDtypeStruct((2, _G, _G, _G, _CH), jnp.float32),
        mesh=mesh,
        scratch_types=[
            pltpu.VMEM((2, _P, _P, _W), jnp.float32),
            pltpu.VMEM((_NV * _L, _L), jnp.float32),
            pltpu.VMEM((_P * _P, 2 * _G), jnp.int32),
            pltpu.VMEM((2, _G, _CH), jnp.float32),
            pltpu.SemaphoreType.DMA,
            pltpu.SemaphoreType.DMA,
            pltpu.SemaphoreType.DMA,
            pltpu.SemaphoreType.DMA,
        ],
    )


@jax.jit
def kernel(x, vectors):
    B, C, D, H, W = x.shape
    x6 = x.reshape(B, D // _P, _P, H // _P, _P, W)
    va = jnp.broadcast_to(vectors[:, None, :], (_NV, _NV, _VD))
    vb = jnp.broadcast_to(vectors[None, :, :], (_NV, _NV, _VD))
    vtp = jnp.concatenate([va, vb], axis=-1)
    vtp = jnp.pad(vtp, ((0, 0), (0, _L - _NV), (0, 0)))
    vtp = vtp.reshape(_NV * _L, _L)
    out = _make_sc_call()(x6, vtp)
    return jnp.transpose(out, (0, 4, 1, 2, 3))

# --- scband reference (transcript-rebuilt; emitter-appended) ---
"""Pipeline reference for scband-learned-class-vectors-65197603554143 (READ-ONLY COPY).

The authoritative reference and input builder live on the scoring server;
editing this copy changes nothing except your own understanding.
"""

import jax, jax.numpy as jnp
import numpy as np

HU = np.array([-1000, -900, -400, -100, -50, -10, 20, 40, 60, 100, 800, 1000], dtype=np.float32)
N_VECTORS = len(HU) + 1  # 13
VECTOR_DIM = 8
PATCH = 4
CLS_VAL = -10000.0


def setup_inputs(seed: int = 0) -> dict:
    key = jax.random.key(seed)
    k1, k2 = jax.random.split(key)
    x = jax.random.normal(k1, (2, 1, 96, 96, 96), dtype=jnp.float32)
    vectors = jax.random.normal(k2, (N_VECTORS, VECTOR_DIM), dtype=jnp.float32)
    return {"x": x, "vectors": vectors}


def reference(x, vectors):
    B, C, D, H, W = x.shape
    Pd = Ph = Pw = PATCH
    vd = VECTOR_DIM
    intervals = jnp.asarray(HU)
    # vectors_cls[i] = (i+1)*cls_val repeated vector_dim times (non-learned markers)
    cls = (jnp.arange(1, N_VECTORS + 1, dtype=jnp.float32)[:, None] * CLS_VAL) * jnp.ones((1, vd), jnp.float32)
    # create_voxel_vectors: histogram-bin each voxel into one of 13 HU classes
    v = x.reshape(-1, 1)
    v = jnp.where(v < intervals[0], cls[0], v)  # broadcasts to [N, vd]
    for i in range(N_VECTORS - 2):
        v = jnp.where((v >= intervals[i]) & (v < intervals[i + 1]), cls[i + 1], v)
    v = jnp.where(v >= intervals[-1], cls[-1], v)
    for i in range(N_VECTORS):
        v = jnp.where(v == (i + 1) * CLS_VAL, vectors[i], v)
    # reshape back, squeeze channel, channels-first
    v = v.reshape(B, C, D, H, W, vd)[:, 0]  # [B, D, H, W, vd]
    v = jnp.transpose(v, (0, 4, 1, 2, 3))   # [B, vd, D, H, W]
    Dp, Hp, Wp = D // Pd, H // Ph, W // Pw
    # torch unfold(2,Pd,Pd).unfold(3,Ph,Ph).unfold(4,Pw,Pw) -> [B, vd, Dp, Hp, Wp, Pd, Ph, Pw]
    v = v.reshape(B, vd, Dp, Pd, Hp, Ph, Wp, Pw)
    v = jnp.transpose(v, (0, 1, 2, 4, 6, 3, 5, 7))
    # permute(0,2,3,4,5,6,7,1) then flatten(4)
    v = jnp.transpose(v, (0, 2, 3, 4, 5, 6, 7, 1))
    v = v.reshape(B, Dp, Hp, Wp, Pd * Ph * Pw * vd)
    # permute(0,4,1,2,3)
    out = jnp.transpose(v, (0, 4, 1, 2, 3))
    return out

if __name__ == "__main__":
    import jax
    _d = setup_inputs()
    print(jax.jit(kernel)(*tuple(_d.values())))

</pallas_src>

<mosaic_0001>
#map = affine_map<(d0, d1) -> (0, 0, 0, 0, 0, 0)>
#map1 = affine_map<(d0, d1) -> (0, 0)>
#map2 = affine_map<(d0, d1) -> (0, 0, 0, 0, 0)>
module attributes {stable_mosaic.version = 14 : i64} {
  func.func @_tec_body(%arg0: i32, %arg1: i32, %arg2: memref<2x24x4x24x4x96xf32, #tpu.memory_space<hbm>>, %arg3: memref<208x16xf32, #tpu.memory_space<hbm>>, %arg4: memref<2x24x24x24x512xf32, #tpu.memory_space<hbm>>, %arg5: memref<2x4x4x96xf32, #tpu.memory_space<vmem>>, %arg6: memref<208x16xf32, #tpu.memory_space<vmem>>, %arg7: memref<16x48xi32, #tpu.memory_space<vmem>>, %arg8: memref<2x24x512xf32, #tpu.memory_space<vmem>>, %arg9: memref<!tpu.dma_semaphore, #tpu.memory_space<semaphore_mem>>, %arg10: memref<!tpu.dma_semaphore, #tpu.memory_space<semaphore_mem>>, %arg11: memref<!tpu.dma_semaphore, #tpu.memory_space<semaphore_mem>>, %arg12: memref<!tpu.dma_semaphore, #tpu.memory_space<semaphore_mem>>) attributes {dimension_semantics = [#tpu.dimension_semantics<core_parallel>, #tpu.dimension_semantics<subcore_parallel>], iteration_bounds = array<i64: 2, 16>, scalar_prefetch = 0 : i64, scratch_operands = 8 : i64, tpu.core_type = #tpu.core_type<sc_vector_subcore>, window_params = [{transform_indices = #map}, {transform_indices = #map1}, {transform_indices = #map2}]} {
    %mul3A = arith.constant 2 : i32
    %mul3A_0 = arith.muli %arg1, %mul3A : i32
    %add3A = arith.addi %mul3A_0, %arg0 : i32
    "tpu.region"() ({
      %run_scoped3A = tpu.sem_alloc : memref<!tpu.dma_semaphore, #tpu.memory_space<semaphore_mem>>
      tpu.enqueue_dma source(%arg3 : memref<208x16xf32, #tpu.memory_space<hbm>>) target(%arg6 : memref<208x16xf32, #tpu.memory_space<vmem>>) target_semaphore(%run_scoped3A : memref<!tpu.dma_semaphore, #tpu.memory_space<semaphore_mem>>)
      tpu.wait_dma2 semaphore(%run_scoped3A : memref<!tpu.dma_semaphore, #tpu.memory_space<semaphore_mem>>) src(%arg3 : memref<208x16xf32, #tpu.memory_space<hbm>>) dst(%arg6 : memref<208x16xf32, #tpu.memory_space<vmem>>)
      tpu.yield
    }) : () -> ()
    %iota3A = tpu.iota {dimensions = array<i32: 0>} : vector<16xi32>
    %mul3A_1 = arith.constant 2 : i32
    %mul3A_2 = vector.broadcast %mul3A_1 : i32 to vector<16xi32>
    %mul3A_3 = arith.muli %mul3A_2, %iota3A : vector<16xi32>
    %jit3A = arith.constant 16 : i32
    %eq3A = arith.constant 0 : i32
    %eq3A_4 = arith.cmpi eq, %jit3A, %eq3A : i32
    %jit3A_5 = arith.constant 1 : i32
    %select_n3A = arith.select %eq3A_4, %jit3A_5, %jit3A : i32
    %rem3A = vector.broadcast %select_n3A : i32 to vector<16xi32>
    %rem3A_6 = arith.remsi %mul3A_3, %rem3A : vector<16xi32>
    %ne3A = arith.constant 0 : i32
    %ne3A_7 = vector.broadcast %ne3A : i32 to vector<16xi32>
    %ne3A_8 = arith.cmpi ne, %rem3A_6, %ne3A_7 : vector<16xi32>
    %lt3A = arith.constant 0 : i32
    %lt3A_9 = vector.broadcast %lt3A : i32 to vector<16xi32>
    %lt3A_10 = arith.cmpi slt, %rem3A_6, %lt3A_9 : vector<16xi32>
    %lt3A_11 = arith.constant 0 : i32
    %lt3A_12 = arith.cmpi slt, %select_n3A, %lt3A_11 : i32
    %ne3A_13 = vector.broadcast %lt3A_12 : i1 to vector<16xi1>
    %ne3A_14 = vector.broadcast %ne3A_13 : vector<16xi1> to vector<16xi1>
    %ne3A_15 = arith.xori %lt3A_10, %ne3A_14 : vector<16xi1>
    %and3A = arith.andi %ne3A_15, %ne3A_8 : vector<16xi1>
    %add3A_16 = vector.broadcast %select_n3A : i32 to vector<16xi32>
    %add3A_17 = arith.addi %rem3A_6, %add3A_16 : vector<16xi32>
    %select_n3A_18 = arith.select %and3A, %add3A_17, %rem3A_6 : vector<16xi1>, vector<16xi32>
    %mul3A_19 = arith.constant 2 : i32
    %mul3A_20 = vector.broadcast %mul3A_19 : i32 to vector<16xi32>
    %mul3A_21 = arith.muli %mul3A_20, %iota3A : vector<16xi32>
    %add3A_22 = arith.constant 1 : i32
    %add3A_23 = vector.broadcast %add3A_22 : i32 to vector<16xi32>
    %add3A_24 = arith.addi %mul3A_21, %add3A_23 : vector<16xi32>
    %jit3A_25 = arith.constant 16 : i32
    %eq3A_26 = arith.constant 0 : i32
    %eq3A_27 = arith.cmpi eq, %jit3A_25, %eq3A_26 : i32
    %jit3A_28 = arith.constant 1 : i32
    %select_n3A_29 = arith.select %eq3A_27, %jit3A_28, %jit3A_25 : i32
    %rem3A_30 = vector.broadcast %select_n3A_29 : i32 to vector<16xi32>
    %rem3A_31 = arith.remsi %add3A_24, %rem3A_30 : vector<16xi32>
    %ne3A_32 = arith.constant 0 : i32
    %ne3A_33 = vector.broadcast %ne3A_32 : i32 to vector<16xi32>
    %ne3A_34 = arith.cmpi ne, %rem3A_31, %ne3A_33 : vector<16xi32>
    %lt3A_35 = arith.constant 0 : i32
    %lt3A_36 = vector.broadcast %lt3A_35 : i32 to vector<16xi32>
    %lt3A_37 = arith.cmpi slt, %rem3A_31, %lt3A_36 : vector<16xi32>
    %lt3A_38 = arith.constant 0 : i32
    %lt3A_39 = arith.cmpi slt, %select_n3A_29, %lt3A_38 : i32
    %ne3A_40 = vector.broadcast %lt3A_39 : i1 to vector<16xi1>
    %ne3A_41 = vector.broadcast %ne3A_40 : vector<16xi1> to vector<16xi1>
    %ne3A_42 = arith.xori %lt3A_37, %ne3A_41 : vector<16xi1>
    %and3A_43 = arith.andi %ne3A_42, %ne3A_34 : vector<16xi1>
    %add3A_44 = vector.broadcast %select_n3A_29 : i32 to vector<16xi32>
    %add3A_45 = arith.addi %rem3A_31, %add3A_44 : vector<16xi32>
    %select_n3A_46 = arith.select %and3A_43, %add3A_45, %rem3A_31 : vector<16xi1>, vector<16xi32>
    %lt3A_47 = arith.constant 8 : i32
    %lt3A_48 = vector.broadcast %lt3A_47 : i32 to vector<16xi32>
    %lt3A_49 = arith.cmpi slt, %iota3A, %lt3A_48 : vector<16xi32>
    %jit3A_50 = arith.constant 1 : i32
    %jit3A_51 = arith.constant 0 : i32
    %broadcast_in_dim3A = vector.broadcast %jit3A_50 : i32 to vector<16xi32>
    %broadcast_in_dim3A_52 = vector.broadcast %jit3A_51 : i32 to vector<16xi32>
    %select_n3A_53 = arith.select %lt3A_49, %broadcast_in_dim3A, %broadcast_in_dim3A_52 : vector<16xi1>, vector<16xi32>
    %mul3A_54 = arith.constant 36 : i32
    %mul3A_55 = arith.muli %add3A, %mul3A_54 : i32
    %jit3A_56 = arith.constant 576 : i32
    %div3A = arith.divsi %mul3A_55, %jit3A_56 : i32
    %sign3A = arith.constant 0 : i32
    %sign3A_57 = arith.cmpi sgt, %mul3A_55, %sign3A : i32
    %sign3A_58 = arith.extui %sign3A_57 : i1 to i32
    %sign3A_59 = arith.constant 0 : i32
    %sign3A_60 = arith.cmpi slt, %mul3A_55, %sign3A_59 : i32
    %sign3A_61 = arith.extui %sign3A_60 : i1 to i32
    %sign3A_62 = arith.subi %sign3A_58, %sign3A_61 : i32
    %sign3A_63 = arith.constant 0 : i32
    %sign3A_64 = arith.cmpi sgt, %jit3A_56, %sign3A_63 : i32
    %sign3A_65 = arith.extui %sign3A_64 : i1 to i32
    %sign3A_66 = arith.constant 0 : i32
    %sign3A_67 = arith.cmpi slt, %jit3A_56, %sign3A_66 : i32
    %sign3A_68 = arith.extui %sign3A_67 : i1 to i32
    %sign3A_69 = arith.subi %sign3A_65, %sign3A_68 : i32
    %ne3A_70 = arith.cmpi ne, %sign3A_62, %sign3A_69 : i32
    %rem3A_71 = arith.remsi %mul3A_55, %jit3A_56 : i32
    %ne3A_72 = arith.constant 0 : i32
    %ne3A_73 = arith.cmpi ne, %rem3A_71, %ne3A_72 : i32
    %and3A_74 = arith.andi %ne3A_70, %ne3A_73 : i1
    %sub3A = arith.constant 1 : i32
    %sub3A_75 = arith.subi %div3A, %sub3A : i32
    %select_n3A_76 = arith.select %and3A_74, %sub3A_75, %div3A : i32
    %jit3A_77 = arith.constant 576 : i32
    %eq3A_78 = arith.constant 0 : i32
    %eq3A_79 = arith.cmpi eq, %jit3A_77, %eq3A_78 : i32
    %jit3A_80 = arith.constant 1 : i32
    %select_n3A_81 = arith.select %eq3A_79, %jit3A_80, %jit3A_77 : i32
    %rem3A_82 = arith.remsi %mul3A_55, %select_n3A_81 : i32
    %ne3A_83 = arith.constant 0 : i32
    %ne3A_84 = arith.cmpi ne, %rem3A_82, %ne3A_83 : i32
    %lt3A_85 = arith.constant 0 : i32
    %lt3A_86 = arith.cmpi slt, %rem3A_82, %lt3A_85 : i32
    %lt3A_87 = arith.constant 0 : i32
    %lt3A_88 = arith.cmpi slt, %select_n3A_81, %lt3A_87 : i32
    %ne3A_89 = arith.xori %lt3A_86, %lt3A_88 : i1
    %and3A_90 = arith.andi %ne3A_89, %ne3A_84 : i1
    %add3A_91 = arith.addi %rem3A_82, %select_n3A_81 : i32
    %select_n3A_92 = arith.select %and3A_90, %add3A_91, %rem3A_82 : i32
    %jit3A_93 = arith.constant 24 : i32
    %div3A_94 = arith.divsi %select_n3A_92, %jit3A_93 : i32
    %sign3A_95 = arith.constant 0 : i32
    %sign3A_96 = arith.cmpi sgt, %select_n3A_92, %sign3A_95 : i32
    %sign3A_97 = arith.extui %sign3A_96 : i1 to i32
    %sign3A_98 = arith.constant 0 : i32
    %sign3A_99 = arith.cmpi slt, %select_n3A_92, %sign3A_98 : i32
    %sign3A_100 = arith.extui %sign3A_99 : i1 to i32
    %sign3A_101 = arith.subi %sign3A_97, %sign3A_100 : i32
    %sign3A_102 = arith.constant 0 : i32
    %sign3A_103 = arith.cmpi sgt, %jit3A_93, %sign3A_102 : i32
    %sign3A_104 = arith.extui %sign3A_103 : i1 to i32
    %sign3A_105 = arith.constant 0 : i32
    %sign3A_106 = arith.cmpi slt, %jit3A_93, %sign3A_105 : i32
    %sign3A_107 = arith.extui %sign3A_106 : i1 to i32
    %sign3A_108 = arith.subi %sign3A_104, %sign3A_107 : i32
    %ne3A_109 = arith.cmpi ne, %sign3A_101, %sign3A_108 : i32
    %rem3A_110 = arith.remsi %select_n3A_92, %jit3A_93 : i32
    %ne3A_111 = arith.constant 0 : i32
    %ne3A_112 = arith.cmpi ne, %rem3A_110, %ne3A_111 : i32
    %and3A_113 = arith.andi %ne3A_109, %ne3A_112 : i1
    %sub3A_114 = arith.constant 1 : i32
    %sub3A_115 = arith.subi %div3A_94, %sub3A_114 : i32
    %select_n3A_116 = arith.select %and3A_113, %sub3A_115, %div3A_94 : i32
    %jit3A_117 = arith.constant 24 : i32
    %eq3A_118 = arith.constant 0 : i32
    %eq3A_119 = arith.cmpi eq, %jit3A_117, %eq3A_118 : i32
    %jit3A_120 = arith.constant 1 : i32
    %select_n3A_121 = arith.select %eq3A_119, %jit3A_120, %jit3A_117 : i32
    %rem3A_122 = arith.remsi %select_n3A_92, %select_n3A_121 : i32
    %ne3A_123 = arith.constant 0 : i32
    %ne3A_124 = arith.cmpi ne, %rem3A_122, %ne3A_123 : i32
    %lt3A_125 = arith.constant 0 : i32
    %lt3A_126 = arith.cmpi slt, %rem3A_122, %lt3A_125 : i32
    %lt3A_127 = arith.constant 0 : i32
    %lt3A_128 = arith.cmpi slt, %select_n3A_121, %lt3A_127 : i32
    %ne3A_129 = arith.xori %lt3A_126, %lt3A_128 : i1
    %and3A_130 = arith.andi %ne3A_129, %ne3A_124 : i1
    %add3A_131 = arith.addi %rem3A_122, %select_n3A_121 : i32
    %select_n3A_132 = arith.select %and3A_130, %add3A_131, %rem3A_122 : i32
    %dma_start3A = arith.constant 0 : i32
    %dma_start3A_133 = arith.constant 0 : i32
    %dma_start3A_134 = arith.constant 0 : i32
    %dma_start3A_135 = arith.constant 0 : i32
    %dma_start3A_136 = tpu.memref_slice %arg5[%dma_start3A, %dma_start3A_133, %dma_start3A_134, %dma_start3A_135] : memref<2x4x4x96xf32, #tpu.memory_space<vmem>> -> memref<1x4x4x96xf32, #tpu.memory_space<vmem>>
    %dma_start3A_137 = tpu.memref_squeeze %dma_start3A_136 : memref<1x4x4x96xf32, #tpu.memory_space<vmem>> -> memref<4x4x96xf32, #tpu.memory_space<vmem>>
    %dma_start3A_138 = arith.constant 0 : i32
    %dma_start3A_139 = arith.constant 0 : i32
    %dma_start3A_140 = arith.constant 0 : i32
    %dma_start3A_141 = tpu.memref_slice %arg2[%select_n3A_76, %select_n3A_116, %dma_start3A_138, %select_n3A_132, %dma_start3A_139, %dma_start3A_140] : memref<2x24x4x24x4x96xf32, #tpu.memory_space<hbm>> -> memref<1x1x4x1x4x96xf32, #tpu.memory_space<hbm>>
    %dma_start3A_142 = tpu.memref_squeeze %dma_start3A_141 : memref<1x1x4x1x4x96xf32, #tpu.memory_space<hbm>> -> memref<4x4x96xf32, #tpu.memory_space<hbm>>
    %dma_start3A_143 = arith.constant 0 : i32
    %dma_start3A_144 = arith.constant 0 : i32
    %dma_start3A_145 = arith.constant 0 : i32
    %dma_start3A_146 = tpu.memref_slice %arg5[%dma_start3A, %dma_start3A_143, %dma_start3A_144, %dma_start3A_145] : memref<2x4x4x96xf32, #tpu.memory_space<vmem>> -> memref<1x4x4x96xf32, #tpu.memory_space<vmem>>
    %dma_start3A_147 = tpu.memref_squeeze %dma_start3A_146 : memref<1x4x4x96xf32, #tpu.memory_space<vmem>> -> memref<4x4x96xf32, #tpu.memory_space<vmem>>
    %dma_start3A_148 = arith.constant 0 : i32
    %dma_start3A_149 = arith.constant 0 : i32
    %dma_start3A_150 = arith.constant 0 : i32
    %dma_start3A_151 = tpu.memref_slice %arg2[%select_n3A_76, %select_n3A_116, %dma_start3A_148, %select_n3A_132, %dma_start3A_149, %dma_start3A_150] : memref<2x24x4x24x4x96xf32, #tpu.memory_space<hbm>> -> memref<1x1x4x1x4x96xf32, #tpu.memory_space<hbm>>
    %dma_start3A_152 = tpu.memref_squeeze %dma_start3A_151 : memref<1x1x4x1x4x96xf32, #tpu.memory_space<hbm>> -> memref<4x4x96xf32, #tpu.memory_space<hbm>>
    tpu.enqueue_dma source(%dma_start3A_152 : memref<4x4x96xf32, #tpu.memory_space<hbm>>) target(%dma_start3A_147 : memref<4x4x96xf32, #tpu.memory_space<vmem>>) target_semaphore(%arg11 : memref<!tpu.dma_semaphore, #tpu.memory_space<semaphore_mem>>)
    %scan3A = arith.constant 0 : i32
    %scan3A_153 = arith.constant 0 : i32
    %scan3A_154 = arith.constant 18 : i32
    %scan3A_155 = arith.addi %scan3A_153, %scan3A_154 : i32
    %scan3A_156 = arith.constant 1 : i32
    scf.for %scan3A_359 = %scan3A_153 to %scan3A_155 step %scan3A_156  : i32 {
      %mul3A_360 = arith.constant 2 : i32
      %mul3A_361 = arith.muli %mul3A_360, %scan3A_359 : i32
      %add3A_362 = arith.addi %mul3A_55, %mul3A_361 : i32
      %add3A_363 = arith.constant 0 : i32
      %add3A_364 = arith.addi %add3A_362, %add3A_363 : i32
      %mul3A_365 = arith.constant 2 : i32
      %mul3A_366 = arith.muli %mul3A_365, %scan3A_359 : i32
      %add3A_367 = arith.constant 0 : i32
      %add3A_368 = arith.addi %mul3A_366, %add3A_367 : i32
      %jit3A_369 = arith.constant 576 : i32
      %div3A_370 = arith.divsi %add3A_364, %jit3A_369 : i32
      %sign3A_371 = arith.constant 0 : i32
      %sign3A_372 = arith.cmpi sgt, %add3A_364, %sign3A_371 : i32
      %sign3A_373 = arith.extui %sign3A_372 : i1 to i32
      %sign3A_374 = arith.constant 0 : i32
      %sign3A_375 = arith.cmpi slt, %add3A_364, %sign3A_374 : i32
      %sign3A_376 = arith.extui %sign3A_375 : i1 to i32
      %sign3A_377 = arith.subi %sign3A_373, %sign3A_376 : i32
      %sign3A_378 = arith.constant 0 : i32
      %sign3A_379 = arith.cmpi sgt, %jit3A_369, %sign3A_378 : i32
      %sign3A_380 = arith.extui %sign3A_379 : i1 to i32
      %sign3A_381 = arith.constant 0 : i32
      %sign3A_382 = arith.cmpi slt, %jit3A_369, %sign3A_381 : i32
      %sign3A_383 = arith.extui %sign3A_382 : i1 to i32
      %sign3A_384 = arith.subi %sign3A_380, %sign3A_383 : i32
      %ne3A_385 = arith.cmpi ne, %sign3A_377, %sign3A_384 : i32
      %rem3A_386 = arith.remsi %add3A_364, %jit3A_369 : i32
      %ne3A_387 = arith.constant 0 : i32
      %ne3A_388 = arith.cmpi ne, %rem3A_386, %ne3A_387 : i32
      %and3A_389 = arith.andi %ne3A_385, %ne3A_388 : i1
      %sub3A_390 = arith.constant 1 : i32
      %sub3A_391 = arith.subi %div3A_370, %sub3A_390 : i32
      %select_n3A_392 = arith.select %and3A_389, %sub3A_391, %div3A_370 : i32
      %jit3A_393 = arith.constant 576 : i32
      %eq3A_394 = arith.constant 0 : i32
      %eq3A_395 = arith.cmpi eq, %jit3A_393, %eq3A_394 : i32
      %jit3A_396 = arith.constant 1 : i32
      %select_n3A_397 = arith.select %eq3A_395, %jit3A_396, %jit3A_393 : i32
      %rem3A_398 = arith.remsi %add3A_364, %select_n3A_397 : i32
      %ne3A_399 = arith.constant 0 : i32
      %ne3A_400 = arith.cmpi ne, %rem3A_398, %ne3A_399 : i32
      %lt3A_401 = arith.constant 0 : i32
      %lt3A_402 = arith.cmpi slt, %rem3A_398, %lt3A_401 : i32
      %lt3A_403 = arith.constant 0 : i32
      %lt3A_404 = arith.cmpi slt, %select_n3A_397, %lt3A_403 : i32
      %ne3A_405 = arith.xori %lt3A_402, %lt3A_404 : i1
      %and3A_406 = arith.andi %ne3A_405, %ne3A_400 : i1
      %add3A_407 = arith.addi %rem3A_398, %select_n3A_397 : i32
      %select_n3A_408 = arith.select %and3A_406, %add3A_407, %rem3A_398 : i32
      %jit3A_409 = arith.constant 24 : i32
      %div3A_410 = arith.divsi %select_n3A_408, %jit3A_409 : i32
      %sign3A_411 = arith.constant 0 : i32
      %sign3A_412 = arith.cmpi sgt, %select_n3A_408, %sign3A_411 : i32
      %sign3A_413 = arith.extui %sign3A_412 : i1 to i32
      %sign3A_414 = arith.constant 0 : i32
      %sign3A_415 = arith.cmpi slt, %select_n3A_408, %sign3A_414 : i32
      %sign3A_416 = arith.extui %sign3A_415 : i1 to i32
      %sign3A_417 = arith.subi %sign3A_413, %sign3A_416 : i32
      %sign3A_418 = arith.constant 0 : i32
      %sign3A_419 = arith.cmpi sgt, %jit3A_409, %sign3A_418 : i32
      %sign3A_420 = arith.extui %sign3A_419 : i1 to i32
      %sign3A_421 = arith.constant 0 : i32
      %sign3A_422 = arith.cmpi slt, %jit3A_409, %sign3A_421 : i32
      %sign3A_423 = arith.extui %sign3A_422 : i1 to i32
      %sign3A_424 = arith.subi %sign3A_420, %sign3A_423 : i32
      %ne3A_425 = arith.cmpi ne, %sign3A_417, %sign3A_424 : i32
      %rem3A_426 = arith.remsi %select_n3A_408, %jit3A_409 : i32
      %ne3A_427 = arith.constant 0 : i32
      %ne3A_428 = arith.cmpi ne, %rem3A_426, %ne3A_427 : i32
      %and3A_429 = arith.andi %ne3A_425, %ne3A_428 : i1
      %sub3A_430 = arith.constant 1 : i32
      %sub3A_431 = arith.subi %div3A_410, %sub3A_430 : i32
      %select_n3A_432 = arith.select %and3A_429, %sub3A_431, %div3A_410 : i32
      %jit3A_433 = arith.constant 24 : i32
      %eq3A_434 = arith.constant 0 : i32
      %eq3A_435 = arith.cmpi eq, %jit3A_433, %eq3A_434 : i32
      %jit3A_436 = arith.constant 1 : i32
      %select_n3A_437 = arith.select %eq3A_435, %jit3A_436, %jit3A_433 : i32
      %rem3A_438 = arith.remsi %select_n3A_408, %select_n3A_437 : i32
      %ne3A_439 = arith.constant 0 : i32
      %ne3A_440 = arith.cmpi ne, %rem3A_438, %ne3A_439 : i32
      %lt3A_441 = arith.constant 0 : i32
      %lt3A_442 = arith.cmpi slt, %rem3A_438, %lt3A_441 : i32
      %lt3A_443 = arith.constant 0 : i32
      %lt3A_444 = arith.cmpi slt, %select_n3A_437, %lt3A_443 : i32
      %ne3A_445 = arith.xori %lt3A_442, %lt3A_444 : i1
      %and3A_446 = arith.andi %ne3A_445, %ne3A_440 : i1
      %add3A_447 = arith.addi %rem3A_438, %select_n3A_437 : i32
      %select_n3A_448 = arith.select %and3A_446, %add3A_447, %rem3A_438 : i32
      %dma_wait3A_449 = arith.constant 0 : i32
      %dma_wait3A_450 = arith.constant 0 : i32
      %dma_wait3A_451 = arith.constant 0 : i32
      %dma_wait3A_452 = arith.constant 0 : i32
      %dma_wait3A_453 = tpu.memref_slice %arg5[%dma_wait3A_449, %dma_wait3A_450, %dma_wait3A_451, %dma_wait3A_452] : memref<2x4x4x96xf32, #tpu.memory_space<vmem>> -> memref<1x4x4x96xf32, #tpu.memory_space<vmem>>
      %dma_wait3A_454 = tpu.memref_squeeze %dma_wait3A_453 : memref<1x4x4x96xf32, #tpu.memory_space<vmem>> -> memref<4x4x96xf32, #tpu.memory_space<vmem>>
      %dma_wait3A_455 = arith.constant 0 : i32
      %dma_wait3A_456 = arith.constant 0 : i32
      %dma_wait3A_457 = arith.constant 0 : i32
      %dma_wait3A_458 = tpu.memref_slice %arg2[%select_n3A_392, %select_n3A_432, %dma_wait3A_455, %select_n3A_448, %dma_wait3A_456, %dma_wait3A_457] : memref<2x24x4x24x4x96xf32, #tpu.memory_space<hbm>> -> memref<1x1x4x1x4x96xf32, #tpu.memory_space<hbm>>
      %dma_wait3A_459 = tpu.memref_squeeze %dma_wait3A_458 : memref<1x1x4x1x4x96xf32, #tpu.memory_space<hbm>> -> memref<4x4x96xf32, #tpu.memory_space<hbm>>
      %dma_wait3A_460 = arith.constant 0 : i32
      %dma_wait3A_461 = arith.constant 0 : i32
      %dma_wait3A_462 = arith.constant 0 : i32
      %dma_wait3A_463 = tpu.memref_slice %arg5[%dma_wait3A_449, %dma_wait3A_460, %dma_wait3A_461, %dma_wait3A_462] : memref<2x4x4x96xf32, #tpu.memory_space<vmem>> -> memref<1x4x4x96xf32, #tpu.memory_space<vmem>>
      %dma_wait3A_464 = tpu.memref_squeeze %dma_wait3A_463 : memref<1x4x4x96xf32, #tpu.memory_space<vmem>> -> memref<4x4x96xf32, #tpu.memory_space<vmem>>
      %dma_wait3A_465 = arith.constant 0 : i32
      %dma_wait3A_466 = arith.constant 0 : i32
      %dma_wait3A_467 = arith.constant 0 : i32
      %dma_wait3A_468 = tpu.memref_slice %arg2[%select_n3A_392, %select_n3A_432, %dma_wait3A_465, %select_n3A_448, %dma_wait3A_466, %dma_wait3A_467] : memref<2x24x4x24x4x96xf32, #tpu.memory_space<hbm>> -> memref<1x1x4x1x4x96xf32, #tpu.memory_space<hbm>>
      %dma_wait3A_469 = tpu.memref_squeeze %dma_wait3A_468 : memref<1x1x4x1x4x96xf32, #tpu.memory_space<hbm>> -> memref<4x4x96xf32, #tpu.memory_space<hbm>>
      tpu.wait_dma2 semaphore(%arg11 : memref<!tpu.dma_semaphore, #tpu.memory_space<semaphore_mem>>) src(%dma_wait3A_469 : memref<4x4x96xf32, #tpu.memory_space<hbm>>) dst(%dma_wait3A_464 : memref<4x4x96xf32, #tpu.memory_space<vmem>>)
      %lt3A_470 = arith.constant 35 : i32
      %lt3A_471 = arith.cmpi slt, %add3A_368, %lt3A_470 : i32
      %convert_element_type3A = arith.extui %lt3A_471 : i1 to i32
      %cond3A = arith.constant 0 : i32
      %cond3A_472 = arith.cmpi ne, %convert_element_type3A, %cond3A : i32
      scf.if %cond3A_472 {
        %add3A_815 = arith.constant 1 : i32
        %add3A_816 = arith.addi %add3A_364, %add3A_815 : i32
        %jit3A_817 = arith.constant 576 : i32
        %div3A_818 = arith.divsi %add3A_816, %jit3A_817 : i32
        %sign3A_819 = arith.constant 0 : i32
        %sign3A_820 = arith.cmpi sgt, %add3A_816, %sign3A_819 : i32
        %sign3A_821 = arith.extui %sign3A_820 : i1 to i32
        %sign3A_822 = arith.constant 0 : i32
        %sign3A_823 = arith.cmpi slt, %add3A_816, %sign3A_822 : i32
        %sign3A_824 = arith.extui %sign3A_823 : i1 to i32
        %sign3A_825 = arith.subi %sign3A_821, %sign3A_824 : i32
        %sign3A_826 = arith.constant 0 : i32
        %sign3A_827 = arith.cmpi sgt, %jit3A_817, %sign3A_826 : i32
        %sign3A_828 = arith.extui %sign3A_827 : i1 to i32
        %sign3A_829 = arith.constant 0 : i32
        %sign3A_830 = arith.cmpi slt, %jit3A_817, %sign3A_829 : i32
        %sign3A_831 = arith.extui %sign3A_830 : i1 to i32
        %sign3A_832 = arith.subi %sign3A_828, %sign3A_831 : i32
        %ne3A_833 = arith.cmpi ne, %sign3A_825, %sign3A_832 : i32
        %rem3A_834 = arith.remsi %add3A_816, %jit3A_817 : i32
        %ne3A_835 = arith.constant 0 : i32
        %ne3A_836 = arith.cmpi ne, %rem3A_834, %ne3A_835 : i32
        %and3A_837 = arith.andi %ne3A_833, %ne3A_836 : i1
        %sub3A_838 = arith.constant 1 : i32
        %sub3A_839 = arith.subi %div3A_818, %sub3A_838 : i32
        %select_n3A_840 = arith.select %and3A_837, %sub3A_839, %div3A_818 : i32
        %jit3A_841 = arith.constant 576 : i32
        %eq3A_842 = arith.constant 0 : i32
        %eq3A_843 = arith.cmpi eq, %jit3A_841, %eq3A_842 : i32
        %jit3A_844 = arith.constant 1 : i32
        %select_n3A_845 = arith.select %eq3A_843, %jit3A_844, %jit3A_841 : i32
        %rem3A_846 = arith.remsi %add3A_816, %select_n3A_845 : i32
        %ne3A_847 = arith.constant 0 : i32
        %ne3A_848 = arith.cmpi ne, %rem3A_846, %ne3A_847 : i32
        %lt3A_849 = arith.constant 0 : i32
        %lt3A_850 = arith.cmpi slt, %rem3A_846, %lt3A_849 : i32
        %lt3A_851 = arith.constant 0 : i32
        %lt3A_852 = arith.cmpi slt, %select_n3A_845, %lt3A_851 : i32
        %ne3A_853 = arith.xori %lt3A_850, %lt3A_852 : i1
        %and3A_854 = arith.andi %ne3A_853, %ne3A_848 : i1
        %add3A_855 = arith.addi %rem3A_846, %select_n3A_845 : i32
        %select_n3A_856 = arith.select %and3A_854, %add3A_855, %rem3A_846 : i32
        %jit3A_857 = arith.constant 24 : i32
        %div3A_858 = arith.divsi %select_n3A_856, %jit3A_857 : i32
        %sign3A_859 = arith.constant 0 : i32
        %sign3A_860 = arith.cmpi sgt, %select_n3A_856, %sign3A_859 : i32
        %sign3A_861 = arith.extui %sign3A_860 : i1 to i32
        %sign3A_862 = arith.constant 0 : i32
        %sign3A_863 = arith.cmpi slt, %select_n3A_856, %sign3A_862 : i32
        %sign3A_864 = arith.extui %sign3A_863 : i1 to i32
        %sign3A_865 = arith.subi %sign3A_861, %sign3A_864 : i32
        %sign3A_866 = arith.constant 0 : i32
        %sign3A_867 = arith.cmpi sgt, %jit3A_857, %sign3A_866 : i32
        %sign3A_868 = arith.extui %sign3A_867 : i1 to i32
        %sign3A_869 = arith.constant 0 : i32
        %sign3A_870 = arith.cmpi slt, %jit3A_857, %sign3A_869 : i32
        %sign3A_871 = arith.extui %sign3A_870 : i1 to i32
        %sign3A_872 = arith.subi %sign3A_868, %sign3A_871 : i32
        %ne3A_873 = arith.cmpi ne, %sign3A_865, %sign3A_872 : i32
        %rem3A_874 = arith.remsi %select_n3A_856, %jit3A_857 : i32
        %ne3A_875 = arith.constant 0 : i32
        %ne3A_876 = arith.cmpi ne, %rem3A_874, %ne3A_875 : i32
        %and3A_877 = arith.andi %ne3A_873, %ne3A_876 : i1
        %sub3A_878 = arith.constant 1 : i32
        %sub3A_879 = arith.subi %div3A_858, %sub3A_878 : i32
        %select_n3A_880 = arith.select %and3A_877, %sub3A_879, %div3A_858 : i32
        %jit3A_881 = arith.constant 24 : i32
        %eq3A_882 = arith.constant 0 : i32
        %eq3A_883 = arith.cmpi eq, %jit3A_881, %eq3A_882 : i32
        %jit3A_884 = arith.constant 1 : i32
        %select_n3A_885 = arith.select %eq3A_883, %jit3A_884, %jit3A_881 : i32
        %rem3A_886 = arith.remsi %select_n3A_856, %select_n3A_885 : i32
        %ne3A_887 = arith.constant 0 : i32
        %ne3A_888 = arith.cmpi ne, %rem3A_886, %ne3A_887 : i32
        %lt3A_889 = arith.constant 0 : i32
        %lt3A_890 = arith.cmpi slt, %rem3A_886, %lt3A_889 : i32
        %lt3A_891 = arith.constant 0 : i32
        %lt3A_892 = arith.cmpi slt, %select_n3A_885, %lt3A_891 : i32
        %ne3A_893 = arith.xori %lt3A_890, %lt3A_892 : i1
        %and3A_894 = arith.andi %ne3A_893, %ne3A_888 : i1
        %add3A_895 = arith.addi %rem3A_886, %select_n3A_885 : i32
        %select_n3A_896 = arith.select %and3A_894, %add3A_895, %rem3A_886 : i32
        %dma_start3A_897 = arith.constant 1 : i32
        %dma_start3A_898 = arith.constant 0 : i32
        %dma_start3A_899 = arith.constant 0 : i32
        %dma_start3A_900 = arith.constant 0 : i32
        %dma_start3A_901 = tpu.memref_slice %arg5[%dma_start3A_897, %dma_start3A_898, %dma_start3A_899, %dma_start3A_900] : memref<2x4x4x96xf32, #tpu.memory_space<vmem>> -> memref<1x4x4x96xf32, #tpu.memory_space<vmem>>
        %dma_start3A_902 = tpu.memref_squeeze %dma_start3A_901 : memref<1x4x4x96xf32, #tpu.memory_space<vmem>> -> memref<4x4x96xf32, #tpu.memory_space<vmem>>
        %dma_start3A_903 = arith.constant 0 : i32
        %dma_start3A_904 = arith.constant 0 : i32
        %dma_start3A_905 = arith.constant 0 : i32
        %dma_start3A_906 = tpu.memref_slice %arg2[%select_n3A_840, %select_n3A_880, %dma_start3A_903, %select_n3A_896, %dma_start3A_904, %dma_start3A_905] : memref<2x24x4x24x4x96xf32, #tpu.memory_space<hbm>> -> memref<1x1x4x1x4x96xf32, #tpu.memory_space<hbm>>
        %dma_start3A_907 = tpu.memref_squeeze %dma_start3A_906 : memref<1x1x4x1x4x96xf32, #tpu.memory_space<hbm>> -> memref<4x4x96xf32, #tpu.memory_space<hbm>>
        %dma_start3A_908 = arith.constant 0 : i32
        %dma_start3A_909 = arith.constant 0 : i32
        %dma_start3A_910 = arith.constant 0 : i32
        %dma_start3A_911 = tpu.memref_slice %arg5[%dma_start3A_897, %dma_start3A_908, %dma_start3A_909, %dma_start3A_910] : memref<2x4x4x96xf32, #tpu.memory_space<vmem>> -> memref<1x4x4x96xf32, #tpu.memory_space<vmem>>
        %dma_start3A_912 = tpu.memref_squeeze %dma_start3A_911 : memref<1x4x4x96xf32, #tpu.memory_space<vmem>> -> memref<4x4x96xf32, #tpu.memory_space<vmem>>
        %dma_start3A_913 = arith.constant 0 : i32
        %dma_start3A_914 = arith.constant 0 : i32
        %dma_start3A_915 = arith.constant 0 : i32
        %dma_start3A_916 = tpu.memref_slice %arg2[%select_n3A_840, %select_n3A_880, %dma_start3A_913, %select_n3A_896, %dma_start3A_914, %dma_start3A_915] : memref<2x24x4x24x4x96xf32, #tpu.memory_space<hbm>> -> memref<1x1x4x1x4x96xf32, #tpu.memory_space<hbm>>
        %dma_start3A_917 = tpu.memref_squeeze %dma_start3A_916 : memref<1x1x4x1x4x96xf32, #tpu.memory_space<hbm>> -> memref<4x4x96xf32, #tpu.memory_space<hbm>>
        tpu.enqueue_dma source(%dma_start3A_917 : memref<4x4x96xf32, #tpu.memory_space<hbm>>) target(%dma_start3A_912 : memref<4x4x96xf32, #tpu.memory_space<vmem>>) target_semaphore(%arg12 : memref<!tpu.dma_semaphore, #tpu.memory_space<semaphore_mem>>)
      } else {
      }
      %scan3A_473 = arith.constant 0 : i32
      %scan3A_474 = arith.constant 0 : i32
      %scan3A_475 = arith.constant 16 : i32
      %scan3A_476 = arith.addi %scan3A_474, %scan3A_475 : i32
      %scan3A_477 = arith.constant 1 : i32
      scf.for %scan3A_815 = %scan3A_474 to %scan3A_476 step %scan3A_477  : i32 {
        %jit3A_816 = arith.constant 4 : i32
        %div3A_817 = arith.divsi %scan3A_815, %jit3A_816 : i32
        %sign3A_818 = arith.constant 0 : i32
        %sign3A_819 = arith.cmpi sgt, %scan3A_815, %sign3A_818 : i32
        %sign3A_820 = arith.extui %sign3A_819 : i1 to i32
        %sign3A_821 = arith.constant 0 : i32
        %sign3A_822 = arith.cmpi slt, %scan3A_815, %sign3A_821 : i32
        %sign3A_823 = arith.extui %sign3A_822 : i1 to i32
        %sign3A_824 = arith.subi %sign3A_820, %sign3A_823 : i32
        %sign3A_825 = arith.constant 0 : i32
        %sign3A_826 = arith.cmpi sgt, %jit3A_816, %sign3A_825 : i32
        %sign3A_827 = arith.extui %sign3A_826 : i1 to i32
        %sign3A_828 = arith.constant 0 : i32
        %sign3A_829 = arith.cmpi slt, %jit3A_816, %sign3A_828 : i32
        %sign3A_830 = arith.extui %sign3A_829 : i1 to i32
        %sign3A_831 = arith.subi %sign3A_827, %sign3A_830 : i32
        %ne3A_832 = arith.cmpi ne, %sign3A_824, %sign3A_831 : i32
        %rem3A_833 = arith.remsi %scan3A_815, %jit3A_816 : i32
        %ne3A_834 = arith.constant 0 : i32
        %ne3A_835 = arith.cmpi ne, %rem3A_833, %ne3A_834 : i32
        %and3A_836 = arith.andi %ne3A_832, %ne3A_835 : i1
        %sub3A_837 = arith.constant 1 : i32
        %sub3A_838 = arith.subi %div3A_817, %sub3A_837 : i32
        %select_n3A_839 = arith.select %and3A_836, %sub3A_838, %div3A_817 : i32
        %jit3A_840 = arith.constant 4 : i32
        %eq3A_841 = arith.constant 0 : i32
        %eq3A_842 = arith.cmpi eq, %jit3A_840, %eq3A_841 : i32
        %jit3A_843 = arith.constant 1 : i32
        %select_n3A_844 = arith.select %eq3A_842, %jit3A_843, %jit3A_840 : i32
        %rem3A_845 = arith.remsi %scan3A_815, %select_n3A_844 : i32
        %ne3A_846 = arith.constant 0 : i32
        %ne3A_847 = arith.cmpi ne, %rem3A_845, %ne3A_846 : i32
        %lt3A_848 = arith.constant 0 : i32
        %lt3A_849 = arith.cmpi slt, %rem3A_845, %lt3A_848 : i32
        %lt3A_850 = arith.constant 0 : i32
        %lt3A_851 = arith.cmpi slt, %select_n3A_844, %lt3A_850 : i32
        %ne3A_852 = arith.xori %lt3A_849, %lt3A_851 : i1
        %and3A_853 = arith.andi %ne3A_852, %ne3A_847 : i1
        %add3A_854 = arith.addi %rem3A_845, %select_n3A_844 : i32
        %select_n3A_855 = arith.select %and3A_853, %add3A_854, %rem3A_845 : i32
        %get3A = arith.constant 0 : i32
        %get3A_856 = arith.index_cast %get3A : i32 to index
        %get3A_857 = arith.index_cast %select_n3A_839 : i32 to index
        %get3A_858 = arith.index_cast %select_n3A_855 : i32 to index
        %get3A_859 = arith.constant 0 : index
        %get3A_860 = tpu.vector_load %arg5[%get3A_856, %get3A_857, %get3A_858, %get3A_859] {strides = array<i32>} : memref<2x4x4x96xf32, #tpu.memory_space<vmem>>, vector<1x1x1x16xf32>,
        %get3A_861 = vector.shape_cast %get3A_860 : vector<1x1x1x16xf32> to vector<16xf32>
        %ge3A_862 = arith.constant -1.000000e+03 : f32
        %ge3A_863 = vector.broadcast %ge3A_862 : f32 to vector<16xf32>
        %ge3A_864 = arith.cmpf oge, %get3A_861, %ge3A_863 : vector<16xf32>
        %jit3A_865 = arith.constant 1 : i32
        %jit3A_866 = arith.constant 0 : i32
        %broadcast_in_dim3A_867 = vector.broadcast %jit3A_865 : i32 to vector<16xi32>
        %broadcast_in_dim3A_868 = vector.broadcast %jit3A_866 : i32 to vector<16xi32>
        %select_n3A_869 = arith.select %ge3A_864, %broadcast_in_dim3A_867, %broadcast_in_dim3A_868 : vector<16xi1>, vector<16xi32>
        %ge3A_870 = arith.constant -9.000000e+02 : f32
        %ge3A_871 = vector.broadcast %ge3A_870 : f32 to vector<16xf32>
        %ge3A_872 = arith.cmpf oge, %get3A_861, %ge3A_871 : vector<16xf32>
        %jit3A_873 = arith.constant 1 : i32
        %jit3A_874 = arith.constant 0 : i32
        %broadcast_in_dim3A_875 = vector.broadcast %jit3A_873 : i32 to vector<16xi32>
        %broadcast_in_dim3A_876 = vector.broadcast %jit3A_874 : i32 to vector<16xi32>
        %select_n3A_877 = arith.select %ge3A_872, %broadcast_in_dim3A_875, %broadcast_in_dim3A_876 : vector<16xi1>, vector<16xi32>
        %add3A_878 = arith.addi %select_n3A_869, %select_n3A_877 : vector<16xi32>
        %ge3A_879 = arith.constant -4.000000e+02 : f32
        %ge3A_880 = vector.broadcast %ge3A_879 : f32 to vector<16xf32>
        %ge3A_881 = arith.cmpf oge, %get3A_861, %ge3A_880 : vector<16xf32>
        %jit3A_882 = arith.constant 1 : i32
        %jit3A_883 = arith.constant 0 : i32
        %broadcast_in_dim3A_884 = vector.broadcast %jit3A_882 : i32 to vector<16xi32>
        %broadcast_in_dim3A_885 = vector.broadcast %jit3A_883 : i32 to vector<16xi32>
        %select_n3A_886 = arith.select %ge3A_881, %broadcast_in_dim3A_884, %broadcast_in_dim3A_885 : vector<16xi1>, vector<16xi32>
        %add3A_887 = arith.addi %add3A_878, %select_n3A_886 : vector<16xi32>
        %ge3A_888 = arith.constant -1.000000e+02 : f32
        %ge3A_889 = vector.broadcast %ge3A_888 : f32 to vector<16xf32>
        %ge3A_890 = arith.cmpf oge, %get3A_861, %ge3A_889 : vector<16xf32>
        %jit3A_891 = arith.constant 1 : i32
        %jit3A_892 = arith.constant 0 : i32
        %broadcast_in_dim3A_893 = vector.broadcast %jit3A_891 : i32 to vector<16xi32>
        %broadcast_in_dim3A_894 = vector.broadcast %jit3A_892 : i32 to vector<16xi32>
        %select_n3A_895 = arith.select %ge3A_890, %broadcast_in_dim3A_893, %broadcast_in_dim3A_894 : vector<16xi1>, vector<16xi32>
        %add3A_896 = arith.addi %add3A_887, %select_n3A_895 : vector<16xi32>
        %ge3A_897 = arith.constant -5.000000e+01 : f32
        %ge3A_898 = vector.broadcast %ge3A_897 : f32 to vector<16xf32>
        %ge3A_899 = arith.cmpf oge, %get3A_861, %ge3A_898 : vector<16xf32>
        %jit3A_900 = arith.constant 1 : i32
        %jit3A_901 = arith.constant 0 : i32
        %broadcast_in_dim3A_902 = vector.broadcast %jit3A_900 : i32 to vector<16xi32>
        %broadcast_in_dim3A_903 = vector.broadcast %jit3A_901 : i32 to vector<16xi32>
        %select_n3A_904 = arith.select %ge3A_899, %broadcast_in_dim3A_902, %broadcast_in_dim3A_903 : vector<16xi1>, vector<16xi32>
        %add3A_905 = arith.addi %add3A_896, %select_n3A_904 : vector<16xi32>
        %ge3A_906 = arith.constant -1.000000e+01 : f32
        %ge3A_907 = vector.broadcast %ge3A_906 : f32 to vector<16xf32>
        %ge3A_908 = arith.cmpf oge, %get3A_861, %ge3A_907 : vector<16xf32>
        %jit3A_909 = arith.constant 1 : i32
        %jit3A_910 = arith.constant 0 : i32
        %broadcast_in_dim3A_911 = vector.broadcast %jit3A_909 : i32 to vector<16xi32>
        %broadcast_in_dim3A_912 = vector.broadcast %jit3A_910 : i32 to vector<16xi32>
        %select_n3A_913 = arith.select %ge3A_908, %broadcast_in_dim3A_911, %broadcast_in_dim3A_912 : vector<16xi1>, vector<16xi32>
        %add3A_914 = arith.addi %add3A_905, %select_n3A_913 : vector<16xi32>
        %ge3A_915 = arith.constant 2.000000e+01 : f32
        %ge3A_916 = vector.broadcast %ge3A_915 : f32 to vector<16xf32>
        %ge3A_917 = arith.cmpf oge, %get3A_861, %ge3A_916 : vector<16xf32>
        %jit3A_918 = arith.constant 1 : i32
        %jit3A_919 = arith.constant 0 : i32
        %broadcast_in_dim3A_920 = vector.broadcast %jit3A_918 : i32 to vector<16xi32>
        %broadcast_in_dim3A_921 = vector.broadcast %jit3A_919 : i32 to vector<16xi32>
        %select_n3A_922 = arith.select %ge3A_917, %broadcast_in_dim3A_920, %broadcast_in_dim3A_921 : vector<16xi1>, vector<16xi32>
        %add3A_923 = arith.addi %add3A_914, %select_n3A_922 : vector<16xi32>
        %ge3A_924 = arith.constant 4.000000e+01 : f32
        %ge3A_925 = vector.broadcast %ge3A_924 : f32 to vector<16xf32>
        %ge3A_926 = arith.cmpf oge, %get3A_861, %ge3A_925 : vector<16xf32>
        %jit3A_927 = arith.constant 1 : i32
        %jit3A_928 = arith.constant 0 : i32
        %broadcast_in_dim3A_929 = vector.broadcast %jit3A_927 : i32 to vector<16xi32>
        %broadcast_in_dim3A_930 = vector.broadcast %jit3A_928 : i32 to vector<16xi32>
        %select_n3A_931 = arith.select %ge3A_926, %broadcast_in_dim3A_929, %broadcast_in_dim3A_930 : vector<16xi1>, vector<16xi32>
        %add3A_932 = arith.addi %add3A_923, %select_n3A_931 : vector<16xi32>
        %ge3A_933 = arith.constant 6.000000e+01 : f32
        %ge3A_934 = vector.broadcast %ge3A_933 : f32 to vector<16xf32>
        %ge3A_935 = arith.cmpf oge, %get3A_861, %ge3A_934 : vector<16xf32>
        %jit3A_936 = arith.constant 1 : i32
        %jit3A_937 = arith.constant 0 : i32
        %broadcast_in_dim3A_938 = vector.broadcast %jit3A_936 : i32 to vector<16xi32>
        %broadcast_in_dim3A_939 = vector.broadcast %jit3A_937 : i32 to vector<16xi32>
        %select_n3A_940 = arith.select %ge3A_935, %broadcast_in_dim3A_938, %broadcast_in_dim3A_939 : vector<16xi1>, vector<16xi32>
        %add3A_941 = arith.addi %add3A_932, %select_n3A_940 : vector<16xi32>
        %ge3A_942 = arith.constant 1.000000e+02 : f32
        %ge3A_943 = vector.broadcast %ge3A_942 : f32 to vector<16xf32>
        %ge3A_944 = arith.cmpf oge, %get3A_861, %ge3A_943 : vector<16xf32>
        %jit3A_945 = arith.constant 1 : i32
        %jit3A_946 = arith.constant 0 : i32
        %broadcast_in_dim3A_947 = vector.broadcast %jit3A_945 : i32 to vector<16xi32>
        %broadcast_in_dim3A_948 = vector.broadcast %jit3A_946 : i32 to vector<16xi32>
        %select_n3A_949 = arith.select %ge3A_944, %broadcast_in_dim3A_947, %broadcast_in_dim3A_948 : vector<16xi1>, vector<16xi32>
        %add3A_950 = arith.addi %add3A_941, %select_n3A_949 : vector<16xi32>
        %ge3A_951 = arith.constant 8.000000e+02 : f32
        %ge3A_952 = vector.broadcast %ge3A_951 : f32 to vector<16xf32>
        %ge3A_953 = arith.cmpf oge, %get3A_861, %ge3A_952 : vector<16xf32>
        %jit3A_954 = arith.constant 1 : i32
        %jit3A_955 = arith.constant 0 : i32
        %broadcast_in_dim3A_956 = vector.broadcast %jit3A_954 : i32 to vector<16xi32>
        %broadcast_in_dim3A_957 = vector.broadcast %jit3A_955 : i32 to vector<16xi32>
        %select_n3A_958 = arith.select %ge3A_953, %broadcast_in_dim3A_956, %broadcast_in_dim3A_957 : vector<16xi1>, vector<16xi32>
        %add3A_959 = arith.addi %add3A_950, %select_n3A_958 : vector<16xi32>
        %ge3A_960 = arith.constant 1.000000e+03 : f32
        %ge3A_961 = vector.broadcast %ge3A_960 : f32 to vector<16xf32>
        %ge3A_962 = arith.cmpf oge, %get3A_861, %ge3A_961 : vector<16xf32>
        %jit3A_963 = arith.constant 1 : i32
        %jit3A_964 = arith.constant 0 : i32
        %broadcast_in_dim3A_965 = vector.broadcast %jit3A_963 : i32 to vector<16xi32>
        %broadcast_in_dim3A_966 = vector.broadcast %jit3A_964 : i32 to vector<16xi32>
        %select_n3A_967 = arith.select %ge3A_962, %broadcast_in_dim3A_965, %broadcast_in_dim3A_966 : vector<16xi1>, vector<16xi32>
        %add3A_968 = arith.addi %add3A_959, %select_n3A_967 : vector<16xi32>
        %jit3A_969 = arith.constant 4 : i32
        %div3A_970 = arith.divsi %scan3A_815, %jit3A_969 : i32
        %sign3A_971 = arith.constant 0 : i32
        %sign3A_972 = arith.cmpi sgt, %scan3A_815, %sign3A_971 : i32
        %sign3A_973 = arith.extui %sign3A_972 : i1 to i32
        %sign3A_974 = arith.constant 0 : i32
        %sign3A_975 = arith.cmpi slt, %scan3A_815, %sign3A_974 : i32
        %sign3A_976 = arith.extui %sign3A_975 : i1 to i32
        %sign3A_977 = arith.subi %sign3A_973, %sign3A_976 : i32
        %sign3A_978 = arith.constant 0 : i32
        %sign3A_979 = arith.cmpi sgt, %jit3A_969, %sign3A_978 : i32
        %sign3A_980 = arith.extui %sign3A_979 : i1 to i32
        %sign3A_981 = arith.constant 0 : i32
        %sign3A_982 = arith.cmpi slt, %jit3A_969, %sign3A_981 : i32
        %sign3A_983 = arith.extui %sign3A_982 : i1 to i32
        %sign3A_984 = arith.subi %sign3A_980, %sign3A_983 : i32
        %ne3A_985 = arith.cmpi ne, %sign3A_977, %sign3A_984 : i32
        %rem3A_986 = arith.remsi %scan3A_815, %jit3A_969 : i32
        %ne3A_987 = arith.constant 0 : i32
        %ne3A_988 = arith.cmpi ne, %rem3A_986, %ne3A_987 : i32
        %and3A_989 = arith.andi %ne3A_985, %ne3A_988 : i1
        %sub3A_990 = arith.constant 1 : i32
        %sub3A_991 = arith.subi %div3A_970, %sub3A_990 : i32
        %select_n3A_992 = arith.select %and3A_989, %sub3A_991, %div3A_970 : i32
        %jit3A_993 = arith.constant 4 : i32
        %eq3A_994 = arith.constant 0 : i32
        %eq3A_995 = arith.cmpi eq, %jit3A_993, %eq3A_994 : i32
        %jit3A_996 = arith.constant 1 : i32
        %select_n3A_997 = arith.select %eq3A_995, %jit3A_996, %jit3A_993 : i32
        %rem3A_998 = arith.remsi %scan3A_815, %select_n3A_997 : i32
        %ne3A_999 = arith.constant 0 : i32
        %ne3A_1000 = arith.cmpi ne, %rem3A_998, %ne3A_999 : i32
        %lt3A_1001 = arith.constant 0 : i32
        %lt3A_1002 = arith.cmpi slt, %rem3A_998, %lt3A_1001 : i32
        %lt3A_1003 = arith.constant 0 : i32
        %lt3A_1004 = arith.cmpi slt, %select_n3A_997, %lt3A_1003 : i32
        %ne3A_1005 = arith.xori %lt3A_1002, %lt3A_1004 : i1
        %and3A_1006 = arith.andi %ne3A_1005, %ne3A_1000 : i1
        %add3A_1007 = arith.addi %rem3A_998, %select_n3A_997 : i32
        %select_n3A_1008 = arith.select %and3A_1006, %add3A_1007, %rem3A_998 : i32
        %get3A_1009 = arith.constant 0 : i32
        %get3A_1010 = arith.index_cast %get3A_1009 : i32 to index
        %get3A_1011 = arith.index_cast %select_n3A_992 : i32 to index
        %get3A_1012 = arith.index_cast %select_n3A_1008 : i32 to index
        %get3A_1013 = arith.constant 16 : index
        %get3A_1014 = tpu.vector_load %arg5[%get3A_1010, %get3A_1011, %get3A_1012, %get3A_1013] {strides = array<i32>} : memref<2x4x4x96xf32, #tpu.memory_space<vmem>>, vector<1x1x1x16xf32>,
        %get3A_1015 = vector.shape_cast %get3A_1014 : vector<1x1x1x16xf32> to vector<16xf32>
        %ge3A_1016 = arith.constant -1.000000e+03 : f32
        %ge3A_1017 = vector.broadcast %ge3A_1016 : f32 to vector<16xf32>
        %ge3A_1018 = arith.cmpf oge, %get3A_1015, %ge3A_1017 : vector<16xf32>
        %jit3A_1019 = arith.constant 1 : i32
        %jit3A_1020 = arith.constant 0 : i32
        %broadcast_in_dim3A_1021 = vector.broadcast %jit3A_1019 : i32 to vector<16xi32>
        %broadcast_in_dim3A_1022 = vector.broadcast %jit3A_1020 : i32 to vector<16xi32>
        %select_n3A_1023 = arith.select %ge3A_1018, %broadcast_in_dim3A_1021, %broadcast_in_dim3A_1022 : vector<16xi1>, vector<16xi32>
        %ge3A_1024 = arith.constant -9.000000e+02 : f32
        %ge3A_1025 = vector.broadcast %ge3A_1024 : f32 to vector<16xf32>
        %ge3A_1026 = arith.cmpf oge, %get3A_1015, %ge3A_1025 : vector<16xf32>
        %jit3A_1027 = arith.constant 1 : i32
        %jit3A_1028 = arith.constant 0 : i32
        %broadcast_in_dim3A_1029 = vector.broadcast %jit3A_1027 : i32 to vector<16xi32>
        %broadcast_in_dim3A_1030 = vector.broadcast %jit3A_1028 : i32 to vector<16xi32>
        %select_n3A_1031 = arith.select %ge3A_1026, %broadcast_in_dim3A_1029, %broadcast_in_dim3A_1030 : vector<16xi1>, vector<16xi32>
        %add3A_1032 = arith.addi %select_n3A_1023, %select_n3A_1031 : vector<16xi32>
        %ge3A_1033 = arith.constant -4.000000e+02 : f32
        %ge3A_1034 = vector.broadcast %ge3A_1033 : f32 to vector<16xf32>
        %ge3A_1035 = arith.cmpf oge, %get3A_1015, %ge3A_1034 : vector<16xf32>
        %jit3A_1036 = arith.constant 1 : i32
        %jit3A_1037 = arith.constant 0 : i32
        %broadcast_in_dim3A_1038 = vector.broadcast %jit3A_1036 : i32 to vector<16xi32>
        %broadcast_in_dim3A_1039 = vector.broadcast %jit3A_1037 : i32 to vector<16xi32>
        %select_n3A_1040 = arith.select %ge3A_1035, %broadcast_in_dim3A_1038, %broadcast_in_dim3A_1039 : vector<16xi1>, vector<16xi32>
        %add3A_1041 = arith.addi %add3A_1032, %select_n3A_1040 : vector<16xi32>
        %ge3A_1042 = arith.constant -1.000000e+02 : f32
        %ge3A_1043 = vector.broadcast %ge3A_1042 : f32 to vector<16xf32>
        %ge3A_1044 = arith.cmpf oge, %get3A_1015, %ge3A_1043 : vector<16xf32>
        %jit3A_1045 = arith.constant 1 : i32
        %jit3A_1046 = arith.constant 0 : i32
        %broadcast_in_dim3A_1047 = vector.broadcast %jit3A_1045 : i32 to vector<16xi32>
        %broadcast_in_dim3A_1048 = vector.broadcast %jit3A_1046 : i32 to vector<16xi32>
        %select_n3A_1049 = arith.select %ge3A_1044, %broadcast_in_dim3A_1047, %broadcast_in_dim3A_1048 : vector<16xi1>, vector<16xi32>
        %add3A_1050 = arith.addi %add3A_1041, %select_n3A_1049 : vector<16xi32>
        %ge3A_1051 = arith.constant -5.000000e+01 : f32
        %ge3A_1052 = vector.broadcast %ge3A_1051 : f32 to vector<16xf32>
        %ge3A_1053 = arith.cmpf oge, %get3A_1015, %ge3A_1052 : vector<16xf32>
        %jit3A_1054 = arith.constant 1 : i32
        %jit3A_1055 = arith.constant 0 : i32
        %broadcast_in_dim3A_1056 = vector.broadcast %jit3A_1054 : i32 to vector<16xi32>
        %broadcast_in_dim3A_1057 = vector.broadcast %jit3A_1055 : i32 to vector<16xi32>
        %select_n3A_1058 = arith.select %ge3A_1053, %broadcast_in_dim3A_1056, %broadcast_in_dim3A_1057 : vector<16xi1>, vector<16xi32>
        %add3A_1059 = arith.addi %add3A_1050, %select_n3A_1058 : vector<16xi32>
        %ge3A_1060 = arith.constant -1.000000e+01 : f32
        %ge3A_1061 = vector.broadcast %ge3A_1060 : f32 to vector<16xf32>
        %ge3A_1062 = arith.cmpf oge, %get3A_1015, %ge3A_1061 : vector<16xf32>
        %jit3A_1063 = arith.constant 1 : i32
        %jit3A_1064 = arith.constant 0 : i32
        %broadcast_in_dim3A_1065 = vector.broadcast %jit3A_1063 : i32 to vector<16xi32>
        %broadcast_in_dim3A_1066 = vector.broadcast %jit3A_1064 : i32 to vector<16xi32>
        %select_n3A_1067 = arith.select %ge3A_1062, %broadcast_in_dim3A_1065, %broadcast_in_dim3A_1066 : vector<16xi1>, vector<16xi32>
        %add3A_1068 = arith.addi %add3A_1059, %select_n3A_1067 : vector<16xi32>
        %ge3A_1069 = arith.constant 2.000000e+01 : f32
        %ge3A_1070 = vector.broadcast %ge3A_1069 : f32 to vector<16xf32>
        %ge3A_1071 = arith.cmpf oge, %get3A_1015, %ge3A_1070 : vector<16xf32>
        %jit3A_1072 = arith.constant 1 : i32
        %jit3A_1073 = arith.constant 0 : i32
        %broadcast_in_dim3A_1074 = vector.broadcast %jit3A_1072 : i32 to vector<16xi32>
        %broadcast_in_dim3A_1075 = vector.broadcast %jit3A_1073 : i32 to vector<16xi32>
        %select_n3A_1076 = arith.select %ge3A_1071, %broadcast_in_dim3A_1074, %broadcast_in_dim3A_1075 : vector<16xi1>, vector<16xi32>
        %add3A_1077 = arith.addi %add3A_1068, %select_n3A_1076 : vector<16xi32>
        %ge3A_1078 = arith.constant 4.000000e+01 : f32
        %ge3A_1079 = vector.broadcast %ge3A_1078 : f32 to vector<16xf32>
        %ge3A_1080 = arith.cmpf oge, %get3A_1015, %ge3A_1079 : vector<16xf32>
        %jit3A_1081 = arith.constant 1 : i32
        %jit3A_1082 = arith.constant 0 : i32
        %broadcast_in_dim3A_1083 = vector.broadcast %jit3A_1081 : i32 to vector<16xi32>
        %broadcast_in_dim3A_1084 = vector.broadcast %jit3A_1082 : i32 to vector<16xi32>
        %select_n3A_1085 = arith.select %ge3A_1080, %broadcast_in_dim3A_1083, %broadcast_in_dim3A_1084 : vector<16xi1>, vector<16xi32>
        %add3A_1086 = arith.addi %add3A_1077, %select_n3A_1085 : vector<16xi32>
        %ge3A_1087 = arith.constant 6.000000e+01 : f32
        %ge3A_1088 = vector.broadcast %ge3A_1087 : f32 to vector<16xf32>
        %ge3A_1089 = arith.cmpf oge, %get3A_1015, %ge3A_1088 : vector<16xf32>
        %jit3A_1090 = arith.constant 1 : i32
        %jit3A_1091 = arith.constant 0 : i32
        %broadcast_in_dim3A_1092 = vector.broadcast %jit3A_1090 : i32 to vector<16xi32>
        %broadcast_in_dim3A_1093 = vector.broadcast %jit3A_1091 : i32 to vector<16xi32>
        %select_n3A_1094 = arith.select %ge3A_1089, %broadcast_in_dim3A_1092, %broadcast_in_dim3A_1093 : vector<16xi1>, vector<16xi32>
        %add3A_1095 = arith.addi %add3A_1086, %select_n3A_1094 : vector<16xi32>
        %ge3A_1096 = arith.constant 1.000000e+02 : f32
        %ge3A_1097 = vector.broadcast %ge3A_1096 : f32 to vector<16xf32>
        %ge3A_1098 = arith.cmpf oge, %get3A_1015, %ge3A_1097 : vector<16xf32>
        %jit3A_1099 = arith.constant 1 : i32
        %jit3A_1100 = arith.constant 0 : i32
        %broadcast_in_dim3A_1101 = vector.broadcast %jit3A_1099 : i32 to vector<16xi32>
        %broadcast_in_dim3A_1102 = vector.broadcast %jit3A_1100 : i32 to vector<16xi32>
        %select_n3A_1103 = arith.select %ge3A_1098, %broadcast_in_dim3A_1101, %broadcast_in_dim3A_1102 : vector<16xi1>, vector<16xi32>
        %add3A_1104 = arith.addi %add3A_1095, %select_n3A_1103 : vector<16xi32>
        %ge3A_1105 = arith.constant 8.000000e+02 : f32
        %ge3A_1106 = vector.broadcast %ge3A_1105 : f32 to vector<16xf32>
        %ge3A_1107 = arith.cmpf oge, %get3A_1015, %ge3A_1106 : vector<16xf32>
        %jit3A_1108 = arith.constant 1 : i32
        %jit3A_1109 = arith.constant 0 : i32
        %broadcast_in_dim3A_1110 = vector.broadcast %jit3A_1108 : i32 to vector<16xi32>
        %broadcast_in_dim3A_1111 = vector.broadcast %jit3A_1109 : i32 to vector<16xi32>
        %select_n3A_1112 = arith.select %ge3A_1107, %broadcast_in_dim3A_1110, %broadcast_in_dim3A_1111 : vector<16xi1>, vector<16xi32>
        %add3A_1113 = arith.addi %add3A_1104, %select_n3A_1112 : vector<16xi32>
        %ge3A_1114 = arith.constant 1.000000e+03 : f32
        %ge3A_1115 = vector.broadcast %ge3A_1114 : f32 to vector<16xf32>
        %ge3A_1116 = arith.cmpf oge, %get3A_1015, %ge3A_1115 : vector<16xf32>
        %jit3A_1117 = arith.constant 1 : i32
        %jit3A_1118 = arith.constant 0 : i32
        %broadcast_in_dim3A_1119 = vector.broadcast %jit3A_1117 : i32 to vector<16xi32>
        %broadcast_in_dim3A_1120 = vector.broadcast %jit3A_1118 : i32 to vector<16xi32>
        %select_n3A_1121 = arith.select %ge3A_1116, %broadcast_in_dim3A_1119, %broadcast_in_dim3A_1120 : vector<16xi1>, vector<16xi32>
        %add3A_1122 = arith.addi %add3A_1113, %select_n3A_1121 : vector<16xi32>
        %jit3A_1123 = arith.constant 4 : i32
        %div3A_1124 = arith.divsi %scan3A_815, %jit3A_1123 : i32
        %sign3A_1125 = arith.constant 0 : i32
        %sign3A_1126 = arith.cmpi sgt, %scan3A_815, %sign3A_1125 : i32
        %sign3A_1127 = arith.extui %sign3A_1126 : i1 to i32
        %sign3A_1128 = arith.constant 0 : i32
        %sign3A_1129 = arith.cmpi slt, %scan3A_815, %sign3A_1128 : i32
        %sign3A_1130 = arith.extui %sign3A_1129 : i1 to i32
        %sign3A_1131 = arith.subi %sign3A_1127, %sign3A_1130 : i32
        %sign3A_1132 = arith.constant 0 : i32
        %sign3A_1133 = arith.cmpi sgt, %jit3A_1123, %sign3A_1132 : i32
        %sign3A_1134 = arith.extui %sign3A_1133 : i1 to i32
        %sign3A_1135 = arith.constant 0 : i32
        %sign3A_1136 = arith.cmpi slt, %jit3A_1123, %sign3A_1135 : i32
        %sign3A_1137 = arith.extui %sign3A_1136 : i1 to i32
        %sign3A_1138 = arith.subi %sign3A_1134, %sign3A_1137 : i32
        %ne3A_1139 = arith.cmpi ne, %sign3A_1131, %sign3A_1138 : i32
        %rem3A_1140 = arith.remsi %scan3A_815, %jit3A_1123 : i32
        %ne3A_1141 = arith.constant 0 : i32
        %ne3A_1142 = arith.cmpi ne, %rem3A_1140, %ne3A_1141 : i32
        %and3A_1143 = arith.andi %ne3A_1139, %ne3A_1142 : i1
        %sub3A_1144 = arith.constant 1 : i32
        %sub3A_1145 = arith.subi %div3A_1124, %sub3A_1144 : i32
        %select_n3A_1146 = arith.select %and3A_1143, %sub3A_1145, %div3A_1124 : i32
        %jit3A_1147 = arith.constant 4 : i32
        %eq3A_1148 = arith.constant 0 : i32
        %eq3A_1149 = arith.cmpi eq, %jit3A_1147, %eq3A_1148 : i32
        %jit3A_1150 = arith.constant 1 : i32
        %select_n3A_1151 = arith.select %eq3A_1149, %jit3A_1150, %jit3A_1147 : i32
        %rem3A_1152 = arith.remsi %scan3A_815, %select_n3A_1151 : i32
        %ne3A_1153 = arith.constant 0 : i32
        %ne3A_1154 = arith.cmpi ne, %rem3A_1152, %ne3A_1153 : i32
        %lt3A_1155 = arith.constant 0 : i32
        %lt3A_1156 = arith.cmpi slt, %rem3A_1152, %lt3A_1155 : i32
        %lt3A_1157 = arith.constant 0 : i32
        %lt3A_1158 = arith.cmpi slt, %select_n3A_1151, %lt3A_1157 : i32
        %ne3A_1159 = arith.xori %lt3A_1156, %lt3A_1158 : i1
        %and3A_1160 = arith.andi %ne3A_1159, %ne3A_1154 : i1
        %add3A_1161 = arith.addi %rem3A_1152, %select_n3A_1151 : i32
        %select_n3A_1162 = arith.select %and3A_1160, %add3A_1161, %rem3A_1152 : i32
        %get3A_1163 = arith.constant 0 : i32
        %get3A_1164 = arith.index_cast %get3A_1163 : i32 to index
        %get3A_1165 = arith.index_cast %select_n3A_1146 : i32 to index
        %get3A_1166 = arith.index_cast %select_n3A_1162 : i32 to index
        %get3A_1167 = arith.constant 32 : index
        %get3A_1168 = tpu.vector_load %arg5[%get3A_1164, %get3A_1165, %get3A_1166, %get3A_1167] {strides = array<i32>} : memref<2x4x4x96xf32, #tpu.memory_space<vmem>>, vector<1x1x1x16xf32>,
        %get3A_1169 = vector.shape_cast %get3A_1168 : vector<1x1x1x16xf32> to vector<16xf32>
        %ge3A_1170 = arith.constant -1.000000e+03 : f32
        %ge3A_1171 = vector.broadcast %ge3A_1170 : f32 to vector<16xf32>
        %ge3A_1172 = arith.cmpf oge, %get3A_1169, %ge3A_1171 : vector<16xf32>
        %jit3A_1173 = arith.constant 1 : i32
        %jit3A_1174 = arith.constant 0 : i32
        %broadcast_in_dim3A_1175 = vector.broadcast %jit3A_1173 : i32 to vector<16xi32>
        %broadcast_in_dim3A_1176 = vector.broadcast %jit3A_1174 : i32 to vector<16xi32>
        %select_n3A_1177 = arith.select %ge3A_1172, %broadcast_in_dim3A_1175, %broadcast_in_dim3A_1176 : vector<16xi1>, vector<16xi32>
        %ge3A_1178 = arith.constant -9.000000e+02 : f32
        %ge3A_1179 = vector.broadcast %ge3A_1178 : f32 to vector<16xf32>
        %ge3A_1180 = arith.cmpf oge, %get3A_1169, %ge3A_1179 : vector<16xf32>
        %jit3A_1181 = arith.constant 1 : i32
        %jit3A_1182 = arith.constant 0 : i32
        %broadcast_in_dim3A_1183 = vector.broadcast %jit3A_1181 : i32 to vector<16xi32>
        %broadcast_in_dim3A_1184 = vector.broadcast %jit3A_1182 : i32 to vector<16xi32>
        %select_n3A_1185 = arith.select %ge3A_1180, %broadcast_in_dim3A_1183, %broadcast_in_dim3A_1184 : vector<16xi1>, vector<16xi32>
        %add3A_1186 = arith.addi %select_n3A_1177, %select_n3A_1185 : vector<16xi32>
        %ge3A_1187 = arith.constant -4.000000e+02 : f32
        %ge3A_1188 = vector.broadcast %ge3A_1187 : f32 to vector<16xf32>
        %ge3A_1189 = arith.cmpf oge, %get3A_1169, %ge3A_1188 : vector<16xf32>
        %jit3A_1190 = arith.constant 1 : i32
        %jit3A_1191 = arith.constant 0 : i32
        %broadcast_in_dim3A_1192 = vector.broadcast %jit3A_1190 : i32 to vector<16xi32>
        %broadcast_in_dim3A_1193 = vector.broadcast %jit3A_1191 : i32 to vector<16xi32>
        %select_n3A_1194 = arith.select %ge3A_1189, %broadcast_in_dim3A_1192, %broadcast_in_dim3A_1193 : vector<16xi1>, vector<16xi32>
        %add3A_1195 = arith.addi %add3A_1186, %select_n3A_1194 : vector<16xi32>
        %ge3A_1196 = arith.constant -1.000000e+02 : f32
        %ge3A_1197 = vector.broadcast %ge3A_1196 : f32 to vector<16xf32>
        %ge3A_1198 = arith.cmpf oge, %get3A_1169, %ge3A_1197 : vector<16xf32>
        %jit3A_1199 = arith.constant 1 : i32
        %jit3A_1200 = arith.constant 0 : i32
        %broadcast_in_dim3A_1201 = vector.broadcast %jit3A_1199 : i32 to vector<16xi32>
        %broadcast_in_dim3A_1202 = vector.broadcast %jit3A_1200 : i32 to vector<16xi32>
        %select_n3A_1203 = arith.select %ge3A_1198, %broadcast_in_dim3A_1201, %broadcast_in_dim3A_1202 : vector<16xi1>, vector<16xi32>
        %add3A_1204 = arith.addi %add3A_1195, %select_n3A_1203 : vector<16xi32>
        %ge3A_1205 = arith.constant -5.000000e+01 : f32
        %ge3A_1206 = vector.broadcast %ge3A_1205 : f32 to vector<16xf32>
        %ge3A_1207 = arith.cmpf oge, %get3A_1169, %ge3A_1206 : vector<16xf32>
        %jit3A_1208 = arith.constant 1 : i32
        %jit3A_1209 = arith.constant 0 : i32
        %broadcast_in_dim3A_1210 = vector.broadcast %jit3A_1208 : i32 to vector<16xi32>
        %broadcast_in_dim3A_1211 = vector.broadcast %jit3A_1209 : i32 to vector<16xi32>
        %select_n3A_1212 = arith.select %ge3A_1207, %broadcast_in_dim3A_1210, %broadcast_in_dim3A_1211 : vector<16xi1>, vector<16xi32>
        %add3A_1213 = arith.addi %add3A_1204, %select_n3A_1212 : vector<16xi32>
        %ge3A_1214 = arith.constant -1.000000e+01 : f32
        %ge3A_1215 = vector.broadcast %ge3A_1214 : f32 to vector<16xf32>
        %ge3A_1216 = arith.cmpf oge, %get3A_1169, %ge3A_1215 : vector<16xf32>
        %jit3A_1217 = arith.constant 1 : i32
        %jit3A_1218 = arith.constant 0 : i32
        %broadcast_in_dim3A_1219 = vector.broadcast %jit3A_1217 : i32 to vector<16xi32>
        %broadcast_in_dim3A_1220 = vector.broadcast %jit3A_1218 : i32 to vector<16xi32>
        %select_n3A_1221 = arith.select %ge3A_1216, %broadcast_in_dim3A_1219, %broadcast_in_dim3A_1220 : vector<16xi1>, vector<16xi32>
        %add3A_1222 = arith.addi %add3A_1213, %select_n3A_1221 : vector<16xi32>
        %ge3A_1223 = arith.constant 2.000000e+01 : f32
        %ge3A_1224 = vector.broadcast %ge3A_1223 : f32 to vector<16xf32>
        %ge3A_1225 = arith.cmpf oge, %get3A_1169, %ge3A_1224 : vector<16xf32>
        %jit3A_1226 = arith.constant 1 : i32
        %jit3A_1227 = arith.constant 0 : i32
        %broadcast_in_dim3A_1228 = vector.broadcast %jit3A_1226 : i32 to vector<16xi32>
        %broadcast_in_dim3A_1229 = vector.broadcast %jit3A_1227 : i32 to vector<16xi32>
        %select_n3A_1230 = arith.select %ge3A_1225, %broadcast_in_dim3A_1228, %broadcast_in_dim3A_1229 : vector<16xi1>, vector<16xi32>
        %add3A_1231 = arith.addi %add3A_1222, %select_n3A_1230 : vector<16xi32>
        %ge3A_1232 = arith.constant 4.000000e+01 : f32
        %ge3A_1233 = vector.broadcast %ge3A_1232 : f32 to vector<16xf32>
        %ge3A_1234 = arith.cmpf oge, %get3A_1169, %ge3A_1233 : vector<16xf32>
        %jit3A_1235 = arith.constant 1 : i32
        %jit3A_1236 = arith.constant 0 : i32
        %broadcast_in_dim3A_1237 = vector.broadcast %jit3A_1235 : i32 to vector<16xi32>
        %broadcast_in_dim3A_1238 = vector.broadcast %jit3A_1236 : i32 to vector<16xi32>
        %select_n3A_1239 = arith.select %ge3A_1234, %broadcast_in_dim3A_1237, %broadcast_in_dim3A_1238 : vector<16xi1>, vector<16xi32>
        %add3A_1240 = arith.addi %add3A_1231, %select_n3A_1239 : vector<16xi32>
        %ge3A_1241 = arith.constant 6.000000e+01 : f32
        %ge3A_1242 = vector.broadcast %ge3A_1241 : f32 to vector<16xf32>
        %ge3A_1243 = arith.cmpf oge, %get3A_1169, %ge3A_1242 : vector<16xf32>
        %jit3A_1244 = arith.constant 1 : i32
        %jit3A_1245 = arith.constant 0 : i32
        %broadcast_in_dim3A_1246 = vector.broadcast %jit3A_1244 : i32 to vector<16xi32>
        %broadcast_in_dim3A_1247 = vector.broadcast %jit3A_1245 : i32 to vector<16xi32>
        %select_n3A_1248 = arith.select %ge3A_1243, %broadcast_in_dim3A_1246, %broadcast_in_dim3A_1247 : vector<16xi1>, vector<16xi32>
        %add3A_1249 = arith.addi %add3A_1240, %select_n3A_1248 : vector<16xi32>
        %ge3A_1250 = arith.constant 1.000000e+02 : f32
        %ge3A_1251 = vector.broadcast %ge3A_1250 : f32 to vector<16xf32>
        %ge3A_1252 = arith.cmpf oge, %get3A_1169, %ge3A_1251 : vector<16xf32>
        %jit3A_1253 = arith.constant 1 : i32
        %jit3A_1254 = arith.constant 0 : i32
        %broadcast_in_dim3A_1255 = vector.broadcast %jit3A_1253 : i32 to vector<16xi32>
        %broadcast_in_dim3A_1256 = vector.broadcast %jit3A_1254 : i32 to vector<16xi32>
        %select_n3A_1257 = arith.select %ge3A_1252, %broadcast_in_dim3A_1255, %broadcast_in_dim3A_1256 : vector<16xi1>, vector<16xi32>
        %add3A_1258 = arith.addi %add3A_1249, %select_n3A_1257 : vector<16xi32>
        %ge3A_1259 = arith.constant 8.000000e+02 : f32
        %ge3A_1260 = vector.broadcast %ge3A_1259 : f32 to vector<16xf32>
        %ge3A_1261 = arith.cmpf oge, %get3A_1169, %ge3A_1260 : vector<16xf32>
        %jit3A_1262 = arith.constant 1 : i32
        %jit3A_1263 = arith.constant 0 : i32
        %broadcast_in_dim3A_1264 = vector.broadcast %jit3A_1262 : i32 to vector<16xi32>
        %broadcast_in_dim3A_1265 = vector.broadcast %jit3A_1263 : i32 to vector<16xi32>
        %select_n3A_1266 = arith.select %ge3A_1261, %broadcast_in_dim3A_1264, %broadcast_in_dim3A_1265 : vector<16xi1>, vector<16xi32>
        %add3A_1267 = arith.addi %add3A_1258, %select_n3A_1266 : vector<16xi32>
        %ge3A_1268 = arith.constant 1.000000e+03 : f32
        %ge3A_1269 = vector.broadcast %ge3A_1268 : f32 to vector<16xf32>
        %ge3A_1270 = arith.cmpf oge, %get3A_1169, %ge3A_1269 : vector<16xf32>
        %jit3A_1271 = arith.constant 1 : i32
        %jit3A_1272 = arith.constant 0 : i32
        %broadcast_in_dim3A_1273 = vector.broadcast %jit3A_1271 : i32 to vector<16xi32>
        %broadcast_in_dim3A_1274 = vector.broadcast %jit3A_1272 : i32 to vector<16xi32>
        %select_n3A_1275 = arith.select %ge3A_1270, %broadcast_in_dim3A_1273, %broadcast_in_dim3A_1274 : vector<16xi1>, vector<16xi32>
        %add3A_1276 = arith.addi %add3A_1267, %select_n3A_1275 : vector<16xi32>
        %jit3A_1277 = arith.constant 4 : i32
        %div3A_1278 = arith.divsi %scan3A_815, %jit3A_1277 : i32
        %sign3A_1279 = arith.constant 0 : i32
        %sign3A_1280 = arith.cmpi sgt, %scan3A_815, %sign3A_1279 : i32
        %sign3A_1281 = arith.extui %sign3A_1280 : i1 to i32
        %sign3A_1282 = arith.constant 0 : i32
        %sign3A_1283 = arith.cmpi slt, %scan3A_815, %sign3A_1282 : i32
        %sign3A_1284 = arith.extui %sign3A_1283 : i1 to i32
        %sign3A_1285 = arith.subi %sign3A_1281, %sign3A_1284 : i32
        %sign3A_1286 = arith.constant 0 : i32
        %sign3A_1287 = arith.cmpi sgt, %jit3A_1277, %sign3A_1286 : i32
        %sign3A_1288 = arith.extui %sign3A_1287 : i1 to i32
        %sign3A_1289 = arith.constant 0 : i32
        %sign3A_1290 = arith.cmpi slt, %jit3A_1277, %sign3A_1289 : i32
        %sign3A_1291 = arith.extui %sign3A_1290 : i1 to i32
        %sign3A_1292 = arith.subi %sign3A_1288, %sign3A_1291 : i32
        %ne3A_1293 = arith.cmpi ne, %sign3A_1285, %sign3A_1292 : i32
        %rem3A_1294 = arith.remsi %scan3A_815, %jit3A_1277 : i32
        %ne3A_1295 = arith.constant 0 : i32
        %ne3A_1296 = arith.cmpi ne, %rem3A_1294, %ne3A_1295 : i32
        %and3A_1297 = arith.andi %ne3A_1293, %ne3A_1296 : i1
        %sub3A_1298 = arith.constant 1 : i32
        %sub3A_1299 = arith.subi %div3A_1278, %sub3A_1298 : i32
        %select_n3A_1300 = arith.select %and3A_1297, %sub3A_1299, %div3A_1278 : i32
        %jit3A_1301 = arith.constant 4 : i32
        %eq3A_1302 = arith.constant 0 : i32
        %eq3A_1303 = arith.cmpi eq, %jit3A_1301, %eq3A_1302 : i32
        %jit3A_1304 = arith.constant 1 : i32
        %select_n3A_1305 = arith.select %eq3A_1303, %jit3A_1304, %jit3A_1301 : i32
        %rem3A_1306 = arith.remsi %scan3A_815, %select_n3A_1305 : i32
        %ne3A_1307 = arith.constant 0 : i32
        %ne3A_1308 = arith.cmpi ne, %rem3A_1306, %ne3A_1307 : i32
        %lt3A_1309 = arith.constant 0 : i32
        %lt3A_1310 = arith.cmpi slt, %rem3A_1306, %lt3A_1309 : i32
        %lt3A_1311 = arith.constant 0 : i32
        %lt3A_1312 = arith.cmpi slt, %select_n3A_1305, %lt3A_1311 : i32
        %ne3A_1313 = arith.xori %lt3A_1310, %lt3A_1312 : i1
        %and3A_1314 = arith.andi %ne3A_1313, %ne3A_1308 : i1
        %add3A_1315 = arith.addi %rem3A_1306, %select_n3A_1305 : i32
        %select_n3A_1316 = arith.select %and3A_1314, %add3A_1315, %rem3A_1306 : i32
        %get3A_1317 = arith.constant 0 : i32
        %get3A_1318 = arith.index_cast %get3A_1317 : i32 to index
        %get3A_1319 = arith.index_cast %select_n3A_1300 : i32 to index
        %get3A_1320 = arith.index_cast %select_n3A_1316 : i32 to index
        %get3A_1321 = arith.constant 48 : index
        %get3A_1322 = tpu.vector_load %arg5[%get3A_1318, %get3A_1319, %get3A_1320, %get3A_1321] {strides = array<i32>} : memref<2x4x4x96xf32, #tpu.memory_space<vmem>>, vector<1x1x1x16xf32>,
        %get3A_1323 = vector.shape_cast %get3A_1322 : vector<1x1x1x16xf32> to vector<16xf32>
        %ge3A_1324 = arith.constant -1.000000e+03 : f32
        %ge3A_1325 = vector.broadcast %ge3A_1324 : f32 to vector<16xf32>
        %ge3A_1326 = arith.cmpf oge, %get3A_1323, %ge3A_1325 : vector<16xf32>
        %jit3A_1327 = arith.constant 1 : i32
        %jit3A_1328 = arith.constant 0 : i32
        %broadcast_in_dim3A_1329 = vector.broadcast %jit3A_1327 : i32 to vector<16xi32>
        %broadcast_in_dim3A_1330 = vector.broadcast %jit3A_1328 : i32 to vector<16xi32>
        %select_n3A_1331 = arith.select %ge3A_1326, %broadcast_in_dim3A_1329, %broadcast_in_dim3A_1330 : vector<16xi1>, vector<16xi32>
        %ge3A_1332 = arith.constant -9.000000e+02 : f32
        %ge3A_1333 = vector.broadcast %ge3A_1332 : f32 to vector<16xf32>
        %ge3A_1334 = arith.cmpf oge, %get3A_1323, %ge3A_1333 : vector<16xf32>
        %jit3A_1335 = arith.constant 1 : i32
        %jit3A_1336 = arith.constant 0 : i32
        %broadcast_in_dim3A_1337 = vector.broadcast %jit3A_1335 : i32 to vector<16xi32>
        %broadcast_in_dim3A_1338 = vector.broadcast %jit3A_1336 : i32 to vector<16xi32>
        %select_n3A_1339 = arith.select %ge3A_1334, %broadcast_in_dim3A_1337, %broadcast_in_dim3A_1338 : vector<16xi1>, vector<16xi32>
        %add3A_1340 = arith.addi %select_n3A_1331, %select_n3A_1339 : vector<16xi32>
        %ge3A_1341 = arith.constant -4.000000e+02 : f32
        %ge3A_1342 = vector.broadcast %ge3A_1341 : f32 to vector<16xf32>
        %ge3A_1343 = arith.cmpf oge, %get3A_1323, %ge3A_1342 : vector<16xf32>
        %jit3A_1344 = arith.constant 1 : i32
        %jit3A_1345 = arith.constant 0 : i32
        %broadcast_in_dim3A_1346 = vector.broadcast %jit3A_1344 : i32 to vector<16xi32>
        %broadcast_in_dim3A_1347 = vector.broadcast %jit3A_1345 : i32 to vector<16xi32>
        %select_n3A_1348 = arith.select %ge3A_1343, %broadcast_in_dim3A_1346, %broadcast_in_dim3A_1347 : vector<16xi1>, vector<16xi32>
        %add3A_1349 = arith.addi %add3A_1340, %select_n3A_1348 : vector<16xi32>
        %ge3A_1350 = arith.constant -1.000000e+02 : f32
        %ge3A_1351 = vector.broadcast %ge3A_1350 : f32 to vector<16xf32>
        %ge3A_1352 = arith.cmpf oge, %get3A_1323, %ge3A_1351 : vector<16xf32>
        %jit3A_1353 = arith.constant 1 : i32
        %jit3A_1354 = arith.constant 0 : i32
        %broadcast_in_dim3A_1355 = vector.broadcast %jit3A_1353 : i32 to vector<16xi32>
        %broadcast_in_dim3A_1356 = vector.broadcast %jit3A_1354 : i32 to vector<16xi32>
        %select_n3A_1357 = arith.select %ge3A_1352, %broadcast_in_dim3A_1355, %broadcast_in_dim3A_1356 : vector<16xi1>, vector<16xi32>
        %add3A_1358 = arith.addi %add3A_1349, %select_n3A_1357 : vector<16xi32>
        %ge3A_1359 = arith.constant -5.000000e+01 : f32
        %ge3A_1360 = vector.broadcast %ge3A_1359 : f32 to vector<16xf32>
        %ge3A_1361 = arith.cmpf oge, %get3A_1323, %ge3A_1360 : vector<16xf32>
        %jit3A_1362 = arith.constant 1 : i32
        %jit3A_1363 = arith.constant 0 : i32
        %broadcast_in_dim3A_1364 = vector.broadcast %jit3A_1362 : i32 to vector<16xi32>
        %broadcast_in_dim3A_1365 = vector.broadcast %jit3A_1363 : i32 to vector<16xi32>
        %select_n3A_1366 = arith.select %ge3A_1361, %broadcast_in_dim3A_1364, %broadcast_in_dim3A_1365 : vector<16xi1>, vector<16xi32>
        %add3A_1367 = arith.addi %add3A_1358, %select_n3A_1366 : vector<16xi32>
        %ge3A_1368 = arith.constant -1.000000e+01 : f32
        %ge3A_1369 = vector.broadcast %ge3A_1368 : f32 to vector<16xf32>
        %ge3A_1370 = arith.cmpf oge, %get3A_1323, %ge3A_1369 : vector<16xf32>
        %jit3A_1371 = arith.constant 1 : i32
        %jit3A_1372 = arith.constant 0 : i32
        %broadcast_in_dim3A_1373 = vector.broadcast %jit3A_1371 : i32 to vector<16xi32>
        %broadcast_in_dim3A_1374 = vector.broadcast %jit3A_1372 : i32 to vector<16xi32>
        %select_n3A_1375 = arith.select %ge3A_1370, %broadcast_in_dim3A_1373, %broadcast_in_dim3A_1374 : vector<16xi1>, vector<16xi32>
        %add3A_1376 = arith.addi %add3A_1367, %select_n3A_1375 : vector<16xi32>
        %ge3A_1377 = arith.constant 2.000000e+01 : f32
        %ge3A_1378 = vector.broadcast %ge3A_1377 : f32 to vector<16xf32>
        %ge3A_1379 = arith.cmpf oge, %get3A_1323, %ge3A_1378 : vector<16xf32>
        %jit3A_1380 = arith.constant 1 : i32
        %jit3A_1381 = arith.constant 0 : i32
        %broadcast_in_dim3A_1382 = vector.broadcast %jit3A_1380 : i32 to vector<16xi32>
        %broadcast_in_dim3A_1383 = vector.broadcast %jit3A_1381 : i32 to vector<16xi32>
        %select_n3A_1384 = arith.select %ge3A_1379, %broadcast_in_dim3A_1382, %broadcast_in_dim3A_1383 : vector<16xi1>, vector<16xi32>
        %add3A_1385 = arith.addi %add3A_1376, %select_n3A_1384 : vector<16xi32>
        %ge3A_1386 = arith.constant 4.000000e+01 : f32
        %ge3A_1387 = vector.broadcast %ge3A_1386 : f32 to vector<16xf32>
        %ge3A_1388 = arith.cmpf oge, %get3A_1323, %ge3A_1387 : vector<16xf32>
        %jit3A_1389 = arith.constant 1 : i32
        %jit3A_1390 = arith.constant 0 : i32
        %broadcast_in_dim3A_1391 = vector.broadcast %jit3A_1389 : i32 to vector<16xi32>
        %broadcast_in_dim3A_1392 = vector.broadcast %jit3A_1390 : i32 to vector<16xi32>
        %select_n3A_1393 = arith.select %ge3A_1388, %broadcast_in_dim3A_1391, %broadcast_in_dim3A_1392 : vector<16xi1>, vector<16xi32>
        %add3A_1394 = arith.addi %add3A_1385, %select_n3A_1393 : vector<16xi32>
        %ge3A_1395 = arith.constant 6.000000e+01 : f32
        %ge3A_1396 = vector.broadcast %ge3A_1395 : f32 to vector<16xf32>
        %ge3A_1397 = arith.cmpf oge, %get3A_1323, %ge3A_1396 : vector<16xf32>
        %jit3A_1398 = arith.constant 1 : i32
        %jit3A_1399 = arith.constant 0 : i32
        %broadcast_in_dim3A_1400 = vector.broadcast %jit3A_1398 : i32 to vector<16xi32>
        %broadcast_in_dim3A_1401 = vector.broadcast %jit3A_1399 : i32 to vector<16xi32>
        %select_n3A_1402 = arith.select %ge3A_1397, %broadcast_in_dim3A_1400, %broadcast_in_dim3A_1401 : vector<16xi1>, vector<16xi32>
        %add3A_1403 = arith.addi %add3A_1394, %select_n3A_1402 : vector<16xi32>
        %ge3A_1404 = arith.constant 1.000000e+02 : f32
        %ge3A_1405 = vector.broadcast %ge3A_1404 : f32 to vector<16xf32>
        %ge3A_1406 = arith.cmpf oge, %get3A_1323, %ge3A_1405 : vector<16xf32>
        %jit3A_1407 = arith.constant 1 : i32
        %jit3A_1408 = arith.constant 0 : i32
        %broadcast_in_dim3A_1409 = vector.broadcast %jit3A_1407 : i32 to vector<16xi32>
        %broadcast_in_dim3A_1410 = vector.broadcast %jit3A_1408 : i32 to vector<16xi32>
        %select_n3A_1411 = arith.select %ge3A_1406, %broadcast_in_dim3A_1409, %broadcast_in_dim3A_1410 : vector<16xi1>, vector<16xi32>
        %add3A_1412 = arith.addi %add3A_1403, %select_n3A_1411 : vector<16xi32>
        %ge3A_1413 = arith.constant 8.000000e+02 : f32
        %ge3A_1414 = vector.broadcast %ge3A_1413 : f32 to vector<16xf32>
        %ge3A_1415 = arith.cmpf oge, %get3A_1323, %ge3A_1414 : vector<16xf32>
        %jit3A_1416 = arith.constant 1 : i32
        %jit3A_1417 = arith.constant 0 : i32
        %broadcast_in_dim3A_1418 = vector.broadcast %jit3A_1416 : i32 to vector<16xi32>
        %broadcast_in_dim3A_1419 = vector.broadcast %jit3A_1417 : i32 to vector<16xi32>
        %select_n3A_1420 = arith.select %ge3A_1415, %broadcast_in_dim3A_1418, %broadcast_in_dim3A_1419 : vector<16xi1>, vector<16xi32>
        %add3A_1421 = arith.addi %add3A_1412, %select_n3A_1420 : vector<16xi32>
        %ge3A_1422 = arith.constant 1.000000e+03 : f32
        %ge3A_1423 = vector.broadcast %ge3A_1422 : f32 to vector<16xf32>
        %ge3A_1424 = arith.cmpf oge, %get3A_1323, %ge3A_1423 : vector<16xf32>
        %jit3A_1425 = arith.constant 1 : i32
        %jit3A_1426 = arith.constant 0 : i32
        %broadcast_in_dim3A_1427 = vector.broadcast %jit3A_1425 : i32 to vector<16xi32>
        %broadcast_in_dim3A_1428 = vector.broadcast %jit3A_1426 : i32 to vector<16xi32>
        %select_n3A_1429 = arith.select %ge3A_1424, %broadcast_in_dim3A_1427, %broadcast_in_dim3A_1428 : vector<16xi1>, vector<16xi32>
        %add3A_1430 = arith.addi %add3A_1421, %select_n3A_1429 : vector<16xi32>
        %jit3A_1431 = arith.constant 4 : i32
        %div3A_1432 = arith.divsi %scan3A_815, %jit3A_1431 : i32
        %sign3A_1433 = arith.constant 0 : i32
        %sign3A_1434 = arith.cmpi sgt, %scan3A_815, %sign3A_1433 : i32
        %sign3A_1435 = arith.extui %sign3A_1434 : i1 to i32
        %sign3A_1436 = arith.constant 0 : i32
        %sign3A_1437 = arith.cmpi slt, %scan3A_815, %sign3A_1436 : i32
        %sign3A_1438 = arith.extui %sign3A_1437 : i1 to i32
        %sign3A_1439 = arith.subi %sign3A_1435, %sign3A_1438 : i32
        %sign3A_1440 = arith.constant 0 : i32
        %sign3A_1441 = arith.cmpi sgt, %jit3A_1431, %sign3A_1440 : i32
        %sign3A_1442 = arith.extui %sign3A_1441 : i1 to i32
        %sign3A_1443 = arith.constant 0 : i32
        %sign3A_1444 = arith.cmpi slt, %jit3A_1431, %sign3A_1443 : i32
        %sign3A_1445 = arith.extui %sign3A_1444 : i1 to i32
        %sign3A_1446 = arith.subi %sign3A_1442, %sign3A_1445 : i32
        %ne3A_1447 = arith.cmpi ne, %sign3A_1439, %sign3A_1446 : i32
        %rem3A_1448 = arith.remsi %scan3A_815, %jit3A_1431 : i32
        %ne3A_1449 = arith.constant 0 : i32
        %ne3A_1450 = arith.cmpi ne, %rem3A_1448, %ne3A_1449 : i32
        %and3A_1451 = arith.andi %ne3A_1447, %ne3A_1450 : i1
        %sub3A_1452 = arith.constant 1 : i32
        %sub3A_1453 = arith.subi %div3A_1432, %sub3A_1452 : i32
        %select_n3A_1454 = arith.select %and3A_1451, %sub3A_1453, %div3A_1432 : i32
        %jit3A_1455 = arith.constant 4 : i32
        %eq3A_1456 = arith.constant 0 : i32
        %eq3A_1457 = arith.cmpi eq, %jit3A_1455, %eq3A_1456 : i32
        %jit3A_1458 = arith.constant 1 : i32
        %select_n3A_1459 = arith.select %eq3A_1457, %jit3A_1458, %jit3A_1455 : i32
        %rem3A_1460 = arith.remsi %scan3A_815, %select_n3A_1459 : i32
        %ne3A_1461 = arith.constant 0 : i32
        %ne3A_1462 = arith.cmpi ne, %rem3A_1460, %ne3A_1461 : i32
        %lt3A_1463 = arith.constant 0 : i32
        %lt3A_1464 = arith.cmpi slt, %rem3A_1460, %lt3A_1463 : i32
        %lt3A_1465 = arith.constant 0 : i32
        %lt3A_1466 = arith.cmpi slt, %select_n3A_1459, %lt3A_1465 : i32
        %ne3A_1467 = arith.xori %lt3A_1464, %lt3A_1466 : i1
        %and3A_1468 = arith.andi %ne3A_1467, %ne3A_1462 : i1
        %add3A_1469 = arith.addi %rem3A_1460, %select_n3A_1459 : i32
        %select_n3A_1470 = arith.select %and3A_1468, %add3A_1469, %rem3A_1460 : i32
        %get3A_1471 = arith.constant 0 : i32
        %get3A_1472 = arith.index_cast %get3A_1471 : i32 to index
        %get3A_1473 = arith.index_cast %select_n3A_1454 : i32 to index
        %get3A_1474 = arith.index_cast %select_n3A_1470 : i32 to index
        %get3A_1475 = arith.constant 64 : index
        %get3A_1476 = tpu.vector_load %arg5[%get3A_1472, %get3A_1473, %get3A_1474, %get3A_1475] {strides = array<i32>} : memref<2x4x4x96xf32, #tpu.memory_space<vmem>>, vector<1x1x1x16xf32>,
        %get3A_1477 = vector.shape_cast %get3A_1476 : vector<1x1x1x16xf32> to vector<16xf32>
        %ge3A_1478 = arith.constant -1.000000e+03 : f32
        %ge3A_1479 = vector.broadcast %ge3A_1478 : f32 to vector<16xf32>
        %ge3A_1480 = arith.cmpf oge, %get3A_1477, %ge3A_1479 : vector<16xf32>
        %jit3A_1481 = arith.constant 1 : i32
        %jit3A_1482 = arith.constant 0 : i32
        %broadcast_in_dim3A_1483 = vector.broadcast %jit3A_1481 : i32 to vector<16xi32>
        %broadcast_in_dim3A_1484 = vector.broadcast %jit3A_1482 : i32 to vector<16xi32>
        %select_n3A_1485 = arith.select %ge3A_1480, %broadcast_in_dim3A_1483, %broadcast_in_dim3A_1484 : vector<16xi1>, vector<16xi32>
        %ge3A_1486 = arith.constant -9.000000e+02 : f32
        %ge3A_1487 = vector.broadcast %ge3A_1486 : f32 to vector<16xf32>
        %ge3A_1488 = arith.cmpf oge, %get3A_1477, %ge3A_1487 : vector<16xf32>
        %jit3A_1489 = arith.constant 1 : i32
        %jit3A_1490 = arith.constant 0 : i32
        %broadcast_in_dim3A_1491 = vector.broadcast %jit3A_1489 : i32 to vector<16xi32>
        %broadcast_in_dim3A_1492 = vector.broadcast %jit3A_1490 : i32 to vector<16xi32>
        %select_n3A_1493 = arith.select %ge3A_1488, %broadcast_in_dim3A_1491, %broadcast_in_dim3A_1492 : vector<16xi1>, vector<16xi32>
        %add3A_1494 = arith.addi %select_n3A_1485, %select_n3A_1493 : vector<16xi32>
        %ge3A_1495 = arith.constant -4.000000e+02 : f32
        %ge3A_1496 = vector.broadcast %ge3A_1495 : f32 to vector<16xf32>
        %ge3A_1497 = arith.cmpf oge, %get3A_1477, %ge3A_1496 : vector<16xf32>
        %jit3A_1498 = arith.constant 1 : i32
        %jit3A_1499 = arith.constant 0 : i32
        %broadcast_in_dim3A_1500 = vector.broadcast %jit3A_1498 : i32 to vector<16xi32>
        %broadcast_in_dim3A_1501 = vector.broadcast %jit3A_1499 : i32 to vector<16xi32>
        %select_n3A_1502 = arith.select %ge3A_1497, %broadcast_in_dim3A_1500, %broadcast_in_dim3A_1501 : vector<16xi1>, vector<16xi32>
        %add3A_1503 = arith.addi %add3A_1494, %select_n3A_1502 : vector<16xi32>
        %ge3A_1504 = arith.constant -1.000000e+02 : f32
        %ge3A_1505 = vector.broadcast %ge3A_1504 : f32 to vector<16xf32>
        %ge3A_1506 = arith.cmpf oge, %get3A_1477, %ge3A_1505 : vector<16xf32>
        %jit3A_1507 = arith.constant 1 : i32
        %jit3A_1508 = arith.constant 0 : i32
        %broadcast_in_dim3A_1509 = vector.broadcast %jit3A_1507 : i32 to vector<16xi32>
        %broadcast_in_dim3A_1510 = vector.broadcast %jit3A_1508 : i32 to vector<16xi32>
        %select_n3A_1511 = arith.select %ge3A_1506, %broadcast_in_dim3A_1509, %broadcast_in_dim3A_1510 : vector<16xi1>, vector<16xi32>
        %add3A_1512 = arith.addi %add3A_1503, %select_n3A_1511 : vector<16xi32>
        %ge3A_1513 = arith.constant -5.000000e+01 : f32
        %ge3A_1514 = vector.broadcast %ge3A_1513 : f32 to vector<16xf32>
        %ge3A_1515 = arith.cmpf oge, %get3A_1477, %ge3A_1514 : vector<16xf32>
        %jit3A_1516 = arith.constant 1 : i32
        %jit3A_1517 = arith.constant 0 : i32
        %broadcast_in_dim3A_1518 = vector.broadcast %jit3A_1516 : i32 to vector<16xi32>
        %broadcast_in_dim3A_1519 = vector.broadcast %jit3A_1517 : i32 to vector<16xi32>
        %select_n3A_1520 = arith.select %ge3A_1515, %broadcast_in_dim3A_1518, %broadcast_in_dim3A_1519 : vector<16xi1>, vector<16xi32>
        %add3A_1521 = arith.addi %add3A_1512, %select_n3A_1520 : vector<16xi32>
        %ge3A_1522 = arith.constant -1.000000e+01 : f32
        %ge3A_1523 = vector.broadcast %ge3A_1522 : f32 to vector<16xf32>
        %ge3A_1524 = arith.cmpf oge, %get3A_1477, %ge3A_1523 : vector<16xf32>
        %jit3A_1525 = arith.constant 1 : i32
        %jit3A_1526 = arith.constant 0 : i32
        %broadcast_in_dim3A_1527 = vector.broadcast %jit3A_1525 : i32 to vector<16xi32>
        %broadcast_in_dim3A_1528 = vector.broadcast %jit3A_1526 : i32 to vector<16xi32>
        %select_n3A_1529 = arith.select %ge3A_1524, %broadcast_in_dim3A_1527, %broadcast_in_dim3A_1528 : vector<16xi1>, vector<16xi32>
        %add3A_1530 = arith.addi %add3A_1521, %select_n3A_1529 : vector<16xi32>
        %ge3A_1531 = arith.constant 2.000000e+01 : f32
        %ge3A_1532 = vector.broadcast %ge3A_1531 : f32 to vector<16xf32>
        %ge3A_1533 = arith.cmpf oge, %get3A_1477, %ge3A_1532 : vector<16xf32>
        %jit3A_1534 = arith.constant 1 : i32
        %jit3A_1535 = arith.constant 0 : i32
        %broadcast_in_dim3A_1536 = vector.broadcast %jit3A_1534 : i32 to vector<16xi32>
        %broadcast_in_dim3A_1537 = vector.broadcast %jit3A_1535 : i32 to vector<16xi32>
        %select_n3A_1538 = arith.select %ge3A_1533, %broadcast_in_dim3A_1536, %broadcast_in_dim3A_1537 : vector<16xi1>, vector<16xi32>
        %add3A_1539 = arith.addi %add3A_1530, %select_n3A_1538 : vector<16xi32>
        %ge3A_1540 = arith.constant 4.000000e+01 : f32
        %ge3A_1541 = vector.broadcast %ge3A_1540 : f32 to vector<16xf32>
        %ge3A_1542 = arith.cmpf oge, %get3A_1477, %ge3A_1541 : vector<16xf32>
        %jit3A_1543 = arith.constant 1 : i32
        %jit3A_1544 = arith.constant 0 : i32
        %broadcast_in_dim3A_1545 = vector.broadcast %jit3A_1543 : i32 to vector<16xi32>
        %broadcast_in_dim3A_1546 = vector.broadcast %jit3A_1544 : i32 to vector<16xi32>
        %select_n3A_1547 = arith.select %ge3A_1542, %broadcast_in_dim3A_1545, %broadcast_in_dim3A_1546 : vector<16xi1>, vector<16xi32>
        %add3A_1548 = arith.addi %add3A_1539, %select_n3A_1547 : vector<16xi32>
        %ge3A_1549 = arith.constant 6.000000e+01 : f32
        %ge3A_1550 = vector.broadcast %ge3A_1549 : f32 to vector<16xf32>
        %ge3A_1551 = arith.cmpf oge, %get3A_1477, %ge3A_1550 : vector<16xf32>
        %jit3A_1552 = arith.constant 1 : i32
        %jit3A_1553 = arith.constant 0 : i32
        %broadcast_in_dim3A_1554 = vector.broadcast %jit3A_1552 : i32 to vector<16xi32>
        %broadcast_in_dim3A_1555 = vector.broadcast %jit3A_1553 : i32 to vector<16xi32>
        %select_n3A_1556 = arith.select %ge3A_1551, %broadcast_in_dim3A_1554, %broadcast_in_dim3A_1555 : vector<16xi1>, vector<16xi32>
        %add3A_1557 = arith.addi %add3A_1548, %select_n3A_1556 : vector<16xi32>
        %ge3A_1558 = arith.constant 1.000000e+02 : f32
        %ge3A_1559 = vector.broadcast %ge3A_1558 : f32 to vector<16xf32>
        %ge3A_1560 = arith.cmpf oge, %get3A_1477, %ge3A_1559 : vector<16xf32>
        %jit3A_1561 = arith.constant 1 : i32
        %jit3A_1562 = arith.constant 0 : i32
        %broadcast_in_dim3A_1563 = vector.broadcast %jit3A_1561 : i32 to vector<16xi32>
        %broadcast_in_dim3A_1564 = vector.broadcast %jit3A_1562 : i32 to vector<16xi32>
        %select_n3A_1565 = arith.select %ge3A_1560, %broadcast_in_dim3A_1563, %broadcast_in_dim3A_1564 : vector<16xi1>, vector<16xi32>
        %add3A_1566 = arith.addi %add3A_1557, %select_n3A_1565 : vector<16xi32>
        %ge3A_1567 = arith.constant 8.000000e+02 : f32
        %ge3A_1568 = vector.broadcast %ge3A_1567 : f32 to vector<16xf32>
        %ge3A_1569 = arith.cmpf oge, %get3A_1477, %ge3A_1568 : vector<16xf32>
        %jit3A_1570 = arith.constant 1 : i32
        %jit3A_1571 = arith.constant 0 : i32
        %broadcast_in_dim3A_1572 = vector.broadcast %jit3A_1570 : i32 to vector<16xi32>
        %broadcast_in_dim3A_1573 = vector.broadcast %jit3A_1571 : i32 to vector<16xi32>
        %select_n3A_1574 = arith.select %ge3A_1569, %broadcast_in_dim3A_1572, %broadcast_in_dim3A_1573 : vector<16xi1>, vector<16xi32>
        %add3A_1575 = arith.addi %add3A_1566, %select_n3A_1574 : vector<16xi32>
        %ge3A_1576 = arith.constant 1.000000e+03 : f32
        %ge3A_1577 = vector.broadcast %ge3A_1576 : f32 to vector<16xf32>
        %ge3A_1578 = arith.cmpf oge, %get3A_1477, %ge3A_1577 : vector<16xf32>
        %jit3A_1579 = arith.constant 1 : i32
        %jit3A_1580 = arith.constant 0 : i32
        %broadcast_in_dim3A_1581 = vector.broadcast %jit3A_1579 : i32 to vector<16xi32>
        %broadcast_in_dim3A_1582 = vector.broadcast %jit3A_1580 : i32 to vector<16xi32>
        %select_n3A_1583 = arith.select %ge3A_1578, %broadcast_in_dim3A_1581, %broadcast_in_dim3A_1582 : vector<16xi1>, vector<16xi32>
        %add3A_1584 = arith.addi %add3A_1575, %select_n3A_1583 : vector<16xi32>
        %jit3A_1585 = arith.constant 4 : i32
        %div3A_1586 = arith.divsi %scan3A_815, %jit3A_1585 : i32
        %sign3A_1587 = arith.constant 0 : i32
        %sign3A_1588 = arith.cmpi sgt, %scan3A_815, %sign3A_1587 : i32
        %sign3A_1589 = arith.extui %sign3A_1588 : i1 to i32
        %sign3A_1590 = arith.constant 0 : i32
        %sign3A_1591 = arith.cmpi slt, %scan3A_815, %sign3A_1590 : i32
        %sign3A_1592 = arith.extui %sign3A_1591 : i1 to i32
        %sign3A_1593 = arith.subi %sign3A_1589, %sign3A_1592 : i32
        %sign3A_1594 = arith.constant 0 : i32
        %sign3A_1595 = arith.cmpi sgt, %jit3A_1585, %sign3A_1594 : i32
        %sign3A_1596 = arith.extui %sign3A_1595 : i1 to i32
        %sign3A_1597 = arith.constant 0 : i32
        %sign3A_1598 = arith.cmpi slt, %jit3A_1585, %sign3A_1597 : i32
        %sign3A_1599 = arith.extui %sign3A_1598 : i1 to i32
        %sign3A_1600 = arith.subi %sign3A_1596, %sign3A_1599 : i32
        %ne3A_1601 = arith.cmpi ne, %sign3A_1593, %sign3A_1600 : i32
        %rem3A_1602 = arith.remsi %scan3A_815, %jit3A_1585 : i32
        %ne3A_1603 = arith.constant 0 : i32
        %ne3A_1604 = arith.cmpi ne, %rem3A_1602, %ne3A_1603 : i32
        %and3A_1605 = arith.andi %ne3A_1601, %ne3A_1604 : i1
        %sub3A_1606 = arith.constant 1 : i32
        %sub3A_1607 = arith.subi %div3A_1586, %sub3A_1606 : i32
        %select_n3A_1608 = arith.select %and3A_1605, %sub3A_1607, %div3A_1586 : i32
        %jit3A_1609 = arith.constant 4 : i32
        %eq3A_1610 = arith.constant 0 : i32
        %eq3A_1611 = arith.cmpi eq, %jit3A_1609, %eq3A_1610 : i32
        %jit3A_1612 = arith.constant 1 : i32
        %select_n3A_1613 = arith.select %eq3A_1611, %jit3A_1612, %jit3A_1609 : i32
        %rem3A_1614 = arith.remsi %scan3A_815, %select_n3A_1613 : i32
        %ne3A_1615 = arith.constant 0 : i32
        %ne3A_1616 = arith.cmpi ne, %rem3A_1614, %ne3A_1615 : i32
        %lt3A_1617 = arith.constant 0 : i32
        %lt3A_1618 = arith.cmpi slt, %rem3A_1614, %lt3A_1617 : i32
        %lt3A_1619 = arith.constant 0 : i32
        %lt3A_1620 = arith.cmpi slt, %select_n3A_1613, %lt3A_1619 : i32
        %ne3A_1621 = arith.xori %lt3A_1618, %lt3A_1620 : i1
        %and3A_1622 = arith.andi %ne3A_1621, %ne3A_1616 : i1
        %add3A_1623 = arith.addi %rem3A_1614, %select_n3A_1613 : i32
        %select_n3A_1624 = arith.select %and3A_1622, %add3A_1623, %rem3A_1614 : i32
        %get3A_1625 = arith.constant 0 : i32
        %get3A_1626 = arith.index_cast %get3A_1625 : i32 to index
        %get3A_1627 = arith.index_cast %select_n3A_1608 : i32 to index
        %get3A_1628 = arith.index_cast %select_n3A_1624 : i32 to index
        %get3A_1629 = arith.constant 80 : index
        %get3A_1630 = tpu.vector_load %arg5[%get3A_1626, %get3A_1627, %get3A_1628, %get3A_1629] {strides = array<i32>} : memref<2x4x4x96xf32, #tpu.memory_space<vmem>>, vector<1x1x1x16xf32>,
        %get3A_1631 = vector.shape_cast %get3A_1630 : vector<1x1x1x16xf32> to vector<16xf32>
        %ge3A_1632 = arith.constant -1.000000e+03 : f32
        %ge3A_1633 = vector.broadcast %ge3A_1632 : f32 to vector<16xf32>
        %ge3A_1634 = arith.cmpf oge, %get3A_1631, %ge3A_1633 : vector<16xf32>
        %jit3A_1635 = arith.constant 1 : i32
        %jit3A_1636 = arith.constant 0 : i32
        %broadcast_in_dim3A_1637 = vector.broadcast %jit3A_1635 : i32 to vector<16xi32>
        %broadcast_in_dim3A_1638 = vector.broadcast %jit3A_1636 : i32 to vector<16xi32>
        %select_n3A_1639 = arith.select %ge3A_1634, %broadcast_in_dim3A_1637, %broadcast_in_dim3A_1638 : vector<16xi1>, vector<16xi32>
        %ge3A_1640 = arith.constant -9.000000e+02 : f32
        %ge3A_1641 = vector.broadcast %ge3A_1640 : f32 to vector<16xf32>
        %ge3A_1642 = arith.cmpf oge, %get3A_1631, %ge3A_1641 : vector<16xf32>
        %jit3A_1643 = arith.constant 1 : i32
        %jit3A_1644 = arith.constant 0 : i32
        %broadcast_in_dim3A_1645 = vector.broadcast %jit3A_1643 : i32 to vector<16xi32>
        %broadcast_in_dim3A_1646 = vector.broadcast %jit3A_1644 : i32 to vector<16xi32>
        %select_n3A_1647 = arith.select %ge3A_1642, %broadcast_in_dim3A_1645, %broadcast_in_dim3A_1646 : vector<16xi1>, vector<16xi32>
        %add3A_1648 = arith.addi %select_n3A_1639, %select_n3A_1647 : vector<16xi32>
        %ge3A_1649 = arith.constant -4.000000e+02 : f32
        %ge3A_1650 = vector.broadcast %ge3A_1649 : f32 to vector<16xf32>
        %ge3A_1651 = arith.cmpf oge, %get3A_1631, %ge3A_1650 : vector<16xf32>
        %jit3A_1652 = arith.constant 1 : i32
        %jit3A_1653 = arith.constant 0 : i32
        %broadcast_in_dim3A_1654 = vector.broadcast %jit3A_1652 : i32 to vector<16xi32>
        %broadcast_in_dim3A_1655 = vector.broadcast %jit3A_1653 : i32 to vector<16xi32>
        %select_n3A_1656 = arith.select %ge3A_1651, %broadcast_in_dim3A_1654, %broadcast_in_dim3A_1655 : vector<16xi1>, vector<16xi32>
        %add3A_1657 = arith.addi %add3A_1648, %select_n3A_1656 : vector<16xi32>
        %ge3A_1658 = arith.constant -1.000000e+02 : f32
        %ge3A_1659 = vector.broadcast %ge3A_1658 : f32 to vector<16xf32>
        %ge3A_1660 = arith.cmpf oge, %get3A_1631, %ge3A_1659 : vector<16xf32>
        %jit3A_1661 = arith.constant 1 : i32
        %jit3A_1662 = arith.constant 0 : i32
        %broadcast_in_dim3A_1663 = vector.broadcast %jit3A_1661 : i32 to vector<16xi32>
        %broadcast_in_dim3A_1664 = vector.broadcast %jit3A_1662 : i32 to vector<16xi32>
        %select_n3A_1665 = arith.select %ge3A_1660, %broadcast_in_dim3A_1663, %broadcast_in_dim3A_1664 : vector<16xi1>, vector<16xi32>
        %add3A_1666 = arith.addi %add3A_1657, %select_n3A_1665 : vector<16xi32>
        %ge3A_1667 = arith.constant -5.000000e+01 : f32
        %ge3A_1668 = vector.broadcast %ge3A_1667 : f32 to vector<16xf32>
        %ge3A_1669 = arith.cmpf oge, %get3A_1631, %ge3A_1668 : vector<16xf32>
        %jit3A_1670 = arith.constant 1 : i32
        %jit3A_1671 = arith.constant 0 : i32
        %broadcast_in_dim3A_1672 = vector.broadcast %jit3A_1670 : i32 to vector<16xi32>
        %broadcast_in_dim3A_1673 = vector.broadcast %jit3A_1671 : i32 to vector<16xi32>
        %select_n3A_1674 = arith.select %ge3A_1669, %broadcast_in_dim3A_1672, %broadcast_in_dim3A_1673 : vector<16xi1>, vector<16xi32>
        %add3A_1675 = arith.addi %add3A_1666, %select_n3A_1674 : vector<16xi32>
        %ge3A_1676 = arith.constant -1.000000e+01 : f32
        %ge3A_1677 = vector.broadcast %ge3A_1676 : f32 to vector<16xf32>
        %ge3A_1678 = arith.cmpf oge, %get3A_1631, %ge3A_1677 : vector<16xf32>
        %jit3A_1679 = arith.constant 1 : i32
        %jit3A_1680 = arith.constant 0 : i32
        %broadcast_in_dim3A_1681 = vector.broadcast %jit3A_1679 : i32 to vector<16xi32>
        %broadcast_in_dim3A_1682 = vector.broadcast %jit3A_1680 : i32 to vector<16xi32>
        %select_n3A_1683 = arith.select %ge3A_1678, %broadcast_in_dim3A_1681, %broadcast_in_dim3A_1682 : vector<16xi1>, vector<16xi32>
        %add3A_1684 = arith.addi %add3A_1675, %select_n3A_1683 : vector<16xi32>
        %ge3A_1685 = arith.constant 2.000000e+01 : f32
        %ge3A_1686 = vector.broadcast %ge3A_1685 : f32 to vector<16xf32>
        %ge3A_1687 = arith.cmpf oge, %get3A_1631, %ge3A_1686 : vector<16xf32>
        %jit3A_1688 = arith.constant 1 : i32
        %jit3A_1689 = arith.constant 0 : i32
        %broadcast_in_dim3A_1690 = vector.broadcast %jit3A_1688 : i32 to vector<16xi32>
        %broadcast_in_dim3A_1691 = vector.broadcast %jit3A_1689 : i32 to vector<16xi32>
        %select_n3A_1692 = arith.select %ge3A_1687, %broadcast_in_dim3A_1690, %broadcast_in_dim3A_1691 : vector<16xi1>, vector<16xi32>
        %add3A_1693 = arith.addi %add3A_1684, %select_n3A_1692 : vector<16xi32>
        %ge3A_1694 = arith.constant 4.000000e+01 : f32
        %ge3A_1695 = vector.broadcast %ge3A_1694 : f32 to vector<16xf32>
        %ge3A_1696 = arith.cmpf oge, %get3A_1631, %ge3A_1695 : vector<16xf32>
        %jit3A_1697 = arith.constant 1 : i32
        %jit3A_1698 = arith.constant 0 : i32
        %broadcast_in_dim3A_1699 = vector.broadcast %jit3A_1697 : i32 to vector<16xi32>
        %broadcast_in_dim3A_1700 = vector.broadcast %jit3A_1698 : i32 to vector<16xi32>
        %select_n3A_1701 = arith.select %ge3A_1696, %broadcast_in_dim3A_1699, %broadcast_in_dim3A_1700 : vector<16xi1>, vector<16xi32>
        %add3A_1702 = arith.addi %add3A_1693, %select_n3A_1701 : vector<16xi32>
        %ge3A_1703 = arith.constant 6.000000e+01 : f32
        %ge3A_1704 = vector.broadcast %ge3A_1703 : f32 to vector<16xf32>
        %ge3A_1705 = arith.cmpf oge, %get3A_1631, %ge3A_1704 : vector<16xf32>
        %jit3A_1706 = arith.constant 1 : i32
        %jit3A_1707 = arith.constant 0 : i32
        %broadcast_in_dim3A_1708 = vector.broadcast %jit3A_1706 : i32 to vector<16xi32>
        %broadcast_in_dim3A_1709 = vector.broadcast %jit3A_1707 : i32 to vector<16xi32>
        %select_n3A_1710 = arith.select %ge3A_1705, %broadcast_in_dim3A_1708, %broadcast_in_dim3A_1709 : vector<16xi1>, vector<16xi32>
        %add3A_1711 = arith.addi %add3A_1702, %select_n3A_1710 : vector<16xi32>
        %ge3A_1712 = arith.constant 1.000000e+02 : f32
        %ge3A_1713 = vector.broadcast %ge3A_1712 : f32 to vector<16xf32>
        %ge3A_1714 = arith.cmpf oge, %get3A_1631, %ge3A_1713 : vector<16xf32>
        %jit3A_1715 = arith.constant 1 : i32
        %jit3A_1716 = arith.constant 0 : i32
        %broadcast_in_dim3A_1717 = vector.broadcast %jit3A_1715 : i32 to vector<16xi32>
        %broadcast_in_dim3A_1718 = vector.broadcast %jit3A_1716 : i32 to vector<16xi32>
        %select_n3A_1719 = arith.select %ge3A_1714, %broadcast_in_dim3A_1717, %broadcast_in_dim3A_1718 : vector<16xi1>, vector<16xi32>
        %add3A_1720 = arith.addi %add3A_1711, %select_n3A_1719 : vector<16xi32>
        %ge3A_1721 = arith.constant 8.000000e+02 : f32
        %ge3A_1722 = vector.broadcast %ge3A_1721 : f32 to vector<16xf32>
        %ge3A_1723 = arith.cmpf oge, %get3A_1631, %ge3A_1722 : vector<16xf32>
        %jit3A_1724 = arith.constant 1 : i32
        %jit3A_1725 = arith.constant 0 : i32
        %broadcast_in_dim3A_1726 = vector.broadcast %jit3A_1724 : i32 to vector<16xi32>
        %broadcast_in_dim3A_1727 = vector.broadcast %jit3A_1725 : i32 to vector<16xi32>
        %select_n3A_1728 = arith.select %ge3A_1723, %broadcast_in_dim3A_1726, %broadcast_in_dim3A_1727 : vector<16xi1>, vector<16xi32>
        %add3A_1729 = arith.addi %add3A_1720, %select_n3A_1728 : vector<16xi32>
        %ge3A_1730 = arith.constant 1.000000e+03 : f32
        %ge3A_1731 = vector.broadcast %ge3A_1730 : f32 to vector<16xf32>
        %ge3A_1732 = arith.cmpf oge, %get3A_1631, %ge3A_1731 : vector<16xf32>
        %jit3A_1733 = arith.constant 1 : i32
        %jit3A_1734 = arith.constant 0 : i32
        %broadcast_in_dim3A_1735 = vector.broadcast %jit3A_1733 : i32 to vector<16xi32>
        %broadcast_in_dim3A_1736 = vector.broadcast %jit3A_1734 : i32 to vector<16xi32>
        %select_n3A_1737 = arith.select %ge3A_1732, %broadcast_in_dim3A_1735, %broadcast_in_dim3A_1736 : vector<16xi1>, vector<16xi32>
        %add3A_1738 = arith.addi %add3A_1729, %select_n3A_1737 : vector<16xi32>
        %lt3A_1739 = arith.constant 0 : i32
        %lt3A_1740 = vector.broadcast %lt3A_1739 : i32 to vector<16xi32>
        %lt3A_1741 = arith.cmpi slt, %select_n3A_18, %lt3A_1740 : vector<16xi32>
        %add3A_1742 = arith.constant 16 : i32
        %add3A_1743 = vector.broadcast %add3A_1742 : i32 to vector<16xi32>
        %add3A_1744 = arith.addi %select_n3A_18, %add3A_1743 : vector<16xi32>
        %select_n3A_1745 = arith.select %lt3A_1741, %add3A_1744, %select_n3A_18 : vector<16xi1>, vector<16xi32>
        %reshape3A = vector.shape_cast %select_n3A_1745 : vector<16xi32> to vector<16x1xi32>
        %gather3A = vector.shape_cast %reshape3A : vector<16x1xi32> to vector<16xi32>
        %gather3A_1746 = tpu.dynamic_gather %add3A_968[%gather3A] in [0] : vector<16xi32>, vector<16xi32> -> vector<16xi32>
        %mul3A_1747 = arith.constant 16 : i32
        %mul3A_1748 = vector.broadcast %mul3A_1747 : i32 to vector<16xi32>
        %mul3A_1749 = arith.muli %gather3A_1746, %mul3A_1748 : vector<16xi32>
        %lt3A_1750 = arith.constant 0 : i32
        %lt3A_1751 = vector.broadcast %lt3A_1750 : i32 to vector<16xi32>
        %lt3A_1752 = arith.cmpi slt, %select_n3A_46, %lt3A_1751 : vector<16xi32>
        %add3A_1753 = arith.constant 16 : i32
        %add3A_1754 = vector.broadcast %add3A_1753 : i32 to vector<16xi32>
        %add3A_1755 = arith.addi %select_n3A_46, %add3A_1754 : vector<16xi32>
        %select_n3A_1756 = arith.select %lt3A_1752, %add3A_1755, %select_n3A_46 : vector<16xi1>, vector<16xi32>
        %reshape3A_1757 = vector.shape_cast %select_n3A_1756 : vector<16xi32> to vector<16x1xi32>
        %gather3A_1758 = vector.shape_cast %reshape3A_1757 : vector<16x1xi32> to vector<16xi32>
        %gather3A_1759 = tpu.dynamic_gather %add3A_968[%gather3A_1758] in [0] : vector<16xi32>, vector<16xi32> -> vector<16xi32>
        %add3A_1760 = arith.addi %mul3A_1749, %gather3A_1759 : vector<16xi32>
        %lt3A_1761 = arith.constant 0 : i32
        %lt3A_1762 = vector.broadcast %lt3A_1761 : i32 to vector<16xi32>
        %lt3A_1763 = arith.cmpi slt, %select_n3A_18, %lt3A_1762 : vector<16xi32>
        %add3A_1764 = arith.constant 16 : i32
        %add3A_1765 = vector.broadcast %add3A_1764 : i32 to vector<16xi32>
        %add3A_1766 = arith.addi %select_n3A_18, %add3A_1765 : vector<16xi32>
        %select_n3A_1767 = arith.select %lt3A_1763, %add3A_1766, %select_n3A_18 : vector<16xi1>, vector<16xi32>
        %reshape3A_1768 = vector.shape_cast %select_n3A_1767 : vector<16xi32> to vector<16x1xi32>
        %gather3A_1769 = vector.shape_cast %reshape3A_1768 : vector<16x1xi32> to vector<16xi32>
        %gather3A_1770 = tpu.dynamic_gather %add3A_1122[%gather3A_1769] in [0] : vector<16xi32>, vector<16xi32> -> vector<16xi32>
        %mul3A_1771 = arith.constant 16 : i32
        %mul3A_1772 = vector.broadcast %mul3A_1771 : i32 to vector<16xi32>
        %mul3A_1773 = arith.muli %gather3A_1770, %mul3A_1772 : vector<16xi32>
        %lt3A_1774 = arith.constant 0 : i32
        %lt3A_1775 = vector.broadcast %lt3A_1774 : i32 to vector<16xi32>
        %lt3A_1776 = arith.cmpi slt, %select_n3A_46, %lt3A_1775 : vector<16xi32>
        %add3A_1777 = arith.constant 16 : i32
        %add3A_1778 = vector.broadcast %add3A_1777 : i32 to vector<16xi32>
        %add3A_1779 = arith.addi %select_n3A_46, %add3A_1778 : vector<16xi32>
        %select_n3A_1780 = arith.select %lt3A_1776, %add3A_1779, %select_n3A_46 : vector<16xi1>, vector<16xi32>
        %reshape3A_1781 = vector.shape_cast %select_n3A_1780 : vector<16xi32> to vector<16x1xi32>
        %gather3A_1782 = vector.shape_cast %reshape3A_1781 : vector<16x1xi32> to vector<16xi32>
        %gather3A_1783 = tpu.dynamic_gather %add3A_1122[%gather3A_1782] in [0] : vector<16xi32>, vector<16xi32> -> vector<16xi32>
        %add3A_1784 = arith.addi %mul3A_1773, %gather3A_1783 : vector<16xi32>
        %sub3A_1785 = arith.subi %add3A_1760, %add3A_1784 : vector<16xi32>
        %mul3A_1786 = arith.muli %select_n3A_53, %sub3A_1785 : vector<16xi32>
        %add3A_1787 = arith.addi %add3A_1784, %mul3A_1786 : vector<16xi32>
        %swap3A = arith.index_cast %scan3A_815 : i32 to index
        %swap3A_1788 = arith.constant 0 : index
        %swap3A_1789 = tpu.vector_load %arg7[%swap3A, %swap3A_1788] {strides = array<i32>} : memref<16x48xi32, #tpu.memory_space<vmem>>, vector<1x16xi32>,
        %swap3A_1790 = vector.shape_cast %swap3A_1789 : vector<1x16xi32> to vector<16xi32>
        %swap3A_1791 = vector.shape_cast %add3A_1787 : vector<16xi32> to vector<1x16xi32>
        tpu.vector_store %arg7[%swap3A, %swap3A_1788], %swap3A_1791 {strides = array<i32>} : memref<16x48xi32, #tpu.memory_space<vmem>>, vector<1x16xi32>,
        %lt3A_1792 = arith.constant 0 : i32
        %lt3A_1793 = vector.broadcast %lt3A_1792 : i32 to vector<16xi32>
        %lt3A_1794 = arith.cmpi slt, %select_n3A_18, %lt3A_1793 : vector<16xi32>
        %add3A_1795 = arith.constant 16 : i32
        %add3A_1796 = vector.broadcast %add3A_1795 : i32 to vector<16xi32>
        %add3A_1797 = arith.addi %select_n3A_18, %add3A_1796 : vector<16xi32>
        %select_n3A_1798 = arith.select %lt3A_1794, %add3A_1797, %select_n3A_18 : vector<16xi1>, vector<16xi32>
        %reshape3A_1799 = vector.shape_cast %select_n3A_1798 : vector<16xi32> to vector<16x1xi32>
        %gather3A_1800 = vector.shape_cast %reshape3A_1799 : vector<16x1xi32> to vector<16xi32>
        %gather3A_1801 = tpu.dynamic_gather %add3A_1276[%gather3A_1800] in [0] : vector<16xi32>, vector<16xi32> -> vector<16xi32>
        %mul3A_1802 = arith.constant 16 : i32
        %mul3A_1803 = vector.broadcast %mul3A_1802 : i32 to vector<16xi32>
        %mul3A_1804 = arith.muli %gather3A_1801, %mul3A_1803 : vector<16xi32>
        %lt3A_1805 = arith.constant 0 : i32
        %lt3A_1806 = vector.broadcast %lt3A_1805 : i32 to vector<16xi32>
        %lt3A_1807 = arith.cmpi slt, %select_n3A_46, %lt3A_1806 : vector<16xi32>
        %add3A_1808 = arith.constant 16 : i32
        %add3A_1809 = vector.broadcast %add3A_1808 : i32 to vector<16xi32>
        %add3A_1810 = arith.addi %select_n3A_46, %add3A_1809 : vector<16xi32>
        %select_n3A_1811 = arith.select %lt3A_1807, %add3A_1810, %select_n3A_46 : vector<16xi1>, vector<16xi32>
        %reshape3A_1812 = vector.shape_cast %select_n3A_1811 : vector<16xi32> to vector<16x1xi32>
        %gather3A_1813 = vector.shape_cast %reshape3A_1812 : vector<16x1xi32> to vector<16xi32>
        %gather3A_1814 = tpu.dynamic_gather %add3A_1276[%gather3A_1813] in [0] : vector<16xi32>, vector<16xi32> -> vector<16xi32>
        %add3A_1815 = arith.addi %mul3A_1804, %gather3A_1814 : vector<16xi32>
        %lt3A_1816 = arith.constant 0 : i32
        %lt3A_1817 = vector.broadcast %lt3A_1816 : i32 to vector<16xi32>
        %lt3A_1818 = arith.cmpi slt, %select_n3A_18, %lt3A_1817 : vector<16xi32>
        %add3A_1819 = arith.constant 16 : i32
        %add3A_1820 = vector.broadcast %add3A_1819 : i32 to vector<16xi32>
        %add3A_1821 = arith.addi %select_n3A_18, %add3A_1820 : vector<16xi32>
        %select_n3A_1822 = arith.select %lt3A_1818, %add3A_1821, %select_n3A_18 : vector<16xi1>, vector<16xi32>
        %reshape3A_1823 = vector.shape_cast %select_n3A_1822 : vector<16xi32> to vector<16x1xi32>
        %gather3A_1824 = vector.shape_cast %reshape3A_1823 : vector<16x1xi32> to vector<16xi32>
        %gather3A_1825 = tpu.dynamic_gather %add3A_1430[%gather3A_1824] in [0] : vector<16xi32>, vector<16xi32> -> vector<16xi32>
        %mul3A_1826 = arith.constant 16 : i32
        %mul3A_1827 = vector.broadcast %mul3A_1826 : i32 to vector<16xi32>
        %mul3A_1828 = arith.muli %gather3A_1825, %mul3A_1827 : vector<16xi32>
        %lt3A_1829 = arith.constant 0 : i32
        %lt3A_1830 = vector.broadcast %lt3A_1829 : i32 to vector<16xi32>
        %lt3A_1831 = arith.cmpi slt, %select_n3A_46, %lt3A_1830 : vector<16xi32>
        %add3A_1832 = arith.constant 16 : i32
        %add3A_1833 = vector.broadcast %add3A_1832 : i32 to vector<16xi32>
        %add3A_1834 = arith.addi %select_n3A_46, %add3A_1833 : vector<16xi32>
        %select_n3A_1835 = arith.select %lt3A_1831, %add3A_1834, %select_n3A_46 : vector<16xi1>, vector<16xi32>
        %reshape3A_1836 = vector.shape_cast %select_n3A_1835 : vector<16xi32> to vector<16x1xi32>
        %gather3A_1837 = vector.shape_cast %reshape3A_1836 : vector<16x1xi32> to vector<16xi32>
        %gather3A_1838 = tpu.dynamic_gather %add3A_1430[%gather3A_1837] in [0] : vector<16xi32>, vector<16xi32> -> vector<16xi32>
        %add3A_1839 = arith.addi %mul3A_1828, %gather3A_1838 : vector<16xi32>
        %sub3A_1840 = arith.subi %add3A_1815, %add3A_1839 : vector<16xi32>
        %mul3A_1841 = arith.muli %select_n3A_53, %sub3A_1840 : vector<16xi32>
        %add3A_1842 = arith.addi %add3A_1839, %mul3A_1841 : vector<16xi32>
        %swap3A_1843 = arith.index_cast %scan3A_815 : i32 to index
        %swap3A_1844 = arith.constant 16 : index
        %swap3A_1845 = tpu.vector_load %arg7[%swap3A_1843, %swap3A_1844] {strides = array<i32>} : memref<16x48xi32, #tpu.memory_space<vmem>>, vector<1x16xi32>,
        %swap3A_1846 = vector.shape_cast %swap3A_1845 : vector<1x16xi32> to vector<16xi32>
        %swap3A_1847 = vector.shape_cast %add3A_1842 : vector<16xi32> to vector<1x16xi32>
        tpu.vector_store %arg7[%swap3A_1843, %swap3A_1844], %swap3A_1847 {strides = array<i32>} : memref<16x48xi32, #tpu.memory_space<vmem>>, vector<1x16xi32>,
        %lt3A_1848 = arith.constant 0 : i32
        %lt3A_1849 = vector.broadcast %lt3A_1848 : i32 to vector<16xi32>
        %lt3A_1850 = arith.cmpi slt, %select_n3A_18, %lt3A_1849 : vector<16xi32>
        %add3A_1851 = arith.constant 16 : i32
        %add3A_1852 = vector.broadcast %add3A_1851 : i32 to vector<16xi32>
        %add3A_1853 = arith.addi %select_n3A_18, %add3A_1852 : vector<16xi32>
        %select_n3A_1854 = arith.select %lt3A_1850, %add3A_1853, %select_n3A_18 : vector<16xi1>, vector<16xi32>
        %reshape3A_1855 = vector.shape_cast %select_n3A_1854 : vector<16xi32> to vector<16x1xi32>
        %gather3A_1856 = vector.shape_cast %reshape3A_1855 : vector<16x1xi32> to vector<16xi32>
        %gather3A_1857 = tpu.dynamic_gather %add3A_1584[%gather3A_1856] in [0] : vector<16xi32>, vector<16xi32> -> vector<16xi32>
        %mul3A_1858 = arith.constant 16 : i32
        %mul3A_1859 = vector.broadcast %mul3A_1858 : i32 to vector<16xi32>
        %mul3A_1860 = arith.muli %gather3A_1857, %mul3A_1859 : vector<16xi32>
        %lt3A_1861 = arith.constant 0 : i32
        %lt3A_1862 = vector.broadcast %lt3A_1861 : i32 to vector<16xi32>
        %lt3A_1863 = arith.cmpi slt, %select_n3A_46, %lt3A_1862 : vector<16xi32>
        %add3A_1864 = arith.constant 16 : i32
        %add3A_1865 = vector.broadcast %add3A_1864 : i32 to vector<16xi32>
        %add3A_1866 = arith.addi %select_n3A_46, %add3A_1865 : vector<16xi32>
        %select_n3A_1867 = arith.select %lt3A_1863, %add3A_1866, %select_n3A_46 : vector<16xi1>, vector<16xi32>
        %reshape3A_1868 = vector.shape_cast %select_n3A_1867 : vector<16xi32> to vector<16x1xi32>
        %gather3A_1869 = vector.shape_cast %reshape3A_1868 : vector<16x1xi32> to vector<16xi32>
        %gather3A_1870 = tpu.dynamic_gather %add3A_1584[%gather3A_1869] in [0] : vector<16xi32>, vector<16xi32> -> vector<16xi32>
        %add3A_1871 = arith.addi %mul3A_1860, %gather3A_1870 : vector<16xi32>
        %lt3A_1872 = arith.constant 0 : i32
        %lt3A_1873 = vector.broadcast %lt3A_1872 : i32 to vector<16xi32>
        %lt3A_1874 = arith.cmpi slt, %select_n3A_18, %lt3A_1873 : vector<16xi32>
        %add3A_1875 = arith.constant 16 : i32
        %add3A_1876 = vector.broadcast %add3A_1875 : i32 to vector<16xi32>
        %add3A_1877 = arith.addi %select_n3A_18, %add3A_1876 : vector<16xi32>
        %select_n3A_1878 = arith.select %lt3A_1874, %add3A_1877, %select_n3A_18 : vector<16xi1>, vector<16xi32>
        %reshape3A_1879 = vector.shape_cast %select_n3A_1878 : vector<16xi32> to vector<16x1xi32>
        %gather3A_1880 = vector.shape_cast %reshape3A_1879 : vector<16x1xi32> to vector<16xi32>
        %gather3A_1881 = tpu.dynamic_gather %add3A_1738[%gather3A_1880] in [0] : vector<16xi32>, vector<16xi32> -> vector<16xi32>
        %mul3A_1882 = arith.constant 16 : i32
        %mul3A_1883 = vector.broadcast %mul3A_1882 : i32 to vector<16xi32>
        %mul3A_1884 = arith.muli %gather3A_1881, %mul3A_1883 : vector<16xi32>
        %lt3A_1885 = arith.constant 0 : i32
        %lt3A_1886 = vector.broadcast %lt3A_1885 : i32 to vector<16xi32>
        %lt3A_1887 = arith.cmpi slt, %select_n3A_46, %lt3A_1886 : vector<16xi32>
        %add3A_1888 = arith.constant 16 : i32
        %add3A_1889 = vector.broadcast %add3A_1888 : i32 to vector<16xi32>
        %add3A_1890 = arith.addi %select_n3A_46, %add3A_1889 : vector<16xi32>
        %select_n3A_1891 = arith.select %lt3A_1887, %add3A_1890, %select_n3A_46 : vector<16xi1>, vector<16xi32>
        %reshape3A_1892 = vector.shape_cast %select_n3A_1891 : vector<16xi32> to vector<16x1xi32>
        %gather3A_1893 = vector.shape_cast %reshape3A_1892 : vector<16x1xi32> to vector<16xi32>
        %gather3A_1894 = tpu.dynamic_gather %add3A_1738[%gather3A_1893] in [0] : vector<16xi32>, vector<16xi32> -> vector<16xi32>
        %add3A_1895 = arith.addi %mul3A_1884, %gather3A_1894 : vector<16xi32>
        %sub3A_1896 = arith.subi %add3A_1871, %add3A_1895 : vector<16xi32>
        %mul3A_1897 = arith.muli %select_n3A_53, %sub3A_1896 : vector<16xi32>
        %add3A_1898 = arith.addi %add3A_1895, %mul3A_1897 : vector<16xi32>
        %swap3A_1899 = arith.index_cast %scan3A_815 : i32 to index
        %swap3A_1900 = arith.constant 32 : index
        %swap3A_1901 = tpu.vector_load %arg7[%swap3A_1899, %swap3A_1900] {strides = array<i32>} : memref<16x48xi32, #tpu.memory_space<vmem>>, vector<1x16xi32>,
        %swap3A_1902 = vector.shape_cast %swap3A_1901 : vector<1x16xi32> to vector<16xi32>
        %swap3A_1903 = vector.shape_cast %add3A_1898 : vector<16xi32> to vector<1x16xi32>
        tpu.vector_store %arg7[%swap3A_1899, %swap3A_1900], %swap3A_1903 {strides = array<i32>} : memref<16x48xi32, #tpu.memory_space<vmem>>, vector<1x16xi32>,
      }
      %scan3A_478 = arith.constant 16 : i32
      %ge3A = arith.constant 2 : i32
      %ge3A_479 = arith.cmpi sge, %add3A_368, %ge3A : i32
      %convert_element_type3A_480 = arith.extui %ge3A_479 : i1 to i32
      %cond3A_481 = arith.constant 0 : i32
      %cond3A_482 = arith.cmpi ne, %convert_element_type3A_480, %cond3A_481 : i32
      scf.if %cond3A_482 {
        %sub3A_815 = arith.constant 2 : i32
        %sub3A_816 = arith.subi %add3A_364, %sub3A_815 : i32
        %jit3A_817 = arith.constant 576 : i32
        %div3A_818 = arith.divsi %sub3A_816, %jit3A_817 : i32
        %sign3A_819 = arith.constant 0 : i32
        %sign3A_820 = arith.cmpi sgt, %sub3A_816, %sign3A_819 : i32
        %sign3A_821 = arith.extui %sign3A_820 : i1 to i32
        %sign3A_822 = arith.constant 0 : i32
        %sign3A_823 = arith.cmpi slt, %sub3A_816, %sign3A_822 : i32
        %sign3A_824 = arith.extui %sign3A_823 : i1 to i32
        %sign3A_825 = arith.subi %sign3A_821, %sign3A_824 : i32
        %sign3A_826 = arith.constant 0 : i32
        %sign3A_827 = arith.cmpi sgt, %jit3A_817, %sign3A_826 : i32
        %sign3A_828 = arith.extui %sign3A_827 : i1 to i32
        %sign3A_829 = arith.constant 0 : i32
        %sign3A_830 = arith.cmpi slt, %jit3A_817, %sign3A_829 : i32
        %sign3A_831 = arith.extui %sign3A_830 : i1 to i32
        %sign3A_832 = arith.subi %sign3A_828, %sign3A_831 : i32
        %ne3A_833 = arith.cmpi ne, %sign3A_825, %sign3A_832 : i32
        %rem3A_834 = arith.remsi %sub3A_816, %jit3A_817 : i32
        %ne3A_835 = arith.constant 0 : i32
        %ne3A_836 = arith.cmpi ne, %rem3A_834, %ne3A_835 : i32
        %and3A_837 = arith.andi %ne3A_833, %ne3A_836 : i1
        %sub3A_838 = arith.constant 1 : i32
        %sub3A_839 = arith.subi %div3A_818, %sub3A_838 : i32
        %select_n3A_840 = arith.select %and3A_837, %sub3A_839, %div3A_818 : i32
        %jit3A_841 = arith.constant 576 : i32
        %eq3A_842 = arith.constant 0 : i32
        %eq3A_843 = arith.cmpi eq, %jit3A_841, %eq3A_842 : i32
        %jit3A_844 = arith.constant 1 : i32
        %select_n3A_845 = arith.select %eq3A_843, %jit3A_844, %jit3A_841 : i32
        %rem3A_846 = arith.remsi %sub3A_816, %select_n3A_845 : i32
        %ne3A_847 = arith.constant 0 : i32
        %ne3A_848 = arith.cmpi ne, %rem3A_846, %ne3A_847 : i32
        %lt3A_849 = arith.constant 0 : i32
        %lt3A_850 = arith.cmpi slt, %rem3A_846, %lt3A_849 : i32
        %lt3A_851 = arith.constant 0 : i32
        %lt3A_852 = arith.cmpi slt, %select_n3A_845, %lt3A_851 : i32
        %ne3A_853 = arith.xori %lt3A_850, %lt3A_852 : i1
        %and3A_854 = arith.andi %ne3A_853, %ne3A_848 : i1
        %add3A_855 = arith.addi %rem3A_846, %select_n3A_845 : i32
        %select_n3A_856 = arith.select %and3A_854, %add3A_855, %rem3A_846 : i32
        %jit3A_857 = arith.constant 24 : i32
        %div3A_858 = arith.divsi %select_n3A_856, %jit3A_857 : i32
        %sign3A_859 = arith.constant 0 : i32
        %sign3A_860 = arith.cmpi sgt, %select_n3A_856, %sign3A_859 : i32
        %sign3A_861 = arith.extui %sign3A_860 : i1 to i32
        %sign3A_862 = arith.constant 0 : i32
        %sign3A_863 = arith.cmpi slt, %select_n3A_856, %sign3A_862 : i32
        %sign3A_864 = arith.extui %sign3A_863 : i1 to i32
        %sign3A_865 = arith.subi %sign3A_861, %sign3A_864 : i32
        %sign3A_866 = arith.constant 0 : i32
        %sign3A_867 = arith.cmpi sgt, %jit3A_857, %sign3A_866 : i32
        %sign3A_868 = arith.extui %sign3A_867 : i1 to i32
        %sign3A_869 = arith.constant 0 : i32
        %sign3A_870 = arith.cmpi slt, %jit3A_857, %sign3A_869 : i32
        %sign3A_871 = arith.extui %sign3A_870 : i1 to i32
        %sign3A_872 = arith.subi %sign3A_868, %sign3A_871 : i32
        %ne3A_873 = arith.cmpi ne, %sign3A_865, %sign3A_872 : i32
        %rem3A_874 = arith.remsi %select_n3A_856, %jit3A_857 : i32
        %ne3A_875 = arith.constant 0 : i32
        %ne3A_876 = arith.cmpi ne, %rem3A_874, %ne3A_875 : i32
        %and3A_877 = arith.andi %ne3A_873, %ne3A_876 : i1
        %sub3A_878 = arith.constant 1 : i32
        %sub3A_879 = arith.subi %div3A_858, %sub3A_878 : i32
        %select_n3A_880 = arith.select %and3A_877, %sub3A_879, %div3A_858 : i32
        %jit3A_881 = arith.constant 24 : i32
        %eq3A_882 = arith.constant 0 : i32
        %eq3A_883 = arith.cmpi eq, %jit3A_881, %eq3A_882 : i32
        %jit3A_884 = arith.constant 1 : i32
        %select_n3A_885 = arith.select %eq3A_883, %jit3A_884, %jit3A_881 : i32
        %rem3A_886 = arith.remsi %select_n3A_856, %select_n3A_885 : i32
        %ne3A_887 = arith.constant 0 : i32
        %ne3A_888 = arith.cmpi ne, %rem3A_886, %ne3A_887 : i32
        %lt3A_889 = arith.constant 0 : i32
        %lt3A_890 = arith.cmpi slt, %rem3A_886, %lt3A_889 : i32
        %lt3A_891 = arith.constant 0 : i32
        %lt3A_892 = arith.cmpi slt, %select_n3A_885, %lt3A_891 : i32
        %ne3A_893 = arith.xori %lt3A_890, %lt3A_892 : i1
        %and3A_894 = arith.andi %ne3A_893, %ne3A_888 : i1
        %add3A_895 = arith.addi %rem3A_886, %select_n3A_885 : i32
        %select_n3A_896 = arith.select %and3A_894, %add3A_895, %rem3A_886 : i32
        %dma_wait3A_897 = arith.constant 0 : i32
        %dma_wait3A_898 = arith.constant 0 : i32
        %dma_wait3A_899 = arith.constant 0 : i32
        %dma_wait3A_900 = tpu.memref_slice %arg8[%dma_wait3A_897, %dma_wait3A_898, %dma_wait3A_899] : memref<2x24x512xf32, #tpu.memory_space<vmem>> -> memref<1x24x512xf32, #tpu.memory_space<vmem>>
        %dma_wait3A_901 = tpu.memref_squeeze %dma_wait3A_900 : memref<1x24x512xf32, #tpu.memory_space<vmem>> -> memref<24x512xf32, #tpu.memory_space<vmem>>
        %dma_wait3A_902 = arith.constant 0 : i32
        %dma_wait3A_903 = arith.constant 0 : i32
        %dma_wait3A_904 = tpu.memref_slice %arg4[%select_n3A_840, %select_n3A_880, %select_n3A_896, %dma_wait3A_902, %dma_wait3A_903] : memref<2x24x24x24x512xf32, #tpu.memory_space<hbm>> -> memref<1x1x1x24x512xf32, #tpu.memory_space<hbm>>
        %dma_wait3A_905 = tpu.memref_squeeze %dma_wait3A_904 : memref<1x1x1x24x512xf32, #tpu.memory_space<hbm>> -> memref<24x512xf32, #tpu.memory_space<hbm>>
        %dma_wait3A_906 = arith.constant 0 : i32
        %dma_wait3A_907 = arith.constant 0 : i32
        %dma_wait3A_908 = tpu.memref_slice %arg4[%select_n3A_840, %select_n3A_880, %select_n3A_896, %dma_wait3A_906, %dma_wait3A_907] : memref<2x24x24x24x512xf32, #tpu.memory_space<hbm>> -> memref<1x1x1x24x512xf32, #tpu.memory_space<hbm>>
        %dma_wait3A_909 = tpu.memref_squeeze %dma_wait3A_908 : memref<1x1x1x24x512xf32, #tpu.memory_space<hbm>> -> memref<24x512xf32, #tpu.memory_space<hbm>>
        %dma_wait3A_910 = arith.constant 0 : i32
        %dma_wait3A_911 = arith.constant 0 : i32
        %dma_wait3A_912 = tpu.memref_slice %arg8[%dma_wait3A_897, %dma_wait3A_910, %dma_wait3A_911] : memref<2x24x512xf32, #tpu.memory_space<vmem>> -> memref<1x24x512xf32, #tpu.memory_space<vmem>>
        %dma_wait3A_913 = tpu.memref_squeeze %dma_wait3A_912 : memref<1x24x512xf32, #tpu.memory_space<vmem>> -> memref<24x512xf32, #tpu.memory_space<vmem>>
        tpu.wait_dma2 semaphore(%arg9 : memref<!tpu.dma_semaphore, #tpu.memory_space<semaphore_mem>>) src(%dma_wait3A_913 : memref<24x512xf32, #tpu.memory_space<vmem>>) dst(%dma_wait3A_909 : memref<24x512xf32, #tpu.memory_space<hbm>>)
      } else {
      }
      %scan3A_483 = arith.constant 0 : i32
      %scan3A_484 = arith.constant 0 : i32
      %scan3A_485 = arith.constant 16 : i32
      %scan3A_486 = arith.addi %scan3A_484, %scan3A_485 : i32
      %scan3A_487 = arith.constant 1 : i32
      scf.for %scan3A_815 = %scan3A_484 to %scan3A_486 step %scan3A_487  : i32 {
        %mul3A_816 = arith.constant 2 : i32
        %mul3A_817 = arith.muli %scan3A_815, %mul3A_816 : i32
        %mul3A_818 = arith.constant 16 : i32
        %mul3A_819 = arith.muli %mul3A_817, %mul3A_818 : i32
        %get3A = arith.index_cast %scan3A_815 : i32 to index
        %get3A_820 = arith.constant 0 : index
        %get3A_821 = tpu.vector_load %arg7[%get3A, %get3A_820] {strides = array<i32>} : memref<16x48xi32, #tpu.memory_space<vmem>>, vector<1x16xi32>,
        %get3A_822 = vector.shape_cast %get3A_821 : vector<1x16xi32> to vector<16xi32>
        %slice3A = vector.extract_strided_slice %get3A_822 {offsets = [0], sizes = [1], strides = [1]} : vector<16xi32> to vector<1xi32>
        %squeeze3A = vector.extract %slice3A[0] : i32 from vector<1xi32>
        %get3A_823 = arith.index_cast %squeeze3A : i32 to index
        %get3A_824 = arith.constant 0 : index
        %get3A_825 = tpu.vector_load %arg6[%get3A_823, %get3A_824] {strides = array<i32>} : memref<208x16xf32, #tpu.memory_space<vmem>>, vector<1x16xf32>,
        %get3A_826 = vector.shape_cast %get3A_825 : vector<1x16xf32> to vector<16xf32>
        %add3A_827 = arith.constant 0 : i32
        %add3A_828 = arith.addi %add3A_827, %mul3A_819 : i32
        %swap3A = arith.constant 0 : i32
        %swap3A_829 = arith.constant 0 : i32
        %swap3A_830 = arith.index_cast %swap3A : i32 to index
        %swap3A_831 = arith.index_cast %swap3A_829 : i32 to index
        %swap3A_832 = arith.index_cast %add3A_828 : i32 to index
        %swap3A_833 = tpu.vector_load %arg8[%swap3A_830, %swap3A_831, %swap3A_832] {strides = array<i32>} : memref<2x24x512xf32, #tpu.memory_space<vmem>>, vector<1x1x16xf32>,
        %swap3A_834 = vector.shape_cast %swap3A_833 : vector<1x1x16xf32> to vector<16xf32>
        %swap3A_835 = vector.shape_cast %get3A_826 : vector<16xf32> to vector<1x1x16xf32>
        tpu.vector_store %arg8[%swap3A_830, %swap3A_831, %swap3A_832], %swap3A_835 {strides = array<i32>} : memref<2x24x512xf32, #tpu.memory_space<vmem>>, vector<1x1x16xf32>,
        %slice3A_836 = vector.extract_strided_slice %get3A_822 {offsets = [1], sizes = [1], strides = [1]} : vector<16xi32> to vector<1xi32>
        %squeeze3A_837 = vector.extract %slice3A_836[0] : i32 from vector<1xi32>
        %get3A_838 = arith.index_cast %squeeze3A_837 : i32 to index
        %get3A_839 = arith.constant 0 : index
        %get3A_840 = tpu.vector_load %arg6[%get3A_838, %get3A_839] {strides = array<i32>} : memref<208x16xf32, #tpu.memory_space<vmem>>, vector<1x16xf32>,
        %get3A_841 = vector.shape_cast %get3A_840 : vector<1x16xf32> to vector<16xf32>
        %add3A_842 = arith.constant 16 : i32
        %add3A_843 = arith.addi %add3A_842, %mul3A_819 : i32
        %swap3A_844 = arith.constant 0 : i32
        %swap3A_845 = arith.constant 0 : i32
        %swap3A_846 = arith.index_cast %swap3A_844 : i32 to index
        %swap3A_847 = arith.index_cast %swap3A_845 : i32 to index
        %swap3A_848 = arith.index_cast %add3A_843 : i32 to index
        %swap3A_849 = tpu.vector_load %arg8[%swap3A_846, %swap3A_847, %swap3A_848] {strides = array<i32>} : memref<2x24x512xf32, #tpu.memory_space<vmem>>, vector<1x1x16xf32>,
        %swap3A_850 = vector.shape_cast %swap3A_849 : vector<1x1x16xf32> to vector<16xf32>
        %swap3A_851 = vector.shape_cast %get3A_841 : vector<16xf32> to vector<1x1x16xf32>
        tpu.vector_store %arg8[%swap3A_846, %swap3A_847, %swap3A_848], %swap3A_851 {strides = array<i32>} : memref<2x24x512xf32, #tpu.memory_space<vmem>>, vector<1x1x16xf32>,
        %slice3A_852 = vector.extract_strided_slice %get3A_822 {offsets = [2], sizes = [1], strides = [1]} : vector<16xi32> to vector<1xi32>
        %squeeze3A_853 = vector.extract %slice3A_852[0] : i32 from vector<1xi32>
        %get3A_854 = arith.index_cast %squeeze3A_853 : i32 to index
        %get3A_855 = arith.constant 0 : index
        %get3A_856 = tpu.vector_load %arg6[%get3A_854, %get3A_855] {strides = array<i32>} : memref<208x16xf32, #tpu.memory_space<vmem>>, vector<1x16xf32>,
        %get3A_857 = vector.shape_cast %get3A_856 : vector<1x16xf32> to vector<16xf32>
        %add3A_858 = arith.constant 0 : i32
        %add3A_859 = arith.addi %add3A_858, %mul3A_819 : i32
        %swap3A_860 = arith.constant 0 : i32
        %swap3A_861 = arith.constant 1 : i32
        %swap3A_862 = arith.index_cast %swap3A_860 : i32 to index
        %swap3A_863 = arith.index_cast %swap3A_861 : i32 to index
        %swap3A_864 = arith.index_cast %add3A_859 : i32 to index
        %swap3A_865 = tpu.vector_load %arg8[%swap3A_862, %swap3A_863, %swap3A_864] {strides = array<i32>} : memref<2x24x512xf32, #tpu.memory_space<vmem>>, vector<1x1x16xf32>,
        %swap3A_866 = vector.shape_cast %swap3A_865 : vector<1x1x16xf32> to vector<16xf32>
        %swap3A_867 = vector.shape_cast %get3A_857 : vector<16xf32> to vector<1x1x16xf32>
        tpu.vector_store %arg8[%swap3A_862, %swap3A_863, %swap3A_864], %swap3A_867 {strides = array<i32>} : memref<2x24x512xf32, #tpu.memory_space<vmem>>, vector<1x1x16xf32>,
        %slice3A_868 = vector.extract_strided_slice %get3A_822 {offsets = [3], sizes = [1], strides = [1]} : vector<16xi32> to vector<1xi32>
        %squeeze3A_869 = vector.extract %slice3A_868[0] : i32 from vector<1xi32>
        %get3A_870 = arith.index_cast %squeeze3A_869 : i32 to index
        %get3A_871 = arith.constant 0 : index
        %get3A_872 = tpu.vector_load %arg6[%get3A_870, %get3A_871] {strides = array<i32>} : memref<208x16xf32, #tpu.memory_space<vmem>>, vector<1x16xf32>,
        %get3A_873 = vector.shape_cast %get3A_872 : vector<1x16xf32> to vector<16xf32>
        %add3A_874 = arith.constant 16 : i32
        %add3A_875 = arith.addi %add3A_874, %mul3A_819 : i32
        %swap3A_876 = arith.constant 0 : i32
        %swap3A_877 = arith.constant 1 : i32
        %swap3A_878 = arith.index_cast %swap3A_876 : i32 to index
        %swap3A_879 = arith.index_cast %swap3A_877 : i32 to index
        %swap3A_880 = arith.index_cast %add3A_875 : i32 to index
        %swap3A_881 = tpu.vector_load %arg8[%swap3A_878, %swap3A_879, %swap3A_880] {strides = array<i32>} : memref<2x24x512xf32, #tpu.memory_space<vmem>>, vector<1x1x16xf32>,
        %swap3A_882 = vector.shape_cast %swap3A_881 : vector<1x1x16xf32> to vector<16xf32>
        %swap3A_883 = vector.shape_cast %get3A_873 : vector<16xf32> to vector<1x1x16xf32>
        tpu.vector_store %arg8[%swap3A_878, %swap3A_879, %swap3A_880], %swap3A_883 {strides = array<i32>} : memref<2x24x512xf32, #tpu.memory_space<vmem>>, vector<1x1x16xf32>,
        %slice3A_884 = vector.extract_strided_slice %get3A_822 {offsets = [4], sizes = [1], strides = [1]} : vector<16xi32> to vector<1xi32>
        %squeeze3A_885 = vector.extract %slice3A_884[0] : i32 from vector<1xi32>
        %get3A_886 = arith.index_cast %squeeze3A_885 : i32 to index
        %get3A_887 = arith.constant 0 : index
        %get3A_888 = tpu.vector_load %arg6[%get3A_886, %get3A_887] {strides = array<i32>} : memref<208x16xf32, #tpu.memory_space<vmem>>, vector<1x16xf32>,
        %get3A_889 = vector.shape_cast %get3A_888 : vector<1x16xf32> to vector<16xf32>
        %add3A_890 = arith.constant 0 : i32
        %add3A_891 = arith.addi %add3A_890, %mul3A_819 : i32
        %swap3A_892 = arith.constant 0 : i32
        %swap3A_893 = arith.constant 2 : i32
        %swap3A_894 = arith.index_cast %swap3A_892 : i32 to index
        %swap3A_895 = arith.index_cast %swap3A_893 : i32 to index
        %swap3A_896 = arith.index_cast %add3A_891 : i32 to index
        %swap3A_897 = tpu.vector_load %arg8[%swap3A_894, %swap3A_895, %swap3A_896] {strides = array<i32>} : memref<2x24x512xf32, #tpu.memory_space<vmem>>, vector<1x1x16xf32>,
        %swap3A_898 = vector.shape_cast %swap3A_897 : vector<1x1x16xf32> to vector<16xf32>
        %swap3A_899 = vector.shape_cast %get3A_889 : vector<16xf32> to vector<1x1x16xf32>
        tpu.vector_store %arg8[%swap3A_894, %swap3A_895, %swap3A_896], %swap3A_899 {strides = array<i32>} : memref<2x24x512xf32, #tpu.memory_space<vmem>>, vector<1x1x16xf32>,
        %slice3A_900 = vector.extract_strided_slice %get3A_822 {offsets = [5], sizes = [1], strides = [1]} : vector<16xi32> to vector<1xi32>
        %squeeze3A_901 = vector.extract %slice3A_900[0] : i32 from vector<1xi32>
        %get3A_902 = arith.index_cast %squeeze3A_901 : i32 to index
        %get3A_903 = arith.constant 0 : index
        %get3A_904 = tpu.vector_load %arg6[%get3A_902, %get3A_903] {strides = array<i32>} : memref<208x16xf32, #tpu.memory_space<vmem>>, vector<1x16xf32>,
        %get3A_905 = vector.shape_cast %get3A_904 : vector<1x16xf32> to vector<16xf32>
        %add3A_906 = arith.constant 16 : i32
        %add3A_907 = arith.addi %add3A_906, %mul3A_819 : i32
        %swap3A_908 = arith.constant 0 : i32
        %swap3A_909 = arith.constant 2 : i32
        %swap3A_910 = arith.index_cast %swap3A_908 : i32 to index
        %swap3A_911 = arith.index_cast %swap3A_909 : i32 to index
        %swap3A_912 = arith.index_cast %add3A_907 : i32 to index
        %swap3A_913 = tpu.vector_load %arg8[%swap3A_910, %swap3A_911, %swap3A_912] {strides = array<i32>} : memref<2x24x512xf32, #tpu.memory_space<vmem>>, vector<1x1x16xf32>,
        %swap3A_914 = vector.shape_cast %swap3A_913 : vector<1x1x16xf32> to vector<16xf32>
        %swap3A_915 = vector.shape_cast %get3A_905 : vector<16xf32> to vector<1x1x16xf32>
        tpu.vector_store %arg8[%swap3A_910, %swap3A_911, %swap3A_912], %swap3A_915 {strides = array<i32>} : memref<2x24x512xf32, #tpu.memory_space<vmem>>, vector<1x1x16xf32>,
        %slice3A_916 = vector.extract_strided_slice %get3A_822 {offsets = [6], sizes = [1], strides = [1]} : vector<16xi32> to vector<1xi32>
        %squeeze3A_917 = vector.extract %slice3A_916[0] : i32 from vector<1xi32>
        %get3A_918 = arith.index_cast %squeeze3A_917 : i32 to index
        %get3A_919 = arith.constant 0 : index
        %get3A_920 = tpu.vector_load %arg6[%get3A_918, %get3A_919] {strides = array<i32>} : memref<208x16xf32, #tpu.memory_space<vmem>>, vector<1x16xf32>,
        %get3A_921 = vector.shape_cast %get3A_920 : vector<1x16xf32> to vector<16xf32>
        %add3A_922 = arith.constant 0 : i32
        %add3A_923 = arith.addi %add3A_922, %mul3A_819 : i32
        %swap3A_924 = arith.constant 0 : i32
        %swap3A_925 = arith.constant 3 : i32
        %swap3A_926 = arith.index_cast %swap3A_924 : i32 to index
        %swap3A_927 = arith.index_cast %swap3A_925 : i32 to index
        %swap3A_928 = arith.index_cast %add3A_923 : i32 to index
        %swap3A_929 = tpu.vector_load %arg8[%swap3A_926, %swap3A_927, %swap3A_928] {strides = array<i32>} : memref<2x24x512xf32, #tpu.memory_space<vmem>>, vector<1x1x16xf32>,
        %swap3A_930 = vector.shape_cast %swap3A_929 : vector<1x1x16xf32> to vector<16xf32>
        %swap3A_931 = vector.shape_cast %get3A_921 : vector<16xf32> to vector<1x1x16xf32>
        tpu.vector_store %arg8[%swap3A_926, %swap3A_927, %swap3A_928], %swap3A_931 {strides = array<i32>} : memref<2x24x512xf32, #tpu.memory_space<vmem>>, vector<1x1x16xf32>,
        %slice3A_932 = vector.extract_strided_slice %get3A_822 {offsets = [7], sizes = [1], strides = [1]} : vector<16xi32> to vector<1xi32>
        %squeeze3A_933 = vector.extract %slice3A_932[0] : i32 from vector<1xi32>
        %get3A_934 = arith.index_cast %squeeze3A_933 : i32 to index
        %get3A_935 = arith.constant 0 : index
        %get3A_936 = tpu.vector_load %arg6[%get3A_934, %get3A_935] {strides = array<i32>} : memref<208x16xf32, #tpu.memory_space<vmem>>, vector<1x16xf32>,
        %get3A_937 = vector.shape_cast %get3A_936 : vector<1x16xf32> to vector<16xf32>
        %add3A_938 = arith.constant 16 : i32
        %add3A_939 = arith.addi %add3A_938, %mul3A_819 : i32
        %swap3A_940 = arith.constant 0 : i32
        %swap3A_941 = arith.constant 3 : i32
        %swap3A_942 = arith.index_cast %swap3A_940 : i32 to index
        %swap3A_943 = arith.index_cast %swap3A_941 : i32 to index
        %swap3A_944 = arith.index_cast %add3A_939 : i32 to index
        %swap3A_945 = tpu.vector_load %arg8[%swap3A_942, %swap3A_943, %swap3A_944] {strides = array<i32>} : memref<2x24x512xf32, #tpu.memory_space<vmem>>, vector<1x1x16xf32>,
        %swap3A_946 = vector.shape_cast %swap3A_945 : vector<1x1x16xf32> to vector<16xf32>
        %swap3A_947 = vector.shape_cast %get3A_937 : vector<16xf32> to vector<1x1x16xf32>
        tpu.vector_store %arg8[%swap3A_942, %swap3A_943, %swap3A_944], %swap3A_947 {strides = array<i32>} : memref<2x24x512xf32, #tpu.memory_space<vmem>>, vector<1x1x16xf32>,
        %slice3A_948 = vector.extract_strided_slice %get3A_822 {offsets = [8], sizes = [1], strides = [1]} : vector<16xi32> to vector<1xi32>
        %squeeze3A_949 = vector.extract %slice3A_948[0] : i32 from vector<1xi32>
        %get3A_950 = arith.index_cast %squeeze3A_949 : i32 to index
        %get3A_951 = arith.constant 0 : index
        %get3A_952 = tpu.vector_load %arg6[%get3A_950, %get3A_951] {strides = array<i32>} : memref<208x16xf32, #tpu.memory_space<vmem>>, vector<1x16xf32>,
        %get3A_953 = vector.shape_cast %get3A_952 : vector<1x16xf32> to vector<16xf32>
        %add3A_954 = arith.constant 0 : i32
        %add3A_955 = arith.addi %add3A_954, %mul3A_819 : i32
        %swap3A_956 = arith.constant 0 : i32
        %swap3A_957 = arith.constant 4 : i32
        %swap3A_958 = arith.index_cast %swap3A_956 : i32 to index
        %swap3A_959 = arith.index_cast %swap3A_957 : i32 to index
        %swap3A_960 = arith.index_cast %add3A_955 : i32 to index
        %swap3A_961 = tpu.vector_load %arg8[%swap3A_958, %swap3A_959, %swap3A_960] {strides = array<i32>} : memref<2x24x512xf32, #tpu.memory_space<vmem>>, vector<1x1x16xf32>,
        %swap3A_962 = vector.shape_cast %swap3A_961 : vector<1x1x16xf32> to vector<16xf32>
        %swap3A_963 = vector.shape_cast %get3A_953 : vector<16xf32> to vector<1x1x16xf32>
        tpu.vector_store %arg8[%swap3A_958, %swap3A_959, %swap3A_960], %swap3A_963 {strides = array<i32>} : memref<2x24x512xf32, #tpu.memory_space<vmem>>, vector<1x1x16xf32>,
        %slice3A_964 = vector.extract_strided_slice %get3A_822 {offsets = [9], sizes = [1], strides = [1]} : vector<16xi32> to vector<1xi32>
        %squeeze3A_965 = vector.extract %slice3A_964[0] : i32 from vector<1xi32>
        %get3A_966 = arith.index_cast %squeeze3A_965 : i32 to index
        %get3A_967 = arith.constant 0 : index
        %get3A_968 = tpu.vector_load %arg6[%get3A_966, %get3A_967] {strides = array<i32>} : memref<208x16xf32, #tpu.memory_space<vmem>>, vector<1x16xf32>,
        %get3A_969 = vector.shape_cast %get3A_968 : vector<1x16xf32> to vector<16xf32>
        %add3A_970 = arith.constant 16 : i32
        %add3A_971 = arith.addi %add3A_970, %mul3A_819 : i32
        %swap3A_972 = arith.constant 0 : i32
        %swap3A_973 = arith.constant 4 : i32
        %swap3A_974 = arith.index_cast %swap3A_972 : i32 to index
        %swap3A_975 = arith.index_cast %swap3A_973 : i32 to index
        %swap3A_976 = arith.index_cast %add3A_971 : i32 to index
        %swap3A_977 = tpu.vector_load %arg8[%swap3A_974, %swap3A_975, %swap3A_976] {strides = array<i32>} : memref<2x24x512xf32, #tpu.memory_space<vmem>>, vector<1x1x16xf32>,
        %swap3A_978 = vector.shape_cast %swap3A_977 : vector<1x1x16xf32> to vector<16xf32>
        %swap3A_979 = vector.shape_cast %get3A_969 : vector<16xf32> to vector<1x1x16xf32>
        tpu.vector_store %arg8[%swap3A_974, %swap3A_975, %swap3A_976], %swap3A_979 {strides = array<i32>} : memref<2x24x512xf32, #tpu.memory_space<vmem>>, vector<1x1x16xf32>,
        %slice3A_980 = vector.extract_strided_slice %get3A_822 {offsets = [10], sizes = [1], strides = [1]} : vector<16xi32> to vector<1xi32>
        %squeeze3A_981 = vector.extract %slice3A_980[0] : i32 from vector<1xi32>
        %get3A_982 = arith.index_cast %squeeze3A_981 : i32 to index
        %get3A_983 = arith.constant 0 : index
        %get3A_984 = tpu.vector_load %arg6[%get3A_982, %get3A_983] {strides = array<i32>} : memref<208x16xf32, #tpu.memory_space<vmem>>, vector<1x16xf32>,
        %get3A_985 = vector.shape_cast %get3A_984 : vector<1x16xf32> to vector<16xf32>
        %add3A_986 = arith.constant 0 : i32
        %add3A_987 = arith.addi %add3A_986, %mul3A_819 : i32
        %swap3A_988 = arith.constant 0 : i32
        %swap3A_989 = arith.constant 5 : i32
        %swap3A_990 = arith.index_cast %swap3A_988 : i32 to index
        %swap3A_991 = arith.index_cast %swap3A_989 : i32 to index
        %swap3A_992 = arith.index_cast %add3A_987 : i32 to index
        %swap3A_993 = tpu.vector_load %arg8[%swap3A_990, %swap3A_991, %swap3A_992] {strides = array<i32>} : memref<2x24x512xf32, #tpu.memory_space<vmem>>, vector<1x1x16xf32>,
        %swap3A_994 = vector.shape_cast %swap3A_993 : vector<1x1x16xf32> to vector<16xf32>
        %swap3A_995 = vector.shape_cast %get3A_985 : vector<16xf32> to vector<1x1x16xf32>
        tpu.vector_store %arg8[%swap3A_990, %swap3A_991, %swap3A_992], %swap3A_995 {strides = array<i32>} : memref<2x24x512xf32, #tpu.memory_space<vmem>>, vector<1x1x16xf32>,
        %slice3A_996 = vector.extract_strided_slice %get3A_822 {offsets = [11], sizes = [1], strides = [1]} : vector<16xi32> to vector<1xi32>
        %squeeze3A_997 = vector.extract %slice3A_996[0] : i32 from vector<1xi32>
        %get3A_998 = arith.index_cast %squeeze3A_997 : i32 to index
        %get3A_999 = arith.constant 0 : index
        %get3A_1000 = tpu.vector_load %arg6[%get3A_998, %get3A_999] {strides = array<i32>} : memref<208x16xf32, #tpu.memory_space<vmem>>, vector<1x16xf32>,
        %get3A_1001 = vector.shape_cast %get3A_1000 : vector<1x16xf32> to vector<16xf32>
        %add3A_1002 = arith.constant 16 : i32
        %add3A_1003 = arith.addi %add3A_1002, %mul3A_819 : i32
        %swap3A_1004 = arith.constant 0 : i32
        %swap3A_1005 = arith.constant 5 : i32
        %swap3A_1006 = arith.index_cast %swap3A_1004 : i32 to index
        %swap3A_1007 = arith.index_cast %swap3A_1005 : i32 to index
        %swap3A_1008 = arith.index_cast %add3A_1003 : i32 to index
        %swap3A_1009 = tpu.vector_load %arg8[%swap3A_1006, %swap3A_1007, %swap3A_1008] {strides = array<i32>} : memref<2x24x512xf32, #tpu.memory_space<vmem>>, vector<1x1x16xf32>,
        %swap3A_1010 = vector.shape_cast %swap3A_1009 : vector<1x1x16xf32> to vector<16xf32>
        %swap3A_1011 = vector.shape_cast %get3A_1001 : vector<16xf32> to vector<1x1x16xf32>
        tpu.vector_store %arg8[%swap3A_1006, %swap3A_1007, %swap3A_1008], %swap3A_1011 {strides = array<i32>} : memref<2x24x512xf32, #tpu.memory_space<vmem>>, vector<1x1x16xf32>,
        %slice3A_1012 = vector.extract_strided_slice %get3A_822 {offsets = [12], sizes = [1], strides = [1]} : vector<16xi32> to vector<1xi32>
        %squeeze3A_1013 = vector.extract %slice3A_1012[0] : i32 from vector<1xi32>
        %get3A_1014 = arith.index_cast %squeeze3A_1013 : i32 to index
        %get3A_1015 = arith.constant 0 : index
        %get3A_1016 = tpu.vector_load %arg6[%get3A_1014, %get3A_1015] {strides = array<i32>} : memref<208x16xf32, #tpu.memory_space<vmem>>, vector<1x16xf32>,
        %get3A_1017 = vector.shape_cast %get3A_1016 : vector<1x16xf32> to vector<16xf32>
        %add3A_1018 = arith.constant 0 : i32
        %add3A_1019 = arith.addi %add3A_1018, %mul3A_819 : i32
        %swap3A_1020 = arith.constant 0 : i32
        %swap3A_1021 = arith.constant 6 : i32
        %swap3A_1022 = arith.index_cast %swap3A_1020 : i32 to index
        %swap3A_1023 = arith.index_cast %swap3A_1021 : i32 to index
        %swap3A_1024 = arith.index_cast %add3A_1019 : i32 to index
        %swap3A_1025 = tpu.vector_load %arg8[%swap3A_1022, %swap3A_1023, %swap3A_1024] {strides = array<i32>} : memref<2x24x512xf32, #tpu.memory_space<vmem>>, vector<1x1x16xf32>,
        %swap3A_1026 = vector.shape_cast %swap3A_1025 : vector<1x1x16xf32> to vector<16xf32>
        %swap3A_1027 = vector.shape_cast %get3A_1017 : vector<16xf32> to vector<1x1x16xf32>
        tpu.vector_store %arg8[%swap3A_1022, %swap3A_1023, %swap3A_1024], %swap3A_1027 {strides = array<i32>} : memref<2x24x512xf32, #tpu.memory_space<vmem>>, vector<1x1x16xf32>,
        %slice3A_1028 = vector.extract_strided_slice %get3A_822 {offsets = [13], sizes = [1], strides = [1]} : vector<16xi32> to vector<1xi32>
        %squeeze3A_1029 = vector.extract %slice3A_1028[0] : i32 from vector<1xi32>
        %get3A_1030 = arith.index_cast %squeeze3A_1029 : i32 to index
        %get3A_1031 = arith.constant 0 : index
        %get3A_1032 = tpu.vector_load %arg6[%get3A_1030, %get3A_1031] {strides = array<i32>} : memref<208x16xf32, #tpu.memory_space<vmem>>, vector<1x16xf32>,
        %get3A_1033 = vector.shape_cast %get3A_1032 : vector<1x16xf32> to vector<16xf32>
        %add3A_1034 = arith.constant 16 : i32
        %add3A_1035 = arith.addi %add3A_1034, %mul3A_819 : i32
        %swap3A_1036 = arith.constant 0 : i32
        %swap3A_1037 = arith.constant 6 : i32
        %swap3A_1038 = arith.index_cast %swap3A_1036 : i32 to index
        %swap3A_1039 = arith.index_cast %swap3A_1037 : i32 to index
        %swap3A_1040 = arith.index_cast %add3A_1035 : i32 to index
        %swap3A_1041 = tpu.vector_load %arg8[%swap3A_1038, %swap3A_1039, %swap3A_1040] {strides = array<i32>} : memref<2x24x512xf32, #tpu.memory_space<vmem>>, vector<1x1x16xf32>,
        %swap3A_1042 = vector.shape_cast %swap3A_1041 : vector<1x1x16xf32> to vector<16xf32>
        %swap3A_1043 = vector.shape_cast %get3A_1033 : vector<16xf32> to vector<1x1x16xf32>
        tpu.vector_store %arg8[%swap3A_1038, %swap3A_1039, %swap3A_1040], %swap3A_1043 {strides = array<i32>} : memref<2x24x512xf32, #tpu.memory_space<vmem>>, vector<1x1x16xf32>,
        %slice3A_1044 = vector.extract_strided_slice %get3A_822 {offsets = [14], sizes = [1], strides = [1]} : vector<16xi32> to vector<1xi32>
        %squeeze3A_1045 = vector.extract %slice3A_1044[0] : i32 from vector<1xi32>
        %get3A_1046 = arith.index_cast %squeeze3A_1045 : i32 to index
        %get3A_1047 = arith.constant 0 : index
        %get3A_1048 = tpu.vector_load %arg6[%get3A_1046, %get3A_1047] {strides = array<i32>} : memref<208x16xf32, #tpu.memory_space<vmem>>, vector<1x16xf32>,
        %get3A_1049 = vector.shape_cast %get3A_1048 : vector<1x16xf32> to vector<16xf32>
        %add3A_1050 = arith.constant 0 : i32
        %add3A_1051 = arith.addi %add3A_1050, %mul3A_819 : i32
        %swap3A_1052 = arith.constant 0 : i32
        %swap3A_1053 = arith.constant 7 : i32
        %swap3A_1054 = arith.index_cast %swap3A_1052 : i32 to index
        %swap3A_1055 = arith.index_cast %swap3A_1053 : i32 to index
        %swap3A_1056 = arith.index_cast %add3A_1051 : i32 to index
        %swap3A_1057 = tpu.vector_load %arg8[%swap3A_1054, %swap3A_1055, %swap3A_1056] {strides = array<i32>} : memref<2x24x512xf32, #tpu.memory_space<vmem>>, vector<1x1x16xf32>,
        %swap3A_1058 = vector.shape_cast %swap3A_1057 : vector<1x1x16xf32> to vector<16xf32>
        %swap3A_1059 = vector.shape_cast %get3A_1049 : vector<16xf32> to vector<1x1x16xf32>
        tpu.vector_store %arg8[%swap3A_1054, %swap3A_1055, %swap3A_1056], %swap3A_1059 {strides = array<i32>} : memref<2x24x512xf32, #tpu.memory_space<vmem>>, vector<1x1x16xf32>,
        %slice3A_1060 = vector.extract_strided_slice %get3A_822 {offsets = [15], sizes = [1], strides = [1]} : vector<16xi32> to vector<1xi32>
        %squeeze3A_1061 = vector.extract %slice3A_1060[0] : i32 from vector<1xi32>
        %get3A_1062 = arith.index_cast %squeeze3A_1061 : i32 to index
        %get3A_1063 = arith.constant 0 : index
        %get3A_1064 = tpu.vector_load %arg6[%get3A_1062, %get3A_1063] {strides = array<i32>} : memref<208x16xf32, #tpu.memory_space<vmem>>, vector<1x16xf32>,
        %get3A_1065 = vector.shape_cast %get3A_1064 : vector<1x16xf32> to vector<16xf32>
        %add3A_1066 = arith.constant 16 : i32
        %add3A_1067 = arith.addi %add3A_1066, %mul3A_819 : i32
        %swap3A_1068 = arith.constant 0 : i32
        %swap3A_1069 = arith.constant 7 : i32
        %swap3A_1070 = arith.index_cast %swap3A_1068 : i32 to index
        %swap3A_1071 = arith.index_cast %swap3A_1069 : i32 to index
        %swap3A_1072 = arith.index_cast %add3A_1067 : i32 to index
        %swap3A_1073 = tpu.vector_load %arg8[%swap3A_1070, %swap3A_1071, %swap3A_1072] {strides = array<i32>} : memref<2x24x512xf32, #tpu.memory_space<vmem>>, vector<1x1x16xf32>,
        %swap3A_1074 = vector.shape_cast %swap3A_1073 : vector<1x1x16xf32> to vector<16xf32>
        %swap3A_1075 = vector.shape_cast %get3A_1065 : vector<16xf32> to vector<1x1x16xf32>
        tpu.vector_store %arg8[%swap3A_1070, %swap3A_1071, %swap3A_1072], %swap3A_1075 {strides = array<i32>} : memref<2x24x512xf32, #tpu.memory_space<vmem>>, vector<1x1x16xf32>,
        %get3A_1076 = arith.index_cast %scan3A_815 : i32 to index
        %get3A_1077 = arith.constant 16 : index
        %get3A_1078 = tpu.vector_load %arg7[%get3A_1076, %get3A_1077] {strides = array<i32>} : memref<16x48xi32, #tpu.memory_space<vmem>>, vector<1x16xi32>,
        %get3A_1079 = vector.shape_cast %get3A_1078 : vector<1x16xi32> to vector<16xi32>
        %slice3A_1080 = vector.extract_strided_slice %get3A_1079 {offsets = [0], sizes = [1], strides = [1]} : vector<16xi32> to vector<1xi32>
        %squeeze3A_1081 = vector.extract %slice3A_1080[0] : i32 from vector<1xi32>
        %get3A_1082 = arith.index_cast %squeeze3A_1081 : i32 to index
        %get3A_1083 = arith.constant 0 : index
        %get3A_1084 = tpu.vector_load %arg6[%get3A_1082, %get3A_1083] {strides = array<i32>} : memref<208x16xf32, #tpu.memory_space<vmem>>, vector<1x16xf32>,
        %get3A_1085 = vector.shape_cast %get3A_1084 : vector<1x16xf32> to vector<16xf32>
        %add3A_1086 = arith.constant 0 : i32
        %add3A_1087 = arith.addi %add3A_1086, %mul3A_819 : i32
        %swap3A_1088 = arith.constant 0 : i32
        %swap3A_1089 = arith.constant 8 : i32
        %swap3A_1090 = arith.index_cast %swap3A_1088 : i32 to index
        %swap3A_1091 = arith.index_cast %swap3A_1089 : i32 to index
        %swap3A_1092 = arith.index_cast %add3A_1087 : i32 to index
        %swap3A_1093 = tpu.vector_load %arg8[%swap3A_1090, %swap3A_1091, %swap3A_1092] {strides = array<i32>} : memref<2x24x512xf32, #tpu.memory_space<vmem>>, vector<1x1x16xf32>,
        %swap3A_1094 = vector.shape_cast %swap3A_1093 : vector<1x1x16xf32> to vector<16xf32>
        %swap3A_1095 = vector.shape_cast %get3A_1085 : vector<16xf32> to vector<1x1x16xf32>
        tpu.vector_store %arg8[%swap3A_1090, %swap3A_1091, %swap3A_1092], %swap3A_1095 {strides = array<i32>} : memref<2x24x512xf32, #tpu.memory_space<vmem>>, vector<1x1x16xf32>,
        %slice3A_1096 = vector.extract_strided_slice %get3A_1079 {offsets = [1], sizes = [1], strides = [1]} : vector<16xi32> to vector<1xi32>
        %squeeze3A_1097 = vector.extract %slice3A_1096[0] : i32 from vector<1xi32>
        %get3A_1098 = arith.index_cast %squeeze3A_1097 : i32 to index
        %get3A_1099 = arith.constant 0 : index
        %get3A_1100 = tpu.vector_load %arg6[%get3A_1098, %get3A_1099] {strides = array<i32>} : memref<208x16xf32, #tpu.memory_space<vmem>>, vector<1x16xf32>,
        %get3A_1101 = vector.shape_cast %get3A_1100 : vector<1x16xf32> to vector<16xf32>
        %add3A_1102 = arith.constant 16 : i32
        %add3A_1103 = arith.addi %add3A_1102, %mul3A_819 : i32
        %swap3A_1104 = arith.constant 0 : i32
        %swap3A_1105 = arith.constant 8 : i32
        %swap3A_1106 = arith.index_cast %swap3A_1104 : i32 to index
        %swap3A_1107 = arith.index_cast %swap3A_1105 : i32 to index
        %swap3A_1108 = arith.index_cast %add3A_1103 : i32 to index
        %swap3A_1109 = tpu.vector_load %arg8[%swap3A_1106, %swap3A_1107, %swap3A_1108] {strides = array<i32>} : memref<2x24x512xf32, #tpu.memory_space<vmem>>, vector<1x1x16xf32>,
        %swap3A_1110 = vector.shape_cast %swap3A_1109 : vector<1x1x16xf32> to vector<16xf32>
        %swap3A_1111 = vector.shape_cast %get3A_1101 : vector<16xf32> to vector<1x1x16xf32>
        tpu.vector_store %arg8[%swap3A_1106, %swap3A_1107, %swap3A_1108], %swap3A_1111 {strides = array<i32>} : memref<2x24x512xf32, #tpu.memory_space<vmem>>, vector<1x1x16xf32>,
        %slice3A_1112 = vector.extract_strided_slice %get3A_1079 {offsets = [2], sizes = [1], strides = [1]} : vector<16xi32> to vector<1xi32>
        %squeeze3A_1113 = vector.extract %slice3A_1112[0] : i32 from vector<1xi32>
        %get3A_1114 = arith.index_cast %squeeze3A_1113 : i32 to index
        %get3A_1115 = arith.constant 0 : index
        %get3A_1116 = tpu.vector_load %arg6[%get3A_1114, %get3A_1115] {strides = array<i32>} : memref<208x16xf32, #tpu.memory_space<vmem>>, vector<1x16xf32>,
        %get3A_1117 = vector.shape_cast %get3A_1116 : vector<1x16xf32> to vector<16xf32>
        %add3A_1118 = arith.constant 0 : i32
        %add3A_1119 = arith.addi %add3A_1118, %mul3A_819 : i32
        %swap3A_1120 = arith.constant 0 : i32
        %swap3A_1121 = arith.constant 9 : i32
        %swap3A_1122 = arith.index_cast %swap3A_1120 : i32 to index
        %swap3A_1123 = arith.index_cast %swap3A_1121 : i32 to index
        %swap3A_1124 = arith.index_cast %add3A_1119 : i32 to index
        %swap3A_1125 = tpu.vector_load %arg8[%swap3A_1122, %swap3A_1123, %swap3A_1124] {strides = array<i32>} : memref<2x24x512xf32, #tpu.memory_space<vmem>>, vector<1x1x16xf32>,
        %swap3A_1126 = vector.shape_cast %swap3A_1125 : vector<1x1x16xf32> to vector<16xf32>
        %swap3A_1127 = vector.shape_cast %get3A_1117 : vector<16xf32> to vector<1x1x16xf32>
        tpu.vector_store %arg8[%swap3A_1122, %swap3A_1123, %swap3A_1124], %swap3A_1127 {strides = array<i32>} : memref<2x24x512xf32, #tpu.memory_space<vmem>>, vector<1x1x16xf32>,
        %slice3A_1128 = vector.extract_strided_slice %get3A_1079 {offsets = [3], sizes = [1], strides = [1]} : vector<16xi32> to vector<1xi32>
        %squeeze3A_1129 = vector.extract %slice3A_1128[0] : i32 from vector<1xi32>
        %get3A_1130 = arith.index_cast %squeeze3A_1129 : i32 to index
        %get3A_1131 = arith.constant 0 : index
        %get3A_1132 = tpu.vector_load %arg6[%get3A_1130, %get3A_1131] {strides = array<i32>} : memref<208x16xf32, #tpu.memory_space<vmem>>, vector<1x16xf32>,
        %get3A_1133 = vector.shape_cast %get3A_1132 : vector<1x16xf32> to vector<16xf32>
        %add3A_1134 = arith.constant 16 : i32
        %add3A_1135 = arith.addi %add3A_1134, %mul3A_819 : i32
        %swap3A_1136 = arith.constant 0 : i32
        %swap3A_1137 = arith.constant 9 : i32
        %swap3A_1138 = arith.index_cast %swap3A_1136 : i32 to index
        %swap3A_1139 = arith.index_cast %swap3A_1137 : i32 to index
        %swap3A_1140 = arith.index_cast %add3A_1135 : i32 to index
        %swap3A_1141 = tpu.vector_load %arg8[%swap3A_1138, %swap3A_1139, %swap3A_1140] {strides = array<i32>} : memref<2x24x512xf32, #tpu.memory_space<vmem>>, vector<1x1x16xf32>,
        %swap3A_1142 = vector.shape_cast %swap3A_1141 : vector<1x1x16xf32> to vector<16xf32>
        %swap3A_1143 = vector.shape_cast %get3A_1133 : vector<16xf32> to vector<1x1x16xf32>
        tpu.vector_store %arg8[%swap3A_1138, %swap3A_1139, %swap3A_1140], %swap3A_1143 {strides = array<i32>} : memref<2x24x512xf32, #tpu.memory_space<vmem>>, vector<1x1x16xf32>,
        %slice3A_1144 = vector.extract_strided_slice %get3A_1079 {offsets = [4], sizes = [1], strides = [1]} : vector<16xi32> to vector<1xi32>
        %squeeze3A_1145 = vector.extract %slice3A_1144[0] : i32 from vector<1xi32>
        %get3A_1146 = arith.index_cast %squeeze3A_1145 : i32 to index
        %get3A_1147 = arith.constant 0 : index
        %get3A_1148 = tpu.vector_load %arg6[%get3A_1146, %get3A_1147] {strides = array<i32>} : memref<208x16xf32, #tpu.memory_space<vmem>>, vector<1x16xf32>,
        %get3A_1149 = vector.shape_cast %get3A_1148 : vector<1x16xf32> to vector<16xf32>
        %add3A_1150 = arith.constant 0 : i32
        %add3A_1151 = arith.addi %add3A_1150, %mul3A_819 : i32
        %swap3A_1152 = arith.constant 0 : i32
        %swap3A_1153 = arith.constant 10 : i32
        %swap3A_1154 = arith.index_cast %swap3A_1152 : i32 to index
        %swap3A_1155 = arith.index_cast %swap3A_1153 : i32 to index
        %swap3A_1156 = arith.index_cast %add3A_1151 : i32 to index
        %swap3A_1157 = tpu.vector_load %arg8[%swap3A_1154, %swap3A_1155, %swap3A_1156] {strides = array<i32>} : memref<2x24x512xf32, #tpu.memory_space<vmem>>, vector<1x1x16xf32>,
        %swap3A_1158 = vector.shape_cast %swap3A_1157 : vector<1x1x16xf32> to vector<16xf32>
        %swap3A_1159 = vector.shape_cast %get3A_1149 : vector<16xf32> to vector<1x1x16xf32>
        tpu.vector_store %arg8[%swap3A_1154, %swap3A_1155, %swap3A_1156], %swap3A_1159 {strides = array<i32>} : memref<2x24x512xf32, #tpu.memory_space<vmem>>, vector<1x1x16xf32>,
        %slice3A_1160 = vector.extract_strided_slice %get3A_1079 {offsets = [5], sizes = [1], strides = [1]} : vector<16xi32> to vector<1xi32>
        %squeeze3A_1161 = vector.extract %slice3A_1160[0] : i32 from vector<1xi32>
        %get3A_1162 = arith.index_cast %squeeze3A_1161 : i32 to index
        %get3A_1163 = arith.constant 0 : index
        %get3A_1164 = tpu.vector_load %arg6[%get3A_1162, %get3A_1163] {strides = array<i32>} : memref<208x16xf32, #tpu.memory_space<vmem>>, vector<1x16xf32>,
        %get3A_1165 = vector.shape_cast %get3A_1164 : vector<1x16xf32> to vector<16xf32>
        %add3A_1166 = arith.constant 16 : i32
        %add3A_1167 = arith.addi %add3A_1166, %mul3A_819 : i32
        %swap3A_1168 = arith.constant 0 : i32
        %swap3A_1169 = arith.constant 10 : i32
        %swap3A_1170 = arith.index_cast %swap3A_1168 : i32 to index
        %swap3A_1171 = arith.index_cast %swap3A_1169 : i32 to index
        %swap3A_1172 = arith.index_cast %add3A_1167 : i32 to index
        %swap3A_1173 = tpu.vector_load %arg8[%swap3A_1170, %swap3A_1171, %swap3A_1172] {strides = array<i32>} : memref<2x24x512xf32, #tpu.memory_space<vmem>>, vector<1x1x16xf32>,
        %swap3A_1174 = vector.shape_cast %swap3A_1173 : vector<1x1x16xf32> to vector<16xf32>
        %swap3A_1175 = vector.shape_cast %get3A_1165 : vector<16xf32> to vector<1x1x16xf32>
        tpu.vector_store %arg8[%swap3A_1170, %swap3A_1171, %swap3A_1172], %swap3A_1175 {strides = array<i32>} : memref<2x24x512xf32, #tpu.memory_space<vmem>>, vector<1x1x16xf32>,
        %slice3A_1176 = vector.extract_strided_slice %get3A_1079 {offsets = [6], sizes = [1], strides = [1]} : vector<16xi32> to vector<1xi32>
        %squeeze3A_1177 = vector.extract %slice3A_1176[0] : i32 from vector<1xi32>
        %get3A_1178 = arith.index_cast %squeeze3A_1177 : i32 to index
        %get3A_1179 = arith.constant 0 : index
        %get3A_1180 = tpu.vector_load %arg6[%get3A_1178, %get3A_1179] {strides = array<i32>} : memref<208x16xf32, #tpu.memory_space<vmem>>, vector<1x16xf32>,
        %get3A_1181 = vector.shape_cast %get3A_1180 : vector<1x16xf32> to vector<16xf32>
        %add3A_1182 = arith.constant 0 : i32
        %add3A_1183 = arith.addi %add3A_1182, %mul3A_819 : i32
        %swap3A_1184 = arith.constant 0 : i32
        %swap3A_1185 = arith.constant 11 : i32
        %swap3A_1186 = arith.index_cast %swap3A_1184 : i32 to index
        %swap3A_1187 = arith.index_cast %swap3A_1185 : i32 to index
        %swap3A_1188 = arith.index_cast %add3A_1183 : i32 to index
        %swap3A_1189 = tpu.vector_load %arg8[%swap3A_1186, %swap3A_1187, %swap3A_1188] {strides = array<i32>} : memref<2x24x512xf32, #tpu.memory_space<vmem>>, vector<1x1x16xf32>,
        %swap3A_1190 = vector.shape_cast %swap3A_1189 : vector<1x1x16xf32> to vector<16xf32>
        %swap3A_1191 = vector.shape_cast %get3A_1181 : vector<16xf32> to vector<1x1x16xf32>
        tpu.vector_store %arg8[%swap3A_1186, %swap3A_1187, %swap3A_1188], %swap3A_1191 {strides = array<i32>} : memref<2x24x512xf32, #tpu.memory_space<vmem>>, vector<1x1x16xf32>,
        %slice3A_1192 = vector.extract_strided_slice %get3A_1079 {offsets = [7], sizes = [1], strides = [1]} : vector<16xi32> to vector<1xi32>
        %squeeze3A_1193 = vector.extract %slice3A_1192[0] : i32 from vector<1xi32>
        %get3A_1194 = arith.index_cast %squeeze3A_1193 : i32 to index
        %get3A_1195 = arith.constant 0 : index
        %get3A_1196 = tpu.vector_load %arg6[%get3A_1194, %get3A_1195] {strides = array<i32>} : memref<208x16xf32, #tpu.memory_space<vmem>>, vector<1x16xf32>,
        %get3A_1197 = vector.shape_cast %get3A_1196 : vector<1x16xf32> to vector<16xf32>
        %add3A_1198 = arith.constant 16 : i32
        %add3A_1199 = arith.addi %add3A_1198, %mul3A_819 : i32
        %swap3A_1200 = arith.constant 0 : i32
        %swap3A_1201 = arith.constant 11 : i32
        %swap3A_1202 = arith.index_cast %swap3A_1200 : i32 to index
        %swap3A_1203 = arith.index_cast %swap3A_1201 : i32 to index
        %swap3A_1204 = arith.index_cast %add3A_1199 : i32 to index
        %swap3A_1205 = tpu.vector_load %arg8[%swap3A_1202, %swap3A_1203, %swap3A_1204] {strides = array<i32>} : memref<2x24x512xf32, #tpu.memory_space<vmem>>, vector<1x1x16xf32>,
        %swap3A_1206 = vector.shape_cast %swap3A_1205 : vector<1x1x16xf32> to vector<16xf32>
        %swap3A_1207 = vector.shape_cast %get3A_1197 : vector<16xf32> to vector<1x1x16xf32>
        tpu.vector_store %arg8[%swap3A_1202, %swap3A_1203, %swap3A_1204], %swap3A_1207 {strides = array<i32>} : memref<2x24x512xf32, #tpu.memory_space<vmem>>, vector<1x1x16xf32>,
        %slice3A_1208 = vector.extract_strided_slice %get3A_1079 {offsets = [8], sizes = [1], strides = [1]} : vector<16xi32> to vector<1xi32>
        %squeeze3A_1209 = vector.extract %slice3A_1208[0] : i32 from vector<1xi32>
        %get3A_1210 = arith.index_cast %squeeze3A_1209 : i32 to index
        %get3A_1211 = arith.constant 0 : index
        %get3A_1212 = tpu.vector_load %arg6[%get3A_1210, %get3A_1211] {strides = array<i32>} : memref<208x16xf32, #tpu.memory_space<vmem>>, vector<1x16xf32>,
        %get3A_1213 = vector.shape_cast %get3A_1212 : vector<1x16xf32> to vector<16xf32>
        %add3A_1214 = arith.constant 0 : i32
        %add3A_1215 = arith.addi %add3A_1214, %mul3A_819 : i32
        %swap3A_1216 = arith.constant 0 : i32
        %swap3A_1217 = arith.constant 12 : i32
        %swap3A_1218 = arith.index_cast %swap3A_1216 : i32 to index
        %swap3A_1219 = arith.index_cast %swap3A_1217 : i32 to index
        %swap3A_1220 = arith.index_cast %add3A_1215 : i32 to index
        %swap3A_1221 = tpu.vector_load %arg8[%swap3A_1218, %swap3A_1219, %swap3A_1220] {strides = array<i32>} : memref<2x24x512xf32, #tpu.memory_space<vmem>>, vector<1x1x16xf32>,
        %swap3A_1222 = vector.shape_cast %swap3A_1221 : vector<1x1x16xf32> to vector<16xf32>
        %swap3A_1223 = vector.shape_cast %get3A_1213 : vector<16xf32> to vector<1x1x16xf32>
        tpu.vector_store %arg8[%swap3A_1218, %swap3A_1219, %swap3A_1220], %swap3A_1223 {strides = array<i32>} : memref<2x24x512xf32, #tpu.memory_space<vmem>>, vector<1x1x16xf32>,
        %slice3A_1224 = vector.extract_strided_slice %get3A_1079 {offsets = [9], sizes = [1], strides = [1]} : vector<16xi32> to vector<1xi32>
        %squeeze3A_1225 = vector.extract %slice3A_1224[0] : i32 from vector<1xi32>
        %get3A_1226 = arith.index_cast %squeeze3A_1225 : i32 to index
        %get3A_1227 = arith.constant 0 : index
        %get3A_1228 = tpu.vector_load %arg6[%get3A_1226, %get3A_1227] {strides = array<i32>} : memref<208x16xf32, #tpu.memory_space<vmem>>, vector<1x16xf32>,
        %get3A_1229 = vector.shape_cast %get3A_1228 : vector<1x16xf32> to vector<16xf32>
        %add3A_1230 = arith.constant 16 : i32
        %add3A_1231 = arith.addi %add3A_1230, %mul3A_819 : i32
        %swap3A_1232 = arith.constant 0 : i32
        %swap3A_1233 = arith.constant 12 : i32
        %swap3A_1234 = arith.index_cast %swap3A_1232 : i32 to index
        %swap3A_1235 = arith.index_cast %swap3A_1233 : i32 to index
        %swap3A_1236 = arith.index_cast %add3A_1231 : i32 to index
        %swap3A_1237 = tpu.vector_load %arg8[%swap3A_1234, %swap3A_1235, %swap3A_1236] {strides = array<i32>} : memref<2x24x512xf32, #tpu.memory_space<vmem>>, vector<1x1x16xf32>,
        %swap3A_1238 = vector.shape_cast %swap3A_1237 : vector<1x1x16xf32> to vector<16xf32>
        %swap3A_1239 = vector.shape_cast %get3A_1229 : vector<16xf32> to vector<1x1x16xf32>
        tpu.vector_store %arg8[%swap3A_1234, %swap3A_1235, %swap3A_1236], %swap3A_1239 {strides = array<i32>} : memref<2x24x512xf32, #tpu.memory_space<vmem>>, vector<1x1x16xf32>,
        %slice3A_1240 = vector.extract_strided_slice %get3A_1079 {offsets = [10], sizes = [1], strides = [1]} : vector<16xi32> to vector<1xi32>
        %squeeze3A_1241 = vector.extract %slice3A_1240[0] : i32 from vector<1xi32>
        %get3A_1242 = arith.index_cast %squeeze3A_1241 : i32 to index
        %get3A_1243 = arith.constant 0 : index
        %get3A_1244 = tpu.vector_load %arg6[%get3A_1242, %get3A_1243] {strides = array<i32>} : memref<208x16xf32, #tpu.memory_space<vmem>>, vector<1x16xf32>,
        %get3A_1245 = vector.shape_cast %get3A_1244 : vector<1x16xf32> to vector<16xf32>
        %add3A_1246 = arith.constant 0 : i32
        %add3A_1247 = arith.addi %add3A_1246, %mul3A_819 : i32
        %swap3A_1248 = arith.constant 0 : i32
        %swap3A_1249 = arith.constant 13 : i32
        %swap3A_1250 = arith.index_cast %swap3A_1248 : i32 to index
        %swap3A_1251 = arith.index_cast %swap3A_1249 : i32 to index
        %swap3A_1252 = arith.index_cast %add3A_1247 : i32 to index
        %swap3A_1253 = tpu.vector_load %arg8[%swap3A_1250, %swap3A_1251, %swap3A_1252] {strides = array<i32>} : memref<2x24x512xf32, #tpu.memory_space<vmem>>, vector<1x1x16xf32>,
        %swap3A_1254 = vector.shape_cast %swap3A_1253 : vector<1x1x16xf32> to vector<16xf32>
        %swap3A_1255 = vector.shape_cast %get3A_1245 : vector<16xf32> to vector<1x1x16xf32>
        tpu.vector_store %arg8[%swap3A_1250, %swap3A_1251, %swap3A_1252], %swap3A_1255 {strides = array<i32>} : memref<2x24x512xf32, #tpu.memory_space<vmem>>, vector<1x1x16xf32>,
        %slice3A_1256 = vector.extract_strided_slice %get3A_1079 {offsets = [11], sizes = [1], strides = [1]} : vector<16xi32> to vector<1xi32>
        %squeeze3A_1257 = vector.extract %slice3A_1256[0] : i32 from vector<1xi32>
        %get3A_1258 = arith.index_cast %squeeze3A_1257 : i32 to index
        %get3A_1259 = arith.constant 0 : index
        %get3A_1260 = tpu.vector_load %arg6[%get3A_1258, %get3A_1259] {strides = array<i32>} : memref<208x16xf32, #tpu.memory_space<vmem>>, vector<1x16xf32>,
        %get3A_1261 = vector.shape_cast %get3A_1260 : vector<1x16xf32> to vector<16xf32>
        %add3A_1262 = arith.constant 16 : i32
        %add3A_1263 = arith.addi %add3A_1262, %mul3A_819 : i32
        %swap3A_1264 = arith.constant 0 : i32
        %swap3A_1265 = arith.constant 13 : i32
        %swap3A_1266 = arith.index_cast %swap3A_1264 : i32 to index
        %swap3A_1267 = arith.index_cast %swap3A_1265 : i32 to index
        %swap3A_1268 = arith.index_cast %add3A_1263 : i32 to index
        %swap3A_1269 = tpu.vector_load %arg8[%swap3A_1266, %swap3A_1267, %swap3A_1268] {strides = array<i32>} : memref<2x24x512xf32, #tpu.memory_space<vmem>>, vector<1x1x16xf32>,
        %swap3A_1270 = vector.shape_cast %swap3A_1269 : vector<1x1x16xf32> to vector<16xf32>
        %swap3A_1271 = vector.shape_cast %get3A_1261 : vector<16xf32> to vector<1x1x16xf32>
        tpu.vector_store %arg8[%swap3A_1266, %swap3A_1267, %swap3A_1268], %swap3A_1271 {strides = array<i32>} : memref<2x24x512xf32, #tpu.memory_space<vmem>>, vector<1x1x16xf32>,
        %slice3A_1272 = vector.extract_strided_slice %get3A_1079 {offsets = [12], sizes = [1], strides = [1]} : vector<16xi32> to vector<1xi32>
        %squeeze3A_1273 = vector.extract %slice3A_1272[0] : i32 from vector<1xi32>
        %get3A_1274 = arith.index_cast %squeeze3A_1273 : i32 to index
        %get3A_1275 = arith.constant 0 : index
        %get3A_1276 = tpu.vector_load %arg6[%get3A_1274, %get3A_1275] {strides = array<i32>} : memref<208x16xf32, #tpu.memory_space<vmem>>, vector<1x16xf32>,
        %get3A_1277 = vector.shape_cast %get3A_1276 : vector<1x16xf32> to vector<16xf32>
        %add3A_1278 = arith.constant 0 : i32
        %add3A_1279 = arith.addi %add3A_1278, %mul3A_819 : i32
        %swap3A_1280 = arith.constant 0 : i32
        %swap3A_1281 = arith.constant 14 : i32
        %swap3A_1282 = arith.index_cast %swap3A_1280 : i32 to index
        %swap3A_1283 = arith.index_cast %swap3A_1281 : i32 to index
        %swap3A_1284 = arith.index_cast %add3A_1279 : i32 to index
        %swap3A_1285 = tpu.vector_load %arg8[%swap3A_1282, %swap3A_1283, %swap3A_1284] {strides = array<i32>} : memref<2x24x512xf32, #tpu.memory_space<vmem>>, vector<1x1x16xf32>,
        %swap3A_1286 = vector.shape_cast %swap3A_1285 : vector<1x1x16xf32> to vector<16xf32>
        %swap3A_1287 = vector.shape_cast %get3A_1277 : vector<16xf32> to vector<1x1x16xf32>
        tpu.vector_store %arg8[%swap3A_1282, %swap3A_1283, %swap3A_1284], %swap3A_1287 {strides = array<i32>} : memref<2x24x512xf32, #tpu.memory_space<vmem>>, vector<1x1x16xf32>,
        %slice3A_1288 = vector.extract_strided_slice %get3A_1079 {offsets = [13], sizes = [1], strides = [1]} : vector<16xi32> to vector<1xi32>
        %squeeze3A_1289 = vector.extract %slice3A_1288[0] : i32 from vector<1xi32>
        %get3A_1290 = arith.index_cast %squeeze3A_1289 : i32 to index
        %get3A_1291 = arith.constant 0 : index
        %get3A_1292 = tpu.vector_load %arg6[%get3A_1290, %get3A_1291] {strides = array<i32>} : memref<208x16xf32, #tpu.memory_space<vmem>>, vector<1x16xf32>,
        %get3A_1293 = vector.shape_cast %get3A_1292 : vector<1x16xf32> to vector<16xf32>
        %add3A_1294 = arith.constant 16 : i32
        %add3A_1295 = arith.addi %add3A_1294, %mul3A_819 : i32
        %swap3A_1296 = arith.constant 0 : i32
        %swap3A_1297 = arith.constant 14 : i32
        %swap3A_1298 = arith.index_cast %swap3A_1296 : i32 to index
        %swap3A_1299 = arith.index_cast %swap3A_1297 : i32 to index
        %swap3A_1300 = arith.index_cast %add3A_1295 : i32 to index
        %swap3A_1301 = tpu.vector_load %arg8[%swap3A_1298, %swap3A_1299, %swap3A_1300] {strides = array<i32>} : memref<2x24x512xf32, #tpu.memory_space<vmem>>, vector<1x1x16xf32>,
        %swap3A_1302 = vector.shape_cast %swap3A_1301 : vector<1x1x16xf32> to vector<16xf32>
        %swap3A_1303 = vector.shape_cast %get3A_1293 : vector<16xf32> to vector<1x1x16xf32>
        tpu.vector_store %arg8[%swap3A_1298, %swap3A_1299, %swap3A_1300], %swap3A_1303 {strides = array<i32>} : memref<2x24x512xf32, #tpu.memory_space<vmem>>, vector<1x1x16xf32>,
        %slice3A_1304 = vector.extract_strided_slice %get3A_1079 {offsets = [14], sizes = [1], strides = [1]} : vector<16xi32> to vector<1xi32>
        %squeeze3A_1305 = vector.extract %slice3A_1304[0] : i32 from vector<1xi32>
        %get3A_1306 = arith.index_cast %squeeze3A_1305 : i32 to index
        %get3A_1307 = arith.constant 0 : index
        %get3A_1308 = tpu.vector_load %arg6[%get3A_1306, %get3A_1307] {strides = array<i32>} : memref<208x16xf32, #tpu.memory_space<vmem>>, vector<1x16xf32>,
        %get3A_1309 = vector.shape_cast %get3A_1308 : vector<1x16xf32> to vector<16xf32>
        %add3A_1310 = arith.constant 0 : i32
        %add3A_1311 = arith.addi %add3A_1310, %mul3A_819 : i32
        %swap3A_1312 = arith.constant 0 : i32
        %swap3A_1313 = arith.constant 15 : i32
        %swap3A_1314 = arith.index_cast %swap3A_1312 : i32 to index
        %swap3A_1315 = arith.index_cast %swap3A_1313 : i32 to index
        %swap3A_1316 = arith.index_cast %add3A_1311 : i32 to index
        %swap3A_1317 = tpu.vector_load %arg8[%swap3A_1314, %swap3A_1315, %swap3A_1316] {strides = array<i32>} : memref<2x24x512xf32, #tpu.memory_space<vmem>>, vector<1x1x16xf32>,
        %swap3A_1318 = vector.shape_cast %swap3A_1317 : vector<1x1x16xf32> to vector<16xf32>
        %swap3A_1319 = vector.shape_cast %get3A_1309 : vector<16xf32> to vector<1x1x16xf32>
        tpu.vector_store %arg8[%swap3A_1314, %swap3A_1315, %swap3A_1316], %swap3A_1319 {strides = array<i32>} : memref<2x24x512xf32, #tpu.memory_space<vmem>>, vector<1x1x16xf32>,
        %slice3A_1320 = vector.extract_strided_slice %get3A_1079 {offsets = [15], sizes = [1], strides = [1]} : vector<16xi32> to vector<1xi32>
        %squeeze3A_1321 = vector.extract %slice3A_1320[0] : i32 from vector<1xi32>
        %get3A_1322 = arith.index_cast %squeeze3A_1321 : i32 to index
        %get3A_1323 = arith.constant 0 : index
        %get3A_1324 = tpu.vector_load %arg6[%get3A_1322, %get3A_1323] {strides = array<i32>} : memref<208x16xf32, #tpu.memory_space<vmem>>, vector<1x16xf32>,
        %get3A_1325 = vector.shape_cast %get3A_1324 : vector<1x16xf32> to vector<16xf32>
        %add3A_1326 = arith.constant 16 : i32
        %add3A_1327 = arith.addi %add3A_1326, %mul3A_819 : i32
        %swap3A_1328 = arith.constant 0 : i32
        %swap3A_1329 = arith.constant 15 : i32
        %swap3A_1330 = arith.index_cast %swap3A_1328 : i32 to index
        %swap3A_1331 = arith.index_cast %swap3A_1329 : i32 to index
        %swap3A_1332 = arith.index_cast %add3A_1327 : i32 to index
        %swap3A_1333 = tpu.vector_load %arg8[%swap3A_1330, %swap3A_1331, %swap3A_1332] {strides = array<i32>} : memref<2x24x512xf32, #tpu.memory_space<vmem>>, vector<1x1x16xf32>,
        %swap3A_1334 = vector.shape_cast %swap3A_1333 : vector<1x1x16xf32> to vector<16xf32>
        %swap3A_1335 = vector.shape_cast %get3A_1325 : vector<16xf32> to vector<1x1x16xf32>
        tpu.vector_store %arg8[%swap3A_1330, %swap3A_1331, %swap3A_1332], %swap3A_1335 {strides = array<i32>} : memref<2x24x512xf32, #tpu.memory_space<vmem>>, vector<1x1x16xf32>,
        %get3A_1336 = arith.index_cast %scan3A_815 : i32 to index
        %get3A_1337 = arith.constant 32 : index
        %get3A_1338 = tpu.vector_load %arg7[%get3A_1336, %get3A_1337] {strides = array<i32>} : memref<16x48xi32, #tpu.memory_space<vmem>>, vector<1x16xi32>,
        %get3A_1339 = vector.shape_cast %get3A_1338 : vector<1x16xi32> to vector<16xi32>
        %slice3A_1340 = vector.extract_strided_slice %get3A_1339 {offsets = [0], sizes = [1], strides = [1]} : vector<16xi32> to vector<1xi32>
        %squeeze3A_1341 = vector.extract %slice3A_1340[0] : i32 from vector<1xi32>
        %get3A_1342 = arith.index_cast %squeeze3A_1341 : i32 to index
        %get3A_1343 = arith.constant 0 : index
        %get3A_1344 = tpu.vector_load %arg6[%get3A_1342, %get3A_1343] {strides = array<i32>} : memref<208x16xf32, #tpu.memory_space<vmem>>, vector<1x16xf32>,
        %get3A_1345 = vector.shape_cast %get3A_1344 : vector<1x16xf32> to vector<16xf32>
        %add3A_1346 = arith.constant 0 : i32
        %add3A_1347 = arith.addi %add3A_1346, %mul3A_819 : i32
        %swap3A_1348 = arith.constant 0 : i32
        %swap3A_1349 = arith.constant 16 : i32
        %swap3A_1350 = arith.index_cast %swap3A_1348 : i32 to index
        %swap3A_1351 = arith.index_cast %swap3A_1349 : i32 to index
        %swap3A_1352 = arith.index_cast %add3A_1347 : i32 to index
        %swap3A_1353 = tpu.vector_load %arg8[%swap3A_1350, %swap3A_1351, %swap3A_1352] {strides = array<i32>} : memref<2x24x512xf32, #tpu.memory_space<vmem>>, vector<1x1x16xf32>,
        %swap3A_1354 = vector.shape_cast %swap3A_1353 : vector<1x1x16xf32> to vector<16xf32>
        %swap3A_1355 = vector.shape_cast %get3A_1345 : vector<16xf32> to vector<1x1x16xf32>
        tpu.vector_store %arg8[%swap3A_1350, %swap3A_1351, %swap3A_1352], %swap3A_1355 {strides = array<i32>} : memref<2x24x512xf32, #tpu.memory_space<vmem>>, vector<1x1x16xf32>,
        %slice3A_1356 = vector.extract_strided_slice %get3A_1339 {offsets = [1], sizes = [1], strides = [1]} : vector<16xi32> to vector<1xi32>
        %squeeze3A_1357 = vector.extract %slice3A_1356[0] : i32 from vector<1xi32>
        %get3A_1358 = arith.index_cast %squeeze3A_1357 : i32 to index
        %get3A_1359 = arith.constant 0 : index
        %get3A_1360 = tpu.vector_load %arg6[%get3A_1358, %get3A_1359] {strides = array<i32>} : memref<208x16xf32, #tpu.memory_space<vmem>>, vector<1x16xf32>,
        %get3A_1361 = vector.shape_cast %get3A_1360 : vector<1x16xf32> to vector<16xf32>
        %add3A_1362 = arith.constant 16 : i32
        %add3A_1363 = arith.addi %add3A_1362, %mul3A_819 : i32
        %swap3A_1364 = arith.constant 0 : i32
        %swap3A_1365 = arith.constant 16 : i32
        %swap3A_1366 = arith.index_cast %swap3A_1364 : i32 to index
        %swap3A_1367 = arith.index_cast %swap3A_1365 : i32 to index
        %swap3A_1368 = arith.index_cast %add3A_1363 : i32 to index
        %swap3A_1369 = tpu.vector_load %arg8[%swap3A_1366, %swap3A_1367, %swap3A_1368] {strides = array<i32>} : memref<2x24x512xf32, #tpu.memory_space<vmem>>, vector<1x1x16xf32>,
        %swap3A_1370 = vector.shape_cast %swap3A_1369 : vector<1x1x16xf32> to vector<16xf32>
        %swap3A_1371 = vector.shape_cast %get3A_1361 : vector<16xf32> to vector<1x1x16xf32>
        tpu.vector_store %arg8[%swap3A_1366, %swap3A_1367, %swap3A_1368], %swap3A_1371 {strides = array<i32>} : memref<2x24x512xf32, #tpu.memory_space<vmem>>, vector<1x1x16xf32>,
        %slice3A_1372 = vector.extract_strided_slice %get3A_1339 {offsets = [2], sizes = [1], strides = [1]} : vector<16xi32> to vector<1xi32>
        %squeeze3A_1373 = vector.extract %slice3A_1372[0] : i32 from vector<1xi32>
        %get3A_1374 = arith.index_cast %squeeze3A_1373 : i32 to index
        %get3A_1375 = arith.constant 0 : index
        %get3A_1376 = tpu.vector_load %arg6[%get3A_1374, %get3A_1375] {strides = array<i32>} : memref<208x16xf32, #tpu.memory_space<vmem>>, vector<1x16xf32>,
        %get3A_1377 = vector.shape_cast %get3A_1376 : vector<1x16xf32> to vector<16xf32>
        %add3A_1378 = arith.constant 0 : i32
        %add3A_1379 = arith.addi %add3A_1378, %mul3A_819 : i32
        %swap3A_1380 = arith.constant 0 : i32
        %swap3A_1381 = arith.constant 17 : i32
        %swap3A_1382 = arith.index_cast %swap3A_1380 : i32 to index
        %swap3A_1383 = arith.index_cast %swap3A_1381 : i32 to index
        %swap3A_1384 = arith.index_cast %add3A_1379 : i32 to index
        %swap3A_1385 = tpu.vector_load %arg8[%swap3A_1382, %swap3A_1383, %swap3A_1384] {strides = array<i32>} : memref<2x24x512xf32, #tpu.memory_space<vmem>>, vector<1x1x16xf32>,
        %swap3A_1386 = vector.shape_cast %swap3A_1385 : vector<1x1x16xf32> to vector<16xf32>
        %swap3A_1387 = vector.shape_cast %get3A_1377 : vector<16xf32> to vector<1x1x16xf32>
        tpu.vector_store %arg8[%swap3A_1382, %swap3A_1383, %swap3A_1384], %swap3A_1387 {strides = array<i32>} : memref<2x24x512xf32, #tpu.memory_space<vmem>>, vector<1x1x16xf32>,
        %slice3A_1388 = vector.extract_strided_slice %get3A_1339 {offsets = [3], sizes = [1], strides = [1]} : vector<16xi32> to vector<1xi32>
        %squeeze3A_1389 = vector.extract %slice3A_1388[0] : i32 from vector<1xi32>
        %get3A_1390 = arith.index_cast %squeeze3A_1389 : i32 to index
        %get3A_1391 = arith.constant 0 : index
        %get3A_1392 = tpu.vector_load %arg6[%get3A_1390, %get3A_1391] {strides = array<i32>} : memref<208x16xf32, #tpu.memory_space<vmem>>, vector<1x16xf32>,
        %get3A_1393 = vector.shape_cast %get3A_1392 : vector<1x16xf32> to vector<16xf32>
        %add3A_1394 = arith.constant 16 : i32
        %add3A_1395 = arith.addi %add3A_1394, %mul3A_819 : i32
        %swap3A_1396 = arith.constant 0 : i32
        %swap3A_1397 = arith.constant 17 : i32
        %swap3A_1398 = arith.index_cast %swap3A_1396 : i32 to index
        %swap3A_1399 = arith.index_cast %swap3A_1397 : i32 to index
        %swap3A_1400 = arith.index_cast %add3A_1395 : i32 to index
        %swap3A_1401 = tpu.vector_load %arg8[%swap3A_1398, %swap3A_1399, %swap3A_1400] {strides = array<i32>} : memref<2x24x512xf32, #tpu.memory_space<vmem>>, vector<1x1x16xf32>,
        %swap3A_1402 = vector.shape_cast %swap3A_1401 : vector<1x1x16xf32> to vector<16xf32>
        %swap3A_1403 = vector.shape_cast %get3A_1393 : vector<16xf32> to vector<1x1x16xf32>
        tpu.vector_store %arg8[%swap3A_1398, %swap3A_1399, %swap3A_1400], %swap3A_1403 {strides = array<i32>} : memref<2x24x512xf32, #tpu.memory_space<vmem>>, vector<1x1x16xf32>,
        %slice3A_1404 = vector.extract_strided_slice %get3A_1339 {offsets = [4], sizes = [1], strides = [1]} : vector<16xi32> to vector<1xi32>
        %squeeze3A_1405 = vector.extract %slice3A_1404[0] : i32 from vector<1xi32>
        %get3A_1406 = arith.index_cast %squeeze3A_1405 : i32 to index
        %get3A_1407 = arith.constant 0 : index
        %get3A_1408 = tpu.vector_load %arg6[%get3A_1406, %get3A_1407] {strides = array<i32>} : memref<208x16xf32, #tpu.memory_space<vmem>>, vector<1x16xf32>,
        %get3A_1409 = vector.shape_cast %get3A_1408 : vector<1x16xf32> to vector<16xf32>
        %add3A_1410 = arith.constant 0 : i32
        %add3A_1411 = arith.addi %add3A_1410, %mul3A_819 : i32
        %swap3A_1412 = arith.constant 0 : i32
        %swap3A_1413 = arith.constant 18 : i32
        %swap3A_1414 = arith.index_cast %swap3A_1412 : i32 to index
        %swap3A_1415 = arith.index_cast %swap3A_1413 : i32 to index
        %swap3A_1416 = arith.index_cast %add3A_1411 : i32 to index
        %swap3A_1417 = tpu.vector_load %arg8[%swap3A_1414, %swap3A_1415, %swap3A_1416] {strides = array<i32>} : memref<2x24x512xf32, #tpu.memory_space<vmem>>, vector<1x1x16xf32>,
        %swap3A_1418 = vector.shape_cast %swap3A_1417 : vector<1x1x16xf32> to vector<16xf32>
        %swap3A_1419 = vector.shape_cast %get3A_1409 : vector<16xf32> to vector<1x1x16xf32>
        tpu.vector_store %arg8[%swap3A_1414, %swap3A_1415, %swap3A_1416], %swap3A_1419 {strides = array<i32>} : memref<2x24x512xf32, #tpu.memory_space<vmem>>, vector<1x1x16xf32>,
        %slice3A_1420 = vector.extract_strided_slice %get3A_1339 {offsets = [5], sizes = [1], strides = [1]} : vector<16xi32> to vector<1xi32>
        %squeeze3A_1421 = vector.extract %slice3A_1420[0] : i32 from vector<1xi32>
        %get3A_1422 = arith.index_cast %squeeze3A_1421 : i32 to index
        %get3A_1423 = arith.constant 0 : index
        %get3A_1424 = tpu.vector_load %arg6[%get3A_1422, %get3A_1423] {strides = array<i32>} : memref<208x16xf32, #tpu.memory_space<vmem>>, vector<1x16xf32>,
        %get3A_1425 = vector.shape_cast %get3A_1424 : vector<1x16xf32> to vector<16xf32>
        %add3A_1426 = arith.constant 16 : i32
        %add3A_1427 = arith.addi %add3A_1426, %mul3A_819 : i32
        %swap3A_1428 = arith.constant 0 : i32
        %swap3A_1429 = arith.constant 18 : i32
        %swap3A_1430 = arith.index_cast %swap3A_1428 : i32 to index
        %swap3A_1431 = arith.index_cast %swap3A_1429 : i32 to index
        %swap3A_1432 = arith.index_cast %add3A_1427 : i32 to index
        %swap3A_1433 = tpu.vector_load %arg8[%swap3A_1430, %swap3A_1431, %swap3A_1432] {strides = array<i32>} : memref<2x24x512xf32, #tpu.memory_space<vmem>>, vector<1x1x16xf32>,
        %swap3A_1434 = vector.shape_cast %swap3A_1433 : vector<1x1x16xf32> to vector<16xf32>
        %swap3A_1435 = vector.shape_cast %get3A_1425 : vector<16xf32> to vector<1x1x16xf32>
        tpu.vector_store %arg8[%swap3A_1430, %swap3A_1431, %swap3A_1432], %swap3A_1435 {strides = array<i32>} : memref<2x24x512xf32, #tpu.memory_space<vmem>>, vector<1x1x16xf32>,
        %slice3A_1436 = vector.extract_strided_slice %get3A_1339 {offsets = [6], sizes = [1], strides = [1]} : vector<16xi32> to vector<1xi32>
        %squeeze3A_1437 = vector.extract %slice3A_1436[0] : i32 from vector<1xi32>
        %get3A_1438 = arith.index_cast %squeeze3A_1437 : i32 to index
        %get3A_1439 = arith.constant 0 : index
        %get3A_1440 = tpu.vector_load %arg6[%get3A_1438, %get3A_1439] {strides = array<i32>} : memref<208x16xf32, #tpu.memory_space<vmem>>, vector<1x16xf32>,
        %get3A_1441 = vector.shape_cast %get3A_1440 : vector<1x16xf32> to vector<16xf32>
        %add3A_1442 = arith.constant 0 : i32
        %add3A_1443 = arith.addi %add3A_1442, %mul3A_819 : i32
        %swap3A_1444 = arith.constant 0 : i32
        %swap3A_1445 = arith.constant 19 : i32
        %swap3A_1446 = arith.index_cast %swap3A_1444 : i32 to index
        %swap3A_1447 = arith.index_cast %swap3A_1445 : i32 to index
        %swap3A_1448 = arith.index_cast %add3A_1443 : i32 to index
        %swap3A_1449 = tpu.vector_load %arg8[%swap3A_1446, %swap3A_1447, %swap3A_1448] {strides = array<i32>} : memref<2x24x512xf32, #tpu.memory_space<vmem>>, vector<1x1x16xf32>,
        %swap3A_1450 = vector.shape_cast %swap3A_1449 : vector<1x1x16xf32> to vector<16xf32>
        %swap3A_1451 = vector.shape_cast %get3A_1441 : vector<16xf32> to vector<1x1x16xf32>
        tpu.vector_store %arg8[%swap3A_1446, %swap3A_1447, %swap3A_1448], %swap3A_1451 {strides = array<i32>} : memref<2x24x512xf32, #tpu.memory_space<vmem>>, vector<1x1x16xf32>,
        %slice3A_1452 = vector.extract_strided_slice %get3A_1339 {offsets = [7], sizes = [1], strides = [1]} : vector<16xi32> to vector<1xi32>
        %squeeze3A_1453 = vector.extract %slice3A_1452[0] : i32 from vector<1xi32>
        %get3A_1454 = arith.index_cast %squeeze3A_1453 : i32 to index
        %get3A_1455 = arith.constant 0 : index
        %get3A_1456 = tpu.vector_load %arg6[%get3A_1454, %get3A_1455] {strides = array<i32>} : memref<208x16xf32, #tpu.memory_space<vmem>>, vector<1x16xf32>,
        %get3A_1457 = vector.shape_cast %get3A_1456 : vector<1x16xf32> to vector<16xf32>
        %add3A_1458 = arith.constant 16 : i32
        %add3A_1459 = arith.addi %add3A_1458, %mul3A_819 : i32
        %swap3A_1460 = arith.constant 0 : i32
        %swap3A_1461 = arith.constant 19 : i32
        %swap3A_1462 = arith.index_cast %swap3A_1460 : i32 to index
        %swap3A_1463 = arith.index_cast %swap3A_1461 : i32 to index
        %swap3A_1464 = arith.index_cast %add3A_1459 : i32 to index
        %swap3A_1465 = tpu.vector_load %arg8[%swap3A_1462, %swap3A_1463, %swap3A_1464] {strides = array<i32>} : memref<2x24x512xf32, #tpu.memory_space<vmem>>, vector<1x1x16xf32>,
        %swap3A_1466 = vector.shape_cast %swap3A_1465 : vector<1x1x16xf32> to vector<16xf32>
        %swap3A_1467 = vector.shape_cast %get3A_1457 : vector<16xf32> to vector<1x1x16xf32>
        tpu.vector_store %arg8[%swap3A_1462, %swap3A_1463, %swap3A_1464], %swap3A_1467 {strides = array<i32>} : memref<2x24x512xf32, #tpu.memory_space<vmem>>, vector<1x1x16xf32>,
        %slice3A_1468 = vector.extract_strided_slice %get3A_1339 {offsets = [8], sizes = [1], strides = [1]} : vector<16xi32> to vector<1xi32>
        %squeeze3A_1469 = vector.extract %slice3A_1468[0] : i32 from vector<1xi32>
        %get3A_1470 = arith.index_cast %squeeze3A_1469 : i32 to index
        %get3A_1471 = arith.constant 0 : index
        %get3A_1472 = tpu.vector_load %arg6[%get3A_1470, %get3A_1471] {strides = array<i32>} : memref<208x16xf32, #tpu.memory_space<vmem>>, vector<1x16xf32>,
        %get3A_1473 = vector.shape_cast %get3A_1472 : vector<1x16xf32> to vector<16xf32>
        %add3A_1474 = arith.constant 0 : i32
        %add3A_1475 = arith.addi %add3A_1474, %mul3A_819 : i32
        %swap3A_1476 = arith.constant 0 : i32
        %swap3A_1477 = arith.constant 20 : i32
        %swap3A_1478 = arith.index_cast %swap3A_1476 : i32 to index
        %swap3A_1479 = arith.index_cast %swap3A_1477 : i32 to index
        %swap3A_1480 = arith.index_cast %add3A_1475 : i32 to index
        %swap3A_1481 = tpu.vector_load %arg8[%swap3A_1478, %swap3A_1479, %swap3A_1480] {strides = array<i32>} : memref<2x24x512xf32, #tpu.memory_space<vmem>>, vector<1x1x16xf32>,
        %swap3A_1482 = vector.shape_cast %swap3A_1481 : vector<1x1x16xf32> to vector<16xf32>
        %swap3A_1483 = vector.shape_cast %get3A_1473 : vector<16xf32> to vector<1x1x16xf32>
        tpu.vector_store %arg8[%swap3A_1478, %swap3A_1479, %swap3A_1480], %swap3A_1483 {strides = array<i32>} : memref<2x24x512xf32, #tpu.memory_space<vmem>>, vector<1x1x16xf32>,
        %slice3A_1484 = vector.extract_strided_slice %get3A_1339 {offsets = [9], sizes = [1], strides = [1]} : vector<16xi32> to vector<1xi32>
        %squeeze3A_1485 = vector.extract %slice3A_1484[0] : i32 from vector<1xi32>
        %get3A_1486 = arith.index_cast %squeeze3A_1485 : i32 to index
        %get3A_1487 = arith.constant 0 : index
        %get3A_1488 = tpu.vector_load %arg6[%get3A_1486, %get3A_1487] {strides = array<i32>} : memref<208x16xf32, #tpu.memory_space<vmem>>, vector<1x16xf32>,
        %get3A_1489 = vector.shape_cast %get3A_1488 : vector<1x16xf32> to vector<16xf32>
        %add3A_1490 = arith.constant 16 : i32
        %add3A_1491 = arith.addi %add3A_1490, %mul3A_819 : i32
        %swap3A_1492 = arith.constant 0 : i32
        %swap3A_1493 = arith.constant 20 : i32
        %swap3A_1494 = arith.index_cast %swap3A_1492 : i32 to index
        %swap3A_1495 = arith.index_cast %swap3A_1493 : i32 to index
        %swap3A_1496 = arith.index_cast %add3A_1491 : i32 to index
        %swap3A_1497 = tpu.vector_load %arg8[%swap3A_1494, %swap3A_1495, %swap3A_1496] {strides = array<i32>} : memref<2x24x512xf32, #tpu.memory_space<vmem>>, vector<1x1x16xf32>,
        %swap3A_1498 = vector.shape_cast %swap3A_1497 : vector<1x1x16xf32> to vector<16xf32>
        %swap3A_1499 = vector.shape_cast %get3A_1489 : vector<16xf32> to vector<1x1x16xf32>
        tpu.vector_store %arg8[%swap3A_1494, %swap3A_1495, %swap3A_1496], %swap3A_1499 {strides = array<i32>} : memref<2x24x512xf32, #tpu.memory_space<vmem>>, vector<1x1x16xf32>,
        %slice3A_1500 = vector.extract_strided_slice %get3A_1339 {offsets = [10], sizes = [1], strides = [1]} : vector<16xi32> to vector<1xi32>
        %squeeze3A_1501 = vector.extract %slice3A_1500[0] : i32 from vector<1xi32>
        %get3A_1502 = arith.index_cast %squeeze3A_1501 : i32 to index
        %get3A_1503 = arith.constant 0 : index
        %get3A_1504 = tpu.vector_load %arg6[%get3A_1502, %get3A_1503] {strides = array<i32>} : memref<208x16xf32, #tpu.memory_space<vmem>>, vector<1x16xf32>,
        %get3A_1505 = vector.shape_cast %get3A_1504 : vector<1x16xf32> to vector<16xf32>
        %add3A_1506 = arith.constant 0 : i32
        %add3A_1507 = arith.addi %add3A_1506, %mul3A_819 : i32
        %swap3A_1508 = arith.constant 0 : i32
        %swap3A_1509 = arith.constant 21 : i32
        %swap3A_1510 = arith.index_cast %swap3A_1508 : i32 to index
        %swap3A_1511 = arith.index_cast %swap3A_1509 : i32 to index
        %swap3A_1512 = arith.index_cast %add3A_1507 : i32 to index
        %swap3A_1513 = tpu.vector_load %arg8[%swap3A_1510, %swap3A_1511, %swap3A_1512] {strides = array<i32>} : memref<2x24x512xf32, #tpu.memory_space<vmem>>, vector<1x1x16xf32>,
        %swap3A_1514 = vector.shape_cast %swap3A_1513 : vector<1x1x16xf32> to vector<16xf32>
        %swap3A_1515 = vector.shape_cast %get3A_1505 : vector<16xf32> to vector<1x1x16xf32>
        tpu.vector_store %arg8[%swap3A_1510, %swap3A_1511, %swap3A_1512], %swap3A_1515 {strides = array<i32>} : memref<2x24x512xf32, #tpu.memory_space<vmem>>, vector<1x1x16xf32>,
        %slice3A_1516 = vector.extract_strided_slice %get3A_1339 {offsets = [11], sizes = [1], strides = [1]} : vector<16xi32> to vector<1xi32>
        %squeeze3A_1517 = vector.extract %slice3A_1516[0] : i32 from vector<1xi32>
        %get3A_1518 = arith.index_cast %squeeze3A_1517 : i32 to index
        %get3A_1519 = arith.constant 0 : index
        %get3A_1520 = tpu.vector_load %arg6[%get3A_1518, %get3A_1519] {strides = array<i32>} : memref<208x16xf32, #tpu.memory_space<vmem>>, vector<1x16xf32>,
        %get3A_1521 = vector.shape_cast %get3A_1520 : vector<1x16xf32> to vector<16xf32>
        %add3A_1522 = arith.constant 16 : i32
        %add3A_1523 = arith.addi %add3A_1522, %mul3A_819 : i32
        %swap3A_1524 = arith.constant 0 : i32
        %swap3A_1525 = arith.constant 21 : i32
        %swap3A_1526 = arith.index_cast %swap3A_1524 : i32 to index
        %swap3A_1527 = arith.index_cast %swap3A_1525 : i32 to index
        %swap3A_1528 = arith.index_cast %add3A_1523 : i32 to index
        %swap3A_1529 = tpu.vector_load %arg8[%swap3A_1526, %swap3A_1527, %swap3A_1528] {strides = array<i32>} : memref<2x24x512xf32, #tpu.memory_space<vmem>>, vector<1x1x16xf32>,
        %swap3A_1530 = vector.shape_cast %swap3A_1529 : vector<1x1x16xf32> to vector<16xf32>
        %swap3A_1531 = vector.shape_cast %get3A_1521 : vector<16xf32> to vector<1x1x16xf32>
        tpu.vector_store %arg8[%swap3A_1526, %swap3A_1527, %swap3A_1528], %swap3A_1531 {strides = array<i32>} : memref<2x24x512xf32, #tpu.memory_space<vmem>>, vector<1x1x16xf32>,
        %slice3A_1532 = vector.extract_strided_slice %get3A_1339 {offsets = [12], sizes = [1], strides = [1]} : vector<16xi32> to vector<1xi32>
        %squeeze3A_1533 = vector.extract %slice3A_1532[0] : i32 from vector<1xi32>
        %get3A_1534 = arith.index_cast %squeeze3A_1533 : i32 to index
        %get3A_1535 = arith.constant 0 : index
        %get3A_1536 = tpu.vector_load %arg6[%get3A_1534, %get3A_1535] {strides = array<i32>} : memref<208x16xf32, #tpu.memory_space<vmem>>, vector<1x16xf32>,
        %get3A_1537 = vector.shape_cast %get3A_1536 : vector<1x16xf32> to vector<16xf32>
        %add3A_1538 = arith.constant 0 : i32
        %add3A_1539 = arith.addi %add3A_1538, %mul3A_819 : i32
        %swap3A_1540 = arith.constant 0 : i32
        %swap3A_1541 = arith.constant 22 : i32
        %swap3A_1542 = arith.index_cast %swap3A_1540 : i32 to index
        %swap3A_1543 = arith.index_cast %swap3A_1541 : i32 to index
        %swap3A_1544 = arith.index_cast %add3A_1539 : i32 to index
        %swap3A_1545 = tpu.vector_load %arg8[%swap3A_1542, %swap3A_1543, %swap3A_1544] {strides = array<i32>} : memref<2x24x512xf32, #tpu.memory_space<vmem>>, vector<1x1x16xf32>,
        %swap3A_1546 = vector.shape_cast %swap3A_1545 : vector<1x1x16xf32> to vector<16xf32>
        %swap3A_1547 = vector.shape_cast %get3A_1537 : vector<16xf32> to vector<1x1x16xf32>
        tpu.vector_store %arg8[%swap3A_1542, %swap3A_1543, %swap3A_1544], %swap3A_1547 {strides = array<i32>} : memref<2x24x512xf32, #tpu.memory_space<vmem>>, vector<1x1x16xf32>,
        %slice3A_1548 = vector.extract_strided_slice %get3A_1339 {offsets = [13], sizes = [1], strides = [1]} : vector<16xi32> to vector<1xi32>
        %squeeze3A_1549 = vector.extract %slice3A_1548[0] : i32 from vector<1xi32>
        %get3A_1550 = arith.index_cast %squeeze3A_1549 : i32 to index
        %get3A_1551 = arith.constant 0 : index
        %get3A_1552 = tpu.vector_load %arg6[%get3A_1550, %get3A_1551] {strides = array<i32>} : memref<208x16xf32, #tpu.memory_space<vmem>>, vector<1x16xf32>,
        %get3A_1553 = vector.shape_cast %get3A_1552 : vector<1x16xf32> to vector<16xf32>
        %add3A_1554 = arith.constant 16 : i32
        %add3A_1555 = arith.addi %add3A_1554, %mul3A_819 : i32
        %swap3A_1556 = arith.constant 0 : i32
        %swap3A_1557 = arith.constant 22 : i32
        %swap3A_1558 = arith.index_cast %swap3A_1556 : i32 to index
        %swap3A_1559 = arith.index_cast %swap3A_1557 : i32 to index
        %swap3A_1560 = arith.index_cast %add3A_1555 : i32 to index
        %swap3A_1561 = tpu.vector_load %arg8[%swap3A_1558, %swap3A_1559, %swap3A_1560] {strides = array<i32>} : memref<2x24x512xf32, #tpu.memory_space<vmem>>, vector<1x1x16xf32>,
        %swap3A_1562 = vector.shape_cast %swap3A_1561 : vector<1x1x16xf32> to vector<16xf32>
        %swap3A_1563 = vector.shape_cast %get3A_1553 : vector<16xf32> to vector<1x1x16xf32>
        tpu.vector_store %arg8[%swap3A_1558, %swap3A_1559, %swap3A_1560], %swap3A_1563 {strides = array<i32>} : memref<2x24x512xf32, #tpu.memory_space<vmem>>, vector<1x1x16xf32>,
        %slice3A_1564 = vector.extract_strided_slice %get3A_1339 {offsets = [14], sizes = [1], strides = [1]} : vector<16xi32> to vector<1xi32>
        %squeeze3A_1565 = vector.extract %slice3A_1564[0] : i32 from vector<1xi32>
        %get3A_1566 = arith.index_cast %squeeze3A_1565 : i32 to index
        %get3A_1567 = arith.constant 0 : index
        %get3A_1568 = tpu.vector_load %arg6[%get3A_1566, %get3A_1567] {strides = array<i32>} : memref<208x16xf32, #tpu.memory_space<vmem>>, vector<1x16xf32>,
        %get3A_1569 = vector.shape_cast %get3A_1568 : vector<1x16xf32> to vector<16xf32>
        %add3A_1570 = arith.constant 0 : i32
        %add3A_1571 = arith.addi %add3A_1570, %mul3A_819 : i32
        %swap3A_1572 = arith.constant 0 : i32
        %swap3A_1573 = arith.constant 23 : i32
        %swap3A_1574 = arith.index_cast %swap3A_1572 : i32 to index
        %swap3A_1575 = arith.index_cast %swap3A_1573 : i32 to index
        %swap3A_1576 = arith.index_cast %add3A_1571 : i32 to index
        %swap3A_1577 = tpu.vector_load %arg8[%swap3A_1574, %swap3A_1575, %swap3A_1576] {strides = array<i32>} : memref<2x24x512xf32, #tpu.memory_space<vmem>>, vector<1x1x16xf32>,
        %swap3A_1578 = vector.shape_cast %swap3A_1577 : vector<1x1x16xf32> to vector<16xf32>
        %swap3A_1579 = vector.shape_cast %get3A_1569 : vector<16xf32> to vector<1x1x16xf32>
        tpu.vector_store %arg8[%swap3A_1574, %swap3A_1575, %swap3A_1576], %swap3A_1579 {strides = array<i32>} : memref<2x24x512xf32, #tpu.memory_space<vmem>>, vector<1x1x16xf32>,
        %slice3A_1580 = vector.extract_strided_slice %get3A_1339 {offsets = [15], sizes = [1], strides = [1]} : vector<16xi32> to vector<1xi32>
        %squeeze3A_1581 = vector.extract %slice3A_1580[0] : i32 from vector<1xi32>
        %get3A_1582 = arith.index_cast %squeeze3A_1581 : i32 to index
        %get3A_1583 = arith.constant 0 : index
        %get3A_1584 = tpu.vector_load %arg6[%get3A_1582, %get3A_1583] {strides = array<i32>} : memref<208x16xf32, #tpu.memory_space<vmem>>, vector<1x16xf32>,
        %get3A_1585 = vector.shape_cast %get3A_1584 : vector<1x16xf32> to vector<16xf32>
        %add3A_1586 = arith.constant 16 : i32
        %add3A_1587 = arith.addi %add3A_1586, %mul3A_819 : i32
        %swap3A_1588 = arith.constant 0 : i32
        %swap3A_1589 = arith.constant 23 : i32
        %swap3A_1590 = arith.index_cast %swap3A_1588 : i32 to index
        %swap3A_1591 = arith.index_cast %swap3A_1589 : i32 to index
        %swap3A_1592 = arith.index_cast %add3A_1587 : i32 to index
        %swap3A_1593 = tpu.vector_load %arg8[%swap3A_1590, %swap3A_1591, %swap3A_1592] {strides = array<i32>} : memref<2x24x512xf32, #tpu.memory_space<vmem>>, vector<1x1x16xf32>,
        %swap3A_1594 = vector.shape_cast %swap3A_1593 : vector<1x1x16xf32> to vector<16xf32>
        %swap3A_1595 = vector.shape_cast %get3A_1585 : vector<16xf32> to vector<1x1x16xf32>
        tpu.vector_store %arg8[%swap3A_1590, %swap3A_1591, %swap3A_1592], %swap3A_1595 {strides = array<i32>} : memref<2x24x512xf32, #tpu.memory_space<vmem>>, vector<1x1x16xf32>,
      }
      %scan3A_488 = arith.constant 16 : i32
      %jit3A_489 = arith.constant 576 : i32
      %div3A_490 = arith.divsi %add3A_364, %jit3A_489 : i32
      %sign3A_491 = arith.constant 0 : i32
      %sign3A_492 = arith.cmpi sgt, %add3A_364, %sign3A_491 : i32
      %sign3A_493 = arith.extui %sign3A_492 : i1 to i32
      %sign3A_494 = arith.constant 0 : i32
      %sign3A_495 = arith.cmpi slt, %add3A_364, %sign3A_494 : i32
      %sign3A_496 = arith.extui %sign3A_495 : i1 to i32
      %sign3A_497 = arith.subi %sign3A_493, %sign3A_496 : i32
      %sign3A_498 = arith.constant 0 : i32
      %sign3A_499 = arith.cmpi sgt, %jit3A_489, %sign3A_498 : i32
      %sign3A_500 = arith.extui %sign3A_499 : i1 to i32
      %sign3A_501 = arith.constant 0 : i32
      %sign3A_502 = arith.cmpi slt, %jit3A_489, %sign3A_501 : i32
      %sign3A_503 = arith.extui %sign3A_502 : i1 to i32
      %sign3A_504 = arith.subi %sign3A_500, %sign3A_503 : i32
      %ne3A_505 = arith.cmpi ne, %sign3A_497, %sign3A_504 : i32
      %rem3A_506 = arith.remsi %add3A_364, %jit3A_489 : i32
      %ne3A_507 = arith.constant 0 : i32
      %ne3A_508 = arith.cmpi ne, %rem3A_506, %ne3A_507 : i32
      %and3A_509 = arith.andi %ne3A_505, %ne3A_508 : i1
      %sub3A_510 = arith.constant 1 : i32
      %sub3A_511 = arith.subi %div3A_490, %sub3A_510 : i32
      %select_n3A_512 = arith.select %and3A_509, %sub3A_511, %div3A_490 : i32
      %jit3A_513 = arith.constant 576 : i32
      %eq3A_514 = arith.constant 0 : i32
      %eq3A_515 = arith.cmpi eq, %jit3A_513, %eq3A_514 : i32
      %jit3A_516 = arith.constant 1 : i32
      %select_n3A_517 = arith.select %eq3A_515, %jit3A_516, %jit3A_513 : i32
      %rem3A_518 = arith.remsi %add3A_364, %select_n3A_517 : i32
      %ne3A_519 = arith.constant 0 : i32
      %ne3A_520 = arith.cmpi ne, %rem3A_518, %ne3A_519 : i32
      %lt3A_521 = arith.constant 0 : i32
      %lt3A_522 = arith.cmpi slt, %rem3A_518, %lt3A_521 : i32
      %lt3A_523 = arith.constant 0 : i32
      %lt3A_524 = arith.cmpi slt, %select_n3A_517, %lt3A_523 : i32
      %ne3A_525 = arith.xori %lt3A_522, %lt3A_524 : i1
      %and3A_526 = arith.andi %ne3A_525, %ne3A_520 : i1
      %add3A_527 = arith.addi %rem3A_518, %select_n3A_517 : i32
      %select_n3A_528 = arith.select %and3A_526, %add3A_527, %rem3A_518 : i32
      %jit3A_529 = arith.constant 24 : i32
      %div3A_530 = arith.divsi %select_n3A_528, %jit3A_529 : i32
      %sign3A_531 = arith.constant 0 : i32
      %sign3A_532 = arith.cmpi sgt, %select_n3A_528, %sign3A_531 : i32
      %sign3A_533 = arith.extui %sign3A_532 : i1 to i32
      %sign3A_534 = arith.constant 0 : i32
      %sign3A_535 = arith.cmpi slt, %select_n3A_528, %sign3A_534 : i32
      %sign3A_536 = arith.extui %sign3A_535 : i1 to i32
      %sign3A_537 = arith.subi %sign3A_533, %sign3A_536 : i32
      %sign3A_538 = arith.constant 0 : i32
      %sign3A_539 = arith.cmpi sgt, %jit3A_529, %sign3A_538 : i32
      %sign3A_540 = arith.extui %sign3A_539 : i1 to i32
      %sign3A_541 = arith.constant 0 : i32
      %sign3A_542 = arith.cmpi slt, %jit3A_529, %sign3A_541 : i32
      %sign3A_543 = arith.extui %sign3A_542 : i1 to i32
      %sign3A_544 = arith.subi %sign3A_540, %sign3A_543 : i32
      %ne3A_545 = arith.cmpi ne, %sign3A_537, %sign3A_544 : i32
      %rem3A_546 = arith.remsi %select_n3A_528, %jit3A_529 : i32
      %ne3A_547 = arith.constant 0 : i32
      %ne3A_548 = arith.cmpi ne, %rem3A_546, %ne3A_547 : i32
      %and3A_549 = arith.andi %ne3A_545, %ne3A_548 : i1
      %sub3A_550 = arith.constant 1 : i32
      %sub3A_551 = arith.subi %div3A_530, %sub3A_550 : i32
      %select_n3A_552 = arith.select %and3A_549, %sub3A_551, %div3A_530 : i32
      %jit3A_553 = arith.constant 24 : i32
      %eq3A_554 = arith.constant 0 : i32
      %eq3A_555 = arith.cmpi eq, %jit3A_553, %eq3A_554 : i32
      %jit3A_556 = arith.constant 1 : i32
      %select_n3A_557 = arith.select %eq3A_555, %jit3A_556, %jit3A_553 : i32
      %rem3A_558 = arith.remsi %select_n3A_528, %select_n3A_557 : i32
      %ne3A_559 = arith.constant 0 : i32
      %ne3A_560 = arith.cmpi ne, %rem3A_558, %ne3A_559 : i32
      %lt3A_561 = arith.constant 0 : i32
      %lt3A_562 = arith.cmpi slt, %rem3A_558, %lt3A_561 : i32
      %lt3A_563 = arith.constant 0 : i32
      %lt3A_564 = arith.cmpi slt, %select_n3A_557, %lt3A_563 : i32
      %ne3A_565 = arith.xori %lt3A_562, %lt3A_564 : i1
      %and3A_566 = arith.andi %ne3A_565, %ne3A_560 : i1
      %add3A_567 = arith.addi %rem3A_558, %select_n3A_557 : i32
      %select_n3A_568 = arith.select %and3A_566, %add3A_567, %rem3A_558 : i32
      %dma_start3A_569 = arith.constant 0 : i32
      %dma_start3A_570 = arith.constant 0 : i32
      %dma_start3A_571 = arith.constant 0 : i32
      %dma_start3A_572 = tpu.memref_slice %arg8[%dma_start3A_569, %dma_start3A_570, %dma_start3A_571] : memref<2x24x512xf32, #tpu.memory_space<vmem>> -> memref<1x24x512xf32, #tpu.memory_space<vmem>>
      %dma_start3A_573 = tpu.memref_squeeze %dma_start3A_572 : memref<1x24x512xf32, #tpu.memory_space<vmem>> -> memref<24x512xf32, #tpu.memory_space<vmem>>
      %dma_start3A_574 = arith.constant 0 : i32
      %dma_start3A_575 = arith.constant 0 : i32
      %dma_start3A_576 = tpu.memref_slice %arg4[%select_n3A_512, %select_n3A_552, %select_n3A_568, %dma_start3A_574, %dma_start3A_575] : memref<2x24x24x24x512xf32, #tpu.memory_space<hbm>> -> memref<1x1x1x24x512xf32, #tpu.memory_space<hbm>>
      %dma_start3A_577 = tpu.memref_squeeze %dma_start3A_576 : memref<1x1x1x24x512xf32, #tpu.memory_space<hbm>> -> memref<24x512xf32, #tpu.memory_space<hbm>>
      %dma_start3A_578 = arith.constant 0 : i32
      %dma_start3A_579 = arith.constant 0 : i32
      %dma_start3A_580 = tpu.memref_slice %arg4[%select_n3A_512, %select_n3A_552, %select_n3A_568, %dma_start3A_578, %dma_start3A_579] : memref<2x24x24x24x512xf32, #tpu.memory_space<hbm>> -> memref<1x1x1x24x512xf32, #tpu.memory_space<hbm>>
      %dma_start3A_581 = tpu.memref_squeeze %dma_start3A_580 : memref<1x1x1x24x512xf32, #tpu.memory_space<hbm>> -> memref<24x512xf32, #tpu.memory_space<hbm>>
      %dma_start3A_582 = arith.constant 0 : i32
      %dma_start3A_583 = arith.constant 0 : i32
      %dma_start3A_584 = tpu.memref_slice %arg8[%dma_start3A_569, %dma_start3A_582, %dma_start3A_583] : memref<2x24x512xf32, #tpu.memory_space<vmem>> -> memref<1x24x512xf32, #tpu.memory_space<vmem>>
      %dma_start3A_585 = tpu.memref_squeeze %dma_start3A_584 : memref<1x24x512xf32, #tpu.memory_space<vmem>> -> memref<24x512xf32, #tpu.memory_space<vmem>>
      tpu.enqueue_dma source(%dma_start3A_585 : memref<24x512xf32, #tpu.memory_space<vmem>>) target(%dma_start3A_581 : memref<24x512xf32, #tpu.memory_space<hbm>>) target_semaphore(%arg9 : memref<!tpu.dma_semaphore, #tpu.memory_space<semaphore_mem>>)
      %mul3A_586 = arith.constant 2 : i32
      %mul3A_587 = arith.muli %mul3A_586, %scan3A_359 : i32
      %add3A_588 = arith.addi %mul3A_55, %mul3A_587 : i32
      %add3A_589 = arith.constant 1 : i32
      %add3A_590 = arith.addi %add3A_588, %add3A_589 : i32
      %mul3A_591 = arith.constant 2 : i32
      %mul3A_592 = arith.muli %mul3A_591, %scan3A_359 : i32
      %add3A_593 = arith.constant 1 : i32
      %add3A_594 = arith.addi %mul3A_592, %add3A_593 : i32
      %jit3A_595 = arith.constant 576 : i32
      %div3A_596 = arith.divsi %add3A_590, %jit3A_595 : i32
      %sign3A_597 = arith.constant 0 : i32
      %sign3A_598 = arith.cmpi sgt, %add3A_590, %sign3A_597 : i32
      %sign3A_599 = arith.extui %sign3A_598 : i1 to i32
      %sign3A_600 = arith.constant 0 : i32
      %sign3A_601 = arith.cmpi slt, %add3A_590, %sign3A_600 : i32
      %sign3A_602 = arith.extui %sign3A_601 : i1 to i32
      %sign3A_603 = arith.subi %sign3A_599, %sign3A_602 : i32
      %sign3A_604 = arith.constant 0 : i32
      %sign3A_605 = arith.cmpi sgt, %jit3A_595, %sign3A_604 : i32
      %sign3A_606 = arith.extui %sign3A_605 : i1 to i32
      %sign3A_607 = arith.constant 0 : i32
      %sign3A_608 = arith.cmpi slt, %jit3A_595, %sign3A_607 : i32
      %sign3A_609 = arith.extui %sign3A_608 : i1 to i32
      %sign3A_610 = arith.subi %sign3A_606, %sign3A_609 : i32
      %ne3A_611 = arith.cmpi ne, %sign3A_603, %sign3A_610 : i32
      %rem3A_612 = arith.remsi %add3A_590, %jit3A_595 : i32
      %ne3A_613 = arith.constant 0 : i32
      %ne3A_614 = arith.cmpi ne, %rem3A_612, %ne3A_613 : i32
      %and3A_615 = arith.andi %ne3A_611, %ne3A_614 : i1
      %sub3A_616 = arith.constant 1 : i32
      %sub3A_617 = arith.subi %div3A_596, %sub3A_616 : i32
      %select_n3A_618 = arith.select %and3A_615, %sub3A_617, %div3A_596 : i32
      %jit3A_619 = arith.constant 576 : i32
      %eq3A_620 = arith.constant 0 : i32
      %eq3A_621 = arith.cmpi eq, %jit3A_619, %eq3A_620 : i32
      %jit3A_622 = arith.constant 1 : i32
      %select_n3A_623 = arith.select %eq3A_621, %jit3A_622, %jit3A_619 : i32
      %rem3A_624 = arith.remsi %add3A_590, %select_n3A_623 : i32
      %ne3A_625 = arith.constant 0 : i32
      %ne3A_626 = arith.cmpi ne, %rem3A_624, %ne3A_625 : i32
      %lt3A_627 = arith.constant 0 : i32
      %lt3A_628 = arith.cmpi slt, %rem3A_624, %lt3A_627 : i32
      %lt3A_629 = arith.constant 0 : i32
      %lt3A_630 = arith.cmpi slt, %select_n3A_623, %lt3A_629 : i32
      %ne3A_631 = arith.xori %lt3A_628, %lt3A_630 : i1
      %and3A_632 = arith.andi %ne3A_631, %ne3A_626 : i1
      %add3A_633 = arith.addi %rem3A_624, %select_n3A_623 : i32
      %select_n3A_634 = arith.select %and3A_632, %add3A_633, %rem3A_624 : i32
      %jit3A_635 = arith.constant 24 : i32
      %div3A_636 = arith.divsi %select_n3A_634, %jit3A_635 : i32
      %sign3A_637 = arith.constant 0 : i32
      %sign3A_638 = arith.cmpi sgt, %select_n3A_634, %sign3A_637 : i32
      %sign3A_639 = arith.extui %sign3A_638 : i1 to i32
      %sign3A_640 = arith.constant 0 : i32
      %sign3A_641 = arith.cmpi slt, %select_n3A_634, %sign3A_640 : i32
      %sign3A_642 = arith.extui %sign3A_641 : i1 to i32
      %sign3A_643 = arith.subi %sign3A_639, %sign3A_642 : i32
      %sign3A_644 = arith.constant 0 : i32
      %sign3A_645 = arith.cmpi sgt, %jit3A_635, %sign3A_644 : i32
      %sign3A_646 = arith.extui %sign3A_645 : i1 to i32
      %sign3A_647 = arith.constant 0 : i32
      %sign3A_648 = arith.cmpi slt, %jit3A_635, %sign3A_647 : i32
      %sign3A_649 = arith.extui %sign3A_648 : i1 to i32
      %sign3A_650 = arith.subi %sign3A_646, %sign3A_649 : i32
      %ne3A_651 = arith.cmpi ne, %sign3A_643, %sign3A_650 : i32
      %rem3A_652 = arith.remsi %select_n3A_634, %jit3A_635 : i32
      %ne3A_653 = arith.constant 0 : i32
      %ne3A_654 = arith.cmpi ne, %rem3A_652, %ne3A_653 : i32
      %and3A_655 = arith.andi %ne3A_651, %ne3A_654 : i1
      %sub3A_656 = arith.constant 1 : i32
      %sub3A_657 = arith.subi %div3A_636, %sub3A_656 : i32
      %select_n3A_658 = arith.select %and3A_655, %sub3A_657, %div3A_636 : i32
      %jit3A_659 = arith.constant 24 : i32
      %eq3A_660 = arith.constant 0 : i32
      %eq3A_661 = arith.cmpi eq, %jit3A_659, %eq3A_660 : i32
      %jit3A_662 = arith.constant 1 : i32
      %select_n3A_663 = arith.select %eq3A_661, %jit3A_662, %jit3A_659 : i32
      %rem3A_664 = arith.remsi %select_n3A_634, %select_n3A_663 : i32
      %ne3A_665 = arith.constant 0 : i32
      %ne3A_666 = arith.cmpi ne, %rem3A_664, %ne3A_665 : i32
      %lt3A_667 = arith.constant 0 : i32
      %lt3A_668 = arith.cmpi slt, %rem3A_664, %lt3A_667 : i32
      %lt3A_669 = arith.constant 0 : i32
      %lt3A_670 = arith.cmpi slt, %select_n3A_663, %lt3A_669 : i32
      %ne3A_671 = arith.xori %lt3A_668, %lt3A_670 : i1
      %and3A_672 = arith.andi %ne3A_671, %ne3A_666 : i1
      %add3A_673 = arith.addi %rem3A_664, %select_n3A_663 : i32
      %select_n3A_674 = arith.select %and3A_672, %add3A_673, %rem3A_664 : i32
      %dma_wait3A_675 = arith.constant 1 : i32
      %dma_wait3A_676 = arith.constant 0 : i32
      %dma_wait3A_677 = arith.constant 0 : i32
      %dma_wait3A_678 = arith.constant 0 : i32
      %dma_wait3A_679 = tpu.memref_slice %arg5[%dma_wait3A_675, %dma_wait3A_676, %dma_wait3A_677, %dma_wait3A_678] : memref<2x4x4x96xf32, #tpu.memory_space<vmem>> -> memref<1x4x4x96xf32, #tpu.memory_space<vmem>>
      %dma_wait3A_680 = tpu.memref_squeeze %dma_wait3A_679 : memref<1x4x4x96xf32, #tpu.memory_space<vmem>> -> memref<4x4x96xf32, #tpu.memory_space<vmem>>
      %dma_wait3A_681 = arith.constant 0 : i32
      %dma_wait3A_682 = arith.constant 0 : i32
      %dma_wait3A_683 = arith.constant 0 : i32
      %dma_wait3A_684 = tpu.memref_slice %arg2[%select_n3A_618, %select_n3A_658, %dma_wait3A_681, %select_n3A_674, %dma_wait3A_682, %dma_wait3A_683] : memref<2x24x4x24x4x96xf32, #tpu.memory_space<hbm>> -> memref<1x1x4x1x4x96xf32, #tpu.memory_space<hbm>>
      %dma_wait3A_685 = tpu.memref_squeeze %dma_wait3A_684 : memref<1x1x4x1x4x96xf32, #tpu.memory_space<hbm>> -> memref<4x4x96xf32, #tpu.memory_space<hbm>>
      %dma_wait3A_686 = arith.constant 0 : i32
      %dma_wait3A_687 = arith.constant 0 : i32
      %dma_wait3A_688 = arith.constant 0 : i32
      %dma_wait3A_689 = tpu.memref_slice %arg5[%dma_wait3A_675, %dma_wait3A_686, %dma_wait3A_687, %dma_wait3A_688] : memref<2x4x4x96xf32, #tpu.memory_space<vmem>> -> memref<1x4x4x96xf32, #tpu.memory_space<vmem>>
      %dma_wait3A_690 = tpu.memref_squeeze %dma_wait3A_689 : memref<1x4x4x96xf32, #tpu.memory_space<vmem>> -> memref<4x4x96xf32, #tpu.memory_space<vmem>>
      %dma_wait3A_691 = arith.constant 0 : i32
      %dma_wait3A_692 = arith.constant 0 : i32
      %dma_wait3A_693 = arith.constant 0 : i32
      %dma_wait3A_694 = tpu.memref_slice %arg2[%select_n3A_618, %select_n3A_658, %dma_wait3A_691, %select_n3A_674, %dma_wait3A_692, %dma_wait3A_693] : memref<2x24x4x24x4x96xf32, #tpu.memory_space<hbm>> -> memref<1x1x4x1x4x96xf32, #tpu.memory_space<hbm>>
      %dma_wait3A_695 = tpu.memref_squeeze %dma_wait3A_694 : memref<1x1x4x1x4x96xf32, #tpu.memory_space<hbm>> -> memref<4x4x96xf32, #tpu.memory_space<hbm>>
      tpu.wait_dma2 semaphore(%arg12 : memref<!tpu.dma_semaphore, #tpu.memory_space<semaphore_mem>>) src(%dma_wait3A_695 : memref<4x4x96xf32, #tpu.memory_space<hbm>>) dst(%dma_wait3A_690 : memref<4x4x96xf32, #tpu.memory_space<vmem>>)
      %lt3A_696 = arith.constant 35 : i32
      %lt3A_697 = arith.cmpi slt, %add3A_594, %lt3A_696 : i32
      %convert_element_type3A_698 = arith.extui %lt3A_697 : i1 to i32
      %cond3A_699 = arith.constant 0 : i32
      %cond3A_700 = arith.cmpi ne, %convert_element_type3A_698, %cond3A_699 : i32
      scf.if %cond3A_700 {
        %add3A_815 = arith.constant 1 : i32
        %add3A_816 = arith.addi %add3A_590, %add3A_815 : i32
        %jit3A_817 = arith.constant 576 : i32
        %div3A_818 = arith.divsi %add3A_816, %jit3A_817 : i32
        %sign3A_819 = arith.constant 0 : i32
        %sign3A_820 = arith.cmpi sgt, %add3A_816, %sign3A_819 : i32
        %sign3A_821 = arith.extui %sign3A_820 : i1 to i32
        %sign3A_822 = arith.constant 0 : i32
        %sign3A_823 = arith.cmpi slt, %add3A_816, %sign3A_822 : i32
        %sign3A_824 = arith.extui %sign3A_823 : i1 to i32
        %sign3A_825 = arith.subi %sign3A_821, %sign3A_824 : i32
        %sign3A_826 = arith.constant 0 : i32
        %sign3A_827 = arith.cmpi sgt, %jit3A_817, %sign3A_826 : i32
        %sign3A_828 = arith.extui %sign3A_827 : i1 to i32
        %sign3A_829 = arith.constant 0 : i32
        %sign3A_830 = arith.cmpi slt, %jit3A_817, %sign3A_829 : i32
        %sign3A_831 = arith.extui %sign3A_830 : i1 to i32
        %sign3A_832 = arith.subi %sign3A_828, %sign3A_831 : i32
        %ne3A_833 = arith.cmpi ne, %sign3A_825, %sign3A_832 : i32
        %rem3A_834 = arith.remsi %add3A_816, %jit3A_817 : i32
        %ne3A_835 = arith.constant 0 : i32
        %ne3A_836 = arith.cmpi ne, %rem3A_834, %ne3A_835 : i32
        %and3A_837 = arith.andi %ne3A_833, %ne3A_836 : i1
        %sub3A_838 = arith.constant 1 : i32
        %sub3A_839 = arith.subi %div3A_818, %sub3A_838 : i32
        %select_n3A_840 = arith.select %and3A_837, %sub3A_839, %div3A_818 : i32
        %jit3A_841 = arith.constant 576 : i32
        %eq3A_842 = arith.constant 0 : i32
        %eq3A_843 = arith.cmpi eq, %jit3A_841, %eq3A_842 : i32
        %jit3A_844 = arith.constant 1 : i32
        %select_n3A_845 = arith.select %eq3A_843, %jit3A_844, %jit3A_841 : i32
        %rem3A_846 = arith.remsi %add3A_816, %select_n3A_845 : i32
        %ne3A_847 = arith.constant 0 : i32
        %ne3A_848 = arith.cmpi ne, %rem3A_846, %ne3A_847 : i32
        %lt3A_849 = arith.constant 0 : i32
        %lt3A_850 = arith.cmpi slt, %rem3A_846, %lt3A_849 : i32
        %lt3A_851 = arith.constant 0 : i32
        %lt3A_852 = arith.cmpi slt, %select_n3A_845, %lt3A_851 : i32
        %ne3A_853 = arith.xori %lt3A_850, %lt3A_852 : i1
        %and3A_854 = arith.andi %ne3A_853, %ne3A_848 : i1
        %add3A_855 = arith.addi %rem3A_846, %select_n3A_845 : i32
        %select_n3A_856 = arith.select %and3A_854, %add3A_855, %rem3A_846 : i32
        %jit3A_857 = arith.constant 24 : i32
        %div3A_858 = arith.divsi %select_n3A_856, %jit3A_857 : i32
        %sign3A_859 = arith.constant 0 : i32
        %sign3A_860 = arith.cmpi sgt, %select_n3A_856, %sign3A_859 : i32
        %sign3A_861 = arith.extui %sign3A_860 : i1 to i32
        %sign3A_862 = arith.constant 0 : i32
        %sign3A_863 = arith.cmpi slt, %select_n3A_856, %sign3A_862 : i32
        %sign3A_864 = arith.extui %sign3A_863 : i1 to i32
        %sign3A_865 = arith.subi %sign3A_861, %sign3A_864 : i32
        %sign3A_866 = arith.constant 0 : i32
        %sign3A_867 = arith.cmpi sgt, %jit3A_857, %sign3A_866 : i32
        %sign3A_868 = arith.extui %sign3A_867 : i1 to i32
        %sign3A_869 = arith.constant 0 : i32
        %sign3A_870 = arith.cmpi slt, %jit3A_857, %sign3A_869 : i32
        %sign3A_871 = arith.extui %sign3A_870 : i1 to i32
        %sign3A_872 = arith.subi %sign3A_868, %sign3A_871 : i32
        %ne3A_873 = arith.cmpi ne, %sign3A_865, %sign3A_872 : i32
        %rem3A_874 = arith.remsi %select_n3A_856, %jit3A_857 : i32
        %ne3A_875 = arith.constant 0 : i32
        %ne3A_876 = arith.cmpi ne, %rem3A_874, %ne3A_875 : i32
        %and3A_877 = arith.andi %ne3A_873, %ne3A_876 : i1
        %sub3A_878 = arith.constant 1 : i32
        %sub3A_879 = arith.subi %div3A_858, %sub3A_878 : i32
        %select_n3A_880 = arith.select %and3A_877, %sub3A_879, %div3A_858 : i32
        %jit3A_881 = arith.constant 24 : i32
        %eq3A_882 = arith.constant 0 : i32
        %eq3A_883 = arith.cmpi eq, %jit3A_881, %eq3A_882 : i32
        %jit3A_884 = arith.constant 1 : i32
        %select_n3A_885 = arith.select %eq3A_883, %jit3A_884, %jit3A_881 : i32
        %rem3A_886 = arith.remsi %select_n3A_856, %select_n3A_885 : i32
        %ne3A_887 = arith.constant 0 : i32
        %ne3A_888 = arith.cmpi ne, %rem3A_886, %ne3A_887 : i32
        %lt3A_889 = arith.constant 0 : i32
        %lt3A_890 = arith.cmpi slt, %rem3A_886, %lt3A_889 : i32
        %lt3A_891 = arith.constant 0 : i32
        %lt3A_892 = arith.cmpi slt, %select_n3A_885, %lt3A_891 : i32
        %ne3A_893 = arith.xori %lt3A_890, %lt3A_892 : i1
        %and3A_894 = arith.andi %ne3A_893, %ne3A_888 : i1
        %add3A_895 = arith.addi %rem3A_886, %select_n3A_885 : i32
        %select_n3A_896 = arith.select %and3A_894, %add3A_895, %rem3A_886 : i32
        %dma_start3A_897 = arith.constant 0 : i32
        %dma_start3A_898 = arith.constant 0 : i32
        %dma_start3A_899 = arith.constant 0 : i32
        %dma_start3A_900 = arith.constant 0 : i32
        %dma_start3A_901 = tpu.memref_slice %arg5[%dma_start3A_897, %dma_start3A_898, %dma_start3A_899, %dma_start3A_900] : memref<2x4x4x96xf32, #tpu.memory_space<vmem>> -> memref<1x4x4x96xf32, #tpu.memory_space<vmem>>
        %dma_start3A_902 = tpu.memref_squeeze %dma_start3A_901 : memref<1x4x4x96xf32, #tpu.memory_space<vmem>> -> memref<4x4x96xf32, #tpu.memory_space<vmem>>
        %dma_start3A_903 = arith.constant 0 : i32
        %dma_start3A_904 = arith.constant 0 : i32
        %dma_start3A_905 = arith.constant 0 : i32
        %dma_start3A_906 = tpu.memref_slice %arg2[%select_n3A_840, %select_n3A_880, %dma_start3A_903, %select_n3A_896, %dma_start3A_904, %dma_start3A_905] : memref<2x24x4x24x4x96xf32, #tpu.memory_space<hbm>> -> memref<1x1x4x1x4x96xf32, #tpu.memory_space<hbm>>
        %dma_start3A_907 = tpu.memref_squeeze %dma_start3A_906 : memref<1x1x4x1x4x96xf32, #tpu.memory_space<hbm>> -> memref<4x4x96xf32, #tpu.memory_space<hbm>>
        %dma_start3A_908 = arith.constant 0 : i32
        %dma_start3A_909 = arith.constant 0 : i32
        %dma_start3A_910 = arith.constant 0 : i32
        %dma_start3A_911 = tpu.memref_slice %arg5[%dma_start3A_897, %dma_start3A_908, %dma_start3A_909, %dma_start3A_910] : memref<2x4x4x96xf32, #tpu.memory_space<vmem>> -> memref<1x4x4x96xf32, #tpu.memory_space<vmem>>
        %dma_start3A_912 = tpu.memref_squeeze %dma_start3A_911 : memref<1x4x4x96xf32, #tpu.memory_space<vmem>> -> memref<4x4x96xf32, #tpu.memory_space<vmem>>
        %dma_start3A_913 = arith.constant 0 : i32
        %dma_start3A_914 = arith.constant 0 : i32
        %dma_start3A_915 = arith.constant 0 : i32
        %dma_start3A_916 = tpu.memref_slice %arg2[%select_n3A_840, %select_n3A_880, %dma_start3A_913, %select_n3A_896, %dma_start3A_914, %dma_start3A_915] : memref<2x24x4x24x4x96xf32, #tpu.memory_space<hbm>> -> memref<1x1x4x1x4x96xf32, #tpu.memory_space<hbm>>
        %dma_start3A_917 = tpu.memref_squeeze %dma_start3A_916 : memref<1x1x4x1x4x96xf32, #tpu.memory_space<hbm>> -> memref<4x4x96xf32, #tpu.memory_space<hbm>>
        tpu.enqueue_dma source(%dma_start3A_917 : memref<4x4x96xf32, #tpu.memory_space<hbm>>) target(%dma_start3A_912 : memref<4x4x96xf32, #tpu.memory_space<vmem>>) target_semaphore(%arg11 : memref<!tpu.dma_semaphore, #tpu.memory_space<semaphore_mem>>)
      } else {
      }
      %scan3A_701 = arith.constant 0 : i32
      %scan3A_702 = arith.constant 0 : i32
      %scan3A_703 = arith.constant 16 : i32
      %scan3A_704 = arith.addi %scan3A_702, %scan3A_703 : i32
      %scan3A_705 = arith.constant 1 : i32
      scf.for %scan3A_815 = %scan3A_702 to %scan3A_704 step %scan3A_705  : i32 {
        %jit3A_816 = arith.constant 4 : i32
        %div3A_817 = arith.divsi %scan3A_815, %jit3A_816 : i32
        %sign3A_818 = arith.constant 0 : i32
        %sign3A_819 = arith.cmpi sgt, %scan3A_815, %sign3A_818 : i32
        %sign3A_820 = arith.extui %sign3A_819 : i1 to i32
        %sign3A_821 = arith.constant 0 : i32
        %sign3A_822 = arith.cmpi slt, %scan3A_815, %sign3A_821 : i32
        %sign3A_823 = arith.extui %sign3A_822 : i1 to i32
        %sign3A_824 = arith.subi %sign3A_820, %sign3A_823 : i32
        %sign3A_825 = arith.constant 0 : i32
        %sign3A_826 = arith.cmpi sgt, %jit3A_816, %sign3A_825 : i32
        %sign3A_827 = arith.extui %sign3A_826 : i1 to i32
        %sign3A_828 = arith.constant 0 : i32
        %sign3A_829 = arith.cmpi slt, %jit3A_816, %sign3A_828 : i32
        %sign3A_830 = arith.extui %sign3A_829 : i1 to i32
        %sign3A_831 = arith.subi %sign3A_827, %sign3A_830 : i32
        %ne3A_832 = arith.cmpi ne, %sign3A_824, %sign3A_831 : i32
        %rem3A_833 = arith.remsi %scan3A_815, %jit3A_816 : i32
        %ne3A_834 = arith.constant 0 : i32
        %ne3A_835 = arith.cmpi ne, %rem3A_833, %ne3A_834 : i32
        %and3A_836 = arith.andi %ne3A_832, %ne3A_835 : i1
        %sub3A_837 = arith.constant 1 : i32
        %sub3A_838 = arith.subi %div3A_817, %sub3A_837 : i32
        %select_n3A_839 = arith.select %and3A_836, %sub3A_838, %div3A_817 : i32
        %jit3A_840 = arith.constant 4 : i32
        %eq3A_841 = arith.constant 0 : i32
        %eq3A_842 = arith.cmpi eq, %jit3A_840, %eq3A_841 : i32
        %jit3A_843 = arith.constant 1 : i32
        %select_n3A_844 = arith.select %eq3A_842, %jit3A_843, %jit3A_840 : i32
        %rem3A_845 = arith.remsi %scan3A_815, %select_n3A_844 : i32
        %ne3A_846 = arith.constant 0 : i32
        %ne3A_847 = arith.cmpi ne, %rem3A_845, %ne3A_846 : i32
        %lt3A_848 = arith.constant 0 : i32
        %lt3A_849 = arith.cmpi slt, %rem3A_845, %lt3A_848 : i32
        %lt3A_850 = arith.constant 0 : i32
        %lt3A_851 = arith.cmpi slt, %select_n3A_844, %lt3A_850 : i32
        %ne3A_852 = arith.xori %lt3A_849, %lt3A_851 : i1
        %and3A_853 = arith.andi %ne3A_852, %ne3A_847 : i1
        %add3A_854 = arith.addi %rem3A_845, %select_n3A_844 : i32
        %select_n3A_855 = arith.select %and3A_853, %add3A_854, %rem3A_845 : i32
        %get3A = arith.constant 1 : i32
        %get3A_856 = arith.index_cast %get3A : i32 to index
        %get3A_857 = arith.index_cast %select_n3A_839 : i32 to index
        %get3A_858 = arith.index_cast %select_n3A_855 : i32 to index
        %get3A_859 = arith.constant 0 : index
        %get3A_860 = tpu.vector_load %arg5[%get3A_856, %get3A_857, %get3A_858, %get3A_859] {strides = array<i32>} : memref<2x4x4x96xf32, #tpu.memory_space<vmem>>, vector<1x1x1x16xf32>,
        %get3A_861 = vector.shape_cast %get3A_860 : vector<1x1x1x16xf32> to vector<16xf32>
        %ge3A_862 = arith.constant -1.000000e+03 : f32
        %ge3A_863 = vector.broadcast %ge3A_862 : f32 to vector<16xf32>
        %ge3A_864 = arith.cmpf oge, %get3A_861, %ge3A_863 : vector<16xf32>
        %jit3A_865 = arith.constant 1 : i32
        %jit3A_866 = arith.constant 0 : i32
        %broadcast_in_dim3A_867 = vector.broadcast %jit3A_865 : i32 to vector<16xi32>
        %broadcast_in_dim3A_868 = vector.broadcast %jit3A_866 : i32 to vector<16xi32>
        %select_n3A_869 = arith.select %ge3A_864, %broadcast_in_dim3A_867, %broadcast_in_dim3A_868 : vector<16xi1>, vector<16xi32>
        %ge3A_870 = arith.constant -9.000000e+02 : f32
        %ge3A_871 = vector.broadcast %ge3A_870 : f32 to vector<16xf32>
        %ge3A_872 = arith.cmpf oge, %get3A_861, %ge3A_871 : vector<16xf32>
        %jit3A_873 = arith.constant 1 : i32
        %jit3A_874 = arith.constant 0 : i32
        %broadcast_in_dim3A_875 = vector.broadcast %jit3A_873 : i32 to vector<16xi32>
        %broadcast_in_dim3A_876 = vector.broadcast %jit3A_874 : i32 to vector<16xi32>
        %select_n3A_877 = arith.select %ge3A_872, %broadcast_in_dim3A_875, %broadcast_in_dim3A_876 : vector<16xi1>, vector<16xi32>
        %add3A_878 = arith.addi %select_n3A_869, %select_n3A_877 : vector<16xi32>
        %ge3A_879 = arith.constant -4.000000e+02 : f32
        %ge3A_880 = vector.broadcast %ge3A_879 : f32 to vector<16xf32>
        %ge3A_881 = arith.cmpf oge, %get3A_861, %ge3A_880 : vector<16xf32>
        %jit3A_882 = arith.constant 1 : i32
        %jit3A_883 = arith.constant 0 : i32
        %broadcast_in_dim3A_884 = vector.broadcast %jit3A_882 : i32 to vector<16xi32>
        %broadcast_in_dim3A_885 = vector.broadcast %jit3A_883 : i32 to vector<16xi32>
        %select_n3A_886 = arith.select %ge3A_881, %broadcast_in_dim3A_884, %broadcast_in_dim3A_885 : vector<16xi1>, vector<16xi32>
        %add3A_887 = arith.addi %add3A_878, %select_n3A_886 : vector<16xi32>
        %ge3A_888 = arith.constant -1.000000e+02 : f32
        %ge3A_889 = vector.broadcast %ge3A_888 : f32 to vector<16xf32>
        %ge3A_890 = arith.cmpf oge, %get3A_861, %ge3A_889 : vector<16xf32>
        %jit3A_891 = arith.constant 1 : i32
        %jit3A_892 = arith.constant 0 : i32
        %broadcast_in_dim3A_893 = vector.broadcast %jit3A_891 : i32 to vector<16xi32>
        %broadcast_in_dim3A_894 = vector.broadcast %jit3A_892 : i32 to vector<16xi32>
        %select_n3A_895 = arith.select %ge3A_890, %broadcast_in_dim3A_893, %broadcast_in_dim3A_894 : vector<16xi1>, vector<16xi32>
        %add3A_896 = arith.addi %add3A_887, %select_n3A_895 : vector<16xi32>
        %ge3A_897 = arith.constant -5.000000e+01 : f32
        %ge3A_898 = vector.broadcast %ge3A_897 : f32 to vector<16xf32>
        %ge3A_899 = arith.cmpf oge, %get3A_861, %ge3A_898 : vector<16xf32>
        %jit3A_900 = arith.constant 1 : i32
        %jit3A_901 = arith.constant 0 : i32
        %broadcast_in_dim3A_902 = vector.broadcast %jit3A_900 : i32 to vector<16xi32>
        %broadcast_in_dim3A_903 = vector.broadcast %jit3A_901 : i32 to vector<16xi32>
        %select_n3A_904 = arith.select %ge3A_899, %broadcast_in_dim3A_902, %broadcast_in_dim3A_903 : vector<16xi1>, vector<16xi32>
        %add3A_905 = arith.addi %add3A_896, %select_n3A_904 : vector<16xi32>
        %ge3A_906 = arith.constant -1.000000e+01 : f32
        %ge3A_907 = vector.broadcast %ge3A_906 : f32 to vector<16xf32>
        %ge3A_908 = arith.cmpf oge, %get3A_861, %ge3A_907 : vector<16xf32>
        %jit3A_909 = arith.constant 1 : i32
        %jit3A_910 = arith.constant 0 : i32
        %broadcast_in_dim3A_911 = vector.broadcast %jit3A_909 : i32 to vector<16xi32>
        %broadcast_in_dim3A_912 = vector.broadcast %jit3A_910 : i32 to vector<16xi32>
        %select_n3A_913 = arith.select %ge3A_908, %broadcast_in_dim3A_911, %broadcast_in_dim3A_912 : vector<16xi1>, vector<16xi32>
        %add3A_914 = arith.addi %add3A_905, %select_n3A_913 : vector<16xi32>
        %ge3A_915 = arith.constant 2.000000e+01 : f32
        %ge3A_916 = vector.broadcast %ge3A_915 : f32 to vector<16xf32>
        %ge3A_917 = arith.cmpf oge, %get3A_861, %ge3A_916 : vector<16xf32>
        %jit3A_918 = arith.constant 1 : i32
        %jit3A_919 = arith.constant 0 : i32
        %broadcast_in_dim3A_920 = vector.broadcast %jit3A_918 : i32 to vector<16xi32>
        %broadcast_in_dim3A_921 = vector.broadcast %jit3A_919 : i32 to vector<16xi32>
        %select_n3A_922 = arith.select %ge3A_917, %broadcast_in_dim3A_920, %broadcast_in_dim3A_921 : vector<16xi1>, vector<16xi32>
        %add3A_923 = arith.addi %add3A_914, %select_n3A_922 : vector<16xi32>
        %ge3A_924 = arith.constant 4.000000e+01 : f32
        %ge3A_925 = vector.broadcast %ge3A_924 : f32 to vector<16xf32>
        %ge3A_926 = arith.cmpf oge, %get3A_861, %ge3A_925 : vector<16xf32>
        %jit3A_927 = arith.constant 1 : i32
        %jit3A_928 = arith.constant 0 : i32
        %broadcast_in_dim3A_929 = vector.broadcast %jit3A_927 : i32 to vector<16xi32>
        %broadcast_in_dim3A_930 = vector.broadcast %jit3A_928 : i32 to vector<16xi32>
        %select_n3A_931 = arith.select %ge3A_926, %broadcast_in_dim3A_929, %broadcast_in_dim3A_930 : vector<16xi1>, vector<16xi32>
        %add3A_932 = arith.addi %add3A_923, %select_n3A_931 : vector<16xi32>
        %ge3A_933 = arith.constant 6.000000e+01 : f32
        %ge3A_934 = vector.broadcast %ge3A_933 : f32 to vector<16xf32>
        %ge3A_935 = arith.cmpf oge, %get3A_861, %ge3A_934 : vector<16xf32>
        %jit3A_936 = arith.constant 1 : i32
        %jit3A_937 = arith.constant 0 : i32
        %broadcast_in_dim3A_938 = vector.broadcast %jit3A_936 : i32 to vector<16xi32>
        %broadcast_in_dim3A_939 = vector.broadcast %jit3A_937 : i32 to vector<16xi32>
        %select_n3A_940 = arith.select %ge3A_935, %broadcast_in_dim3A_938, %broadcast_in_dim3A_939 : vector<16xi1>, vector<16xi32>
        %add3A_941 = arith.addi %add3A_932, %select_n3A_940 : vector<16xi32>
        %ge3A_942 = arith.constant 1.000000e+02 : f32
        %ge3A_943 = vector.broadcast %ge3A_942 : f32 to vector<16xf32>
        %ge3A_944 = arith.cmpf oge, %get3A_861, %ge3A_943 : vector<16xf32>
        %jit3A_945 = arith.constant 1 : i32
        %jit3A_946 = arith.constant 0 : i32
        %broadcast_in_dim3A_947 = vector.broadcast %jit3A_945 : i32 to vector<16xi32>
        %broadcast_in_dim3A_948 = vector.broadcast %jit3A_946 : i32 to vector<16xi32>
        %select_n3A_949 = arith.select %ge3A_944, %broadcast_in_dim3A_947, %broadcast_in_dim3A_948 : vector<16xi1>, vector<16xi32>
        %add3A_950 = arith.addi %add3A_941, %select_n3A_949 : vector<16xi32>
        %ge3A_951 = arith.constant 8.000000e+02 : f32
        %ge3A_952 = vector.broadcast %ge3A_951 : f32 to vector<16xf32>
        %ge3A_953 = arith.cmpf oge, %get3A_861, %ge3A_952 : vector<16xf32>
        %jit3A_954 = arith.constant 1 : i32
        %jit3A_955 = arith.constant 0 : i32
        %broadcast_in_dim3A_956 = vector.broadcast %jit3A_954 : i32 to vector<16xi32>
        %broadcast_in_dim3A_957 = vector.broadcast %jit3A_955 : i32 to vector<16xi32>
        %select_n3A_958 = arith.select %ge3A_953, %broadcast_in_dim3A_956, %broadcast_in_dim3A_957 : vector<16xi1>, vector<16xi32>
        %add3A_959 = arith.addi %add3A_950, %select_n3A_958 : vector<16xi32>
        %ge3A_960 = arith.constant 1.000000e+03 : f32
        %ge3A_961 = vector.broadcast %ge3A_960 : f32 to vector<16xf32>
        %ge3A_962 = arith.cmpf oge, %get3A_861, %ge3A_961 : vector<16xf32>
        %jit3A_963 = arith.constant 1 : i32
        %jit3A_964 = arith.constant 0 : i32
        %broadcast_in_dim3A_965 = vector.broadcast %jit3A_963 : i32 to vector<16xi32>
        %broadcast_in_dim3A_966 = vector.broadcast %jit3A_964 : i32 to vector<16xi32>
        %select_n3A_967 = arith.select %ge3A_962, %broadcast_in_dim3A_965, %broadcast_in_dim3A_966 : vector<16xi1>, vector<16xi32>
        %add3A_968 = arith.addi %add3A_959, %select_n3A_967 : vector<16xi32>
        %jit3A_969 = arith.constant 4 : i32
        %div3A_970 = arith.divsi %scan3A_815, %jit3A_969 : i32
        %sign3A_971 = arith.constant 0 : i32
        %sign3A_972 = arith.cmpi sgt, %scan3A_815, %sign3A_971 : i32
        %sign3A_973 = arith.extui %sign3A_972 : i1 to i32
        %sign3A_974 = arith.constant 0 : i32
        %sign3A_975 = arith.cmpi slt, %scan3A_815, %sign3A_974 : i32
        %sign3A_976 = arith.extui %sign3A_975 : i1 to i32
        %sign3A_977 = arith.subi %sign3A_973, %sign3A_976 : i32
        %sign3A_978 = arith.constant 0 : i32
        %sign3A_979 = arith.cmpi sgt, %jit3A_969, %sign3A_978 : i32
        %sign3A_980 = arith.extui %sign3A_979 : i1 to i32
        %sign3A_981 = arith.constant 0 : i32
        %sign3A_982 = arith.cmpi slt, %jit3A_969, %sign3A_981 : i32
        %sign3A_983 = arith.extui %sign3A_982 : i1 to i32
        %sign3A_984 = arith.subi %sign3A_980, %sign3A_983 : i32
        %ne3A_985 = arith.cmpi ne, %sign3A_977, %sign3A_984 : i32
        %rem3A_986 = arith.remsi %scan3A_815, %jit3A_969 : i32
        %ne3A_987 = arith.constant 0 : i32
        %ne3A_988 = arith.cmpi ne, %rem3A_986, %ne3A_987 : i32
        %and3A_989 = arith.andi %ne3A_985, %ne3A_988 : i1
        %sub3A_990 = arith.constant 1 : i32
        %sub3A_991 = arith.subi %div3A_970, %sub3A_990 : i32
        %select_n3A_992 = arith.select %and3A_989, %sub3A_991, %div3A_970 : i32
        %jit3A_993 = arith.constant 4 : i32
        %eq3A_994 = arith.constant 0 : i32
        %eq3A_995 = arith.cmpi eq, %jit3A_993, %eq3A_994 : i32
        %jit3A_996 = arith.constant 1 : i32
        %select_n3A_997 = arith.select %eq3A_995, %jit3A_996, %jit3A_993 : i32
        %rem3A_998 = arith.remsi %scan3A_815, %select_n3A_997 : i32
        %ne3A_999 = arith.constant 0 : i32
        %ne3A_1000 = arith.cmpi ne, %rem3A_998, %ne3A_999 : i32
        %lt3A_1001 = arith.constant 0 : i32
        %lt3A_1002 = arith.cmpi slt, %rem3A_998, %lt3A_1001 : i32
        %lt3A_1003 = arith.constant 0 : i32
        %lt3A_1004 = arith.cmpi slt, %select_n3A_997, %lt3A_1003 : i32
        %ne3A_1005 = arith.xori %lt3A_1002, %lt3A_1004 : i1
        %and3A_1006 = arith.andi %ne3A_1005, %ne3A_1000 : i1
        %add3A_1007 = arith.addi %rem3A_998, %select_n3A_997 : i32
        %select_n3A_1008 = arith.select %and3A_1006, %add3A_1007, %rem3A_998 : i32
        %get3A_1009 = arith.constant 1 : i32
        %get3A_1010 = arith.index_cast %get3A_1009 : i32 to index
        %get3A_1011 = arith.index_cast %select_n3A_992 : i32 to index
        %get3A_1012 = arith.index_cast %select_n3A_1008 : i32 to index
        %get3A_1013 = arith.constant 16 : index
        %get3A_1014 = tpu.vector_load %arg5[%get3A_1010, %get3A_1011, %get3A_1012, %get3A_1013] {strides = array<i32>} : memref<2x4x4x96xf32, #tpu.memory_space<vmem>>, vector<1x1x1x16xf32>,
        %get3A_1015 = vector.shape_cast %get3A_1014 : vector<1x1x1x16xf32> to vector<16xf32>
        %ge3A_1016 = arith.constant -1.000000e+03 : f32
        %ge3A_1017 = vector.broadcast %ge3A_1016 : f32 to vector<16xf32>
        %ge3A_1018 = arith.cmpf oge, %get3A_1015, %ge3A_1017 : vector<16xf32>
        %jit3A_1019 = arith.constant 1 : i32
        %jit3A_1020 = arith.constant 0 : i32
        %broadcast_in_dim3A_1021 = vector.broadcast %jit3A_1019 : i32 to vector<16xi32>
        %broadcast_in_dim3A_1022 = vector.broadcast %jit3A_1020 : i32 to vector<16xi32>
        %select_n3A_1023 = arith.select %ge3A_1018, %broadcast_in_dim3A_1021, %broadcast_in_dim3A_1022 : vector<16xi1>, vector<16xi32>
        %ge3A_1024 = arith.constant -9.000000e+02 : f32
        %ge3A_1025 = vector.broadcast %ge3A_1024 : f32 to vector<16xf32>
        %ge3A_1026 = arith.cmpf oge, %get3A_1015, %ge3A_1025 : vector<16xf32>
        %jit3A_1027 = arith.constant 1 : i32
        %jit3A_1028 = arith.constant 0 : i32
        %broadcast_in_dim3A_1029 = vector.broadcast %jit3A_1027 : i32 to vector<16xi32>
        %broadcast_in_dim3A_1030 = vector.broadcast %jit3A_1028 : i32 to vector<16xi32>
        %select_n3A_1031 = arith.select %ge3A_1026, %broadcast_in_dim3A_1029, %broadcast_in_dim3A_1030 : vector<16xi1>, vector<16xi32>
        %add3A_1032 = arith.addi %select_n3A_1023, %select_n3A_1031 : vector<16xi32>
        %ge3A_1033 = arith.constant -4.000000e+02 : f32
        %ge3A_1034 = vector.broadcast %ge3A_1033 : f32 to vector<16xf32>
        %ge3A_1035 = arith.cmpf oge, %get3A_1015, %ge3A_1034 : vector<16xf32>
        %jit3A_1036 = arith.constant 1 : i32
        %jit3A_1037 = arith.constant 0 : i32
        %broadcast_in_dim3A_1038 = vector.broadcast %jit3A_1036 : i32 to vector<16xi32>
        %broadcast_in_dim3A_1039 = vector.broadcast %jit3A_1037 : i32 to vector<16xi32>
        %select_n3A_1040 = arith.select %ge3A_1035, %broadcast_in_dim3A_1038, %broadcast_in_dim3A_1039 : vector<16xi1>, vector<16xi32>
        %add3A_1041 = arith.addi %add3A_1032, %select_n3A_1040 : vector<16xi32>
        %ge3A_1042 = arith.constant -1.000000e+02 : f32
        %ge3A_1043 = vector.broadcast %ge3A_1042 : f32 to vector<16xf32>
        %ge3A_1044 = arith.cmpf oge, %get3A_1015, %ge3A_1043 : vector<16xf32>
        %jit3A_1045 = arith.constant 1 : i32
        %jit3A_1046 = arith.constant 0 : i32
        %broadcast_in_dim3A_1047 = vector.broadcast %jit3A_1045 : i32 to vector<16xi32>
        %broadcast_in_dim3A_1048 = vector.broadcast %jit3A_1046 : i32 to vector<16xi32>
        %select_n3A_1049 = arith.select %ge3A_1044, %broadcast_in_dim3A_1047, %broadcast_in_dim3A_1048 : vector<16xi1>, vector<16xi32>
        %add3A_1050 = arith.addi %add3A_1041, %select_n3A_1049 : vector<16xi32>
        %ge3A_1051 = arith.constant -5.000000e+01 : f32
        %ge3A_1052 = vector.broadcast %ge3A_1051 : f32 to vector<16xf32>
        %ge3A_1053 = arith.cmpf oge, %get3A_1015, %ge3A_1052 : vector<16xf32>
        %jit3A_1054 = arith.constant 1 : i32
        %jit3A_1055 = arith.constant 0 : i32
        %broadcast_in_dim3A_1056 = vector.broadcast %jit3A_1054 : i32 to vector<16xi32>
        %broadcast_in_dim3A_1057 = vector.broadcast %jit3A_1055 : i32 to vector<16xi32>
        %select_n3A_1058 = arith.select %ge3A_1053, %broadcast_in_dim3A_1056, %broadcast_in_dim3A_1057 : vector<16xi1>, vector<16xi32>
        %add3A_1059 = arith.addi %add3A_1050, %select_n3A_1058 : vector<16xi32>
        %ge3A_1060 = arith.constant -1.000000e+01 : f32
        %ge3A_1061 = vector.broadcast %ge3A_1060 : f32 to vector<16xf32>
        %ge3A_1062 = arith.cmpf oge, %get3A_1015, %ge3A_1061 : vector<16xf32>
        %jit3A_1063 = arith.constant 1 : i32
        %jit3A_1064 = arith.constant 0 : i32
        %broadcast_in_dim3A_1065 = vector.broadcast %jit3A_1063 : i32 to vector<16xi32>
        %broadcast_in_dim3A_1066 = vector.broadcast %jit3A_1064 : i32 to vector<16xi32>
        %select_n3A_1067 = arith.select %ge3A_1062, %broadcast_in_dim3A_1065, %broadcast_in_dim3A_1066 : vector<16xi1>, vector<16xi32>
        %add3A_1068 = arith.addi %add3A_1059, %select_n3A_1067 : vector<16xi32>
        %ge3A_1069 = arith.constant 2.000000e+01 : f32
        %ge3A_1070 = vector.broadcast %ge3A_1069 : f32 to vector<16xf32>
        %ge3A_1071 = arith.cmpf oge, %get3A_1015, %ge3A_1070 : vector<16xf32>
        %jit3A_1072 = arith.constant 1 : i32
        %jit3A_1073 = arith.constant 0 : i32
        %broadcast_in_dim3A_1074 = vector.broadcast %jit3A_1072 : i32 to vector<16xi32>
        %broadcast_in_dim3A_1075 = vector.broadcast %jit3A_1073 : i32 to vector<16xi32>
        %select_n3A_1076 = arith.select %ge3A_1071, %broadcast_in_dim3A_1074, %broadcast_in_dim3A_1075 : vector<16xi1>, vector<16xi32>
        %add3A_1077 = arith.addi %add3A_1068, %select_n3A_1076 : vector<16xi32>
        %ge3A_1078 = arith.constant 4.000000e+01 : f32
        %ge3A_1079 = vector.broadcast %ge3A_1078 : f32 to vector<16xf32>
        %ge3A_1080 = arith.cmpf oge, %get3A_1015, %ge3A_1079 : vector<16xf32>
        %jit3A_1081 = arith.constant 1 : i32
        %jit3A_1082 = arith.constant 0 : i32
        %broadcast_in_dim3A_1083 = vector.broadcast %jit3A_1081 : i32 to vector<16xi32>
        %broadcast_in_dim3A_1084 = vector.broadcast %jit3A_1082 : i32 to vector<16xi32>
        %select_n3A_1085 = arith.select %ge3A_1080, %broadcast_in_dim3A_1083, %broadcast_in_dim3A_1084 : vector<16xi1>, vector<16xi32>
        %add3A_1086 = arith.addi %add3A_1077, %select_n3A_1085 : vector<16xi32>
        %ge3A_1087 = arith.constant 6.000000e+01 : f32
        %ge3A_1088 = vector.broadcast %ge3A_1087 : f32 to vector<16xf32>
        %ge3A_1089 = arith.cmpf oge, %get3A_1015, %ge3A_1088 : vector<16xf32>
        %jit3A_1090 = arith.constant 1 : i32
        %jit3A_1091 = arith.constant 0 : i32
        %broadcast_in_dim3A_1092 = vector.broadcast %jit3A_1090 : i32 to vector<16xi32>
        %broadcast_in_dim3A_1093 = vector.broadcast %jit3A_1091 : i32 to vector<16xi32>
        %select_n3A_1094 = arith.select %ge3A_1089, %broadcast_in_dim3A_1092, %broadcast_in_dim3A_1093 : vector<16xi1>, vector<16xi32>
        %add3A_1095 = arith.addi %add3A_1086, %select_n3A_1094 : vector<16xi32>
        %ge3A_1096 = arith.constant 1.000000e+02 : f32
        %ge3A_1097 = vector.broadcast %ge3A_1096 : f32 to vector<16xf32>
        %ge3A_1098 = arith.cmpf oge, %get3A_1015, %ge3A_1097 : vector<16xf32>
        %jit3A_1099 = arith.constant 1 : i32
        %jit3A_1100 = arith.constant 0 : i32
        %broadcast_in_dim3A_1101 = vector.broadcast %jit3A_1099 : i32 to vector<16xi32>
        %broadcast_in_dim3A_1102 = vector.broadcast %jit3A_1100 : i32 to vector<16xi32>
        %select_n3A_1103 = arith.select %ge3A_1098, %broadcast_in_dim3A_1101, %broadcast_in_dim3A_1102 : vector<16xi1>, vector<16xi32>
        %add3A_1104 = arith.addi %add3A_1095, %select_n3A_1103 : vector<16xi32>
        %ge3A_1105 = arith.constant 8.000000e+02 : f32
        %ge3A_1106 = vector.broadcast %ge3A_1105 : f32 to vector<16xf32>
        %ge3A_1107 = arith.cmpf oge, %get3A_1015, %ge3A_1106 : vector<16xf32>
        %jit3A_1108 = arith.constant 1 : i32
        %jit3A_1109 = arith.constant 0 : i32
        %broadcast_in_dim3A_1110 = vector.broadcast %jit3A_1108 : i32 to vector<16xi32>
        %broadcast_in_dim3A_1111 = vector.broadcast %jit3A_1109 : i32 to vector<16xi32>
        %select_n3A_1112 = arith.select %ge3A_1107, %broadcast_in_dim3A_1110, %broadcast_in_dim3A_1111 : vector<16xi1>, vector<16xi32>
        %add3A_1113 = arith.addi %add3A_1104, %select_n3A_1112 : vector<16xi32>
        %ge3A_1114 = arith.constant 1.000000e+03 : f32
        %ge3A_1115 = vector.broadcast %ge3A_1114 : f32 to vector<16xf32>
        %ge3A_1116 = arith.cmpf oge, %get3A_1015, %ge3A_1115 : vector<16xf32>
        %jit3A_1117 = arith.constant 1 : i32
        %jit3A_1118 = arith.constant 0 : i32
        %broadcast_in_dim3A_1119 = vector.broadcast %jit3A_1117 : i32 to vector<16xi32>
        %broadcast_in_dim3A_1120 = vector.broadcast %jit3A_1118 : i32 to vector<16xi32>
        %select_n3A_1121 = arith.select %ge3A_1116, %broadcast_in_dim3A_1119, %broadcast_in_dim3A_1120 : vector<16xi1>, vector<16xi32>
        %add3A_1122 = arith.addi %add3A_1113, %select_n3A_1121 : vector<16xi32>
        %jit3A_1123 = arith.constant 4 : i32
        %div3A_1124 = arith.divsi %scan3A_815, %jit3A_1123 : i32
        %sign3A_1125 = arith.constant 0 : i32
        %sign3A_1126 = arith.cmpi sgt, %scan3A_815, %sign3A_1125 : i32
        %sign3A_1127 = arith.extui %sign3A_1126 : i1 to i32
        %sign3A_1128 = arith.constant 0 : i32
        %sign3A_1129 = arith.cmpi slt, %scan3A_815, %sign3A_1128 : i32
        %sign3A_1130 = arith.extui %sign3A_1129 : i1 to i32
        %sign3A_1131 = arith.subi %sign3A_1127, %sign3A_1130 : i32
        %sign3A_1132 = arith.constant 0 : i32
        %sign3A_1133 = arith.cmpi sgt, %jit3A_1123, %sign3A_1132 : i32
        %sign3A_1134 = arith.extui %sign3A_1133 : i1 to i32
        %sign3A_1135 = arith.constant 0 : i32
        %sign3A_1136 = arith.cmpi slt, %jit3A_1123, %sign3A_1135 : i32
        %sign3A_1137 = arith.extui %sign3A_1136 : i1 to i32
        %sign3A_1138 = arith.subi %sign3A_1134, %sign3A_1137 : i32
        %ne3A_1139 = arith.cmpi ne, %sign3A_1131, %sign3A_1138 : i32
        %rem3A_1140 = arith.remsi %scan3A_815, %jit3A_1123 : i32
        %ne3A_1141 = arith.constant 0 : i32
        %ne3A_1142 = arith.cmpi ne, %rem3A_1140, %ne3A_1141 : i32
        %and3A_1143 = arith.andi %ne3A_1139, %ne3A_1142 : i1
        %sub3A_1144 = arith.constant 1 : i32
        %sub3A_1145 = arith.subi %div3A_1124, %sub3A_1144 : i32
        %select_n3A_1146 = arith.select %and3A_1143, %sub3A_1145, %div3A_1124 : i32
        %jit3A_1147 = arith.constant 4 : i32
        %eq3A_1148 = arith.constant 0 : i32
        %eq3A_1149 = arith.cmpi eq, %jit3A_1147, %eq3A_1148 : i32
        %jit3A_1150 = arith.constant 1 : i32
        %select_n3A_1151 = arith.select %eq3A_1149, %jit3A_1150, %jit3A_1147 : i32
        %rem3A_1152 = arith.remsi %scan3A_815, %select_n3A_1151 : i32
        %ne3A_1153 = arith.constant 0 : i32
        %ne3A_1154 = arith.cmpi ne, %rem3A_1152, %ne3A_1153 : i32
        %lt3A_1155 = arith.constant 0 : i32
        %lt3A_1156 = arith.cmpi slt, %rem3A_1152, %lt3A_1155 : i32
        %lt3A_1157 = arith.constant 0 : i32
        %lt3A_1158 = arith.cmpi slt, %select_n3A_1151, %lt3A_1157 : i32
        %ne3A_1159 = arith.xori %lt3A_1156, %lt3A_1158 : i1
        %and3A_1160 = arith.andi %ne3A_1159, %ne3A_1154 : i1
        %add3A_1161 = arith.addi %rem3A_1152, %select_n3A_1151 : i32
        %select_n3A_1162 = arith.select %and3A_1160, %add3A_1161, %rem3A_1152 : i32
        %get3A_1163 = arith.constant 1 : i32
        %get3A_1164 = arith.index_cast %get3A_1163 : i32 to index
        %get3A_1165 = arith.index_cast %select_n3A_1146 : i32 to index
        %get3A_1166 = arith.index_cast %select_n3A_1162 : i32 to index
        %get3A_1167 = arith.constant 32 : index
        %get3A_1168 = tpu.vector_load %arg5[%get3A_1164, %get3A_1165, %get3A_1166, %get3A_1167] {strides = array<i32>} : memref<2x4x4x96xf32, #tpu.memory_space<vmem>>, vector<1x1x1x16xf32>,
        %get3A_1169 = vector.shape_cast %get3A_1168 : vector<1x1x1x16xf32> to vector<16xf32>
        %ge3A_1170 = arith.constant -1.000000e+03 : f32
        %ge3A_1171 = vector.broadcast %ge3A_1170 : f32 to vector<16xf32>
        %ge3A_1172 = arith.cmpf oge, %get3A_1169, %ge3A_1171 : vector<16xf32>
        %jit3A_1173 = arith.constant 1 : i32
        %jit3A_1174 = arith.constant 0 : i32
        %broadcast_in_dim3A_1175 = vector.broadcast %jit3A_1173 : i32 to vector<16xi32>
        %broadcast_in_dim3A_1176 = vector.broadcast %jit3A_1174 : i32 to vector<16xi32>
        %select_n3A_1177 = arith.select %ge3A_1172, %broadcast_in_dim3A_1175, %broadcast_in_dim3A_1176 : vector<16xi1>, vector<16xi32>
        %ge3A_1178 = arith.constant -9.000000e+02 : f32
        %ge3A_1179 = vector.broadcast %ge3A_1178 : f32 to vector<16xf32>
        %ge3A_1180 = arith.cmpf oge, %get3A_1169, %ge3A_1179 : vector<16xf32>
        %jit3A_1181 = arith.constant 1 : i32
        %jit3A_1182 = arith.constant 0 : i32
        %broadcast_in_dim3A_1183 = vector.broadcast %jit3A_1181 : i32 to vector<16xi32>
        %broadcast_in_dim3A_1184 = vector.broadcast %jit3A_1182 : i32 to vector<16xi32>
        %select_n3A_1185 = arith.select %ge3A_1180, %broadcast_in_dim3A_1183, %broadcast_in_dim3A_1184 : vector<16xi1>, vector<16xi32>
        %add3A_1186 = arith.addi %select_n3A_1177, %select_n3A_1185 : vector<16xi32>
        %ge3A_1187 = arith.constant -4.000000e+02 : f32
        %ge3A_1188 = vector.broadcast %ge3A_1187 : f32 to vector<16xf32>
        %ge3A_1189 = arith.cmpf oge, %get3A_1169, %ge3A_1188 : vector<16xf32>
        %jit3A_1190 = arith.constant 1 : i32
        %jit3A_1191 = arith.constant 0 : i32
        %broadcast_in_dim3A_1192 = vector.broadcast %jit3A_1190 : i32 to vector<16xi32>
        %broadcast_in_dim3A_1193 = vector.broadcast %jit3A_1191 : i32 to vector<16xi32>
        %select_n3A_1194 = arith.select %ge3A_1189, %broadcast_in_dim3A_1192, %broadcast_in_dim3A_1193 : vector<16xi1>, vector<16xi32>
        %add3A_1195 = arith.addi %add3A_1186, %select_n3A_1194 : vector<16xi32>
        %ge3A_1196 = arith.constant -1.000000e+02 : f32
        %ge3A_1197 = vector.broadcast %ge3A_1196 : f32 to vector<16xf32>
        %ge3A_1198 = arith.cmpf oge, %get3A_1169, %ge3A_1197 : vector<16xf32>
        %jit3A_1199 = arith.constant 1 : i32
        %jit3A_1200 = arith.constant 0 : i32
        %broadcast_in_dim3A_1201 = vector.broadcast %jit3A_1199 : i32 to vector<16xi32>
        %broadcast_in_dim3A_1202 = vector.broadcast %jit3A_1200 : i32 to vector<16xi32>
        %select_n3A_1203 = arith.select %ge3A_1198, %broadcast_in_dim3A_1201, %broadcast_in_dim3A_1202 : vector<16xi1>, vector<16xi32>
        %add3A_1204 = arith.addi %add3A_1195, %select_n3A_1203 : vector<16xi32>
        %ge3A_1205 = arith.constant -5.000000e+01 : f32
        %ge3A_1206 = vector.broadcast %ge3A_1205 : f32 to vector<16xf32>
        %ge3A_1207 = arith.cmpf oge, %get3A_1169, %ge3A_1206 : vector<16xf32>
        %jit3A_1208 = arith.constant 1 : i32
        %jit3A_1209 = arith.constant 0 : i32
        %broadcast_in_dim3A_1210 = vector.broadcast %jit3A_1208 : i32 to vector<16xi32>
        %broadcast_in_dim3A_1211 = vector.broadcast %jit3A_1209 : i32 to vector<16xi32>
        %select_n3A_1212 = arith.select %ge3A_1207, %broadcast_in_dim3A_1210, %broadcast_in_dim3A_1211 : vector<16xi1>, vector<16xi32>
        %add3A_1213 = arith.addi %add3A_1204, %select_n3A_1212 : vector<16xi32>
        %ge3A_1214 = arith.constant -1.000000e+01 : f32
        %ge3A_1215 = vector.broadcast %ge3A_1214 : f32 to vector<16xf32>
        %ge3A_1216 = arith.cmpf oge, %get3A_1169, %ge3A_1215 : vector<16xf32>
        %jit3A_1217 = arith.constant 1 : i32
        %jit3A_1218 = arith.constant 0 : i32
        %broadcast_in_dim3A_1219 = vector.broadcast %jit3A_1217 : i32 to vector<16xi32>
        %broadcast_in_dim3A_1220 = vector.broadcast %jit3A_1218 : i32 to vector<16xi32>
        %select_n3A_1221 = arith.select %ge3A_1216, %broadcast_in_dim3A_1219, %broadcast_in_dim3A_1220 : vector<16xi1>, vector<16xi32>
        %add3A_1222 = arith.addi %add3A_1213, %select_n3A_1221 : vector<16xi32>
        %ge3A_1223 = arith.constant 2.000000e+01 : f32
        %ge3A_1224 = vector.broadcast %ge3A_1223 : f32 to vector<16xf32>
        %ge3A_1225 = arith.cmpf oge, %get3A_1169, %ge3A_1224 : vector<16xf32>
        %jit3A_1226 = arith.constant 1 : i32
        %jit3A_1227 = arith.constant 0 : i32
        %broadcast_in_dim3A_1228 = vector.broadcast %jit3A_1226 : i32 to vector<16xi32>
        %broadcast_in_dim3A_1229 = vector.broadcast %jit3A_1227 : i32 to vector<16xi32>
        %select_n3A_1230 = arith.select %ge3A_1225, %broadcast_in_dim3A_1228, %broadcast_in_dim3A_1229 : vector<16xi1>, vector<16xi32>
        %add3A_1231 = arith.addi %add3A_1222, %select_n3A_1230 : vector<16xi32>
        %ge3A_1232 = arith.constant 4.000000e+01 : f32
        %ge3A_1233 = vector.broadcast %ge3A_1232 : f32 to vector<16xf32>
        %ge3A_1234 = arith.cmpf oge, %get3A_1169, %ge3A_1233 : vector<16xf32>
        %jit3A_1235 = arith.constant 1 : i32
        %jit3A_1236 = arith.constant 0 : i32
        %broadcast_in_dim3A_1237 = vector.broadcast %jit3A_1235 : i32 to vector<16xi32>
        %broadcast_in_dim3A_1238 = vector.broadcast %jit3A_1236 : i32 to vector<16xi32>
        %select_n3A_1239 = arith.select %ge3A_1234, %broadcast_in_dim3A_1237, %broadcast_in_dim3A_1238 : vector<16xi1>, vector<16xi32>
        %add3A_1240 = arith.addi %add3A_1231, %select_n3A_1239 : vector<16xi32>
        %ge3A_1241 = arith.constant 6.000000e+01 : f32
        %ge3A_1242 = vector.broadcast %ge3A_1241 : f32 to vector<16xf32>
        %ge3A_1243 = arith.cmpf oge, %get3A_1169, %ge3A_1242 : vector<16xf32>
        %jit3A_1244 = arith.constant 1 : i32
        %jit3A_1245 = arith.constant 0 : i32
        %broadcast_in_dim3A_1246 = vector.broadcast %jit3A_1244 : i32 to vector<16xi32>
        %broadcast_in_dim3A_1247 = vector.broadcast %jit3A_1245 : i32 to vector<16xi32>
        %select_n3A_1248 = arith.select %ge3A_1243, %broadcast_in_dim3A_1246, %broadcast_in_dim3A_1247 : vector<16xi1>, vector<16xi32>
        %add3A_1249 = arith.addi %add3A_1240, %select_n3A_1248 : vector<16xi32>
        %ge3A_1250 = arith.constant 1.000000e+02 : f32
        %ge3A_1251 = vector.broadcast %ge3A_1250 : f32 to vector<16xf32>
        %ge3A_1252 = arith.cmpf oge, %get3A_1169, %ge3A_1251 : vector<16xf32>
        %jit3A_1253 = arith.constant 1 : i32
        %jit3A_1254 = arith.constant 0 : i32
        %broadcast_in_dim3A_1255 = vector.broadcast %jit3A_1253 : i32 to vector<16xi32>
        %broadcast_in_dim3A_1256 = vector.broadcast %jit3A_1254 : i32 to vector<16xi32>
        %select_n3A_1257 = arith.select %ge3A_1252, %broadcast_in_dim3A_1255, %broadcast_in_dim3A_1256 : vector<16xi1>, vector<16xi32>
        %add3A_1258 = arith.addi %add3A_1249, %select_n3A_1257 : vector<16xi32>
        %ge3A_1259 = arith.constant 8.000000e+02 : f32
        %ge3A_1260 = vector.broadcast %ge3A_1259 : f32 to vector<16xf32>
        %ge3A_1261 = arith.cmpf oge, %get3A_1169, %ge3A_1260 : vector<16xf32>
        %jit3A_1262 = arith.constant 1 : i32
        %jit3A_1263 = arith.constant 0 : i32
        %broadcast_in_dim3A_1264 = vector.broadcast %jit3A_1262 : i32 to vector<16xi32>
        %broadcast_in_dim3A_1265 = vector.broadcast %jit3A_1263 : i32 to vector<16xi32>
        %select_n3A_1266 = arith.select %ge3A_1261, %broadcast_in_dim3A_1264, %broadcast_in_dim3A_1265 : vector<16xi1>, vector<16xi32>
        %add3A_1267 = arith.addi %add3A_1258, %select_n3A_1266 : vector<16xi32>
        %ge3A_1268 = arith.constant 1.000000e+03 : f32
        %ge3A_1269 = vector.broadcast %ge3A_1268 : f32 to vector<16xf32>
        %ge3A_1270 = arith.cmpf oge, %get3A_1169, %ge3A_1269 : vector<16xf32>
        %jit3A_1271 = arith.constant 1 : i32
        %jit3A_1272 = arith.constant 0 : i32
        %broadcast_in_dim3A_1273 = vector.broadcast %jit3A_1271 : i32 to vector<16xi32>
        %broadcast_in_dim3A_1274 = vector.broadcast %jit3A_1272 : i32 to vector<16xi32>
        %select_n3A_1275 = arith.select %ge3A_1270, %broadcast_in_dim3A_1273, %broadcast_in_dim3A_1274 : vector<16xi1>, vector<16xi32>
        %add3A_1276 = arith.addi %add3A_1267, %select_n3A_1275 : vector<16xi32>
        %jit3A_1277 = arith.constant 4 : i32
        %div3A_1278 = arith.divsi %scan3A_815, %jit3A_1277 : i32
        %sign3A_1279 = arith.constant 0 : i32
        %sign3A_1280 = arith.cmpi sgt, %scan3A_815, %sign3A_1279 : i32
        %sign3A_1281 = arith.extui %sign3A_1280 : i1 to i32
        %sign3A_1282 = arith.constant 0 : i32
        %sign3A_1283 = arith.cmpi slt, %scan3A_815, %sign3A_1282 : i32
        %sign3A_1284 = arith.extui %sign3A_1283 : i1 to i32
        %sign3A_1285 = arith.subi %sign3A_1281, %sign3A_1284 : i32
        %sign3A_1286 = arith.constant 0 : i32
        %sign3A_1287 = arith.cmpi sgt, %jit3A_1277, %sign3A_1286 : i32
        %sign3A_1288 = arith.extui %sign3A_1287 : i1 to i32
        %sign3A_1289 = arith.constant 0 : i32
        %sign3A_1290 = arith.cmpi slt, %jit3A_1277, %sign3A_1289 : i32
        %sign3A_1291 = arith.extui %sign3A_1290 : i1 to i32
        %sign3A_1292 = arith.subi %sign3A_1288, %sign3A_1291 : i32
        %ne3A_1293 = arith.cmpi ne, %sign3A_1285, %sign3A_1292 : i32
        %rem3A_1294 = arith.remsi %scan3A_815, %jit3A_1277 : i32
        %ne3A_1295 = arith.constant 0 : i32
        %ne3A_1296 = arith.cmpi ne, %rem3A_1294, %ne3A_1295 : i32
        %and3A_1297 = arith.andi %ne3A_1293, %ne3A_1296 : i1
        %sub3A_1298 = arith.constant 1 : i32
        %sub3A_1299 = arith.subi %div3A_1278, %sub3A_1298 : i32
        %select_n3A_1300 = arith.select %and3A_1297, %sub3A_1299, %div3A_1278 : i32
        %jit3A_1301 = arith.constant 4 : i32
        %eq3A_1302 = arith.constant 0 : i32
        %eq3A_1303 = arith.cmpi eq, %jit3A_1301, %eq3A_1302 : i32
        %jit3A_1304 = arith.constant 1 : i32
        %select_n3A_1305 = arith.select %eq3A_1303, %jit3A_1304, %jit3A_1301 : i32
        %rem3A_1306 = arith.remsi %scan3A_815, %select_n3A_1305 : i32
        %ne3A_1307 = arith.constant 0 : i32
        %ne3A_1308 = arith.cmpi ne, %rem3A_1306, %ne3A_1307 : i32
        %lt3A_1309 = arith.constant 0 : i32
        %lt3A_1310 = arith.cmpi slt, %rem3A_1306, %lt3A_1309 : i32
        %lt3A_1311 = arith.constant 0 : i32
        %lt3A_1312 = arith.cmpi slt, %select_n3A_1305, %lt3A_1311 : i32
        %ne3A_1313 = arith.xori %lt3A_1310, %lt3A_1312 : i1
        %and3A_1314 = arith.andi %ne3A_1313, %ne3A_1308 : i1
        %add3A_1315 = arith.addi %rem3A_1306, %select_n3A_1305 : i32
        %select_n3A_1316 = arith.select %and3A_1314, %add3A_1315, %rem3A_1306 : i32
        %get3A_1317 = arith.constant 1 : i32
        %get3A_1318 = arith.index_cast %get3A_1317 : i32 to index
        %get3A_1319 = arith.index_cast %select_n3A_1300 : i32 to index
        %get3A_1320 = arith.index_cast %select_n3A_1316 : i32 to index
        %get3A_1321 = arith.constant 48 : index
        %get3A_1322 = tpu.vector_load %arg5[%get3A_1318, %get3A_1319, %get3A_1320, %get3A_1321] {strides = array<i32>} : memref<2x4x4x96xf32, #tpu.memory_space<vmem>>, vector<1x1x1x16xf32>,
        %get3A_1323 = vector.shape_cast %get3A_1322 : vector<1x1x1x16xf32> to vector<16xf32>
        %ge3A_1324 = arith.constant -1.000000e+03 : f32
        %ge3A_1325 = vector.broadcast %ge3A_1324 : f32 to vector<16xf32>
        %ge3A_1326 = arith.cmpf oge, %get3A_1323, %ge3A_1325 : vector<16xf32>
        %jit3A_1327 = arith.constant 1 : i32
        %jit3A_1328 = arith.constant 0 : i32
        %broadcast_in_dim3A_1329 = vector.broadcast %jit3A_1327 : i32 to vector<16xi32>
        %broadcast_in_dim3A_1330 = vector.broadcast %jit3A_1328 : i32 to vector<16xi32>
        %select_n3A_1331 = arith.select %ge3A_1326, %broadcast_in_dim3A_1329, %broadcast_in_dim3A_1330 : vector<16xi1>, vector<16xi32>
        %ge3A_1332 = arith.constant -9.000000e+02 : f32
        %ge3A_1333 = vector.broadcast %ge3A_1332 : f32 to vector<16xf32>
        %ge3A_1334 = arith.cmpf oge, %get3A_1323, %ge3A_1333 : vector<16xf32>
        %jit3A_1335 = arith.constant 1 : i32
        %jit3A_1336 = arith.constant 0 : i32
        %broadcast_in_dim3A_1337 = vector.broadcast %jit3A_1335 : i32 to vector<16xi32>
        %broadcast_in_dim3A_1338 = vector.broadcast %jit3A_1336 : i32 to vector<16xi32>
        %select_n3A_1339 = arith.select %ge3A_1334, %broadcast_in_dim3A_1337, %broadcast_in_dim3A_1338 : vector<16xi1>, vector<16xi32>
        %add3A_1340 = arith.addi %select_n3A_1331, %select_n3A_1339 : vector<16xi32>
        %ge3A_1341 = arith.constant -4.000000e+02 : f32
        %ge3A_1342 = vector.broadcast %ge3A_1341 : f32 to vector<16xf32>
        %ge3A_1343 = arith.cmpf oge, %get3A_1323, %ge3A_1342 : vector<16xf32>
        %jit3A_1344 = arith.constant 1 : i32
        %jit3A_1345 = arith.constant 0 : i32
        %broadcast_in_dim3A_1346 = vector.broadcast %jit3A_1344 : i32 to vector<16xi32>
        %broadcast_in_dim3A_1347 = vector.broadcast %jit3A_1345 : i32 to vector<16xi32>
        %select_n3A_1348 = arith.select %ge3A_1343, %broadcast_in_dim3A_1346, %broadcast_in_dim3A_1347 : vector<16xi1>, vector<16xi32>
        %add3A_1349 = arith.addi %add3A_1340, %select_n3A_1348 : vector<16xi32>
        %ge3A_1350 = arith.constant -1.000000e+02 : f32
        %ge3A_1351 = vector.broadcast %ge3A_1350 : f32 to vector<16xf32>
        %ge3A_1352 = arith.cmpf oge, %get3A_1323, %ge3A_1351 : vector<16xf32>
        %jit3A_1353 = arith.constant 1 : i32
        %jit3A_1354 = arith.constant 0 : i32
        %broadcast_in_dim3A_1355 = vector.broadcast %jit3A_1353 : i32 to vector<16xi32>
        %broadcast_in_dim3A_1356 = vector.broadcast %jit3A_1354 : i32 to vector<16xi32>
        %select_n3A_1357 = arith.select %ge3A_1352, %broadcast_in_dim3A_1355, %broadcast_in_dim3A_1356 : vector<16xi1>, vector<16xi32>
        %add3A_1358 = arith.addi %add3A_1349, %select_n3A_1357 : vector<16xi32>
        %ge3A_1359 = arith.constant -5.000000e+01 : f32
        %ge3A_1360 = vector.broadcast %ge3A_1359 : f32 to vector<16xf32>
        %ge3A_1361 = arith.cmpf oge, %get3A_1323, %ge3A_1360 : vector<16xf32>
        %jit3A_1362 = arith.constant 1 : i32
        %jit3A_1363 = arith.constant 0 : i32
        %broadcast_in_dim3A_1364 = vector.broadcast %jit3A_1362 : i32 to vector<16xi32>
        %broadcast_in_dim3A_1365 = vector.broadcast %jit3A_1363 : i32 to vector<16xi32>
        %select_n3A_1366 = arith.select %ge3A_1361, %broadcast_in_dim3A_1364, %broadcast_in_dim3A_1365 : vector<16xi1>, vector<16xi32>
        %add3A_1367 = arith.addi %add3A_1358, %select_n3A_1366 : vector<16xi32>
        %ge3A_1368 = arith.constant -1.000000e+01 : f32
        %ge3A_1369 = vector.broadcast %ge3A_1368 : f32 to vector<16xf32>
        %ge3A_1370 = arith.cmpf oge, %get3A_1323, %ge3A_1369 : vector<16xf32>
        %jit3A_1371 = arith.constant 1 : i32
        %jit3A_1372 = arith.constant 0 : i32
        %broadcast_in_dim3A_1373 = vector.broadcast %jit3A_1371 : i32 to vector<16xi32>
        %broadcast_in_dim3A_1374 = vector.broadcast %jit3A_1372 : i32 to vector<16xi32>
        %select_n3A_1375 = arith.select %ge3A_1370, %broadcast_in_dim3A_1373, %broadcast_in_dim3A_1374 : vector<16xi1>, vector<16xi32>
        %add3A_1376 = arith.addi %add3A_1367, %select_n3A_1375 : vector<16xi32>
        %ge3A_1377 = arith.constant 2.000000e+01 : f32
        %ge3A_1378 = vector.broadcast %ge3A_1377 : f32 to vector<16xf32>
        %ge3A_1379 = arith.cmpf oge, %get3A_1323, %ge3A_1378 : vector<16xf32>
        %jit3A_1380 = arith.constant 1 : i32
        %jit3A_1381 = arith.constant 0 : i32
        %broadcast_in_dim3A_1382 = vector.broadcast %jit3A_1380 : i32 to vector<16xi32>
        %broadcast_in_dim3A_1383 = vector.broadcast %jit3A_1381 : i32 to vector<16xi32>
        %select_n3A_1384 = arith.select %ge3A_1379, %broadcast_in_dim3A_1382, %broadcast_in_dim3A_1383 : vector<16xi1>, vector<16xi32>
        %add3A_1385 = arith.addi %add3A_1376, %select_n3A_1384 : vector<16xi32>
        %ge3A_1386 = arith.constant 4.000000e+01 : f32
        %ge3A_1387 = vector.broadcast %ge3A_1386 : f32 to vector<16xf32>
        %ge3A_1388 = arith.cmpf oge, %get3A_1323, %ge3A_1387 : vector<16xf32>
        %jit3A_1389 = arith.constant 1 : i32
        %jit3A_1390 = arith.constant 0 : i32
        %broadcast_in_dim3A_1391 = vector.broadcast %jit3A_1389 : i32 to vector<16xi32>
        %broadcast_in_dim3A_1392 = vector.broadcast %jit3A_1390 : i32 to vector<16xi32>
        %select_n3A_1393 = arith.select %ge3A_1388, %broadcast_in_dim3A_1391, %broadcast_in_dim3A_1392 : vector<16xi1>, vector<16xi32>
        %add3A_1394 = arith.addi %add3A_1385, %select_n3A_1393 : vector<16xi32>
        %ge3A_1395 = arith.constant 6.000000e+01 : f32
        %ge3A_1396 = vector.broadcast %ge3A_1395 : f32 to vector<16xf32>
        %ge3A_1397 = arith.cmpf oge, %get3A_1323, %ge3A_1396 : vector<16xf32>
        %jit3A_1398 = arith.constant 1 : i32
        %jit3A_1399 = arith.constant 0 : i32
        %broadcast_in_dim3A_1400 = vector.broadcast %jit3A_1398 : i32 to vector<16xi32>
        %broadcast_in_dim3A_1401 = vector.broadcast %jit3A_1399 : i32 to vector<16xi32>
        %select_n3A_1402 = arith.select %ge3A_1397, %broadcast_in_dim3A_1400, %broadcast_in_dim3A_1401 : vector<16xi1>, vector<16xi32>
        %add3A_1403 = arith.addi %add3A_1394, %select_n3A_1402 : vector<16xi32>
        %ge3A_1404 = arith.constant 1.000000e+02 : f32
        %ge3A_1405 = vector.broadcast %ge3A_1404 : f32 to vector<16xf32>
        %ge3A_1406 = arith.cmpf oge, %get3A_1323, %ge3A_1405 : vector<16xf32>
        %jit3A_1407 = arith.constant 1 : i32
        %jit3A_1408 = arith.constant 0 : i32
        %broadcast_in_dim3A_1409 = vector.broadcast %jit3A_1407 : i32 to vector<16xi32>
        %broadcast_in_dim3A_1410 = vector.broadcast %jit3A_1408 : i32 to vector<16xi32>
        %select_n3A_1411 = arith.select %ge3A_1406, %broadcast_in_dim3A_1409, %broadcast_in_dim3A_1410 : vector<16xi1>, vector<16xi32>
        %add3A_1412 = arith.addi %add3A_1403, %select_n3A_1411 : vector<16xi32>
        %ge3A_1413 = arith.constant 8.000000e+02 : f32
        %ge3A_1414 = vector.broadcast %ge3A_1413 : f32 to vector<16xf32>
        %ge3A_1415 = arith.cmpf oge, %get3A_1323, %ge3A_1414 : vector<16xf32>
        %jit3A_1416 = arith.constant 1 : i32
        %jit3A_1417 = arith.constant 0 : i32
        %broadcast_in_dim3A_1418 = vector.broadcast %jit3A_1416 : i32 to vector<16xi32>
        %broadcast_in_dim3A_1419 = vector.broadcast %jit3A_1417 : i32 to vector<16xi32>
        %select_n3A_1420 = arith.select %ge3A_1415, %broadcast_in_dim3A_1418, %broadcast_in_dim3A_1419 : vector<16xi1>, vector<16xi32>
        %add3A_1421 = arith.addi %add3A_1412, %select_n3A_1420 : vector<16xi32>
        %ge3A_1422 = arith.constant 1.000000e+03 : f32
        %ge3A_1423 = vector.broadcast %ge3A_1422 : f32 to vector<16xf32>
        %ge3A_1424 = arith.cmpf oge, %get3A_1323, %ge3A_1423 : vector<16xf32>
        %jit3A_1425 = arith.constant 1 : i32
        %jit3A_1426 = arith.constant 0 : i32
        %broadcast_in_dim3A_1427 = vector.broadcast %jit3A_1425 : i32 to vector<16xi32>
        %broadcast_in_dim3A_1428 = vector.broadcast %jit3A_1426 : i32 to vector<16xi32>
        %select_n3A_1429 = arith.select %ge3A_1424, %broadcast_in_dim3A_1427, %broadcast_in_dim3A_1428 : vector<16xi1>, vector<16xi32>
        %add3A_1430 = arith.addi %add3A_1421, %select_n3A_1429 : vector<16xi32>
        %jit3A_1431 = arith.constant 4 : i32
        %div3A_1432 = arith.divsi %scan3A_815, %jit3A_1431 : i32
        %sign3A_1433 = arith.constant 0 : i32
        %sign3A_1434 = arith.cmpi sgt, %scan3A_815, %sign3A_1433 : i32
        %sign3A_1435 = arith.extui %sign3A_1434 : i1 to i32
        %sign3A_1436 = arith.constant 0 : i32
        %sign3A_1437 = arith.cmpi slt, %scan3A_815, %sign3A_1436 : i32
        %sign3A_1438 = arith.extui %sign3A_1437 : i1 to i32
        %sign3A_1439 = arith.subi %sign3A_1435, %sign3A_1438 : i32
        %sign3A_1440 = arith.constant 0 : i32
        %sign3A_1441 = arith.cmpi sgt, %jit3A_1431, %sign3A_1440 : i32
        %sign3A_1442 = arith.extui %sign3A_1441 : i1 to i32
        %sign3A_1443 = arith.constant 0 : i32
        %sign3A_1444 = arith.cmpi slt, %jit3A_1431, %sign3A_1443 : i32
        %sign3A_1445 = arith.extui %sign3A_1444 : i1 to i32
        %sign3A_1446 = arith.subi %sign3A_1442, %sign3A_1445 : i32
        %ne3A_1447 = arith.cmpi ne, %sign3A_1439, %sign3A_1446 : i32
        %rem3A_1448 = arith.remsi %scan3A_815, %jit3A_1431 : i32
        %ne3A_1449 = arith.constant 0 : i32
        %ne3A_1450 = arith.cmpi ne, %rem3A_1448, %ne3A_1449 : i32
        %and3A_1451 = arith.andi %ne3A_1447, %ne3A_1450 : i1
        %sub3A_1452 = arith.constant 1 : i32
        %sub3A_1453 = arith.subi %div3A_1432, %sub3A_1452 : i32
        %select_n3A_1454 = arith.select %and3A_1451, %sub3A_1453, %div3A_1432 : i32
        %jit3A_1455 = arith.constant 4 : i32
        %eq3A_1456 = arith.constant 0 : i32
        %eq3A_1457 = arith.cmpi eq, %jit3A_1455, %eq3A_1456 : i32
        %jit3A_1458 = arith.constant 1 : i32
        %select_n3A_1459 = arith.select %eq3A_1457, %jit3A_1458, %jit3A_1455 : i32
        %rem3A_1460 = arith.remsi %scan3A_815, %select_n3A_1459 : i32
        %ne3A_1461 = arith.constant 0 : i32
        %ne3A_1462 = arith.cmpi ne, %rem3A_1460, %ne3A_1461 : i32
        %lt3A_1463 = arith.constant 0 : i32
        %lt3A_1464 = arith.cmpi slt, %rem3A_1460, %lt3A_1463 : i32
        %lt3A_1465 = arith.constant 0 : i32
        %lt3A_1466 = arith.cmpi slt, %select_n3A_1459, %lt3A_1465 : i32
        %ne3A_1467 = arith.xori %lt3A_1464, %lt3A_1466 : i1
        %and3A_1468 = arith.andi %ne3A_1467, %ne3A_1462 : i1
        %add3A_1469 = arith.addi %rem3A_1460, %select_n3A_1459 : i32
        %select_n3A_1470 = arith.select %and3A_1468, %add3A_1469, %rem3A_1460 : i32
        %get3A_1471 = arith.constant 1 : i32
        %get3A_1472 = arith.index_cast %get3A_1471 : i32 to index
        %get3A_1473 = arith.index_cast %select_n3A_1454 : i32 to index
        %get3A_1474 = arith.index_cast %select_n3A_1470 : i32 to index
        %get3A_1475 = arith.constant 64 : index
        %get3A_1476 = tpu.vector_load %arg5[%get3A_1472, %get3A_1473, %get3A_1474, %get3A_1475] {strides = array<i32>} : memref<2x4x4x96xf32, #tpu.memory_space<vmem>>, vector<1x1x1x16xf32>,
        %get3A_1477 = vector.shape_cast %get3A_1476 : vector<1x1x1x16xf32> to vector<16xf32>
        %ge3A_1478 = arith.constant -1.000000e+03 : f32
        %ge3A_1479 = vector.broadcast %ge3A_1478 : f32 to vector<16xf32>
        %ge3A_1480 = arith.cmpf oge, %get3A_1477, %ge3A_1479 : vector<16xf32>
        %jit3A_1481 = arith.constant 1 : i32
        %jit3A_1482 = arith.constant 0 : i32
        %broadcast_in_dim3A_1483 = vector.broadcast %jit3A_1481 : i32 to vector<16xi32>
        %broadcast_in_dim3A_1484 = vector.broadcast %jit3A_1482 : i32 to vector<16xi32>
        %select_n3A_1485 = arith.select %ge3A_1480, %broadcast_in_dim3A_1483, %broadcast_in_dim3A_1484 : vector<16xi1>, vector<16xi32>
        %ge3A_1486 = arith.constant -9.000000e+02 : f32
        %ge3A_1487 = vector.broadcast %ge3A_1486 : f32 to vector<16xf32>
        %ge3A_1488 = arith.cmpf oge, %get3A_1477, %ge3A_1487 : vector<16xf32>
        %jit3A_1489 = arith.constant 1 : i32
        %jit3A_1490 = arith.constant 0 : i32
        %broadcast_in_dim3A_1491 = vector.broadcast %jit3A_1489 : i32 to vector<16xi32>
        %broadcast_in_dim3A_1492 = vector.broadcast %jit3A_1490 : i32 to vector<16xi32>
        %select_n3A_1493 = arith.select %ge3A_1488, %broadcast_in_dim3A_1491, %broadcast_in_dim3A_1492 : vector<16xi1>, vector<16xi32>
        %add3A_1494 = arith.addi %select_n3A_1485, %select_n3A_1493 : vector<16xi32>
        %ge3A_1495 = arith.constant -4.000000e+02 : f32
        %ge3A_1496 = vector.broadcast %ge3A_1495 : f32 to vector<16xf32>
        %ge3A_1497 = arith.cmpf oge, %get3A_1477, %ge3A_1496 : vector<16xf32>
        %jit3A_1498 = arith.constant 1 : i32
        %jit3A_1499 = arith.constant 0 : i32
        %broadcast_in_dim3A_1500 = vector.broadcast %jit3A_1498 : i32 to vector<16xi32>
        %broadcast_in_dim3A_1501 = vector.broadcast %jit3A_1499 : i32 to vector<16xi32>
        %select_n3A_1502 = arith.select %ge3A_1497, %broadcast_in_dim3A_1500, %broadcast_in_dim3A_1501 : vector<16xi1>, vector<16xi32>
        %add3A_1503 = arith.addi %add3A_1494, %select_n3A_1502 : vector<16xi32>
        %ge3A_1504 = arith.constant -1.000000e+02 : f32
        %ge3A_1505 = vector.broadcast %ge3A_1504 : f32 to vector<16xf32>
        %ge3A_1506 = arith.cmpf oge, %get3A_1477, %ge3A_1505 : vector<16xf32>
        %jit3A_1507 = arith.constant 1 : i32
        %jit3A_1508 = arith.constant 0 : i32
        %broadcast_in_dim3A_1509 = vector.broadcast %jit3A_1507 : i32 to vector<16xi32>
        %broadcast_in_dim3A_1510 = vector.broadcast %jit3A_1508 : i32 to vector<16xi32>
        %select_n3A_1511 = arith.select %ge3A_1506, %broadcast_in_dim3A_1509, %broadcast_in_dim3A_1510 : vector<16xi1>, vector<16xi32>
        %add3A_1512 = arith.addi %add3A_1503, %select_n3A_1511 : vector<16xi32>
        %ge3A_1513 = arith.constant -5.000000e+01 : f32
        %ge3A_1514 = vector.broadcast %ge3A_1513 : f32 to vector<16xf32>
        %ge3A_1515 = arith.cmpf oge, %get3A_1477, %ge3A_1514 : vector<16xf32>
        %jit3A_1516 = arith.constant 1 : i32
        %jit3A_1517 = arith.constant 0 : i32
        %broadcast_in_dim3A_1518 = vector.broadcast %jit3A_1516 : i32 to vector<16xi32>
        %broadcast_in_dim3A_1519 = vector.broadcast %jit3A_1517 : i32 to vector<16xi32>
        %select_n3A_1520 = arith.select %ge3A_1515, %broadcast_in_dim3A_1518, %broadcast_in_dim3A_1519 : vector<16xi1>, vector<16xi32>
        %add3A_1521 = arith.addi %add3A_1512, %select_n3A_1520 : vector<16xi32>
        %ge3A_1522 = arith.constant -1.000000e+01 : f32
        %ge3A_1523 = vector.broadcast %ge3A_1522 : f32 to vector<16xf32>
        %ge3A_1524 = arith.cmpf oge, %get3A_1477, %ge3A_1523 : vector<16xf32>
        %jit3A_1525 = arith.constant 1 : i32
        %jit3A_1526 = arith.constant 0 : i32
        %broadcast_in_dim3A_1527 = vector.broadcast %jit3A_1525 : i32 to vector<16xi32>
        %broadcast_in_dim3A_1528 = vector.broadcast %jit3A_1526 : i32 to vector<16xi32>
        %select_n3A_1529 = arith.select %ge3A_1524, %broadcast_in_dim3A_1527, %broadcast_in_dim3A_1528 : vector<16xi1>, vector<16xi32>
        %add3A_1530 = arith.addi %add3A_1521, %select_n3A_1529 : vector<16xi32>
        %ge3A_1531 = arith.constant 2.000000e+01 : f32
        %ge3A_1532 = vector.broadcast %ge3A_1531 : f32 to vector<16xf32>
        %ge3A_1533 = arith.cmpf oge, %get3A_1477, %ge3A_1532 : vector<16xf32>
        %jit3A_1534 = arith.constant 1 : i32
        %jit3A_1535 = arith.constant 0 : i32
        %broadcast_in_dim3A_1536 = vector.broadcast %jit3A_1534 : i32 to vector<16xi32>
        %broadcast_in_dim3A_1537 = vector.broadcast %jit3A_1535 : i32 to vector<16xi32>
        %select_n3A_1538 = arith.select %ge3A_1533, %broadcast_in_dim3A_1536, %broadcast_in_dim3A_1537 : vector<16xi1>, vector<16xi32>
        %add3A_1539 = arith.addi %add3A_1530, %select_n3A_1538 : vector<16xi32>
        %ge3A_1540 = arith.constant 4.000000e+01 : f32
        %ge3A_1541 = vector.broadcast %ge3A_1540 : f32 to vector<16xf32>
        %ge3A_1542 = arith.cmpf oge, %get3A_1477, %ge3A_1541 : vector<16xf32>
        %jit3A_1543 = arith.constant 1 : i32
        %jit3A_1544 = arith.constant 0 : i32
        %broadcast_in_dim3A_1545 = vector.broadcast %jit3A_1543 : i32 to vector<16xi32>
        %broadcast_in_dim3A_1546 = vector.broadcast %jit3A_1544 : i32 to vector<16xi32>
        %select_n3A_1547 = arith.select %ge3A_1542, %broadcast_in_dim3A_1545, %broadcast_in_dim3A_1546 : vector<16xi1>, vector<16xi32>
        %add3A_1548 = arith.addi %add3A_1539, %select_n3A_1547 : vector<16xi32>
        %ge3A_1549 = arith.constant 6.000000e+01 : f32
        %ge3A_1550 = vector.broadcast %ge3A_1549 : f32 to vector<16xf32>
        %ge3A_1551 = arith.cmpf oge, %get3A_1477, %ge3A_1550 : vector<16xf32>
        %jit3A_1552 = arith.constant 1 : i32
        %jit3A_1553 = arith.constant 0 : i32
        %broadcast_in_dim3A_1554 = vector.broadcast %jit3A_1552 : i32 to vector<16xi32>
        %broadcast_in_dim3A_1555 = vector.broadcast %jit3A_1553 : i32 to vector<16xi32>
        %select_n3A_1556 = arith.select %ge3A_1551, %broadcast_in_dim3A_1554, %broadcast_in_dim3A_1555 : vector<16xi1>, vector<16xi32>
        %add3A_1557 = arith.addi %add3A_1548, %select_n3A_1556 : vector<16xi32>
        %ge3A_1558 = arith.constant 1.000000e+02 : f32
        %ge3A_1559 = vector.broadcast %ge3A_1558 : f32 to vector<16xf32>
        %ge3A_1560 = arith.cmpf oge, %get3A_1477, %ge3A_1559 : vector<16xf32>
        %jit3A_1561 = arith.constant 1 : i32
        %jit3A_1562 = arith.constant 0 : i32
        %broadcast_in_dim3A_1563 = vector.broadcast %jit3A_1561 : i32 to vector<16xi32>
        %broadcast_in_dim3A_1564 = vector.broadcast %jit3A_1562 : i32 to vector<16xi32>
        %select_n3A_1565 = arith.select %ge3A_1560, %broadcast_in_dim3A_1563, %broadcast_in_dim3A_1564 : vector<16xi1>, vector<16xi32>
        %add3A_1566 = arith.addi %add3A_1557, %select_n3A_1565 : vector<16xi32>
        %ge3A_1567 = arith.constant 8.000000e+02 : f32
        %ge3A_1568 = vector.broadcast %ge3A_1567 : f32 to vector<16xf32>
        %ge3A_1569 = arith.cmpf oge, %get3A_1477, %ge3A_1568 : vector<16xf32>
        %jit3A_1570 = arith.constant 1 : i32
        %jit3A_1571 = arith.constant 0 : i32
        %broadcast_in_dim3A_1572 = vector.broadcast %jit3A_1570 : i32 to vector<16xi32>
        %broadcast_in_dim3A_1573 = vector.broadcast %jit3A_1571 : i32 to vector<16xi32>
        %select_n3A_1574 = arith.select %ge3A_1569, %broadcast_in_dim3A_1572, %broadcast_in_dim3A_1573 : vector<16xi1>, vector<16xi32>
        %add3A_1575 = arith.addi %add3A_1566, %select_n3A_1574 : vector<16xi32>
        %ge3A_1576 = arith.constant 1.000000e+03 : f32
        %ge3A_1577 = vector.broadcast %ge3A_1576 : f32 to vector<16xf32>
        %ge3A_1578 = arith.cmpf oge, %get3A_1477, %ge3A_1577 : vector<16xf32>
        %jit3A_1579 = arith.constant 1 : i32
        %jit3A_1580 = arith.constant 0 : i32
        %broadcast_in_dim3A_1581 = vector.broadcast %jit3A_1579 : i32 to vector<16xi32>
        %broadcast_in_dim3A_1582 = vector.broadcast %jit3A_1580 : i32 to vector<16xi32>
        %select_n3A_1583 = arith.select %ge3A_1578, %broadcast_in_dim3A_1581, %broadcast_in_dim3A_1582 : vector<16xi1>, vector<16xi32>
        %add3A_1584 = arith.addi %add3A_1575, %select_n3A_1583 : vector<16xi32>
        %jit3A_1585 = arith.constant 4 : i32
        %div3A_1586 = arith.divsi %scan3A_815, %jit3A_1585 : i32
        %sign3A_1587 = arith.constant 0 : i32
        %sign3A_1588 = arith.cmpi sgt, %scan3A_815, %sign3A_1587 : i32
        %sign3A_1589 = arith.extui %sign3A_1588 : i1 to i32
        %sign3A_1590 = arith.constant 0 : i32
        %sign3A_1591 = arith.cmpi slt, %scan3A_815, %sign3A_1590 : i32
        %sign3A_1592 = arith.extui %sign3A_1591 : i1 to i32
        %sign3A_1593 = arith.subi %sign3A_1589, %sign3A_1592 : i32
        %sign3A_1594 = arith.constant 0 : i32
        %sign3A_1595 = arith.cmpi sgt, %jit3A_1585, %sign3A_1594 : i32
        %sign3A_1596 = arith.extui %sign3A_1595 : i1 to i32
        %sign3A_1597 = arith.constant 0 : i32
        %sign3A_1598 = arith.cmpi slt, %jit3A_1585, %sign3A_1597 : i32
        %sign3A_1599 = arith.extui %sign3A_1598 : i1 to i32
        %sign3A_1600 = arith.subi %sign3A_1596, %sign3A_1599 : i32
        %ne3A_1601 = arith.cmpi ne, %sign3A_1593, %sign3A_1600 : i32
        %rem3A_1602 = arith.remsi %scan3A_815, %jit3A_1585 : i32
        %ne3A_1603 = arith.constant 0 : i32
        %ne3A_1604 = arith.cmpi ne, %rem3A_1602, %ne3A_1603 : i32
        %and3A_1605 = arith.andi %ne3A_1601, %ne3A_1604 : i1
        %sub3A_1606 = arith.constant 1 : i32
        %sub3A_1607 = arith.subi %div3A_1586, %sub3A_1606 : i32
        %select_n3A_1608 = arith.select %and3A_1605, %sub3A_1607, %div3A_1586 : i32
        %jit3A_1609 = arith.constant 4 : i32
        %eq3A_1610 = arith.constant 0 : i32
        %eq3A_1611 = arith.cmpi eq, %jit3A_1609, %eq3A_1610 : i32
        %jit3A_1612 = arith.constant 1 : i32
        %select_n3A_1613 = arith.select %eq3A_1611, %jit3A_1612, %jit3A_1609 : i32
        %rem3A_1614 = arith.remsi %scan3A_815, %select_n3A_1613 : i32
        %ne3A_1615 = arith.constant 0 : i32
        %ne3A_1616 = arith.cmpi ne, %rem3A_1614, %ne3A_1615 : i32
        %lt3A_1617 = arith.constant 0 : i32
        %lt3A_1618 = arith.cmpi slt, %rem3A_1614, %lt3A_1617 : i32
        %lt3A_1619 = arith.constant 0 : i32
        %lt3A_1620 = arith.cmpi slt, %select_n3A_1613, %lt3A_1619 : i32
        %ne3A_1621 = arith.xori %lt3A_1618, %lt3A_1620 : i1
        %and3A_1622 = arith.andi %ne3A_1621, %ne3A_1616 : i1
        %add3A_1623 = arith.addi %rem3A_1614, %select_n3A_1613 : i32
        %select_n3A_1624 = arith.select %and3A_1622, %add3A_1623, %rem3A_1614 : i32
        %get3A_1625 = arith.constant 1 : i32
        %get3A_1626 = arith.index_cast %get3A_1625 : i32 to index
        %get3A_1627 = arith.index_cast %select_n3A_1608 : i32 to index
        %get3A_1628 = arith.index_cast %select_n3A_1624 : i32 to index
        %get3A_1629 = arith.constant 80 : index
        %get3A_1630 = tpu.vector_load %arg5[%get3A_1626, %get3A_1627, %get3A_1628, %get3A_1629] {strides = array<i32>} : memref<2x4x4x96xf32, #tpu.memory_space<vmem>>, vector<1x1x1x16xf32>,
        %get3A_1631 = vector.shape_cast %get3A_1630 : vector<1x1x1x16xf32> to vector<16xf32>
        %ge3A_1632 = arith.constant -1.000000e+03 : f32
        %ge3A_1633 = vector.broadcast %ge3A_1632 : f32 to vector<16xf32>
        %ge3A_1634 = arith.cmpf oge, %get3A_1631, %ge3A_1633 : vector<16xf32>
        %jit3A_1635 = arith.constant 1 : i32
        %jit3A_1636 = arith.constant 0 : i32
        %broadcast_in_dim3A_1637 = vector.broadcast %jit3A_1635 : i32 to vector<16xi32>
        %broadcast_in_dim3A_1638 = vector.broadcast %jit3A_1636 : i32 to vector<16xi32>
        %select_n3A_1639 = arith.select %ge3A_1634, %broadcast_in_dim3A_1637, %broadcast_in_dim3A_1638 : vector<16xi1>, vector<16xi32>
        %ge3A_1640 = arith.constant -9.000000e+02 : f32
        %ge3A_1641 = vector.broadcast %ge3A_1640 : f32 to vector<16xf32>
        %ge3A_1642 = arith.cmpf oge, %get3A_1631, %ge3A_1641 : vector<16xf32>
        %jit3A_1643 = arith.constant 1 : i32
        %jit3A_1644 = arith.constant 0 : i32
        %broadcast_in_dim3A_1645 = vector.broadcast %jit3A_1643 : i32 to vector<16xi32>
        %broadcast_in_dim3A_1646 = vector.broadcast %jit3A_1644 : i32 to vector<16xi32>
        %select_n3A_1647 = arith.select %ge3A_1642, %broadcast_in_dim3A_1645, %broadcast_in_dim3A_1646 : vector<16xi1>, vector<16xi32>
        %add3A_1648 = arith.addi %select_n3A_1639, %select_n3A_1647 : vector<16xi32>
        %ge3A_1649 = arith.constant -4.000000e+02 : f32
        %ge3A_1650 = vector.broadcast %ge3A_1649 : f32 to vector<16xf32>
        %ge3A_1651 = arith.cmpf oge, %get3A_1631, %ge3A_1650 : vector<16xf32>
        %jit3A_1652 = arith.constant 1 : i32
        %jit3A_1653 = arith.constant 0 : i32
        %broadcast_in_dim3A_1654 = vector.broadcast %jit3A_1652 : i32 to vector<16xi32>
        %broadcast_in_dim3A_1655 = vector.broadcast %jit3A_1653 : i32 to vector<16xi32>
        %select_n3A_1656 = arith.select %ge3A_1651, %broadcast_in_dim3A_1654, %broadcast_in_dim3A_1655 : vector<16xi1>, vector<16xi32>
        %add3A_1657 = arith.addi %add3A_1648, %select_n3A_1656 : vector<16xi32>
        %ge3A_1658 = arith.constant -1.000000e+02 : f32
        %ge3A_1659 = vector.broadcast %ge3A_1658 : f32 to vector<16xf32>
        %ge3A_1660 = arith.cmpf oge, %get3A_1631, %ge3A_1659 : vector<16xf32>
        %jit3A_1661 = arith.constant 1 : i32
        %jit3A_1662 = arith.constant 0 : i32
        %broadcast_in_dim3A_1663 = vector.broadcast %jit3A_1661 : i32 to vector<16xi32>
        %broadcast_in_dim3A_1664 = vector.broadcast %jit3A_1662 : i32 to vector<16xi32>
        %select_n3A_1665 = arith.select %ge3A_1660, %broadcast_in_dim3A_1663, %broadcast_in_dim3A_1664 : vector<16xi1>, vector<16xi32>
        %add3A_1666 = arith.addi %add3A_1657, %select_n3A_1665 : vector<16xi32>
        %ge3A_1667 = arith.constant -5.000000e+01 : f32
        %ge3A_1668 = vector.broadcast %ge3A_1667 : f32 to vector<16xf32>
        %ge3A_1669 = arith.cmpf oge, %get3A_1631, %ge3A_1668 : vector<16xf32>
        %jit3A_1670 = arith.constant 1 : i32
        %jit3A_1671 = arith.constant 0 : i32
        %broadcast_in_dim3A_1672 = vector.broadcast %jit3A_1670 : i32 to vector<16xi32>
        %broadcast_in_dim3A_1673 = vector.broadcast %jit3A_1671 : i32 to vector<16xi32>
        %select_n3A_1674 = arith.select %ge3A_1669, %broadcast_in_dim3A_1672, %broadcast_in_dim3A_1673 : vector<16xi1>, vector<16xi32>
        %add3A_1675 = arith.addi %add3A_1666, %select_n3A_1674 : vector<16xi32>
        %ge3A_1676 = arith.constant -1.000000e+01 : f32
        %ge3A_1677 = vector.broadcast %ge3A_1676 : f32 to vector<16xf32>
        %ge3A_1678 = arith.cmpf oge, %get3A_1631, %ge3A_1677 : vector<16xf32>
        %jit3A_1679 = arith.constant 1 : i32
        %jit3A_1680 = arith.constant 0 : i32
        %broadcast_in_dim3A_1681 = vector.broadcast %jit3A_1679 : i32 to vector<16xi32>
        %broadcast_in_dim3A_1682 = vector.broadcast %jit3A_1680 : i32 to vector<16xi32>
        %select_n3A_1683 = arith.select %ge3A_1678, %broadcast_in_dim3A_1681, %broadcast_in_dim3A_1682 : vector<16xi1>, vector<16xi32>
        %add3A_1684 = arith.addi %add3A_1675, %select_n3A_1683 : vector<16xi32>
        %ge3A_1685 = arith.constant 2.000000e+01 : f32
        %ge3A_1686 = vector.broadcast %ge3A_1685 : f32 to vector<16xf32>
        %ge3A_1687 = arith.cmpf oge, %get3A_1631, %ge3A_1686 : vector<16xf32>
        %jit3A_1688 = arith.constant 1 : i32
        %jit3A_1689 = arith.constant 0 : i32
        %broadcast_in_dim3A_1690 = vector.broadcast %jit3A_1688 : i32 to vector<16xi32>
        %broadcast_in_dim3A_1691 = vector.broadcast %jit3A_1689 : i32 to vector<16xi32>
        %select_n3A_1692 = arith.select %ge3A_1687, %broadcast_in_dim3A_1690, %broadcast_in_dim3A_1691 : vector<16xi1>, vector<16xi32>
        %add3A_1693 = arith.addi %add3A_1684, %select_n3A_1692 : vector<16xi32>
        %ge3A_1694 = arith.constant 4.000000e+01 : f32
        %ge3A_1695 = vector.broadcast %ge3A_1694 : f32 to vector<16xf32>
        %ge3A_1696 = arith.cmpf oge, %get3A_1631, %ge3A_1695 : vector<16xf32>
        %jit3A_1697 = arith.constant 1 : i32
        %jit3A_1698 = arith.constant 0 : i32
        %broadcast_in_dim3A_1699 = vector.broadcast %jit3A_1697 : i32 to vector<16xi32>
        %broadcast_in_dim3A_1700 = vector.broadcast %jit3A_1698 : i32 to vector<16xi32>
        %select_n3A_1701 = arith.select %ge3A_1696, %broadcast_in_dim3A_1699, %broadcast_in_dim3A_1700 : vector<16xi1>, vector<16xi32>
        %add3A_1702 = arith.addi %add3A_1693, %select_n3A_1701 : vector<16xi32>
        %ge3A_1703 = arith.constant 6.000000e+01 : f32
        %ge3A_1704 = vector.broadcast %ge3A_1703 : f32 to vector<16xf32>
        %ge3A_1705 = arith.cmpf oge, %get3A_1631, %ge3A_1704 : vector<16xf32>
        %jit3A_1706 = arith.constant 1 : i32
        %jit3A_1707 = arith.constant 0 : i32
        %broadcast_in_dim3A_1708 = vector.broadcast %jit3A_1706 : i32 to vector<16xi32>
        %broadcast_in_dim3A_1709 = vector.broadcast %jit3A_1707 : i32 to vector<16xi32>
        %select_n3A_1710 = arith.select %ge3A_1705, %broadcast_in_dim3A_1708, %broadcast_in_dim3A_1709 : vector<16xi1>, vector<16xi32>
        %add3A_1711 = arith.addi %add3A_1702, %select_n3A_1710 : vector<16xi32>
        %ge3A_1712 = arith.constant 1.000000e+02 : f32
        %ge3A_1713 = vector.broadcast %ge3A_1712 : f32 to vector<16xf32>
        %ge3A_1714 = arith.cmpf oge, %get3A_1631, %ge3A_1713 : vector<16xf32>
        %jit3A_1715 = arith.constant 1 : i32
        %jit3A_1716 = arith.constant 0 : i32
        %broadcast_in_dim3A_1717 = vector.broadcast %jit3A_1715 : i32 to vector<16xi32>
        %broadcast_in_dim3A_1718 = vector.broadcast %jit3A_1716 : i32 to vector<16xi32>
        %select_n3A_1719 = arith.select %ge3A_1714, %broadcast_in_dim3A_1717, %broadcast_in_dim3A_1718 : vector<16xi1>, vector<16xi32>
        %add3A_1720 = arith.addi %add3A_1711, %select_n3A_1719 : vector<16xi32>
        %ge3A_1721 = arith.constant 8.000000e+02 : f32
        %ge3A_1722 = vector.broadcast %ge3A_1721 : f32 to vector<16xf32>
        %ge3A_1723 = arith.cmpf oge, %get3A_1631, %ge3A_1722 : vector<16xf32>
        %jit3A_1724 = arith.constant 1 : i32
        %jit3A_1725 = arith.constant 0 : i32
        %broadcast_in_dim3A_1726 = vector.broadcast %jit3A_1724 : i32 to vector<16xi32>
        %broadcast_in_dim3A_1727 = vector.broadcast %jit3A_1725 : i32 to vector<16xi32>
        %select_n3A_1728 = arith.select %ge3A_1723, %broadcast_in_dim3A_1726, %broadcast_in_dim3A_1727 : vector<16xi1>, vector<16xi32>
        %add3A_1729 = arith.addi %add3A_1720, %select_n3A_1728 : vector<16xi32>
        %ge3A_1730 = arith.constant 1.000000e+03 : f32
        %ge3A_1731 = vector.broadcast %ge3A_1730 : f32 to vector<16xf32>
        %ge3A_1732 = arith.cmpf oge, %get3A_1631, %ge3A_1731 : vector<16xf32>
        %jit3A_1733 = arith.constant 1 : i32
        %jit3A_1734 = arith.constant 0 : i32
        %broadcast_in_dim3A_1735 = vector.broadcast %jit3A_1733 : i32 to vector<16xi32>
        %broadcast_in_dim3A_1736 = vector.broadcast %jit3A_1734 : i32 to vector<16xi32>
        %select_n3A_1737 = arith.select %ge3A_1732, %broadcast_in_dim3A_1735, %broadcast_in_dim3A_1736 : vector<16xi1>, vector<16xi32>
        %add3A_1738 = arith.addi %add3A_1729, %select_n3A_1737 : vector<16xi32>
        %lt3A_1739 = arith.constant 0 : i32
        %lt3A_1740 = vector.broadcast %lt3A_1739 : i32 to vector<16xi32>
        %lt3A_1741 = arith.cmpi slt, %select_n3A_18, %lt3A_1740 : vector<16xi32>
        %add3A_1742 = arith.constant 16 : i32
        %add3A_1743 = vector.broadcast %add3A_1742 : i32 to vector<16xi32>
        %add3A_1744 = arith.addi %select_n3A_18, %add3A_1743 : vector<16xi32>
        %select_n3A_1745 = arith.select %lt3A_1741, %add3A_1744, %select_n3A_18 : vector<16xi1>, vector<16xi32>
        %reshape3A = vector.shape_cast %select_n3A_1745 : vector<16xi32> to vector<16x1xi32>
        %gather3A = vector.shape_cast %reshape3A : vector<16x1xi32> to vector<16xi32>
        %gather3A_1746 = tpu.dynamic_gather %add3A_968[%gather3A] in [0] : vector<16xi32>, vector<16xi32> -> vector<16xi32>
        %mul3A_1747 = arith.constant 16 : i32
        %mul3A_1748 = vector.broadcast %mul3A_1747 : i32 to vector<16xi32>
        %mul3A_1749 = arith.muli %gather3A_1746, %mul3A_1748 : vector<16xi32>
        %lt3A_1750 = arith.constant 0 : i32
        %lt3A_1751 = vector.broadcast %lt3A_1750 : i32 to vector<16xi32>
        %lt3A_1752 = arith.cmpi slt, %select_n3A_46, %lt3A_1751 : vector<16xi32>
        %add3A_1753 = arith.constant 16 : i32
        %add3A_1754 = vector.broadcast %add3A_1753 : i32 to vector<16xi32>
        %add3A_1755 = arith.addi %select_n3A_46, %add3A_1754 : vector<16xi32>
        %select_n3A_1756 = arith.select %lt3A_1752, %add3A_1755, %select_n3A_46 : vector<16xi1>, vector<16xi32>
        %reshape3A_1757 = vector.shape_cast %select_n3A_1756 : vector<16xi32> to vector<16x1xi32>
        %gather3A_1758 = vector.shape_cast %reshape3A_1757 : vector<16x1xi32> to vector<16xi32>
        %gather3A_1759 = tpu.dynamic_gather %add3A_968[%gather3A_1758] in [0] : vector<16xi32>, vector<16xi32> -> vector<16xi32>
        %add3A_1760 = arith.addi %mul3A_1749, %gather3A_1759 : vector<16xi32>
        %lt3A_1761 = arith.constant 0 : i32
        %lt3A_1762 = vector.broadcast %lt3A_1761 : i32 to vector<16xi32>
        %lt3A_1763 = arith.cmpi slt, %select_n3A_18, %lt3A_1762 : vector<16xi32>
        %add3A_1764 = arith.constant 16 : i32
        %add3A_1765 = vector.broadcast %add3A_1764 : i32 to vector<16xi32>
        %add3A_1766 = arith.addi %select_n3A_18, %add3A_1765 : vector<16xi32>
        %select_n3A_1767 = arith.select %lt3A_1763, %add3A_1766, %select_n3A_18 : vector<16xi1>, vector<16xi32>
        %reshape3A_1768 = vector.shape_cast %select_n3A_1767 : vector<16xi32> to vector<16x1xi32>
        %gather3A_1769 = vector.shape_cast %reshape3A_1768 : vector<16x1xi32> to vector<16xi32>
        %gather3A_1770 = tpu.dynamic_gather %add3A_1122[%gather3A_1769] in [0] : vector<16xi32>, vector<16xi32> -> vector<16xi32>
        %mul3A_1771 = arith.constant 16 : i32
        %mul3A_1772 = vector.broadcast %mul3A_1771 : i32 to vector<16xi32>
        %mul3A_1773 = arith.muli %gather3A_1770, %mul3A_1772 : vector<16xi32>
        %lt3A_1774 = arith.constant 0 : i32
        %lt3A_1775 = vector.broadcast %lt3A_1774 : i32 to vector<16xi32>
        %lt3A_1776 = arith.cmpi slt, %select_n3A_46, %lt3A_1775 : vector<16xi32>
        %add3A_1777 = arith.constant 16 : i32
        %add3A_1778 = vector.broadcast %add3A_1777 : i32 to vector<16xi32>
        %add3A_1779 = arith.addi %select_n3A_46, %add3A_1778 : vector<16xi32>
        %select_n3A_1780 = arith.select %lt3A_1776, %add3A_1779, %select_n3A_46 : vector<16xi1>, vector<16xi32>
        %reshape3A_1781 = vector.shape_cast %select_n3A_1780 : vector<16xi32> to vector<16x1xi32>
        %gather3A_1782 = vector.shape_cast %reshape3A_1781 : vector<16x1xi32> to vector<16xi32>
        %gather3A_1783 = tpu.dynamic_gather %add3A_1122[%gather3A_1782] in [0] : vector<16xi32>, vector<16xi32> -> vector<16xi32>
        %add3A_1784 = arith.addi %mul3A_1773, %gather3A_1783 : vector<16xi32>
        %sub3A_1785 = arith.subi %add3A_1760, %add3A_1784 : vector<16xi32>
        %mul3A_1786 = arith.muli %select_n3A_53, %sub3A_1785 : vector<16xi32>
        %add3A_1787 = arith.addi %add3A_1784, %mul3A_1786 : vector<16xi32>
        %swap3A = arith.index_cast %scan3A_815 : i32 to index
        %swap3A_1788 = arith.constant 0 : index
        %swap3A_1789 = tpu.vector_load %arg7[%swap3A, %swap3A_1788] {strides = array<i32>} : memref<16x48xi32, #tpu.memory_space<vmem>>, vector<1x16xi32>,
        %swap3A_1790 = vector.shape_cast %swap3A_1789 : vector<1x16xi32> to vector<16xi32>
        %swap3A_1791 = vector.shape_cast %add3A_1787 : vector<16xi32> to vector<1x16xi32>
        tpu.vector_store %arg7[%swap3A, %swap3A_1788], %swap3A_1791 {strides = array<i32>} : memref<16x48xi32, #tpu.memory_space<vmem>>, vector<1x16xi32>,
        %lt3A_1792 = arith.constant 0 : i32
        %lt3A_1793 = vector.broadcast %lt3A_1792 : i32 to vector<16xi32>
        %lt3A_1794 = arith.cmpi slt, %select_n3A_18, %lt3A_1793 : vector<16xi32>
        %add3A_1795 = arith.constant 16 : i32
        %add3A_1796 = vector.broadcast %add3A_1795 : i32 to vector<16xi32>
        %add3A_1797 = arith.addi %select_n3A_18, %add3A_1796 : vector<16xi32>
        %select_n3A_1798 = arith.select %lt3A_1794, %add3A_1797, %select_n3A_18 : vector<16xi1>, vector<16xi32>
        %reshape3A_1799 = vector.shape_cast %select_n3A_1798 : vector<16xi32> to vector<16x1xi32>
        %gather3A_1800 = vector.shape_cast %reshape3A_1799 : vector<16x1xi32> to vector<16xi32>
        %gather3A_1801 = tpu.dynamic_gather %add3A_1276[%gather3A_1800] in [0] : vector<16xi32>, vector<16xi32> -> vector<16xi32>
        %mul3A_1802 = arith.constant 16 : i32
        %mul3A_1803 = vector.broadcast %mul3A_1802 : i32 to vector<16xi32>
        %mul3A_1804 = arith.muli %gather3A_1801, %mul3A_1803 : vector<16xi32>
        %lt3A_1805 = arith.constant 0 : i32
        %lt3A_1806 = vector.broadcast %lt3A_1805 : i32 to vector<16xi32>
        %lt3A_1807 = arith.cmpi slt, %select_n3A_46, %lt3A_1806 : vector<16xi32>
        %add3A_1808 = arith.constant 16 : i32
        %add3A_1809 = vector.broadcast %add3A_1808 : i32 to vector<16xi32>
        %add3A_1810 = arith.addi %select_n3A_46, %add3A_1809 : vector<16xi32>
        %select_n3A_1811 = arith.select %lt3A_1807, %add3A_1810, %select_n3A_46 : vector<16xi1>, vector<16xi32>
        %reshape3A_1812 = vector.shape_cast %select_n3A_1811 : vector<16xi32> to vector<16x1xi32>
        %gather3A_1813 = vector.shape_cast %reshape3A_1812 : vector<16x1xi32> to vector<16xi32>
        %gather3A_1814 = tpu.dynamic_gather %add3A_1276[%gather3A_1813] in [0] : vector<16xi32>, vector<16xi32> -> vector<16xi32>
        %add3A_1815 = arith.addi %mul3A_1804, %gather3A_1814 : vector<16xi32>
        %lt3A_1816 = arith.constant 0 : i32
        %lt3A_1817 = vector.broadcast %lt3A_1816 : i32 to vector<16xi32>
        %lt3A_1818 = arith.cmpi slt, %select_n3A_18, %lt3A_1817 : vector<16xi32>
        %add3A_1819 = arith.constant 16 : i32
        %add3A_1820 = vector.broadcast %add3A_1819 : i32 to vector<16xi32>
        %add3A_1821 = arith.addi %select_n3A_18, %add3A_1820 : vector<16xi32>
        %select_n3A_1822 = arith.select %lt3A_1818, %add3A_1821, %select_n3A_18 : vector<16xi1>, vector<16xi32>
        %reshape3A_1823 = vector.shape_cast %select_n3A_1822 : vector<16xi32> to vector<16x1xi32>
        %gather3A_1824 = vector.shape_cast %reshape3A_1823 : vector<16x1xi32> to vector<16xi32>
        %gather3A_1825 = tpu.dynamic_gather %add3A_1430[%gather3A_1824] in [0] : vector<16xi32>, vector<16xi32> -> vector<16xi32>
        %mul3A_1826 = arith.constant 16 : i32
        %mul3A_1827 = vector.broadcast %mul3A_1826 : i32 to vector<16xi32>
        %mul3A_1828 = arith.muli %gather3A_1825, %mul3A_1827 : vector<16xi32>
        %lt3A_1829 = arith.constant 0 : i32
        %lt3A_1830 = vector.broadcast %lt3A_1829 : i32 to vector<16xi32>
        %lt3A_1831 = arith.cmpi slt, %select_n3A_46, %lt3A_1830 : vector<16xi32>
        %add3A_1832 = arith.constant 16 : i32
        %add3A_1833 = vector.broadcast %add3A_1832 : i32 to vector<16xi32>
        %add3A_1834 = arith.addi %select_n3A_46, %add3A_1833 : vector<16xi32>
        %select_n3A_1835 = arith.select %lt3A_1831, %add3A_1834, %select_n3A_46 : vector<16xi1>, vector<16xi32>
        %reshape3A_1836 = vector.shape_cast %select_n3A_1835 : vector<16xi32> to vector<16x1xi32>
        %gather3A_1837 = vector.shape_cast %reshape3A_1836 : vector<16x1xi32> to vector<16xi32>
        %gather3A_1838 = tpu.dynamic_gather %add3A_1430[%gather3A_1837] in [0] : vector<16xi32>, vector<16xi32> -> vector<16xi32>
        %add3A_1839 = arith.addi %mul3A_1828, %gather3A_1838 : vector<16xi32>
        %sub3A_1840 = arith.subi %add3A_1815, %add3A_1839 : vector<16xi32>
        %mul3A_1841 = arith.muli %select_n3A_53, %sub3A_1840 : vector<16xi32>
        %add3A_1842 = arith.addi %add3A_1839, %mul3A_1841 : vector<16xi32>
        %swap3A_1843 = arith.index_cast %scan3A_815 : i32 to index
        %swap3A_1844 = arith.constant 16 : index
        %swap3A_1845 = tpu.vector_load %arg7[%swap3A_1843, %swap3A_1844] {strides = array<i32>} : memref<16x48xi32, #tpu.memory_space<vmem>>, vector<1x16xi32>,
        %swap3A_1846 = vector.shape_cast %swap3A_1845 : vector<1x16xi32> to vector<16xi32>
        %swap3A_1847 = vector.shape_cast %add3A_1842 : vector<16xi32> to vector<1x16xi32>
        tpu.vector_store %arg7[%swap3A_1843, %swap3A_1844], %swap3A_1847 {strides = array<i32>} : memref<16x48xi32, #tpu.memory_space<vmem>>, vector<1x16xi32>,
        %lt3A_1848 = arith.constant 0 : i32
        %lt3A_1849 = vector.broadcast %lt3A_1848 : i32 to vector<16xi32>
        %lt3A_1850 = arith.cmpi slt, %select_n3A_18, %lt3A_1849 : vector<16xi32>
        %add3A_1851 = arith.constant 16 : i32
        %add3A_1852 = vector.broadcast %add3A_1851 : i32 to vector<16xi32>
        %add3A_1853 = arith.addi %select_n3A_18, %add3A_1852 : vector<16xi32>
        %select_n3A_1854 = arith.select %lt3A_1850, %add3A_1853, %select_n3A_18 : vector<16xi1>, vector<16xi32>
        %reshape3A_1855 = vector.shape_cast %select_n3A_1854 : vector<16xi32> to vector<16x1xi32>
        %gather3A_1856 = vector.shape_cast %reshape3A_1855 : vector<16x1xi32> to vector<16xi32>
        %gather3A_1857 = tpu.dynamic_gather %add3A_1584[%gather3A_1856] in [0] : vector<16xi32>, vector<16xi32> -> vector<16xi32>
        %mul3A_1858 = arith.constant 16 : i32
        %mul3A_1859 = vector.broadcast %mul3A_1858 : i32 to vector<16xi32>
        %mul3A_1860 = arith.muli %gather3A_1857, %mul3A_1859 : vector<16xi32>
        %lt3A_1861 = arith.constant 0 : i32
        %lt3A_1862 = vector.broadcast %lt3A_1861 : i32 to vector<16xi32>
        %lt3A_1863 = arith.cmpi slt, %select_n3A_46, %lt3A_1862 : vector<16xi32>
        %add3A_1864 = arith.constant 16 : i32
        %add3A_1865 = vector.broadcast %add3A_1864 : i32 to vector<16xi32>
        %add3A_1866 = arith.addi %select_n3A_46, %add3A_1865 : vector<16xi32>
        %select_n3A_1867 = arith.select %lt3A_1863, %add3A_1866, %select_n3A_46 : vector<16xi1>, vector<16xi32>
        %reshape3A_1868 = vector.shape_cast %select_n3A_1867 : vector<16xi32> to vector<16x1xi32>
        %gather3A_1869 = vector.shape_cast %reshape3A_1868 : vector<16x1xi32> to vector<16xi32>
        %gather3A_1870 = tpu.dynamic_gather %add3A_1584[%gather3A_1869] in [0] : vector<16xi32>, vector<16xi32> -> vector<16xi32>
        %add3A_1871 = arith.addi %mul3A_1860, %gather3A_1870 : vector<16xi32>
        %lt3A_1872 = arith.constant 0 : i32
        %lt3A_1873 = vector.broadcast %lt3A_1872 : i32 to vector<16xi32>
        %lt3A_1874 = arith.cmpi slt, %select_n3A_18, %lt3A_1873 : vector<16xi32>
        %add3A_1875 = arith.constant 16 : i32
        %add3A_1876 = vector.broadcast %add3A_1875 : i32 to vector<16xi32>
        %add3A_1877 = arith.addi %select_n3A_18, %add3A_1876 : vector<16xi32>
        %select_n3A_1878 = arith.select %lt3A_1874, %add3A_1877, %select_n3A_18 : vector<16xi1>, vector<16xi32>
        %reshape3A_1879 = vector.shape_cast %select_n3A_1878 : vector<16xi32> to vector<16x1xi32>
        %gather3A_1880 = vector.shape_cast %reshape3A_1879 : vector<16x1xi32> to vector<16xi32>
        %gather3A_1881 = tpu.dynamic_gather %add3A_1738[%gather3A_1880] in [0] : vector<16xi32>, vector<16xi32> -> vector<16xi32>
        %mul3A_1882 = arith.constant 16 : i32
        %mul3A_1883 = vector.broadcast %mul3A_1882 : i32 to vector<16xi32>
        %mul3A_1884 = arith.muli %gather3A_1881, %mul3A_1883 : vector<16xi32>
        %lt3A_1885 = arith.constant 0 : i32
        %lt3A_1886 = vector.broadcast %lt3A_1885 : i32 to vector<16xi32>
        %lt3A_1887 = arith.cmpi slt, %select_n3A_46, %lt3A_1886 : vector<16xi32>
        %add3A_1888 = arith.constant 16 : i32
        %add3A_1889 = vector.broadcast %add3A_1888 : i32 to vector<16xi32>
        %add3A_1890 = arith.addi %select_n3A_46, %add3A_1889 : vector<16xi32>
        %select_n3A_1891 = arith.select %lt3A_1887, %add3A_1890, %select_n3A_46 : vector<16xi1>, vector<16xi32>
        %reshape3A_1892 = vector.shape_cast %select_n3A_1891 : vector<16xi32> to vector<16x1xi32>
        %gather3A_1893 = vector.shape_cast %reshape3A_1892 : vector<16x1xi32> to vector<16xi32>
        %gather3A_1894 = tpu.dynamic_gather %add3A_1738[%gather3A_1893] in [0] : vector<16xi32>, vector<16xi32> -> vector<16xi32>
        %add3A_1895 = arith.addi %mul3A_1884, %gather3A_1894 : vector<16xi32>
        %sub3A_1896 = arith.subi %add3A_1871, %add3A_1895 : vector<16xi32>
        %mul3A_1897 = arith.muli %select_n3A_53, %sub3A_1896 : vector<16xi32>
        %add3A_1898 = arith.addi %add3A_1895, %mul3A_1897 : vector<16xi32>
        %swap3A_1899 = arith.index_cast %scan3A_815 : i32 to index
        %swap3A_1900 = arith.constant 32 : index
        %swap3A_1901 = tpu.vector_load %arg7[%swap3A_1899, %swap3A_1900] {strides = array<i32>} : memref<16x48xi32, #tpu.memory_space<vmem>>, vector<1x16xi32>,
        %swap3A_1902 = vector.shape_cast %swap3A_1901 : vector<1x16xi32> to vector<16xi32>
        %swap3A_1903 = vector.shape_cast %add3A_1898 : vector<16xi32> to vector<1x16xi32>
        tpu.vector_store %arg7[%swap3A_1899, %swap3A_1900], %swap3A_1903 {strides = array<i32>} : memref<16x48xi32, #tpu.memory_space<vmem>>, vector<1x16xi32>,
      }
      %scan3A_706 = arith.constant 16 : i32
      %ge3A_707 = arith.constant 2 : i32
      %ge3A_708 = arith.cmpi sge, %add3A_594, %ge3A_707 : i32
      %convert_element_type3A_709 = arith.extui %ge3A_708 : i1 to i32
      %cond3A_710 = arith.constant 0 : i32
      %cond3A_711 = arith.cmpi ne, %convert_element_type3A_709, %cond3A_710 : i32
      scf.if %cond3A_711 {
        %sub3A_815 = arith.constant 2 : i32
        %sub3A_816 = arith.subi %add3A_590, %sub3A_815 : i32
        %jit3A_817 = arith.constant 576 : i32
        %div3A_818 = arith.divsi %sub3A_816, %jit3A_817 : i32
        %sign3A_819 = arith.constant 0 : i32
        %sign3A_820 = arith.cmpi sgt, %sub3A_816, %sign3A_819 : i32
        %sign3A_821 = arith.extui %sign3A_820 : i1 to i32
        %sign3A_822 = arith.constant 0 : i32
        %sign3A_823 = arith.cmpi slt, %sub3A_816, %sign3A_822 : i32
        %sign3A_824 = arith.extui %sign3A_823 : i1 to i32
        %sign3A_825 = arith.subi %sign3A_821, %sign3A_824 : i32
        %sign3A_826 = arith.constant 0 : i32
        %sign3A_827 = arith.cmpi sgt, %jit3A_817, %sign3A_826 : i32
        %sign3A_828 = arith.extui %sign3A_827 : i1 to i32
        %sign3A_829 = arith.constant 0 : i32
        %sign3A_830 = arith.cmpi slt, %jit3A_817, %sign3A_829 : i32
        %sign3A_831 = arith.extui %sign3A_830 : i1 to i32
        %sign3A_832 = arith.subi %sign3A_828, %sign3A_831 : i32
        %ne3A_833 = arith.cmpi ne, %sign3A_825, %sign3A_832 : i32
        %rem3A_834 = arith.remsi %sub3A_816, %jit3A_817 : i32
        %ne3A_835 = arith.constant 0 : i32
        %ne3A_836 = arith.cmpi ne, %rem3A_834, %ne3A_835 : i32
        %and3A_837 = arith.andi %ne3A_833, %ne3A_836 : i1
        %sub3A_838 = arith.constant 1 : i32
        %sub3A_839 = arith.subi %div3A_818, %sub3A_838 : i32
        %select_n3A_840 = arith.select %and3A_837, %sub3A_839, %div3A_818 : i32
        %jit3A_841 = arith.constant 576 : i32
        %eq3A_842 = arith.constant 0 : i32
        %eq3A_843 = arith.cmpi eq, %jit3A_841, %eq3A_842 : i32
        %jit3A_844 = arith.constant 1 : i32
        %select_n3A_845 = arith.select %eq3A_843, %jit3A_844, %jit3A_841 : i32
        %rem3A_846 = arith.remsi %sub3A_816, %select_n3A_845 : i32
        %ne3A_847 = arith.constant 0 : i32
        %ne3A_848 = arith.cmpi ne, %rem3A_846, %ne3A_847 : i32
        %lt3A_849 = arith.constant 0 : i32
        %lt3A_850 = arith.cmpi slt, %rem3A_846, %lt3A_849 : i32
        %lt3A_851 = arith.constant 0 : i32
        %lt3A_852 = arith.cmpi slt, %select_n3A_845, %lt3A_851 : i32
        %ne3A_853 = arith.xori %lt3A_850, %lt3A_852 : i1
        %and3A_854 = arith.andi %ne3A_853, %ne3A_848 : i1
        %add3A_855 = arith.addi %rem3A_846, %select_n3A_845 : i32
        %select_n3A_856 = arith.select %and3A_854, %add3A_855, %rem3A_846 : i32
        %jit3A_857 = arith.constant 24 : i32
        %div3A_858 = arith.divsi %select_n3A_856, %jit3A_857 : i32
        %sign3A_859 = arith.constant 0 : i32
        %sign3A_860 = arith.cmpi sgt, %select_n3A_856, %sign3A_859 : i32
        %sign3A_861 = arith.extui %sign3A_860 : i1 to i32
        %sign3A_862 = arith.constant 0 : i32
        %sign3A_863 = arith.cmpi slt, %select_n3A_856, %sign3A_862 : i32
        %sign3A_864 = arith.extui %sign3A_863 : i1 to i32
        %sign3A_865 = arith.subi %sign3A_861, %sign3A_864 : i32
        %sign3A_866 = arith.constant 0 : i32
        %sign3A_867 = arith.cmpi sgt, %jit3A_857, %sign3A_866 : i32
        %sign3A_868 = arith.extui %sign3A_867 : i1 to i32
        %sign3A_869 = arith.constant 0 : i32
        %sign3A_870 = arith.cmpi slt, %jit3A_857, %sign3A_869 : i32
        %sign3A_871 = arith.extui %sign3A_870 : i1 to i32
        %sign3A_872 = arith.subi %sign3A_868, %sign3A_871 : i32
        %ne3A_873 = arith.cmpi ne, %sign3A_865, %sign3A_872 : i32
        %rem3A_874 = arith.remsi %select_n3A_856, %jit3A_857 : i32
        %ne3A_875 = arith.constant 0 : i32
        %ne3A_876 = arith.cmpi ne, %rem3A_874, %ne3A_875 : i32
        %and3A_877 = arith.andi %ne3A_873, %ne3A_876 : i1
        %sub3A_878 = arith.constant 1 : i32
        %sub3A_879 = arith.subi %div3A_858, %sub3A_878 : i32
        %select_n3A_880 = arith.select %and3A_877, %sub3A_879, %div3A_858 : i32
        %jit3A_881 = arith.constant 24 : i32
        %eq3A_882 = arith.constant 0 : i32
        %eq3A_883 = arith.cmpi eq, %jit3A_881, %eq3A_882 : i32
        %jit3A_884 = arith.constant 1 : i32
        %select_n3A_885 = arith.select %eq3A_883, %jit3A_884, %jit3A_881 : i32
        %rem3A_886 = arith.remsi %select_n3A_856, %select_n3A_885 : i32
        %ne3A_887 = arith.constant 0 : i32
        %ne3A_888 = arith.cmpi ne, %rem3A_886, %ne3A_887 : i32
        %lt3A_889 = arith.constant 0 : i32
        %lt3A_890 = arith.cmpi slt, %rem3A_886, %lt3A_889 : i32
        %lt3A_891 = arith.constant 0 : i32
        %lt3A_892 = arith.cmpi slt, %select_n3A_885, %lt3A_891 : i32
        %ne3A_893 = arith.xori %lt3A_890, %lt3A_892 : i1
        %and3A_894 = arith.andi %ne3A_893, %ne3A_888 : i1
        %add3A_895 = arith.addi %rem3A_886, %select_n3A_885 : i32
        %select_n3A_896 = arith.select %and3A_894, %add3A_895, %rem3A_886 : i32
        %dma_wait3A_897 = arith.constant 1 : i32
        %dma_wait3A_898 = arith.constant 0 : i32
        %dma_wait3A_899 = arith.constant 0 : i32
        %dma_wait3A_900 = tpu.memref_slice %arg8[%dma_wait3A_897, %dma_wait3A_898, %dma_wait3A_899] : memref<2x24x512xf32, #tpu.memory_space<vmem>> -> memref<1x24x512xf32, #tpu.memory_space<vmem>>
        %dma_wait3A_901 = tpu.memref_squeeze %dma_wait3A_900 : memref<1x24x512xf32, #tpu.memory_space<vmem>> -> memref<24x512xf32, #tpu.memory_space<vmem>>
        %dma_wait3A_902 = arith.constant 0 : i32
        %dma_wait3A_903 = arith.constant 0 : i32
        %dma_wait3A_904 = tpu.memref_slice %arg4[%select_n3A_840, %select_n3A_880, %select_n3A_896, %dma_wait3A_902, %dma_wait3A_903] : memref<2x24x24x24x512xf32, #tpu.memory_space<hbm>> -> memref<1x1x1x24x512xf32, #tpu.memory_space<hbm>>
        %dma_wait3A_905 = tpu.memref_squeeze %dma_wait3A_904 : memref<1x1x1x24x512xf32, #tpu.memory_space<hbm>> -> memref<24x512xf32, #tpu.memory_space<hbm>>
        %dma_wait3A_906 = arith.constant 0 : i32
        %dma_wait3A_907 = arith.constant 0 : i32
        %dma_wait3A_908 = tpu.memref_slice %arg4[%select_n3A_840, %select_n3A_880, %select_n3A_896, %dma_wait3A_906, %dma_wait3A_907] : memref<2x24x24x24x512xf32, #tpu.memory_space<hbm>> -> memref<1x1x1x24x512xf32, #tpu.memory_space<hbm>>
        %dma_wait3A_909 = tpu.memref_squeeze %dma_wait3A_908 : memref<1x1x1x24x512xf32, #tpu.memory_space<hbm>> -> memref<24x512xf32, #tpu.memory_space<hbm>>
        %dma_wait3A_910 = arith.constant 0 : i32
        %dma_wait3A_911 = arith.constant 0 : i32
        %dma_wait3A_912 = tpu.memref_slice %arg8[%dma_wait3A_897, %dma_wait3A_910, %dma_wait3A_911] : memref<2x24x512xf32, #tpu.memory_space<vmem>> -> memref<1x24x512xf32, #tpu.memory_space<vmem>>
        %dma_wait3A_913 = tpu.memref_squeeze %dma_wait3A_912 : memref<1x24x512xf32, #tpu.memory_space<vmem>> -> memref<24x512xf32, #tpu.memory_space<vmem>>
        tpu.wait_dma2 semaphore(%arg10 : memref<!tpu.dma_semaphore, #tpu.memory_space<semaphore_mem>>) src(%dma_wait3A_913 : memref<24x512xf32, #tpu.memory_space<vmem>>) dst(%dma_wait3A_909 : memref<24x512xf32, #tpu.memory_space<hbm>>)
      } else {
      }
      %scan3A_712 = arith.constant 0 : i32
      %scan3A_713 = arith.constant 0 : i32
      %scan3A_714 = arith.constant 16 : i32
      %scan3A_715 = arith.addi %scan3A_713, %scan3A_714 : i32
      %scan3A_716 = arith.constant 1 : i32
      scf.for %scan3A_815 = %scan3A_713 to %scan3A_715 step %scan3A_716  : i32 {
        %mul3A_816 = arith.constant 2 : i32
        %mul3A_817 = arith.muli %scan3A_815, %mul3A_816 : i32
        %mul3A_818 = arith.constant 16 : i32
        %mul3A_819 = arith.muli %mul3A_817, %mul3A_818 : i32
        %get3A = arith.index_cast %scan3A_815 : i32 to index
        %get3A_820 = arith.constant 0 : index
        %get3A_821 = tpu.vector_load %arg7[%get3A, %get3A_820] {strides = array<i32>} : memref<16x48xi32, #tpu.memory_space<vmem>>, vector<1x16xi32>,
        %get3A_822 = vector.shape_cast %get3A_821 : vector<1x16xi32> to vector<16xi32>
        %slice3A = vector.extract_strided_slice %get3A_822 {offsets = [0], sizes = [1], strides = [1]} : vector<16xi32> to vector<1xi32>
        %squeeze3A = vector.extract %slice3A[0] : i32 from vector<1xi32>
        %get3A_823 = arith.index_cast %squeeze3A : i32 to index
        %get3A_824 = arith.constant 0 : index
        %get3A_825 = tpu.vector_load %arg6[%get3A_823, %get3A_824] {strides = array<i32>} : memref<208x16xf32, #tpu.memory_space<vmem>>, vector<1x16xf32>,
        %get3A_826 = vector.shape_cast %get3A_825 : vector<1x16xf32> to vector<16xf32>
        %add3A_827 = arith.constant 0 : i32
        %add3A_828 = arith.addi %add3A_827, %mul3A_819 : i32
        %swap3A = arith.constant 1 : i32
        %swap3A_829 = arith.constant 0 : i32
        %swap3A_830 = arith.index_cast %swap3A : i32 to index
        %swap3A_831 = arith.index_cast %swap3A_829 : i32 to index
        %swap3A_832 = arith.index_cast %add3A_828 : i32 to index
        %swap3A_833 = tpu.vector_load %arg8[%swap3A_830, %swap3A_831, %swap3A_832] {strides = array<i32>} : memref<2x24x512xf32, #tpu.memory_space<vmem>>, vector<1x1x16xf32>,
        %swap3A_834 = vector.shape_cast %swap3A_833 : vector<1x1x16xf32> to vector<16xf32>
        %swap3A_835 = vector.shape_cast %get3A_826 : vector<16xf32> to vector<1x1x16xf32>
        tpu.vector_store %arg8[%swap3A_830, %swap3A_831, %swap3A_832], %swap3A_835 {strides = array<i32>} : memref<2x24x512xf32, #tpu.memory_space<vmem>>, vector<1x1x16xf32>,
        %slice3A_836 = vector.extract_strided_slice %get3A_822 {offsets = [1], sizes = [1], strides = [1]} : vector<16xi32> to vector<1xi32>
        %squeeze3A_837 = vector.extract %slice3A_836[0] : i32 from vector<1xi32>
        %get3A_838 = arith.index_cast %squeeze3A_837 : i32 to index
        %get3A_839 = arith.constant 0 : index
        %get3A_840 = tpu.vector_load %arg6[%get3A_838, %get3A_839] {strides = array<i32>} : memref<208x16xf32, #tpu.memory_space<vmem>>, vector<1x16xf32>,
        %get3A_841 = vector.shape_cast %get3A_840 : vector<1x16xf32> to vector<16xf32>
        %add3A_842 = arith.constant 16 : i32
        %add3A_843 = arith.addi %add3A_842, %mul3A_819 : i32
        %swap3A_844 = arith.constant 1 : i32
        %swap3A_845 = arith.constant 0 : i32
        %swap3A_846 = arith.index_cast %swap3A_844 : i32 to index
        %swap3A_847 = arith.index_cast %swap3A_845 : i32 to index
        %swap3A_848 = arith.index_cast %add3A_843 : i32 to index
        %swap3A_849 = tpu.vector_load %arg8[%swap3A_846, %swap3A_847, %swap3A_848] {strides = array<i32>} : memref<2x24x512xf32, #tpu.memory_space<vmem>>, vector<1x1x16xf32>,
        %swap3A_850 = vector.shape_cast %swap3A_849 : vector<1x1x16xf32> to vector<16xf32>
        %swap3A_851 = vector.shape_cast %get3A_841 : vector<16xf32> to vector<1x1x16xf32>
        tpu.vector_store %arg8[%swap3A_846, %swap3A_847, %swap3A_848], %swap3A_851 {strides = array<i32>} : memref<2x24x512xf32, #tpu.memory_space<vmem>>, vector<1x1x16xf32>,
        %slice3A_852 = vector.extract_strided_slice %get3A_822 {offsets = [2], sizes = [1], strides = [1]} : vector<16xi32> to vector<1xi32>
        %squeeze3A_853 = vector.extract %slice3A_852[0] : i32 from vector<1xi32>
        %get3A_854 = arith.index_cast %squeeze3A_853 : i32 to index
        %get3A_855 = arith.constant 0 : index
        %get3A_856 = tpu.vector_load %arg6[%get3A_854, %get3A_855] {strides = array<i32>} : memref<208x16xf32, #tpu.memory_space<vmem>>, vector<1x16xf32>,
        %get3A_857 = vector.shape_cast %get3A_856 : vector<1x16xf32> to vector<16xf32>
        %add3A_858 = arith.constant 0 : i32
        %add3A_859 = arith.addi %add3A_858, %mul3A_819 : i32
        %swap3A_860 = arith.constant 1 : i32
        %swap3A_861 = arith.constant 1 : i32
        %swap3A_862 = arith.index_cast %swap3A_860 : i32 to index
        %swap3A_863 = arith.index_cast %swap3A_861 : i32 to index
        %swap3A_864 = arith.index_cast %add3A_859 : i32 to index
        %swap3A_865 = tpu.vector_load %arg8[%swap3A_862, %swap3A_863, %swap3A_864] {strides = array<i32>} : memref<2x24x512xf32, #tpu.memory_space<vmem>>, vector<1x1x16xf32>,
        %swap3A_866 = vector.shape_cast %swap3A_865 : vector<1x1x16xf32> to vector<16xf32>
        %swap3A_867 = vector.shape_cast %get3A_857 : vector<16xf32> to vector<1x1x16xf32>
        tpu.vector_store %arg8[%swap3A_862, %swap3A_863, %swap3A_864], %swap3A_867 {strides = array<i32>} : memref<2x24x512xf32, #tpu.memory_space<vmem>>, vector<1x1x16xf32>,
        %slice3A_868 = vector.extract_strided_slice %get3A_822 {offsets = [3], sizes = [1], strides = [1]} : vector<16xi32> to vector<1xi32>
        %squeeze3A_869 = vector.extract %slice3A_868[0] : i32 from vector<1xi32>
        %get3A_870 = arith.index_cast %squeeze3A_869 : i32 to index
        %get3A_871 = arith.constant 0 : index
        %get3A_872 = tpu.vector_load %arg6[%get3A_870, %get3A_871] {strides = array<i32>} : memref<208x16xf32, #tpu.memory_space<vmem>>, vector<1x16xf32>,
        %get3A_873 = vector.shape_cast %get3A_872 : vector<1x16xf32> to vector<16xf32>
        %add3A_874 = arith.constant 16 : i32
        %add3A_875 = arith.addi %add3A_874, %mul3A_819 : i32
        %swap3A_876 = arith.constant 1 : i32
        %swap3A_877 = arith.constant 1 : i32
        %swap3A_878 = arith.index_cast %swap3A_876 : i32 to index
        %swap3A_879 = arith.index_cast %swap3A_877 : i32 to index
        %swap3A_880 = arith.index_cast %add3A_875 : i32 to index
        %swap3A_881 = tpu.vector_load %arg8[%swap3A_878, %swap3A_879, %swap3A_880] {strides = array<i32>} : memref<2x24x512xf32, #tpu.memory_space<vmem>>, vector<1x1x16xf32>,
        %swap3A_882 = vector.shape_cast %swap3A_881 : vector<1x1x16xf32> to vector<16xf32>
        %swap3A_883 = vector.shape_cast %get3A_873 : vector<16xf32> to vector<1x1x16xf32>
        tpu.vector_store %arg8[%swap3A_878, %swap3A_879, %swap3A_880], %swap3A_883 {strides = array<i32>} : memref<2x24x512xf32, #tpu.memory_space<vmem>>, vector<1x1x16xf32>,
        %slice3A_884 = vector.extract_strided_slice %get3A_822 {offsets = [4], sizes = [1], strides = [1]} : vector<16xi32> to vector<1xi32>
        %squeeze3A_885 = vector.extract %slice3A_884[0] : i32 from vector<1xi32>
        %get3A_886 = arith.index_cast %squeeze3A_885 : i32 to index
        %get3A_887 = arith.constant 0 : index
        %get3A_888 = tpu.vector_load %arg6[%get3A_886, %get3A_887] {strides = array<i32>} : memref<208x16xf32, #tpu.memory_space<vmem>>, vector<1x16xf32>,
        %get3A_889 = vector.shape_cast %get3A_888 : vector<1x16xf32> to vector<16xf32>
        %add3A_890 = arith.constant 0 : i32
        %add3A_891 = arith.addi %add3A_890, %mul3A_819 : i32
        %swap3A_892 = arith.constant 1 : i32
        %swap3A_893 = arith.constant 2 : i32
        %swap3A_894 = arith.index_cast %swap3A_892 : i32 to index
        %swap3A_895 = arith.index_cast %swap3A_893 : i32 to index
        %swap3A_896 = arith.index_cast %add3A_891 : i32 to index
        %swap3A_897 = tpu.vector_load %arg8[%swap3A_894, %swap3A_895, %swap3A_896] {strides = array<i32>} : memref<2x24x512xf32, #tpu.memory_space<vmem>>, vector<1x1x16xf32>,
        %swap3A_898 = vector.shape_cast %swap3A_897 : vector<1x1x16xf32> to vector<16xf32>
        %swap3A_899 = vector.shape_cast %get3A_889 : vector<16xf32> to vector<1x1x16xf32>
        tpu.vector_store %arg8[%swap3A_894, %swap3A_895, %swap3A_896], %swap3A_899 {strides = array<i32>} : memref<2x24x512xf32, #tpu.memory_space<vmem>>, vector<1x1x16xf32>,
        %slice3A_900 = vector.extract_strided_slice %get3A_822 {offsets = [5], sizes = [1], strides = [1]} : vector<16xi32> to vector<1xi32>
        %squeeze3A_901 = vector.extract %slice3A_900[0] : i32 from vector<1xi32>
        %get3A_902 = arith.index_cast %squeeze3A_901 : i32 to index
        %get3A_903 = arith.constant 0 : index
        %get3A_904 = tpu.vector_load %arg6[%get3A_902, %get3A_903] {strides = array<i32>} : memref<208x16xf32, #tpu.memory_space<vmem>>, vector<1x16xf32>,
        %get3A_905 = vector.shape_cast %get3A_904 : vector<1x16xf32> to vector<16xf32>
        %add3A_906 = arith.constant 16 : i32
        %add3A_907 = arith.addi %add3A_906, %mul3A_819 : i32
        %swap3A_908 = arith.constant 1 : i32
        %swap3A_909 = arith.constant 2 : i32
        %swap3A_910 = arith.index_cast %swap3A_908 : i32 to index
        %swap3A_911 = arith.index_cast %swap3A_909 : i32 to index
        %swap3A_912 = arith.index_cast %add3A_907 : i32 to index
        %swap3A_913 = tpu.vector_load %arg8[%swap3A_910, %swap3A_911, %swap3A_912] {strides = array<i32>} : memref<2x24x512xf32, #tpu.memory_space<vmem>>, vector<1x1x16xf32>,
        %swap3A_914 = vector.shape_cast %swap3A_913 : vector<1x1x16xf32> to vector<16xf32>
        %swap3A_915 = vector.shape_cast %get3A_905 : vector<16xf32> to vector<1x1x16xf32>
        tpu.vector_store %arg8[%swap3A_910, %swap3A_911, %swap3A_912], %swap3A_915 {strides = array<i32>} : memref<2x24x512xf32, #tpu.memory_space<vmem>>, vector<1x1x16xf32>,
        %slice3A_916 = vector.extract_strided_slice %get3A_822 {offsets = [6], sizes = [1], strides = [1]} : vector<16xi32> to vector<1xi32>
        %squeeze3A_917 = vector.extract %slice3A_916[0] : i32 from vector<1xi32>
        %get3A_918 = arith.index_cast %squeeze3A_917 : i32 to index
        %get3A_919 = arith.constant 0 : index
        %get3A_920 = tpu.vector_load %arg6[%get3A_918, %get3A_919] {strides = array<i32>} : memref<208x16xf32, #tpu.memory_space<vmem>>, vector<1x16xf32>,
        %get3A_921 = vector.shape_cast %get3A_920 : vector<1x16xf32> to vector<16xf32>
        %add3A_922 = arith.constant 0 : i32
        %add3A_923 = arith.addi %add3A_922, %mul3A_819 : i32
        %swap3A_924 = arith.constant 1 : i32
        %swap3A_925 = arith.constant 3 : i32
        %swap3A_926 = arith.index_cast %swap3A_924 : i32 to index
        %swap3A_927 = arith.index_cast %swap3A_925 : i32 to index
        %swap3A_928 = arith.index_cast %add3A_923 : i32 to index
        %swap3A_929 = tpu.vector_load %arg8[%swap3A_926, %swap3A_927, %swap3A_928] {strides = array<i32>} : memref<2x24x512xf32, #tpu.memory_space<vmem>>, vector<1x1x16xf32>,
        %swap3A_930 = vector.shape_cast %swap3A_929 : vector<1x1x16xf32> to vector<16xf32>
        %swap3A_931 = vector.shape_cast %get3A_921 : vector<16xf32> to vector<1x1x16xf32>
        tpu.vector_store %arg8[%swap3A_926, %swap3A_927, %swap3A_928], %swap3A_931 {strides = array<i32>} : memref<2x24x512xf32, #tpu.memory_space<vmem>>, vector<1x1x16xf32>,
        %slice3A_932 = vector.extract_strided_slice %get3A_822 {offsets = [7], sizes = [1], strides = [1]} : vector<16xi32> to vector<1xi32>
        %squeeze3A_933 = vector.extract %slice3A_932[0] : i32 from vector<1xi32>
        %get3A_934 = arith.index_cast %squeeze3A_933 : i32 to index
        %get3A_935 = arith.constant 0 : index
        %get3A_936 = tpu.vector_load %arg6[%get3A_934, %get3A_935] {strides = array<i32>} : memref<208x16xf32, #tpu.memory_space<vmem>>, vector<1x16xf32>,
        %get3A_937 = vector.shape_cast %get3A_936 : vector<1x16xf32> to vector<16xf32>
        %add3A_938 = arith.constant 16 : i32
        %add3A_939 = arith.addi %add3A_938, %mul3A_819 : i32
        %swap3A_940 = arith.constant 1 : i32
        %swap3A_941 = arith.constant 3 : i32
        %swap3A_942 = arith.index_cast %swap3A_940 : i32 to index
        %swap3A_943 = arith.index_cast %swap3A_941 : i32 to index
        %swap3A_944 = arith.index_cast %add3A_939 : i32 to index
        %swap3A_945 = tpu.vector_load %arg8[%swap3A_942, %swap3A_943, %swap3A_944] {strides = array<i32>} : memref<2x24x512xf32, #tpu.memory_space<vmem>>, vector<1x1x16xf32>,
        %swap3A_946 = vector.shape_cast %swap3A_945 : vector<1x1x16xf32> to vector<16xf32>
        %swap3A_947 = vector.shape_cast %get3A_937 : vector<16xf32> to vector<1x1x16xf32>
        tpu.vector_store %arg8[%swap3A_942, %swap3A_943, %swap3A_944], %swap3A_947 {strides = array<i32>} : memref<2x24x512xf32, #tpu.memory_space<vmem>>, vector<1x1x16xf32>,
        %slice3A_948 = vector.extract_strided_slice %get3A_822 {offsets = [8], sizes = [1], strides = [1]} : vector<16xi32> to vector<1xi32>
        %squeeze3A_949 = vector.extract %slice3A_948[0] : i32 from vector<1xi32>
        %get3A_950 = arith.index_cast %squeeze3A_949 : i32 to index
        %get3A_951 = arith.constant 0 : index
        %get3A_952 = tpu.vector_load %arg6[%get3A_950, %get3A_951] {strides = array<i32>} : memref<208x16xf32, #tpu.memory_space<vmem>>, vector<1x16xf32>,
        %get3A_953 = vector.shape_cast %get3A_952 : vector<1x16xf32> to vector<16xf32>
        %add3A_954 = arith.constant 0 : i32
        %add3A_955 = arith.addi %add3A_954, %mul3A_819 : i32
        %swap3A_956 = arith.constant 1 : i32
        %swap3A_957 = arith.constant 4 : i32
        %swap3A_958 = arith.index_cast %swap3A_956 : i32 to index
        %swap3A_959 = arith.index_cast %swap3A_957 : i32 to index
        %swap3A_960 = arith.index_cast %add3A_955 : i32 to index
        %swap3A_961 = tpu.vector_load %arg8[%swap3A_958, %swap3A_959, %swap3A_960] {strides = array<i32>} : memref<2x24x512xf32, #tpu.memory_space<vmem>>, vector<1x1x16xf32>,
        %swap3A_962 = vector.shape_cast %swap3A_961 : vector<1x1x16xf32> to vector<16xf32>
        %swap3A_963 = vector.shape_cast %get3A_953 : vector<16xf32> to vector<1x1x16xf32>
        tpu.vector_store %arg8[%swap3A_958, %swap3A_959, %swap3A_960], %swap3A_963 {strides = array<i32>} : memref<2x24x512xf32, #tpu.memory_space<vmem>>, vector<1x1x16xf32>,
        %slice3A_964 = vector.extract_strided_slice %get3A_822 {offsets = [9], sizes = [1], strides = [1]} : vector<16xi32> to vector<1xi32>
        %squeeze3A_965 = vector.extract %slice3A_964[0] : i32 from vector<1xi32>
        %get3A_966 = arith.index_cast %squeeze3A_965 : i32 to index
        %get3A_967 = arith.constant 0 : index
        %get3A_968 = tpu.vector_load %arg6[%get3A_966, %get3A_967] {strides = array<i32>} : memref<208x16xf32, #tpu.memory_space<vmem>>, vector<1x16xf32>,
        %get3A_969 = vector.shape_cast %get3A_968 : vector<1x16xf32> to vector<16xf32>
        %add3A_970 = arith.constant 16 : i32
        %add3A_971 = arith.addi %add3A_970, %mul3A_819 : i32
        %swap3A_972 = arith.constant 1 : i32
        %swap3A_973 = arith.constant 4 : i32
        %swap3A_974 = arith.index_cast %swap3A_972 : i32 to index
        %swap3A_975 = arith.index_cast %swap3A_973 : i32 to index
        %swap3A_976 = arith.index_cast %add3A_971 : i32 to index
        %swap3A_977 = tpu.vector_load %arg8[%swap3A_974, %swap3A_975, %swap3A_976] {strides = array<i32>} : memref<2x24x512xf32, #tpu.memory_space<vmem>>, vector<1x1x16xf32>,
        %swap3A_978 = vector.shape_cast %swap3A_977 : vector<1x1x16xf32> to vector<16xf32>
        %swap3A_979 = vector.shape_cast %get3A_969 : vector<16xf32> to vector<1x1x16xf32>
        tpu.vector_store %arg8[%swap3A_974, %swap3A_975, %swap3A_976], %swap3A_979 {strides = array<i32>} : memref<2x24x512xf32, #tpu.memory_space<vmem>>, vector<1x1x16xf32>,
        %slice3A_980 = vector.extract_strided_slice %get3A_822 {offsets = [10], sizes = [1], strides = [1]} : vector<16xi32> to vector<1xi32>
        %squeeze3A_981 = vector.extract %slice3A_980[0] : i32 from vector<1xi32>
        %get3A_982 = arith.index_cast %squeeze3A_981 : i32 to index
        %get3A_983 = arith.constant 0 : index
        %get3A_984 = tpu.vector_load %arg6[%get3A_982, %get3A_983] {strides = array<i32>} : memref<208x16xf32, #tpu.memory_space<vmem>>, vector<1x16xf32>,
        %get3A_985 = vector.shape_cast %get3A_984 : vector<1x16xf32> to vector<16xf32>
        %add3A_986 = arith.constant 0 : i32
        %add3A_987 = arith.addi %add3A_986, %mul3A_819 : i32
        %swap3A_988 = arith.constant 1 : i32
        %swap3A_989 = arith.constant 5 : i32
        %swap3A_990 = arith.index_cast %swap3A_988 : i32 to index
        %swap3A_991 = arith.index_cast %swap3A_989 : i32 to index
        %swap3A_992 = arith.index_cast %add3A_987 : i32 to index
        %swap3A_993 = tpu.vector_load %arg8[%swap3A_990, %swap3A_991, %swap3A_992] {strides = array<i32>} : memref<2x24x512xf32, #tpu.memory_space<vmem>>, vector<1x1x16xf32>,
        %swap3A_994 = vector.shape_cast %swap3A_993 : vector<1x1x16xf32> to vector<16xf32>
        %swap3A_995 = vector.shape_cast %get3A_985 : vector<16xf32> to vector<1x1x16xf32>
        tpu.vector_store %arg8[%swap3A_990, %swap3A_991, %swap3A_992], %swap3A_995 {strides = array<i32>} : memref<2x24x512xf32, #tpu.memory_space<vmem>>, vector<1x1x16xf32>,
        %slice3A_996 = vector.extract_strided_slice %get3A_822 {offsets = [11], sizes = [1], strides = [1]} : vector<16xi32> to vector<1xi32>
        %squeeze3A_997 = vector.extract %slice3A_996[0] : i32 from vector<1xi32>
        %get3A_998 = arith.index_cast %squeeze3A_997 : i32 to index
        %get3A_999 = arith.constant 0 : index
        %get3A_1000 = tpu.vector_load %arg6[%get3A_998, %get3A_999] {strides = array<i32>} : memref<208x16xf32, #tpu.memory_space<vmem>>, vector<1x16xf32>,
        %get3A_1001 = vector.shape_cast %get3A_1000 : vector<1x16xf32> to vector<16xf32>
        %add3A_1002 = arith.constant 16 : i32
        %add3A_1003 = arith.addi %add3A_1002, %mul3A_819 : i32
        %swap3A_1004 = arith.constant 1 : i32
        %swap3A_1005 = arith.constant 5 : i32
        %swap3A_1006 = arith.index_cast %swap3A_1004 : i32 to index
        %swap3A_1007 = arith.index_cast %swap3A_1005 : i32 to index
        %swap3A_1008 = arith.index_cast %add3A_1003 : i32 to index
        %swap3A_1009 = tpu.vector_load %arg8[%swap3A_1006, %swap3A_1007, %swap3A_1008] {strides = array<i32>} : memref<2x24x512xf32, #tpu.memory_space<vmem>>, vector<1x1x16xf32>,
        %swap3A_1010 = vector.shape_cast %swap3A_1009 : vector<1x1x16xf32> to vector<16xf32>
        %swap3A_1011 = vector.shape_cast %get3A_1001 : vector<16xf32> to vector<1x1x16xf32>
        tpu.vector_store %arg8[%swap3A_1006, %swap3A_1007, %swap3A_1008], %swap3A_1011 {strides = array<i32>} : memref<2x24x512xf32, #tpu.memory_space<vmem>>, vector<1x1x16xf32>,
        %slice3A_1012 = vector.extract_strided_slice %get3A_822 {offsets = [12], sizes = [1], strides = [1]} : vector<16xi32> to vector<1xi32>
        %squeeze3A_1013 = vector.extract %slice3A_1012[0] : i32 from vector<1xi32>
        %get3A_1014 = arith.index_cast %squeeze3A_1013 : i32 to index
        %get3A_1015 = arith.constant 0 : index
        %get3A_1016 = tpu.vector_load %arg6[%get3A_1014, %get3A_1015] {strides = array<i32>} : memref<208x16xf32, #tpu.memory_space<vmem>>, vector<1x16xf32>,
        %get3A_1017 = vector.shape_cast %get3A_1016 : vector<1x16xf32> to vector<16xf32>
        %add3A_1018 = arith.constant 0 : i32
        %add3A_1019 = arith.addi %add3A_1018, %mul3A_819 : i32
        %swap3A_1020 = arith.constant 1 : i32
        %swap3A_1021 = arith.constant 6 : i32
        %swap3A_1022 = arith.index_cast %swap3A_1020 : i32 to index
        %swap3A_1023 = arith.index_cast %swap3A_1021 : i32 to index
        %swap3A_1024 = arith.index_cast %add3A_1019 : i32 to index
        %swap3A_1025 = tpu.vector_load %arg8[%swap3A_1022, %swap3A_1023, %swap3A_1024] {strides = array<i32>} : memref<2x24x512xf32, #tpu.memory_space<vmem>>, vector<1x1x16xf32>,
        %swap3A_1026 = vector.shape_cast %swap3A_1025 : vector<1x1x16xf32> to vector<16xf32>
        %swap3A_1027 = vector.shape_cast %get3A_1017 : vector<16xf32> to vector<1x1x16xf32>
        tpu.vector_store %arg8[%swap3A_1022, %swap3A_1023, %swap3A_1024], %swap3A_1027 {strides = array<i32>} : memref<2x24x512xf32, #tpu.memory_space<vmem>>, vector<1x1x16xf32>,
        %slice3A_1028 = vector.extract_strided_slice %get3A_822 {offsets = [13], sizes = [1], strides = [1]} : vector<16xi32> to vector<1xi32>
        %squeeze3A_1029 = vector.extract %slice3A_1028[0] : i32 from vector<1xi32>
        %get3A_1030 = arith.index_cast %squeeze3A_1029 : i32 to index
        %get3A_1031 = arith.constant 0 : index
        %get3A_1032 = tpu.vector_load %arg6[%get3A_1030, %get3A_1031] {strides = array<i32>} : memref<208x16xf32, #tpu.memory_space<vmem>>, vector<1x16xf32>,
        %get3A_1033 = vector.shape_cast %get3A_1032 : vector<1x16xf32> to vector<16xf32>
        %add3A_1034 = arith.constant 16 : i32
        %add3A_1035 = arith.addi %add3A_1034, %mul3A_819 : i32
        %swap3A_1036 = arith.constant 1 : i32
        %swap3A_1037 = arith.constant 6 : i32
        %swap3A_1038 = arith.index_cast %swap3A_1036 : i32 to index
        %swap3A_1039 = arith.index_cast %swap3A_1037 : i32 to index
        %swap3A_1040 = arith.index_cast %add3A_1035 : i32 to index
        %swap3A_1041 = tpu.vector_load %arg8[%swap3A_1038, %swap3A_1039, %swap3A_1040] {strides = array<i32>} : memref<2x24x512xf32, #tpu.memory_space<vmem>>, vector<1x1x16xf32>,
        %swap3A_1042 = vector.shape_cast %swap3A_1041 : vector<1x1x16xf32> to vector<16xf32>
        %swap3A_1043 = vector.shape_cast %get3A_1033 : vector<16xf32> to vector<1x1x16xf32>
        tpu.vector_store %arg8[%swap3A_1038, %swap3A_1039, %swap3A_1040], %swap3A_1043 {strides = array<i32>} : memref<2x24x512xf32, #tpu.memory_space<vmem>>, vector<1x1x16xf32>,
        %slice3A_1044 = vector.extract_strided_slice %get3A_822 {offsets = [14], sizes = [1], strides = [1]} : vector<16xi32> to vector<1xi32>
        %squeeze3A_1045 = vector.extract %slice3A_1044[0] : i32 from vector<1xi32>
        %get3A_1046 = arith.index_cast %squeeze3A_1045 : i32 to index
        %get3A_1047 = arith.constant 0 : index
        %get3A_1048 = tpu.vector_load %arg6[%get3A_1046, %get3A_1047] {strides = array<i32>} : memref<208x16xf32, #tpu.memory_space<vmem>>, vector<1x16xf32>,
        %get3A_1049 = vector.shape_cast %get3A_1048 : vector<1x16xf32> to vector<16xf32>
        %add3A_1050 = arith.constant 0 : i32
        %add3A_1051 = arith.addi %add3A_1050, %mul3A_819 : i32
        %swap3A_1052 = arith.constant 1 : i32
        %swap3A_1053 = arith.constant 7 : i32
        %swap3A_1054 = arith.index_cast %swap3A_1052 : i32 to index
        %swap3A_1055 = arith.index_cast %swap3A_1053 : i32 to index
        %swap3A_1056 = arith.index_cast %add3A_1051 : i32 to index
        %swap3A_1057 = tpu.vector_load %arg8[%swap3A_1054, %swap3A_1055, %swap3A_1056] {strides = array<i32>} : memref<2x24x512xf32, #tpu.memory_space<vmem>>, vector<1x1x16xf32>,
        %swap3A_1058 = vector.shape_cast %swap3A_1057 : vector<1x1x16xf32> to vector<16xf32>
        %swap3A_1059 = vector.shape_cast %get3A_1049 : vector<16xf32> to vector<1x1x16xf32>
        tpu.vector_store %arg8[%swap3A_1054, %swap3A_1055, %swap3A_1056], %swap3A_1059 {strides = array<i32>} : memref<2x24x512xf32, #tpu.memory_space<vmem>>, vector<1x1x16xf32>,
        %slice3A_1060 = vector.extract_strided_slice %get3A_822 {offsets = [15], sizes = [1], strides = [1]} : vector<16xi32> to vector<1xi32>
        %squeeze3A_1061 = vector.extract %slice3A_1060[0] : i32 from vector<1xi32>
        %get3A_1062 = arith.index_cast %squeeze3A_1061 : i32 to index
        %get3A_1063 = arith.constant 0 : index
        %get3A_1064 = tpu.vector_load %arg6[%get3A_1062, %get3A_1063] {strides = array<i32>} : memref<208x16xf32, #tpu.memory_space<vmem>>, vector<1x16xf32>,
        %get3A_1065 = vector.shape_cast %get3A_1064 : vector<1x16xf32> to vector<16xf32>
        %add3A_1066 = arith.constant 16 : i32
        %add3A_1067 = arith.addi %add3A_1066, %mul3A_819 : i32
        %swap3A_1068 = arith.constant 1 : i32
        %swap3A_1069 = arith.constant 7 : i32
        %swap3A_1070 = arith.index_cast %swap3A_1068 : i32 to index
        %swap3A_1071 = arith.index_cast %swap3A_1069 : i32 to index
        %swap3A_1072 = arith.index_cast %add3A_1067 : i32 to index
        %swap3A_1073 = tpu.vector_load %arg8[%swap3A_1070, %swap3A_1071, %swap3A_1072] {strides = array<i32>} : memref<2x24x512xf32, #tpu.memory_space<vmem>>, vector<1x1x16xf32>,
        %swap3A_1074 = vector.shape_cast %swap3A_1073 : vector<1x1x16xf32> to vector<16xf32>
        %swap3A_1075 = vector.shape_cast %get3A_1065 : vector<16xf32> to vector<1x1x16xf32>
        tpu.vector_store %arg8[%swap3A_1070, %swap3A_1071, %swap3A_1072], %swap3A_1075 {strides = array<i32>} : memref<2x24x512xf32, #tpu.memory_space<vmem>>, vector<1x1x16xf32>,
        %get3A_1076 = arith.index_cast %scan3A_815 : i32 to index
        %get3A_1077 = arith.constant 16 : index
        %get3A_1078 = tpu.vector_load %arg7[%get3A_1076, %get3A_1077] {strides = array<i32>} : memref<16x48xi32, #tpu.memory_space<vmem>>, vector<1x16xi32>,
        %get3A_1079 = vector.shape_cast %get3A_1078 : vector<1x16xi32> to vector<16xi32>
        %slice3A_1080 = vector.extract_strided_slice %get3A_1079 {offsets = [0], sizes = [1], strides = [1]} : vector<16xi32> to vector<1xi32>
        %squeeze3A_1081 = vector.extract %slice3A_1080[0] : i32 from vector<1xi32>
        %get3A_1082 = arith.index_cast %squeeze3A_1081 : i32 to index
        %get3A_1083 = arith.constant 0 : index
        %get3A_1084 = tpu.vector_load %arg6[%get3A_1082, %get3A_1083] {strides = array<i32>} : memref<208x16xf32, #tpu.memory_space<vmem>>, vector<1x16xf32>,
        %get3A_1085 = vector.shape_cast %get3A_1084 : vector<1x16xf32> to vector<16xf32>
        %add3A_1086 = arith.constant 0 : i32
        %add3A_1087 = arith.addi %add3A_1086, %mul3A_819 : i32
        %swap3A_1088 = arith.constant 1 : i32
        %swap3A_1089 = arith.constant 8 : i32
        %swap3A_1090 = arith.index_cast %swap3A_1088 : i32 to index
        %swap3A_1091 = arith.index_cast %swap3A_1089 : i32 to index
        %swap3A_1092 = arith.index_cast %add3A_1087 : i32 to index
        %swap3A_1093 = tpu.vector_load %arg8[%swap3A_1090, %swap3A_1091, %swap3A_1092] {strides = array<i32>} : memref<2x24x512xf32, #tpu.memory_space<vmem>>, vector<1x1x16xf32>,
        %swap3A_1094 = vector.shape_cast %swap3A_1093 : vector<1x1x16xf32> to vector<16xf32>
        %swap3A_1095 = vector.shape_cast %get3A_1085 : vector<16xf32> to vector<1x1x16xf32>
        tpu.vector_store %arg8[%swap3A_1090, %swap3A_1091, %swap3A_1092], %swap3A_1095 {strides = array<i32>} : memref<2x24x512xf32, #tpu.memory_space<vmem>>, vector<1x1x16xf32>,
        %slice3A_1096 = vector.extract_strided_slice %get3A_1079 {offsets = [1], sizes = [1], strides = [1]} : vector<16xi32> to vector<1xi32>
        %squeeze3A_1097 = vector.extract %slice3A_1096[0] : i32 from vector<1xi32>
        %get3A_1098 = arith.index_cast %squeeze3A_1097 : i32 to index
        %get3A_1099 = arith.constant 0 : index
        %get3A_1100 = tpu.vector_load %arg6[%get3A_1098, %get3A_1099] {strides = array<i32>} : memref<208x16xf32, #tpu.memory_space<vmem>>, vector<1x16xf32>,
        %get3A_1101 = vector.shape_cast %get3A_1100 : vector<1x16xf32> to vector<16xf32>
        %add3A_1102 = arith.constant 16 : i32
        %add3A_1103 = arith.addi %add3A_1102, %mul3A_819 : i32
        %swap3A_1104 = arith.constant 1 : i32
        %swap3A_1105 = arith.constant 8 : i32
        %swap3A_1106 = arith.index_cast %swap3A_1104 : i32 to index
        %swap3A_1107 = arith.index_cast %swap3A_1105 : i32 to index
        %swap3A_1108 = arith.index_cast %add3A_1103 : i32 to index
        %swap3A_1109 = tpu.vector_load %arg8[%swap3A_1106, %swap3A_1107, %swap3A_1108] {strides = array<i32>} : memref<2x24x512xf32, #tpu.memory_space<vmem>>, vector<1x1x16xf32>,
        %swap3A_1110 = vector.shape_cast %swap3A_1109 : vector<1x1x16xf32> to vector<16xf32>
        %swap3A_1111 = vector.shape_cast %get3A_1101 : vector<16xf32> to vector<1x1x16xf32>
        tpu.vector_store %arg8[%swap3A_1106, %swap3A_1107, %swap3A_1108], %swap3A_1111 {strides = array<i32>} : memref<2x24x512xf32, #tpu.memory_space<vmem>>, vector<1x1x16xf32>,
        %slice3A_1112 = vector.extract_strided_slice %get3A_1079 {offsets = [2], sizes = [1], strides = [1]} : vector<16xi32> to vector<1xi32>
        %squeeze3A_1113 = vector.extract %slice3A_1112[0] : i32 from vector<1xi32>
        %get3A_1114 = arith.index_cast %squeeze3A_1113 : i32 to index
        %get3A_1115 = arith.constant 0 : index
        %get3A_1116 = tpu.vector_load %arg6[%get3A_1114, %get3A_1115] {strides = array<i32>} : memref<208x16xf32, #tpu.memory_space<vmem>>, vector<1x16xf32>,
        %get3A_1117 = vector.shape_cast %get3A_1116 : vector<1x16xf32> to vector<16xf32>
        %add3A_1118 = arith.constant 0 : i32
        %add3A_1119 = arith.addi %add3A_1118, %mul3A_819 : i32
        %swap3A_1120 = arith.constant 1 : i32
        %swap3A_1121 = arith.constant 9 : i32
        %swap3A_1122 = arith.index_cast %swap3A_1120 : i32 to index
        %swap3A_1123 = arith.index_cast %swap3A_1121 : i32 to index
        %swap3A_1124 = arith.index_cast %add3A_1119 : i32 to index
        %swap3A_1125 = tpu.vector_load %arg8[%swap3A_1122, %swap3A_1123, %swap3A_1124] {strides = array<i32>} : memref<2x24x512xf32, #tpu.memory_space<vmem>>, vector<1x1x16xf32>,
        %swap3A_1126 = vector.shape_cast %swap3A_1125 : vector<1x1x16xf32> to vector<16xf32>
        %swap3A_1127 = vector.shape_cast %get3A_1117 : vector<16xf32> to vector<1x1x16xf32>
        tpu.vector_store %arg8[%swap3A_1122, %swap3A_1123, %swap3A_1124], %swap3A_1127 {strides = array<i32>} : memref<2x24x512xf32, #tpu.memory_space<vmem>>, vector<1x1x16xf32>,
        %slice3A_1128 = vector.extract_strided_slice %get3A_1079 {offsets = [3], sizes = [1], strides = [1]} : vector<16xi32> to vector<1xi32>
        %squeeze3A_1129 = vector.extract %slice3A_1128[0] : i32 from vector<1xi32>
        %get3A_1130 = arith.index_cast %squeeze3A_1129 : i32 to index
        %get3A_1131 = arith.constant 0 : index
        %get3A_1132 = tpu.vector_load %arg6[%get3A_1130, %get3A_1131] {strides = array<i32>} : memref<208x16xf32, #tpu.memory_space<vmem>>, vector<1x16xf32>,
        %get3A_1133 = vector.shape_cast %get3A_1132 : vector<1x16xf32> to vector<16xf32>
        %add3A_1134 = arith.constant 16 : i32
        %add3A_1135 = arith.addi %add3A_1134, %mul3A_819 : i32
        %swap3A_1136 = arith.constant 1 : i32
        %swap3A_1137 = arith.constant 9 : i32
        %swap3A_1138 = arith.index_cast %swap3A_1136 : i32 to index
        %swap3A_1139 = arith.index_cast %swap3A_1137 : i32 to index
        %swap3A_1140 = arith.index_cast %add3A_1135 : i32 to index
        %swap3A_1141 = tpu.vector_load %arg8[%swap3A_1138, %swap3A_1139, %swap3A_1140] {strides = array<i32>} : memref<2x24x512xf32, #tpu.memory_space<vmem>>, vector<1x1x16xf32>,
        %swap3A_1142 = vector.shape_cast %swap3A_1141 : vector<1x1x16xf32> to vector<16xf32>
        %swap3A_1143 = vector.shape_cast %get3A_1133 : vector<16xf32> to vector<1x1x16xf32>
        tpu.vector_store %arg8[%swap3A_1138, %swap3A_1139, %swap3A_1140], %swap3A_1143 {strides = array<i32>} : memref<2x24x512xf32, #tpu.memory_space<vmem>>, vector<1x1x16xf32>,
        %slice3A_1144 = vector.extract_strided_slice %get3A_1079 {offsets = [4], sizes = [1], strides = [1]} : vector<16xi32> to vector<1xi32>
        %squeeze3A_1145 = vector.extract %slice3A_1144[0] : i32 from vector<1xi32>
        %get3A_1146 = arith.index_cast %squeeze3A_1145 : i32 to index
        %get3A_1147 = arith.constant 0 : index
        %get3A_1148 = tpu.vector_load %arg6[%get3A_1146, %get3A_1147] {strides = array<i32>} : memref<208x16xf32, #tpu.memory_space<vmem>>, vector<1x16xf32>,
        %get3A_1149 = vector.shape_cast %get3A_1148 : vector<1x16xf32> to vector<16xf32>
        %add3A_1150 = arith.constant 0 : i32
        %add3A_1151 = arith.addi %add3A_1150, %mul3A_819 : i32
        %swap3A_1152 = arith.constant 1 : i32
        %swap3A_1153 = arith.constant 10 : i32
        %swap3A_1154 = arith.index_cast %swap3A_1152 : i32 to index
        %swap3A_1155 = arith.index_cast %swap3A_1153 : i32 to index
        %swap3A_1156 = arith.index_cast %add3A_1151 : i32 to index
        %swap3A_1157 = tpu.vector_load %arg8[%swap3A_1154, %swap3A_1155, %swap3A_1156] {strides = array<i32>} : memref<2x24x512xf32, #tpu.memory_space<vmem>>, vector<1x1x16xf32>,
        %swap3A_1158 = vector.shape_cast %swap3A_1157 : vector<1x1x16xf32> to vector<16xf32>
        %swap3A_1159 = vector.shape_cast %get3A_1149 : vector<16xf32> to vector<1x1x16xf32>
        tpu.vector_store %arg8[%swap3A_1154, %swap3A_1155, %swap3A_1156], %swap3A_1159 {strides = array<i32>} : memref<2x24x512xf32, #tpu.memory_space<vmem>>, vector<1x1x16xf32>,
        %slice3A_1160 = vector.extract_strided_slice %get3A_1079 {offsets = [5], sizes = [1], strides = [1]} : vector<16xi32> to vector<1xi32>
        %squeeze3A_1161 = vector.extract %slice3A_1160[0] : i32 from vector<1xi32>
        %get3A_1162 = arith.index_cast %squeeze3A_1161 : i32 to index
        %get3A_1163 = arith.constant 0 : index
        %get3A_1164 = tpu.vector_load %arg6[%get3A_1162, %get3A_1163] {strides = array<i32>} : memref<208x16xf32, #tpu.memory_space<vmem>>, vector<1x16xf32>,
        %get3A_1165 = vector.shape_cast %get3A_1164 : vector<1x16xf32> to vector<16xf32>
        %add3A_1166 = arith.constant 16 : i32
        %add3A_1167 = arith.addi %add3A_1166, %mul3A_819 : i32
        %swap3A_1168 = arith.constant 1 : i32
        %swap3A_1169 = arith.constant 10 : i32
        %swap3A_1170 = arith.index_cast %swap3A_1168 : i32 to index
        %swap3A_1171 = arith.index_cast %swap3A_1169 : i32 to index
        %swap3A_1172 = arith.index_cast %add3A_1167 : i32 to index
        %swap3A_1173 = tpu.vector_load %arg8[%swap3A_1170, %swap3A_1171, %swap3A_1172] {strides = array<i32>} : memref<2x24x512xf32, #tpu.memory_space<vmem>>, vector<1x1x16xf32>,
        %swap3A_1174 = vector.shape_cast %swap3A_1173 : vector<1x1x16xf32> to vector<16xf32>
        %swap3A_1175 = vector.shape_cast %get3A_1165 : vector<16xf32> to vector<1x1x16xf32>
        tpu.vector_store %arg8[%swap3A_1170, %swap3A_1171, %swap3A_1172], %swap3A_1175 {strides = array<i32>} : memref<2x24x512xf32, #tpu.memory_space<vmem>>, vector<1x1x16xf32>,
        %slice3A_1176 = vector.extract_strided_slice %get3A_1079 {offsets = [6], sizes = [1], strides = [1]} : vector<16xi32> to vector<1xi32>
        %squeeze3A_1177 = vector.extract %slice3A_1176[0] : i32 from vector<1xi32>
        %get3A_1178 = arith.index_cast %squeeze3A_1177 : i32 to index
        %get3A_1179 = arith.constant 0 : index
        %get3A_1180 = tpu.vector_load %arg6[%get3A_1178, %get3A_1179] {strides = array<i32>} : memref<208x16xf32, #tpu.memory_space<vmem>>, vector<1x16xf32>,
        %get3A_1181 = vector.shape_cast %get3A_1180 : vector<1x16xf32> to vector<16xf32>
        %add3A_1182 = arith.constant 0 : i32
        %add3A_1183 = arith.addi %add3A_1182, %mul3A_819 : i32
        %swap3A_1184 = arith.constant 1 : i32
        %swap3A_1185 = arith.constant 11 : i32
        %swap3A_1186 = arith.index_cast %swap3A_1184 : i32 to index
        %swap3A_1187 = arith.index_cast %swap3A_1185 : i32 to index
        %swap3A_1188 = arith.index_cast %add3A_1183 : i32 to index
        %swap3A_1189 = tpu.vector_load %arg8[%swap3A_1186, %swap3A_1187, %swap3A_1188] {strides = array<i32>} : memref<2x24x512xf32, #tpu.memory_space<vmem>>, vector<1x1x16xf32>,
        %swap3A_1190 = vector.shape_cast %swap3A_1189 : vector<1x1x16xf32> to vector<16xf32>
        %swap3A_1191 = vector.shape_cast %get3A_1181 : vector<16xf32> to vector<1x1x16xf32>
        tpu.vector_store %arg8[%swap3A_1186, %swap3A_1187, %swap3A_1188], %swap3A_1191 {strides = array<i32>} : memref<2x24x512xf32, #tpu.memory_space<vmem>>, vector<1x1x16xf32>,
        %slice3A_1192 = vector.extract_strided_slice %get3A_1079 {offsets = [7], sizes = [1], strides = [1]} : vector<16xi32> to vector<1xi32>
        %squeeze3A_1193 = vector.extract %slice3A_1192[0] : i32 from vector<1xi32>
        %get3A_1194 = arith.index_cast %squeeze3A_1193 : i32 to index
        %get3A_1195 = arith.constant 0 : index
        %get3A_1196 = tpu.vector_load %arg6[%get3A_1194, %get3A_1195] {strides = array<i32>} : memref<208x16xf32, #tpu.memory_space<vmem>>, vector<1x16xf32>,
        %get3A_1197 = vector.shape_cast %get3A_1196 : vector<1x16xf32> to vector<16xf32>
        %add3A_1198 = arith.constant 16 : i32
        %add3A_1199 = arith.addi %add3A_1198, %mul3A_819 : i32
        %swap3A_1200 = arith.constant 1 : i32
        %swap3A_1201 = arith.constant 11 : i32
        %swap3A_1202 = arith.index_cast %swap3A_1200 : i32 to index
        %swap3A_1203 = arith.index_cast %swap3A_1201 : i32 to index
        %swap3A_1204 = arith.index_cast %add3A_1199 : i32 to index
        %swap3A_1205 = tpu.vector_load %arg8[%swap3A_1202, %swap3A_1203, %swap3A_1204] {strides = array<i32>} : memref<2x24x512xf32, #tpu.memory_space<vmem>>, vector<1x1x16xf32>,
        %swap3A_1206 = vector.shape_cast %swap3A_1205 : vector<1x1x16xf32> to vector<16xf32>
        %swap3A_1207 = vector.shape_cast %get3A_1197 : vector<16xf32> to vector<1x1x16xf32>
        tpu.vector_store %arg8[%swap3A_1202, %swap3A_1203, %swap3A_1204], %swap3A_1207 {strides = array<i32>} : memref<2x24x512xf32, #tpu.memory_space<vmem>>, vector<1x1x16xf32>,
        %slice3A_1208 = vector.extract_strided_slice %get3A_1079 {offsets = [8], sizes = [1], strides = [1]} : vector<16xi32> to vector<1xi32>
        %squeeze3A_1209 = vector.extract %slice3A_1208[0] : i32 from vector<1xi32>
        %get3A_1210 = arith.index_cast %squeeze3A_1209 : i32 to index
        %get3A_1211 = arith.constant 0 : index
        %get3A_1212 = tpu.vector_load %arg6[%get3A_1210, %get3A_1211] {strides = array<i32>} : memref<208x16xf32, #tpu.memory_space<vmem>>, vector<1x16xf32>,
        %get3A_1213 = vector.shape_cast %get3A_1212 : vector<1x16xf32> to vector<16xf32>
        %add3A_1214 = arith.constant 0 : i32
        %add3A_1215 = arith.addi %add3A_1214, %mul3A_819 : i32
        %swap3A_1216 = arith.constant 1 : i32
        %swap3A_1217 = arith.constant 12 : i32
        %swap3A_1218 = arith.index_cast %swap3A_1216 : i32 to index
        %swap3A_1219 = arith.index_cast %swap3A_1217 : i32 to index
        %swap3A_1220 = arith.index_cast %add3A_1215 : i32 to index
        %swap3A_1221 = tpu.vector_load %arg8[%swap3A_1218, %swap3A_1219, %swap3A_1220] {strides = array<i32>} : memref<2x24x512xf32, #tpu.memory_space<vmem>>, vector<1x1x16xf32>,
        %swap3A_1222 = vector.shape_cast %swap3A_1221 : vector<1x1x16xf32> to vector<16xf32>
        %swap3A_1223 = vector.shape_cast %get3A_1213 : vector<16xf32> to vector<1x1x16xf32>
        tpu.vector_store %arg8[%swap3A_1218, %swap3A_1219, %swap3A_1220], %swap3A_1223 {strides = array<i32>} : memref<2x24x512xf32, #tpu.memory_space<vmem>>, vector<1x1x16xf32>,
        %slice3A_1224 = vector.extract_strided_slice %get3A_1079 {offsets = [9], sizes = [1], strides = [1]} : vector<16xi32> to vector<1xi32>
        %squeeze3A_1225 = vector.extract %slice3A_1224[0] : i32 from vector<1xi32>
        %get3A_1226 = arith.index_cast %squeeze3A_1225 : i32 to index
        %get3A_1227 = arith.constant 0 : index
        %get3A_1228 = tpu.vector_load %arg6[%get3A_1226, %get3A_1227] {strides = array<i32>} : memref<208x16xf32, #tpu.memory_space<vmem>>, vector<1x16xf32>,
        %get3A_1229 = vector.shape_cast %get3A_1228 : vector<1x16xf32> to vector<16xf32>
        %add3A_1230 = arith.constant 16 : i32
        %add3A_1231 = arith.addi %add3A_1230, %mul3A_819 : i32
        %swap3A_1232 = arith.constant 1 : i32
        %swap3A_1233 = arith.constant 12 : i32
        %swap3A_1234 = arith.index_cast %swap3A_1232 : i32 to index
        %swap3A_1235 = arith.index_cast %swap3A_1233 : i32 to index
        %swap3A_1236 = arith.index_cast %add3A_1231 : i32 to index
        %swap3A_1237 = tpu.vector_load %arg8[%swap3A_1234, %swap3A_1235, %swap3A_1236] {strides = array<i32>} : memref<2x24x512xf32, #tpu.memory_space<vmem>>, vector<1x1x16xf32>,
        %swap3A_1238 = vector.shape_cast %swap3A_1237 : vector<1x1x16xf32> to vector<16xf32>
        %swap3A_1239 = vector.shape_cast %get3A_1229 : vector<16xf32> to vector<1x1x16xf32>
        tpu.vector_store %arg8[%swap3A_1234, %swap3A_1235, %swap3A_1236], %swap3A_1239 {strides = array<i32>} : memref<2x24x512xf32, #tpu.memory_space<vmem>>, vector<1x1x16xf32>,
        %slice3A_1240 = vector.extract_strided_slice %get3A_1079 {offsets = [10], sizes = [1], strides = [1]} : vector<16xi32> to vector<1xi32>
        %squeeze3A_1241 = vector.extract %slice3A_1240[0] : i32 from vector<1xi32>
        %get3A_1242 = arith.index_cast %squeeze3A_1241 : i32 to index
        %get3A_1243 = arith.constant 0 : index
        %get3A_1244 = tpu.vector_load %arg6[%get3A_1242, %get3A_1243] {strides = array<i32>} : memref<208x16xf32, #tpu.memory_space<vmem>>, vector<1x16xf32>,
        %get3A_1245 = vector.shape_cast %get3A_1244 : vector<1x16xf32> to vector<16xf32>
        %add3A_1246 = arith.constant 0 : i32
        %add3A_1247 = arith.addi %add3A_1246, %mul3A_819 : i32
        %swap3A_1248 = arith.constant 1 : i32
        %swap3A_1249 = arith.constant 13 : i32
        %swap3A_1250 = arith.index_cast %swap3A_1248 : i32 to index
        %swap3A_1251 = arith.index_cast %swap3A_1249 : i32 to index
        %swap3A_1252 = arith.index_cast %add3A_1247 : i32 to index
        %swap3A_1253 = tpu.vector_load %arg8[%swap3A_1250, %swap3A_1251, %swap3A_1252] {strides = array<i32>} : memref<2x24x512xf32, #tpu.memory_space<vmem>>, vector<1x1x16xf32>,
        %swap3A_1254 = vector.shape_cast %swap3A_1253 : vector<1x1x16xf32> to vector<16xf32>
        %swap3A_1255 = vector.shape_cast %get3A_1245 : vector<16xf32> to vector<1x1x16xf32>
        tpu.vector_store %arg8[%swap3A_1250, %swap3A_1251, %swap3A_1252], %swap3A_1255 {strides = array<i32>} : memref<2x24x512xf32, #tpu.memory_space<vmem>>, vector<1x1x16xf32>,
        %slice3A_1256 = vector.extract_strided_slice %get3A_1079 {offsets = [11], sizes = [1], strides = [1]} : vector<16xi32> to vector<1xi32>
        %squeeze3A_1257 = vector.extract %slice3A_1256[0] : i32 from vector<1xi32>
        %get3A_1258 = arith.index_cast %squeeze3A_1257 : i32 to index
        %get3A_1259 = arith.constant 0 : index
        %get3A_1260 = tpu.vector_load %arg6[%get3A_1258, %get3A_1259] {strides = array<i32>} : memref<208x16xf32, #tpu.memory_space<vmem>>, vector<1x16xf32>,
        %get3A_1261 = vector.shape_cast %get3A_1260 : vector<1x16xf32> to vector<16xf32>
        %add3A_1262 = arith.constant 16 : i32
        %add3A_1263 = arith.addi %add3A_1262, %mul3A_819 : i32
        %swap3A_1264 = arith.constant 1 : i32
        %swap3A_1265 = arith.constant 13 : i32
        %swap3A_1266 = arith.index_cast %swap3A_1264 : i32 to index
        %swap3A_1267 = arith.index_cast %swap3A_1265 : i32 to index
        %swap3A_1268 = arith.index_cast %add3A_1263 : i32 to index
        %swap3A_1269 = tpu.vector_load %arg8[%swap3A_1266, %swap3A_1267, %swap3A_1268] {strides = array<i32>} : memref<2x24x512xf32, #tpu.memory_space<vmem>>, vector<1x1x16xf32>,
        %swap3A_1270 = vector.shape_cast %swap3A_1269 : vector<1x1x16xf32> to vector<16xf32>
        %swap3A_1271 = vector.shape_cast %get3A_1261 : vector<16xf32> to vector<1x1x16xf32>
        tpu.vector_store %arg8[%swap3A_1266, %swap3A_1267, %swap3A_1268], %swap3A_1271 {strides = array<i32>} : memref<2x24x512xf32, #tpu.memory_space<vmem>>, vector<1x1x16xf32>,
        %slice3A_1272 = vector.extract_strided_slice %get3A_1079 {offsets = [12], sizes = [1], strides = [1]} : vector<16xi32> to vector<1xi32>
        %squeeze3A_1273 = vector.extract %slice3A_1272[0] : i32 from vector<1xi32>
        %get3A_1274 = arith.index_cast %squeeze3A_1273 : i32 to index
        %get3A_1275 = arith.constant 0 : index
        %get3A_1276 = tpu.vector_load %arg6[%get3A_1274, %get3A_1275] {strides = array<i32>} : memref<208x16xf32, #tpu.memory_space<vmem>>, vector<1x16xf32>,
        %get3A_1277 = vector.shape_cast %get3A_1276 : vector<1x16xf32> to vector<16xf32>
        %add3A_1278 = arith.constant 0 : i32
        %add3A_1279 = arith.addi %add3A_1278, %mul3A_819 : i32
        %swap3A_1280 = arith.constant 1 : i32
        %swap3A_1281 = arith.constant 14 : i32
        %swap3A_1282 = arith.index_cast %swap3A_1280 : i32 to index
        %swap3A_1283 = arith.index_cast %swap3A_1281 : i32 to index
        %swap3A_1284 = arith.index_cast %add3A_1279 : i32 to index
        %swap3A_1285 = tpu.vector_load %arg8[%swap3A_1282, %swap3A_1283, %swap3A_1284] {strides = array<i32>} : memref<2x24x512xf32, #tpu.memory_space<vmem>>, vector<1x1x16xf32>,
        %swap3A_1286 = vector.shape_cast %swap3A_1285 : vector<1x1x16xf32> to vector<16xf32>
        %swap3A_1287 = vector.shape_cast %get3A_1277 : vector<16xf32> to vector<1x1x16xf32>
        tpu.vector_store %arg8[%swap3A_1282, %swap3A_1283, %swap3A_1284], %swap3A_1287 {strides = array<i32>} : memref<2x24x512xf32, #tpu.memory_space<vmem>>, vector<1x1x16xf32>,
        %slice3A_1288 = vector.extract_strided_slice %get3A_1079 {offsets = [13], sizes = [1], strides = [1]} : vector<16xi32> to vector<1xi32>
        %squeeze3A_1289 = vector.extract %slice3A_1288[0] : i32 from vector<1xi32>
        %get3A_1290 = arith.index_cast %squeeze3A_1289 : i32 to index
        %get3A_1291 = arith.constant 0 : index
        %get3A_1292 = tpu.vector_load %arg6[%get3A_1290, %get3A_1291] {strides = array<i32>} : memref<208x16xf32, #tpu.memory_space<vmem>>, vector<1x16xf32>,
        %get3A_1293 = vector.shape_cast %get3A_1292 : vector<1x16xf32> to vector<16xf32>
        %add3A_1294 = arith.constant 16 : i32
        %add3A_1295 = arith.addi %add3A_1294, %mul3A_819 : i32
        %swap3A_1296 = arith.constant 1 : i32
        %swap3A_1297 = arith.constant 14 : i32
        %swap3A_1298 = arith.index_cast %swap3A_1296 : i32 to index
        %swap3A_1299 = arith.index_cast %swap3A_1297 : i32 to index
        %swap3A_1300 = arith.index_cast %add3A_1295 : i32 to index
        %swap3A_1301 = tpu.vector_load %arg8[%swap3A_1298, %swap3A_1299, %swap3A_1300] {strides = array<i32>} : memref<2x24x512xf32, #tpu.memory_space<vmem>>, vector<1x1x16xf32>,
        %swap3A_1302 = vector.shape_cast %swap3A_1301 : vector<1x1x16xf32> to vector<16xf32>
        %swap3A_1303 = vector.shape_cast %get3A_1293 : vector<16xf32> to vector<1x1x16xf32>
        tpu.vector_store %arg8[%swap3A_1298, %swap3A_1299, %swap3A_1300], %swap3A_1303 {strides = array<i32>} : memref<2x24x512xf32, #tpu.memory_space<vmem>>, vector<1x1x16xf32>,
        %slice3A_1304 = vector.extract_strided_slice %get3A_1079 {offsets = [14], sizes = [1], strides = [1]} : vector<16xi32> to vector<1xi32>
        %squeeze3A_1305 = vector.extract %slice3A_1304[0] : i32 from vector<1xi32>
        %get3A_1306 = arith.index_cast %squeeze3A_1305 : i32 to index
        %get3A_1307 = arith.constant 0 : index
        %get3A_1308 = tpu.vector_load %arg6[%get3A_1306, %get3A_1307] {strides = array<i32>} : memref<208x16xf32, #tpu.memory_space<vmem>>, vector<1x16xf32>,
        %get3A_1309 = vector.shape_cast %get3A_1308 : vector<1x16xf32> to vector<16xf32>
        %add3A_1310 = arith.constant 0 : i32
        %add3A_1311 = arith.addi %add3A_1310, %mul3A_819 : i32
        %swap3A_1312 = arith.constant 1 : i32
        %swap3A_1313 = arith.constant 15 : i32
        %swap3A_1314 = arith.index_cast %swap3A_1312 : i32 to index
        %swap3A_1315 = arith.index_cast %swap3A_1313 : i32 to index
        %swap3A_1316 = arith.index_cast %add3A_1311 : i32 to index
        %swap3A_1317 = tpu.vector_load %arg8[%swap3A_1314, %swap3A_1315, %swap3A_1316] {strides = array<i32>} : memref<2x24x512xf32, #tpu.memory_space<vmem>>, vector<1x1x16xf32>,
        %swap3A_1318 = vector.shape_cast %swap3A_1317 : vector<1x1x16xf32> to vector<16xf32>
        %swap3A_1319 = vector.shape_cast %get3A_1309 : vector<16xf32> to vector<1x1x16xf32>
        tpu.vector_store %arg8[%swap3A_1314, %swap3A_1315, %swap3A_1316], %swap3A_1319 {strides = array<i32>} : memref<2x24x512xf32, #tpu.memory_space<vmem>>, vector<1x1x16xf32>,
        %slice3A_1320 = vector.extract_strided_slice %get3A_1079 {offsets = [15], sizes = [1], strides = [1]} : vector<16xi32> to vector<1xi32>
        %squeeze3A_1321 = vector.extract %slice3A_1320[0] : i32 from vector<1xi32>
        %get3A_1322 = arith.index_cast %squeeze3A_1321 : i32 to index
        %get3A_1323 = arith.constant 0 : index
        %get3A_1324 = tpu.vector_load %arg6[%get3A_1322, %get3A_1323] {strides = array<i32>} : memref<208x16xf32, #tpu.memory_space<vmem>>, vector<1x16xf32>,
        %get3A_1325 = vector.shape_cast %get3A_1324 : vector<1x16xf32> to vector<16xf32>
        %add3A_1326 = arith.constant 16 : i32
        %add3A_1327 = arith.addi %add3A_1326, %mul3A_819 : i32
        %swap3A_1328 = arith.constant 1 : i32
        %swap3A_1329 = arith.constant 15 : i32
        %swap3A_1330 = arith.index_cast %swap3A_1328 : i32 to index
        %swap3A_1331 = arith.index_cast %swap3A_1329 : i32 to index
        %swap3A_1332 = arith.index_cast %add3A_1327 : i32 to index
        %swap3A_1333 = tpu.vector_load %arg8[%swap3A_1330, %swap3A_1331, %swap3A_1332] {strides = array<i32>} : memref<2x24x512xf32, #tpu.memory_space<vmem>>, vector<1x1x16xf32>,
        %swap3A_1334 = vector.shape_cast %swap3A_1333 : vector<1x1x16xf32> to vector<16xf32>
        %swap3A_1335 = vector.shape_cast %get3A_1325 : vector<16xf32> to vector<1x1x16xf32>
        tpu.vector_store %arg8[%swap3A_1330, %swap3A_1331, %swap3A_1332], %swap3A_1335 {strides = array<i32>} : memref<2x24x512xf32, #tpu.memory_space<vmem>>, vector<1x1x16xf32>,
        %get3A_1336 = arith.index_cast %scan3A_815 : i32 to index
        %get3A_1337 = arith.constant 32 : index
        %get3A_1338 = tpu.vector_load %arg7[%get3A_1336, %get3A_1337] {strides = array<i32>} : memref<16x48xi32, #tpu.memory_space<vmem>>, vector<1x16xi32>,
        %get3A_1339 = vector.shape_cast %get3A_1338 : vector<1x16xi32> to vector<16xi32>
        %slice3A_1340 = vector.extract_strided_slice %get3A_1339 {offsets = [0], sizes = [1], strides = [1]} : vector<16xi32> to vector<1xi32>
        %squeeze3A_1341 = vector.extract %slice3A_1340[0] : i32 from vector<1xi32>
        %get3A_1342 = arith.index_cast %squeeze3A_1341 : i32 to index
        %get3A_1343 = arith.constant 0 : index
        %get3A_1344 = tpu.vector_load %arg6[%get3A_1342, %get3A_1343] {strides = array<i32>} : memref<208x16xf32, #tpu.memory_space<vmem>>, vector<1x16xf32>,
        %get3A_1345 = vector.shape_cast %get3A_1344 : vector<1x16xf32> to vector<16xf32>
        %add3A_1346 = arith.constant 0 : i32
        %add3A_1347 = arith.addi %add3A_1346, %mul3A_819 : i32
        %swap3A_1348 = arith.constant 1 : i32
        %swap3A_1349 = arith.constant 16 : i32
        %swap3A_1350 = arith.index_cast %swap3A_1348 : i32 to index
        %swap3A_1351 = arith.index_cast %swap3A_1349 : i32 to index
        %swap3A_1352 = arith.index_cast %add3A_1347 : i32 to index
        %swap3A_1353 = tpu.vector_load %arg8[%swap3A_1350, %swap3A_1351, %swap3A_1352] {strides = array<i32>} : memref<2x24x512xf32, #tpu.memory_space<vmem>>, vector<1x1x16xf32>,
        %swap3A_1354 = vector.shape_cast %swap3A_1353 : vector<1x1x16xf32> to vector<16xf32>
        %swap3A_1355 = vector.shape_cast %get3A_1345 : vector<16xf32> to vector<1x1x16xf32>
        tpu.vector_store %arg8[%swap3A_1350, %swap3A_1351, %swap3A_1352], %swap3A_1355 {strides = array<i32>} : memref<2x24x512xf32, #tpu.memory_space<vmem>>, vector<1x1x16xf32>,
        %slice3A_1356 = vector.extract_strided_slice %get3A_1339 {offsets = [1], sizes = [1], strides = [1]} : vector<16xi32> to vector<1xi32>
        %squeeze3A_1357 = vector.extract %slice3A_1356[0] : i32 from vector<1xi32>
        %get3A_1358 = arith.index_cast %squeeze3A_1357 : i32 to index
        %get3A_1359 = arith.constant 0 : index
        %get3A_1360 = tpu.vector_load %arg6[%get3A_1358, %get3A_1359] {strides = array<i32>} : memref<208x16xf32, #tpu.memory_space<vmem>>, vector<1x16xf32>,
        %get3A_1361 = vector.shape_cast %get3A_1360 : vector<1x16xf32> to vector<16xf32>
        %add3A_1362 = arith.constant 16 : i32
        %add3A_1363 = arith.addi %add3A_1362, %mul3A_819 : i32
        %swap3A_1364 = arith.constant 1 : i32
        %swap3A_1365 = arith.constant 16 : i32
        %swap3A_1366 = arith.index_cast %swap3A_1364 : i32 to index
        %swap3A_1367 = arith.index_cast %swap3A_1365 : i32 to index
        %swap3A_1368 = arith.index_cast %add3A_1363 : i32 to index
        %swap3A_1369 = tpu.vector_load %arg8[%swap3A_1366, %swap3A_1367, %swap3A_1368] {strides = array<i32>} : memref<2x24x512xf32, #tpu.memory_space<vmem>>, vector<1x1x16xf32>,
        %swap3A_1370 = vector.shape_cast %swap3A_1369 : vector<1x1x16xf32> to vector<16xf32>
        %swap3A_1371 = vector.shape_cast %get3A_1361 : vector<16xf32> to vector<1x1x16xf32>
        tpu.vector_store %arg8[%swap3A_1366, %swap3A_1367, %swap3A_1368], %swap3A_1371 {strides = array<i32>} : memref<2x24x512xf32, #tpu.memory_space<vmem>>, vector<1x1x16xf32>,
        %slice3A_1372 = vector.extract_strided_slice %get3A_1339 {offsets = [2], sizes = [1], strides = [1]} : vector<16xi32> to vector<1xi32>
        %squeeze3A_1373 = vector.extract %slice3A_1372[0] : i32 from vector<1xi32>
        %get3A_1374 = arith.index_cast %squeeze3A_1373 : i32 to index
        %get3A_1375 = arith.constant 0 : index
        %get3A_1376 = tpu.vector_load %arg6[%get3A_1374, %get3A_1375] {strides = array<i32>} : memref<208x16xf32, #tpu.memory_space<vmem>>, vector<1x16xf32>,
        %get3A_1377 = vector.shape_cast %get3A_1376 : vector<1x16xf32> to vector<16xf32>
        %add3A_1378 = arith.constant 0 : i32
        %add3A_1379 = arith.addi %add3A_1378, %mul3A_819 : i32
        %swap3A_1380 = arith.constant 1 : i32
        %swap3A_1381 = arith.constant 17 : i32
        %swap3A_1382 = arith.index_cast %swap3A_1380 : i32 to index
        %swap3A_1383 = arith.index_cast %swap3A_1381 : i32 to index
        %swap3A_1384 = arith.index_cast %add3A_1379 : i32 to index
        %swap3A_1385 = tpu.vector_load %arg8[%swap3A_1382, %swap3A_1383, %swap3A_1384] {strides = array<i32>} : memref<2x24x512xf32, #tpu.memory_space<vmem>>, vector<1x1x16xf32>,
        %swap3A_1386 = vector.shape_cast %swap3A_1385 : vector<1x1x16xf32> to vector<16xf32>
        %swap3A_1387 = vector.shape_cast %get3A_1377 : vector<16xf32> to vector<1x1x16xf32>
        tpu.vector_store %arg8[%swap3A_1382, %swap3A_1383, %swap3A_1384], %swap3A_1387 {strides = array<i32>} : memref<2x24x512xf32, #tpu.memory_space<vmem>>, vector<1x1x16xf32>,
        %slice3A_1388 = vector.extract_strided_slice %get3A_1339 {offsets = [3], sizes = [1], strides = [1]} : vector<16xi32> to vector<1xi32>
        %squeeze3A_1389 = vector.extract %slice3A_1388[0] : i32 from vector<1xi32>
        %get3A_1390 = arith.index_cast %squeeze3A_1389 : i32 to index
        %get3A_1391 = arith.constant 0 : index
        %get3A_1392 = tpu.vector_load %arg6[%get3A_1390, %get3A_1391] {strides = array<i32>} : memref<208x16xf32, #tpu.memory_space<vmem>>, vector<1x16xf32>,
        %get3A_1393 = vector.shape_cast %get3A_1392 : vector<1x16xf32> to vector<16xf32>
        %add3A_1394 = arith.constant 16 : i32
        %add3A_1395 = arith.addi %add3A_1394, %mul3A_819 : i32
        %swap3A_1396 = arith.constant 1 : i32
        %swap3A_1397 = arith.constant 17 : i32
        %swap3A_1398 = arith.index_cast %swap3A_1396 : i32 to index
        %swap3A_1399 = arith.index_cast %swap3A_1397 : i32 to index
        %swap3A_1400 = arith.index_cast %add3A_1395 : i32 to index
        %swap3A_1401 = tpu.vector_load %arg8[%swap3A_1398, %swap3A_1399, %swap3A_1400] {strides = array<i32>} : memref<2x24x512xf32, #tpu.memory_space<vmem>>, vector<1x1x16xf32>,
        %swap3A_1402 = vector.shape_cast %swap3A_1401 : vector<1x1x16xf32> to vector<16xf32>
        %swap3A_1403 = vector.shape_cast %get3A_1393 : vector<16xf32> to vector<1x1x16xf32>
        tpu.vector_store %arg8[%swap3A_1398, %swap3A_1399, %swap3A_1400], %swap3A_1403 {strides = array<i32>} : memref<2x24x512xf32, #tpu.memory_space<vmem>>, vector<1x1x16xf32>,
        %slice3A_1404 = vector.extract_strided_slice %get3A_1339 {offsets = [4], sizes = [1], strides = [1]} : vector<16xi32> to vector<1xi32>
        %squeeze3A_1405 = vector.extract %slice3A_1404[0] : i32 from vector<1xi32>
        %get3A_1406 = arith.index_cast %squeeze3A_1405 : i32 to index
        %get3A_1407 = arith.constant 0 : index
        %get3A_1408 = tpu.vector_load %arg6[%get3A_1406, %get3A_1407] {strides = array<i32>} : memref<208x16xf32, #tpu.memory_space<vmem>>, vector<1x16xf32>,
        %get3A_1409 = vector.shape_cast %get3A_1408 : vector<1x16xf32> to vector<16xf32>
        %add3A_1410 = arith.constant 0 : i32
        %add3A_1411 = arith.addi %add3A_1410, %mul3A_819 : i32
        %swap3A_1412 = arith.constant 1 : i32
        %swap3A_1413 = arith.constant 18 : i32
        %swap3A_1414 = arith.index_cast %swap3A_1412 : i32 to index
        %swap3A_1415 = arith.index_cast %swap3A_1413 : i32 to index
        %swap3A_1416 = arith.index_cast %add3A_1411 : i32 to index
        %swap3A_1417 = tpu.vector_load %arg8[%swap3A_1414, %swap3A_1415, %swap3A_1416] {strides = array<i32>} : memref<2x24x512xf32, #tpu.memory_space<vmem>>, vector<1x1x16xf32>,
        %swap3A_1418 = vector.shape_cast %swap3A_1417 : vector<1x1x16xf32> to vector<16xf32>
        %swap3A_1419 = vector.shape_cast %get3A_1409 : vector<16xf32> to vector<1x1x16xf32>
        tpu.vector_store %arg8[%swap3A_1414, %swap3A_1415, %swap3A_1416], %swap3A_1419 {strides = array<i32>} : memref<2x24x512xf32, #tpu.memory_space<vmem>>, vector<1x1x16xf32>,
        %slice3A_1420 = vector.extract_strided_slice %get3A_1339 {offsets = [5], sizes = [1], strides = [1]} : vector<16xi32> to vector<1xi32>
        %squeeze3A_1421 = vector.extract %slice3A_1420[0] : i32 from vector<1xi32>
        %get3A_1422 = arith.index_cast %squeeze3A_1421 : i32 to index
        %get3A_1423 = arith.constant 0 : index
        %get3A_1424 = tpu.vector_load %arg6[%get3A_1422, %get3A_1423] {strides = array<i32>} : memref<208x16xf32, #tpu.memory_space<vmem>>, vector<1x16xf32>,
        %get3A_1425 = vector.shape_cast %get3A_1424 : vector<1x16xf32> to vector<16xf32>
        %add3A_1426 = arith.constant 16 : i32
        %add3A_1427 = arith.addi %add3A_1426, %mul3A_819 : i32
        %swap3A_1428 = arith.constant 1 : i32
        %swap3A_1429 = arith.constant 18 : i32
        %swap3A_1430 = arith.index_cast %swap3A_1428 : i32 to index
        %swap3A_1431 = arith.index_cast %swap3A_1429 : i32 to index
        %swap3A_1432 = arith.index_cast %add3A_1427 : i32 to index
        %swap3A_1433 = tpu.vector_load %arg8[%swap3A_1430, %swap3A_1431, %swap3A_1432] {strides = array<i32>} : memref<2x24x512xf32, #tpu.memory_space<vmem>>, vector<1x1x16xf32>,
        %swap3A_1434 = vector.shape_cast %swap3A_1433 : vector<1x1x16xf32> to vector<16xf32>
        %swap3A_1435 = vector.shape_cast %get3A_1425 : vector<16xf32> to vector<1x1x16xf32>
        tpu.vector_store %arg8[%swap3A_1430, %swap3A_1431, %swap3A_1432], %swap3A_1435 {strides = array<i32>} : memref<2x24x512xf32, #tpu.memory_space<vmem>>, vector<1x1x16xf32>,
        %slice3A_1436 = vector.extract_strided_slice %get3A_1339 {offsets = [6], sizes = [1], strides = [1]} : vector<16xi32> to vector<1xi32>
        %squeeze3A_1437 = vector.extract %slice3A_1436[0] : i32 from vector<1xi32>
        %get3A_1438 = arith.index_cast %squeeze3A_1437 : i32 to index
        %get3A_1439 = arith.constant 0 : index
        %get3A_1440 = tpu.vector_load %arg6[%get3A_1438, %get3A_1439] {strides = array<i32>} : memref<208x16xf32, #tpu.memory_space<vmem>>, vector<1x16xf32>,
        %get3A_1441 = vector.shape_cast %get3A_1440 : vector<1x16xf32> to vector<16xf32>
        %add3A_1442 = arith.constant 0 : i32
        %add3A_1443 = arith.addi %add3A_1442, %mul3A_819 : i32
        %swap3A_1444 = arith.constant 1 : i32
        %swap3A_1445 = arith.constant 19 : i32
        %swap3A_1446 = arith.index_cast %swap3A_1444 : i32 to index
        %swap3A_1447 = arith.index_cast %swap3A_1445 : i32 to index
        %swap3A_1448 = arith.index_cast %add3A_1443 : i32 to index
        %swap3A_1449 = tpu.vector_load %arg8[%swap3A_1446, %swap3A_1447, %swap3A_1448] {strides = array<i32>} : memref<2x24x512xf32, #tpu.memory_space<vmem>>, vector<1x1x16xf32>,
        %swap3A_1450 = vector.shape_cast %swap3A_1449 : vector<1x1x16xf32> to vector<16xf32>
        %swap3A_1451 = vector.shape_cast %get3A_1441 : vector<16xf32> to vector<1x1x16xf32>
        tpu.vector_store %arg8[%swap3A_1446, %swap3A_1447, %swap3A_1448], %swap3A_1451 {strides = array<i32>} : memref<2x24x512xf32, #tpu.memory_space<vmem>>, vector<1x1x16xf32>,
        %slice3A_1452 = vector.extract_strided_slice %get3A_1339 {offsets = [7], sizes = [1], strides = [1]} : vector<16xi32> to vector<1xi32>
        %squeeze3A_1453 = vector.extract %slice3A_1452[0] : i32 from vector<1xi32>
        %get3A_1454 = arith.index_cast %squeeze3A_1453 : i32 to index
        %get3A_1455 = arith.constant 0 : index
        %get3A_1456 = tpu.vector_load %arg6[%get3A_1454, %get3A_1455] {strides = array<i32>} : memref<208x16xf32, #tpu.memory_space<vmem>>, vector<1x16xf32>,
        %get3A_1457 = vector.shape_cast %get3A_1456 : vector<1x16xf32> to vector<16xf32>
        %add3A_1458 = arith.constant 16 : i32
        %add3A_1459 = arith.addi %add3A_1458, %mul3A_819 : i32
        %swap3A_1460 = arith.constant 1 : i32
        %swap3A_1461 = arith.constant 19 : i32
        %swap3A_1462 = arith.index_cast %swap3A_1460 : i32 to index
        %swap3A_1463 = arith.index_cast %swap3A_1461 : i32 to index
        %swap3A_1464 = arith.index_cast %add3A_1459 : i32 to index
        %swap3A_1465 = tpu.vector_load %arg8[%swap3A_1462, %swap3A_1463, %swap3A_1464] {strides = array<i32>} : memref<2x24x512xf32, #tpu.memory_space<vmem>>, vector<1x1x16xf32>,
        %swap3A_1466 = vector.shape_cast %swap3A_1465 : vector<1x1x16xf32> to vector<16xf32>
        %swap3A_1467 = vector.shape_cast %get3A_1457 : vector<16xf32> to vector<1x1x16xf32>
        tpu.vector_store %arg8[%swap3A_1462, %swap3A_1463, %swap3A_1464], %swap3A_1467 {strides = array<i32>} : memref<2x24x512xf32, #tpu.memory_space<vmem>>, vector<1x1x16xf32>,
        %slice3A_1468 = vector.extract_strided_slice %get3A_1339 {offsets = [8], sizes = [1], strides = [1]} : vector<16xi32> to vector<1xi32>
        %squeeze3A_1469 = vector.extract %slice3A_1468[0] : i32 from vector<1xi32>
        %get3A_1470 = arith.index_cast %squeeze3A_1469 : i32 to index
        %get3A_1471 = arith.constant 0 : index
        %get3A_1472 = tpu.vector_load %arg6[%get3A_1470, %get3A_1471] {strides = array<i32>} : memref<208x16xf32, #tpu.memory_space<vmem>>, vector<1x16xf32>,
        %get3A_1473 = vector.shape_cast %get3A_1472 : vector<1x16xf32> to vector<16xf32>
        %add3A_1474 = arith.constant 0 : i32
        %add3A_1475 = arith.addi %add3A_1474, %mul3A_819 : i32
        %swap3A_1476 = arith.constant 1 : i32
        %swap3A_1477 = arith.constant 20 : i32
        %swap3A_1478 = arith.index_cast %swap3A_1476 : i32 to index
        %swap3A_1479 = arith.index_cast %swap3A_1477 : i32 to index
        %swap3A_1480 = arith.index_cast %add3A_1475 : i32 to index
        %swap3A_1481 = tpu.vector_load %arg8[%swap3A_1478, %swap3A_1479, %swap3A_1480] {strides = array<i32>} : memref<2x24x512xf32, #tpu.memory_space<vmem>>, vector<1x1x16xf32>,
        %swap3A_1482 = vector.shape_cast %swap3A_1481 : vector<1x1x16xf32> to vector<16xf32>
        %swap3A_1483 = vector.shape_cast %get3A_1473 : vector<16xf32> to vector<1x1x16xf32>
        tpu.vector_store %arg8[%swap3A_1478, %swap3A_1479, %swap3A_1480], %swap3A_1483 {strides = array<i32>} : memref<2x24x512xf32, #tpu.memory_space<vmem>>, vector<1x1x16xf32>,
        %slice3A_1484 = vector.extract_strided_slice %get3A_1339 {offsets = [9], sizes = [1], strides = [1]} : vector<16xi32> to vector<1xi32>
        %squeeze3A_1485 = vector.extract %slice3A_1484[0] : i32 from vector<1xi32>
        %get3A_1486 = arith.index_cast %squeeze3A_1485 : i32 to index
        %get3A_1487 = arith.constant 0 : index
        %get3A_1488 = tpu.vector_load %arg6[%get3A_1486, %get3A_1487] {strides = array<i32>} : memref<208x16xf32, #tpu.memory_space<vmem>>, vector<1x16xf32>,
        %get3A_1489 = vector.shape_cast %get3A_1488 : vector<1x16xf32> to vector<16xf32>
        %add3A_1490 = arith.constant 16 : i32
        %add3A_1491 = arith.addi %add3A_1490, %mul3A_819 : i32
        %swap3A_1492 = arith.constant 1 : i32
        %swap3A_1493 = arith.constant 20 : i32
        %swap3A_1494 = arith.index_cast %swap3A_1492 : i32 to index
        %swap3A_1495 = arith.index_cast %swap3A_1493 : i32 to index
        %swap3A_1496 = arith.index_cast %add3A_1491 : i32 to index
        %swap3A_1497 = tpu.vector_load %arg8[%swap3A_1494, %swap3A_1495, %swap3A_1496] {strides = array<i32>} : memref<2x24x512xf32, #tpu.memory_space<vmem>>, vector<1x1x16xf32>,
        %swap3A_1498 = vector.shape_cast %swap3A_1497 : vector<1x1x16xf32> to vector<16xf32>
        %swap3A_1499 = vector.shape_cast %get3A_1489 : vector<16xf32> to vector<1x1x16xf32>
        tpu.vector_store %arg8[%swap3A_1494, %swap3A_1495, %swap3A_1496], %swap3A_1499 {strides = array<i32>} : memref<2x24x512xf32, #tpu.memory_space<vmem>>, vector<1x1x16xf32>,
        %slice3A_1500 = vector.extract_strided_slice %get3A_1339 {offsets = [10], sizes = [1], strides = [1]} : vector<16xi32> to vector<1xi32>
        %squeeze3A_1501 = vector.extract %slice3A_1500[0] : i32 from vector<1xi32>
        %get3A_1502 = arith.index_cast %squeeze3A_1501 : i32 to index
        %get3A_1503 = arith.constant 0 : index
        %get3A_1504 = tpu.vector_load %arg6[%get3A_1502, %get3A_1503] {strides = array<i32>} : memref<208x16xf32, #tpu.memory_space<vmem>>, vector<1x16xf32>,
        %get3A_1505 = vector.shape_cast %get3A_1504 : vector<1x16xf32> to vector<16xf32>
        %add3A_1506 = arith.constant 0 : i32
        %add3A_1507 = arith.addi %add3A_1506, %mul3A_819 : i32
        %swap3A_1508 = arith.constant 1 : i32
        %swap3A_1509 = arith.constant 21 : i32
        %swap3A_1510 = arith.index_cast %swap3A_1508 : i32 to index
        %swap3A_1511 = arith.index_cast %swap3A_1509 : i32 to index
        %swap3A_1512 = arith.index_cast %add3A_1507 : i32 to index
        %swap3A_1513 = tpu.vector_load %arg8[%swap3A_1510, %swap3A_1511, %swap3A_1512] {strides = array<i32>} : memref<2x24x512xf32, #tpu.memory_space<vmem>>, vector<1x1x16xf32>,
        %swap3A_1514 = vector.shape_cast %swap3A_1513 : vector<1x1x16xf32> to vector<16xf32>
        %swap3A_1515 = vector.shape_cast %get3A_1505 : vector<16xf32> to vector<1x1x16xf32>
        tpu.vector_store %arg8[%swap3A_1510, %swap3A_1511, %swap3A_1512], %swap3A_1515 {strides = array<i32>} : memref<2x24x512xf32, #tpu.memory_space<vmem>>, vector<1x1x16xf32>,
        %slice3A_1516 = vector.extract_strided_slice %get3A_1339 {offsets = [11], sizes = [1], strides = [1]} : vector<16xi32> to vector<1xi32>
        %squeeze3A_1517 = vector.extract %slice3A_1516[0] : i32 from vector<1xi32>
        %get3A_1518 = arith.index_cast %squeeze3A_1517 : i32 to index
        %get3A_1519 = arith.constant 0 : index
        %get3A_1520 = tpu.vector_load %arg6[%get3A_1518, %get3A_1519] {strides = array<i32>} : memref<208x16xf32, #tpu.memory_space<vmem>>, vector<1x16xf32>,
        %get3A_1521 = vector.shape_cast %get3A_1520 : vector<1x16xf32> to vector<16xf32>
        %add3A_1522 = arith.constant 16 : i32
        %add3A_1523 = arith.addi %add3A_1522, %mul3A_819 : i32
        %swap3A_1524 = arith.constant 1 : i32
        %swap3A_1525 = arith.constant 21 : i32
        %swap3A_1526 = arith.index_cast %swap3A_1524 : i32 to index
        %swap3A_1527 = arith.index_cast %swap3A_1525 : i32 to index
        %swap3A_1528 = arith.index_cast %add3A_1523 : i32 to index
        %swap3A_1529 = tpu.vector_load %arg8[%swap3A_1526, %swap3A_1527, %swap3A_1528] {strides = array<i32>} : memref<2x24x512xf32, #tpu.memory_space<vmem>>, vector<1x1x16xf32>,
        %swap3A_1530 = vector.shape_cast %swap3A_1529 : vector<1x1x16xf32> to vector<16xf32>
        %swap3A_1531 = vector.shape_cast %get3A_1521 : vector<16xf32> to vector<1x1x16xf32>
        tpu.vector_store %arg8[%swap3A_1526, %swap3A_1527, %swap3A_1528], %swap3A_1531 {strides = array<i32>} : memref<2x24x512xf32, #tpu.memory_space<vmem>>, vector<1x1x16xf32>,
        %slice3A_1532 = vector.extract_strided_slice %get3A_1339 {offsets = [12], sizes = [1], strides = [1]} : vector<16xi32> to vector<1xi32>
        %squeeze3A_1533 = vector.extract %slice3A_1532[0] : i32 from vector<1xi32>
        %get3A_1534 = arith.index_cast %squeeze3A_1533 : i32 to index
        %get3A_1535 = arith.constant 0 : index
        %get3A_1536 = tpu.vector_load %arg6[%get3A_1534, %get3A_1535] {strides = array<i32>} : memref<208x16xf32, #tpu.memory_space<vmem>>, vector<1x16xf32>,
        %get3A_1537 = vector.shape_cast %get3A_1536 : vector<1x16xf32> to vector<16xf32>
        %add3A_1538 = arith.constant 0 : i32
        %add3A_1539 = arith.addi %add3A_1538, %mul3A_819 : i32
        %swap3A_1540 = arith.constant 1 : i32
        %swap3A_1541 = arith.constant 22 : i32
        %swap3A_1542 = arith.index_cast %swap3A_1540 : i32 to index
        %swap3A_1543 = arith.index_cast %swap3A_1541 : i32 to index
        %swap3A_1544 = arith.index_cast %add3A_1539 : i32 to index
        %swap3A_1545 = tpu.vector_load %arg8[%swap3A_1542, %swap3A_1543, %swap3A_1544] {strides = array<i32>} : memref<2x24x512xf32, #tpu.memory_space<vmem>>, vector<1x1x16xf32>,
        %swap3A_1546 = vector.shape_cast %swap3A_1545 : vector<1x1x16xf32> to vector<16xf32>
        %swap3A_1547 = vector.shape_cast %get3A_1537 : vector<16xf32> to vector<1x1x16xf32>
        tpu.vector_store %arg8[%swap3A_1542, %swap3A_1543, %swap3A_1544], %swap3A_1547 {strides = array<i32>} : memref<2x24x512xf32, #tpu.memory_space<vmem>>, vector<1x1x16xf32>,
        %slice3A_1548 = vector.extract_strided_slice %get3A_1339 {offsets = [13], sizes = [1], strides = [1]} : vector<16xi32> to vector<1xi32>
        %squeeze3A_1549 = vector.extract %slice3A_1548[0] : i32 from vector<1xi32>
        %get3A_1550 = arith.index_cast %squeeze3A_1549 : i32 to index
        %get3A_1551 = arith.constant 0 : index
        %get3A_1552 = tpu.vector_load %arg6[%get3A_1550, %get3A_1551] {strides = array<i32>} : memref<208x16xf32, #tpu.memory_space<vmem>>, vector<1x16xf32>,
        %get3A_1553 = vector.shape_cast %get3A_1552 : vector<1x16xf32> to vector<16xf32>
        %add3A_1554 = arith.constant 16 : i32
        %add3A_1555 = arith.addi %add3A_1554, %mul3A_819 : i32
        %swap3A_1556 = arith.constant 1 : i32
        %swap3A_1557 = arith.constant 22 : i32
        %swap3A_1558 = arith.index_cast %swap3A_1556 : i32 to index
        %swap3A_1559 = arith.index_cast %swap3A_1557 : i32 to index
        %swap3A_1560 = arith.index_cast %add3A_1555 : i32 to index
        %swap3A_1561 = tpu.vector_load %arg8[%swap3A_1558, %swap3A_1559, %swap3A_1560] {strides = array<i32>} : memref<2x24x512xf32, #tpu.memory_space<vmem>>, vector<1x1x16xf32>,
        %swap3A_1562 = vector.shape_cast %swap3A_1561 : vector<1x1x16xf32> to vector<16xf32>
        %swap3A_1563 = vector.shape_cast %get3A_1553 : vector<16xf32> to vector<1x1x16xf32>
        tpu.vector_store %arg8[%swap3A_1558, %swap3A_1559, %swap3A_1560], %swap3A_1563 {strides = array<i32>} : memref<2x24x512xf32, #tpu.memory_space<vmem>>, vector<1x1x16xf32>,
        %slice3A_1564 = vector.extract_strided_slice %get3A_1339 {offsets = [14], sizes = [1], strides = [1]} : vector<16xi32> to vector<1xi32>
        %squeeze3A_1565 = vector.extract %slice3A_1564[0] : i32 from vector<1xi32>
        %get3A_1566 = arith.index_cast %squeeze3A_1565 : i32 to index
        %get3A_1567 = arith.constant 0 : index
        %get3A_1568 = tpu.vector_load %arg6[%get3A_1566, %get3A_1567] {strides = array<i32>} : memref<208x16xf32, #tpu.memory_space<vmem>>, vector<1x16xf32>,
        %get3A_1569 = vector.shape_cast %get3A_1568 : vector<1x16xf32> to vector<16xf32>
        %add3A_1570 = arith.constant 0 : i32
        %add3A_1571 = arith.addi %add3A_1570, %mul3A_819 : i32
        %swap3A_1572 = arith.constant 1 : i32
        %swap3A_1573 = arith.constant 23 : i32
        %swap3A_1574 = arith.index_cast %swap3A_1572 : i32 to index
        %swap3A_1575 = arith.index_cast %swap3A_1573 : i32 to index
        %swap3A_1576 = arith.index_cast %add3A_1571 : i32 to index
        %swap3A_1577 = tpu.vector_load %arg8[%swap3A_1574, %swap3A_1575, %swap3A_1576] {strides = array<i32>} : memref<2x24x512xf32, #tpu.memory_space<vmem>>, vector<1x1x16xf32>,
        %swap3A_1578 = vector.shape_cast %swap3A_1577 : vector<1x1x16xf32> to vector<16xf32>
        %swap3A_1579 = vector.shape_cast %get3A_1569 : vector<16xf32> to vector<1x1x16xf32>
        tpu.vector_store %arg8[%swap3A_1574, %swap3A_1575, %swap3A_1576], %swap3A_1579 {strides = array<i32>} : memref<2x24x512xf32, #tpu.memory_space<vmem>>, vector<1x1x16xf32>,
        %slice3A_1580 = vector.extract_strided_slice %get3A_1339 {offsets = [15], sizes = [1], strides = [1]} : vector<16xi32> to vector<1xi32>
        %squeeze3A_1581 = vector.extract %slice3A_1580[0] : i32 from vector<1xi32>
        %get3A_1582 = arith.index_cast %squeeze3A_1581 : i32 to index
        %get3A_1583 = arith.constant 0 : index
        %get3A_1584 = tpu.vector_load %arg6[%get3A_1582, %get3A_1583] {strides = array<i32>} : memref<208x16xf32, #tpu.memory_space<vmem>>, vector<1x16xf32>,
        %get3A_1585 = vector.shape_cast %get3A_1584 : vector<1x16xf32> to vector<16xf32>
        %add3A_1586 = arith.constant 16 : i32
        %add3A_1587 = arith.addi %add3A_1586, %mul3A_819 : i32
        %swap3A_1588 = arith.constant 1 : i32
        %swap3A_1589 = arith.constant 23 : i32
        %swap3A_1590 = arith.index_cast %swap3A_1588 : i32 to index
        %swap3A_1591 = arith.index_cast %swap3A_1589 : i32 to index
        %swap3A_1592 = arith.index_cast %add3A_1587 : i32 to index
        %swap3A_1593 = tpu.vector_load %arg8[%swap3A_1590, %swap3A_1591, %swap3A_1592] {strides = array<i32>} : memref<2x24x512xf32, #tpu.memory_space<vmem>>, vector<1x1x16xf32>,
        %swap3A_1594 = vector.shape_cast %swap3A_1593 : vector<1x1x16xf32> to vector<16xf32>
        %swap3A_1595 = vector.shape_cast %get3A_1585 : vector<16xf32> to vector<1x1x16xf32>
        tpu.vector_store %arg8[%swap3A_1590, %swap3A_1591, %swap3A_1592], %swap3A_1595 {strides = array<i32>} : memref<2x24x512xf32, #tpu.memory_space<vmem>>, vector<1x1x16xf32>,
      }
      %scan3A_717 = arith.constant 16 : i32
      %jit3A_718 = arith.constant 576 : i32
      %div3A_719 = arith.divsi %add3A_590, %jit3A_718 : i32
      %sign3A_720 = arith.constant 0 : i32
      %sign3A_721 = arith.cmpi sgt, %add3A_590, %sign3A_720 : i32
      %sign3A_722 = arith.extui %sign3A_721 : i1 to i32
      %sign3A_723 = arith.constant 0 : i32
      %sign3A_724 = arith.cmpi slt, %add3A_590, %sign3A_723 : i32
      %sign3A_725 = arith.extui %sign3A_724 : i1 to i32
      %sign3A_726 = arith.subi %sign3A_722, %sign3A_725 : i32
      %sign3A_727 = arith.constant 0 : i32
      %sign3A_728 = arith.cmpi sgt, %jit3A_718, %sign3A_727 : i32
      %sign3A_729 = arith.extui %sign3A_728 : i1 to i32
      %sign3A_730 = arith.constant 0 : i32
      %sign3A_731 = arith.cmpi slt, %jit3A_718, %sign3A_730 : i32
      %sign3A_732 = arith.extui %sign3A_731 : i1 to i32
      %sign3A_733 = arith.subi %sign3A_729, %sign3A_732 : i32
      %ne3A_734 = arith.cmpi ne, %sign3A_726, %sign3A_733 : i32
      %rem3A_735 = arith.remsi %add3A_590, %jit3A_718 : i32
      %ne3A_736 = arith.constant 0 : i32
      %ne3A_737 = arith.cmpi ne, %rem3A_735, %ne3A_736 : i32
      %and3A_738 = arith.andi %ne3A_734, %ne3A_737 : i1
      %sub3A_739 = arith.constant 1 : i32
      %sub3A_740 = arith.subi %div3A_719, %sub3A_739 : i32
      %select_n3A_741 = arith.select %and3A_738, %sub3A_740, %div3A_719 : i32
      %jit3A_742 = arith.constant 576 : i32
      %eq3A_743 = arith.constant 0 : i32
      %eq3A_744 = arith.cmpi eq, %jit3A_742, %eq3A_743 : i32
      %jit3A_745 = arith.constant 1 : i32
      %select_n3A_746 = arith.select %eq3A_744, %jit3A_745, %jit3A_742 : i32
      %rem3A_747 = arith.remsi %add3A_590, %select_n3A_746 : i32
      %ne3A_748 = arith.constant 0 : i32
      %ne3A_749 = arith.cmpi ne, %rem3A_747, %ne3A_748 : i32
      %lt3A_750 = arith.constant 0 : i32
      %lt3A_751 = arith.cmpi slt, %rem3A_747, %lt3A_750 : i32
      %lt3A_752 = arith.constant 0 : i32
      %lt3A_753 = arith.cmpi slt, %select_n3A_746, %lt3A_752 : i32
      %ne3A_754 = arith.xori %lt3A_751, %lt3A_753 : i1
      %and3A_755 = arith.andi %ne3A_754, %ne3A_749 : i1
      %add3A_756 = arith.addi %rem3A_747, %select_n3A_746 : i32
      %select_n3A_757 = arith.select %and3A_755, %add3A_756, %rem3A_747 : i32
      %jit3A_758 = arith.constant 24 : i32
      %div3A_759 = arith.divsi %select_n3A_757, %jit3A_758 : i32
      %sign3A_760 = arith.constant 0 : i32
      %sign3A_761 = arith.cmpi sgt, %select_n3A_757, %sign3A_760 : i32
      %sign3A_762 = arith.extui %sign3A_761 : i1 to i32
      %sign3A_763 = arith.constant 0 : i32
      %sign3A_764 = arith.cmpi slt, %select_n3A_757, %sign3A_763 : i32
      %sign3A_765 = arith.extui %sign3A_764 : i1 to i32
      %sign3A_766 = arith.subi %sign3A_762, %sign3A_765 : i32
      %sign3A_767 = arith.constant 0 : i32
      %sign3A_768 = arith.cmpi sgt, %jit3A_758, %sign3A_767 : i32
      %sign3A_769 = arith.extui %sign3A_768 : i1 to i32
      %sign3A_770 = arith.constant 0 : i32
      %sign3A_771 = arith.cmpi slt, %jit3A_758, %sign3A_770 : i32
      %sign3A_772 = arith.extui %sign3A_771 : i1 to i32
      %sign3A_773 = arith.subi %sign3A_769, %sign3A_772 : i32
      %ne3A_774 = arith.cmpi ne, %sign3A_766, %sign3A_773 : i32
      %rem3A_775 = arith.remsi %select_n3A_757, %jit3A_758 : i32
      %ne3A_776 = arith.constant 0 : i32
      %ne3A_777 = arith.cmpi ne, %rem3A_775, %ne3A_776 : i32
      %and3A_778 = arith.andi %ne3A_774, %ne3A_777 : i1
      %sub3A_779 = arith.constant 1 : i32
      %sub3A_780 = arith.subi %div3A_759, %sub3A_779 : i32
      %select_n3A_781 = arith.select %and3A_778, %sub3A_780, %div3A_759 : i32
      %jit3A_782 = arith.constant 24 : i32
      %eq3A_783 = arith.constant 0 : i32
      %eq3A_784 = arith.cmpi eq, %jit3A_782, %eq3A_783 : i32
      %jit3A_785 = arith.constant 1 : i32
      %select_n3A_786 = arith.select %eq3A_784, %jit3A_785, %jit3A_782 : i32
      %rem3A_787 = arith.remsi %select_n3A_757, %select_n3A_786 : i32
      %ne3A_788 = arith.constant 0 : i32
      %ne3A_789 = arith.cmpi ne, %rem3A_787, %ne3A_788 : i32
      %lt3A_790 = arith.constant 0 : i32
      %lt3A_791 = arith.cmpi slt, %rem3A_787, %lt3A_790 : i32
      %lt3A_792 = arith.constant 0 : i32
      %lt3A_793 = arith.cmpi slt, %select_n3A_786, %lt3A_792 : i32
      %ne3A_794 = arith.xori %lt3A_791, %lt3A_793 : i1
      %and3A_795 = arith.andi %ne3A_794, %ne3A_789 : i1
      %add3A_796 = arith.addi %rem3A_787, %select_n3A_786 : i32
      %select_n3A_797 = arith.select %and3A_795, %add3A_796, %rem3A_787 : i32
      %dma_start3A_798 = arith.constant 1 : i32
      %dma_start3A_799 = arith.constant 0 : i32
      %dma_start3A_800 = arith.constant 0 : i32
      %dma_start3A_801 = tpu.memref_slice %arg8[%dma_start3A_798, %dma_start3A_799, %dma_start3A_800] : memref<2x24x512xf32, #tpu.memory_space<vmem>> -> memref<1x24x512xf32, #tpu.memory_space<vmem>>
      %dma_start3A_802 = tpu.memref_squeeze %dma_start3A_801 : memref<1x24x512xf32, #tpu.memory_space<vmem>> -> memref<24x512xf32, #tpu.memory_space<vmem>>
      %dma_start3A_803 = arith.constant 0 : i32
      %dma_start3A_804 = arith.constant 0 : i32
      %dma_start3A_805 = tpu.memref_slice %arg4[%select_n3A_741, %select_n3A_781, %select_n3A_797, %dma_start3A_803, %dma_start3A_804] : memref<2x24x24x24x512xf32, #tpu.memory_space<hbm>> -> memref<1x1x1x24x512xf32, #tpu.memory_space<hbm>>
      %dma_start3A_806 = tpu.memref_squeeze %dma_start3A_805 : memref<1x1x1x24x512xf32, #tpu.memory_space<hbm>> -> memref<24x512xf32, #tpu.memory_space<hbm>>
      %dma_start3A_807 = arith.constant 0 : i32
      %dma_start3A_808 = arith.constant 0 : i32
      %dma_start3A_809 = tpu.memref_slice %arg4[%select_n3A_741, %select_n3A_781, %select_n3A_797, %dma_start3A_807, %dma_start3A_808] : memref<2x24x24x24x512xf32, #tpu.memory_space<hbm>> -> memref<1x1x1x24x512xf32, #tpu.memory_space<hbm>>
      %dma_start3A_810 = tpu.memref_squeeze %dma_start3A_809 : memref<1x1x1x24x512xf32, #tpu.memory_space<hbm>> -> memref<24x512xf32, #tpu.memory_space<hbm>>
      %dma_start3A_811 = arith.constant 0 : i32
      %dma_start3A_812 = arith.constant 0 : i32
      %dma_start3A_813 = tpu.memref_slice %arg8[%dma_start3A_798, %dma_start3A_811, %dma_start3A_812] : memref<2x24x512xf32, #tpu.memory_space<vmem>> -> memref<1x24x512xf32, #tpu.memory_space<vmem>>
      %dma_start3A_814 = tpu.memref_squeeze %dma_start3A_813 : memref<1x24x512xf32, #tpu.memory_space<vmem>> -> memref<24x512xf32, #tpu.memory_space<vmem>>
      tpu.enqueue_dma source(%dma_start3A_814 : memref<24x512xf32, #tpu.memory_space<vmem>>) target(%dma_start3A_810 : memref<24x512xf32, #tpu.memory_space<hbm>>) target_semaphore(%arg10 : memref<!tpu.dma_semaphore, #tpu.memory_space<semaphore_mem>>)
    }
    %scan3A_157 = arith.constant 18 : i32
    %add3A_158 = arith.constant 36 : i32
    %add3A_159 = arith.addi %mul3A_55, %add3A_158 : i32
    %sub3A_160 = arith.constant 2 : i32
    %sub3A_161 = arith.subi %add3A_159, %sub3A_160 : i32
    %jit3A_162 = arith.constant 576 : i32
    %div3A_163 = arith.divsi %sub3A_161, %jit3A_162 : i32
    %sign3A_164 = arith.constant 0 : i32
    %sign3A_165 = arith.cmpi sgt, %sub3A_161, %sign3A_164 : i32
    %sign3A_166 = arith.extui %sign3A_165 : i1 to i32
    %sign3A_167 = arith.constant 0 : i32
    %sign3A_168 = arith.cmpi slt, %sub3A_161, %sign3A_167 : i32
    %sign3A_169 = arith.extui %sign3A_168 : i1 to i32
    %sign3A_170 = arith.subi %sign3A_166, %sign3A_169 : i32
    %sign3A_171 = arith.constant 0 : i32
    %sign3A_172 = arith.cmpi sgt, %jit3A_162, %sign3A_171 : i32
    %sign3A_173 = arith.extui %sign3A_172 : i1 to i32
    %sign3A_174 = arith.constant 0 : i32
    %sign3A_175 = arith.cmpi slt, %jit3A_162, %sign3A_174 : i32
    %sign3A_176 = arith.extui %sign3A_175 : i1 to i32
    %sign3A_177 = arith.subi %sign3A_173, %sign3A_176 : i32
    %ne3A_178 = arith.cmpi ne, %sign3A_170, %sign3A_177 : i32
    %rem3A_179 = arith.remsi %sub3A_161, %jit3A_162 : i32
    %ne3A_180 = arith.constant 0 : i32
    %ne3A_181 = arith.cmpi ne, %rem3A_179, %ne3A_180 : i32
    %and3A_182 = arith.andi %ne3A_178, %ne3A_181 : i1
    %sub3A_183 = arith.constant 1 : i32
    %sub3A_184 = arith.subi %div3A_163, %sub3A_183 : i32
    %select_n3A_185 = arith.select %and3A_182, %sub3A_184, %div3A_163 : i32
    %jit3A_186 = arith.constant 576 : i32
    %eq3A_187 = arith.constant 0 : i32
    %eq3A_188 = arith.cmpi eq, %jit3A_186, %eq3A_187 : i32
    %jit3A_189 = arith.constant 1 : i32
    %select_n3A_190 = arith.select %eq3A_188, %jit3A_189, %jit3A_186 : i32
    %rem3A_191 = arith.remsi %sub3A_161, %select_n3A_190 : i32
    %ne3A_192 = arith.constant 0 : i32
    %ne3A_193 = arith.cmpi ne, %rem3A_191, %ne3A_192 : i32
    %lt3A_194 = arith.constant 0 : i32
    %lt3A_195 = arith.cmpi slt, %rem3A_191, %lt3A_194 : i32
    %lt3A_196 = arith.constant 0 : i32
    %lt3A_197 = arith.cmpi slt, %select_n3A_190, %lt3A_196 : i32
    %ne3A_198 = arith.xori %lt3A_195, %lt3A_197 : i1
    %and3A_199 = arith.andi %ne3A_198, %ne3A_193 : i1
    %add3A_200 = arith.addi %rem3A_191, %select_n3A_190 : i32
    %select_n3A_201 = arith.select %and3A_199, %add3A_200, %rem3A_191 : i32
    %jit3A_202 = arith.constant 24 : i32
    %div3A_203 = arith.divsi %select_n3A_201, %jit3A_202 : i32
    %sign3A_204 = arith.constant 0 : i32
    %sign3A_205 = arith.cmpi sgt, %select_n3A_201, %sign3A_204 : i32
    %sign3A_206 = arith.extui %sign3A_205 : i1 to i32
    %sign3A_207 = arith.constant 0 : i32
    %sign3A_208 = arith.cmpi slt, %select_n3A_201, %sign3A_207 : i32
    %sign3A_209 = arith.extui %sign3A_208 : i1 to i32
    %sign3A_210 = arith.subi %sign3A_206, %sign3A_209 : i32
    %sign3A_211 = arith.constant 0 : i32
    %sign3A_212 = arith.cmpi sgt, %jit3A_202, %sign3A_211 : i32
    %sign3A_213 = arith.extui %sign3A_212 : i1 to i32
    %sign3A_214 = arith.constant 0 : i32
    %sign3A_215 = arith.cmpi slt, %jit3A_202, %sign3A_214 : i32
    %sign3A_216 = arith.extui %sign3A_215 : i1 to i32
    %sign3A_217 = arith.subi %sign3A_213, %sign3A_216 : i32
    %ne3A_218 = arith.cmpi ne, %sign3A_210, %sign3A_217 : i32
    %rem3A_219 = arith.remsi %select_n3A_201, %jit3A_202 : i32
    %ne3A_220 = arith.constant 0 : i32
    %ne3A_221 = arith.cmpi ne, %rem3A_219, %ne3A_220 : i32
    %and3A_222 = arith.andi %ne3A_218, %ne3A_221 : i1
    %sub3A_223 = arith.constant 1 : i32
    %sub3A_224 = arith.subi %div3A_203, %sub3A_223 : i32
    %select_n3A_225 = arith.select %and3A_222, %sub3A_224, %div3A_203 : i32
    %jit3A_226 = arith.constant 24 : i32
    %eq3A_227 = arith.constant 0 : i32
    %eq3A_228 = arith.cmpi eq, %jit3A_226, %eq3A_227 : i32
    %jit3A_229 = arith.constant 1 : i32
    %select_n3A_230 = arith.select %eq3A_228, %jit3A_229, %jit3A_226 : i32
    %rem3A_231 = arith.remsi %select_n3A_201, %select_n3A_230 : i32
    %ne3A_232 = arith.constant 0 : i32
    %ne3A_233 = arith.cmpi ne, %rem3A_231, %ne3A_232 : i32
    %lt3A_234 = arith.constant 0 : i32
    %lt3A_235 = arith.cmpi slt, %rem3A_231, %lt3A_234 : i32
    %lt3A_236 = arith.constant 0 : i32
    %lt3A_237 = arith.cmpi slt, %select_n3A_230, %lt3A_236 : i32
    %ne3A_238 = arith.xori %lt3A_235, %lt3A_237 : i1
    %and3A_239 = arith.andi %ne3A_238, %ne3A_233 : i1
    %add3A_240 = arith.addi %rem3A_231, %select_n3A_230 : i32
    %select_n3A_241 = arith.select %and3A_239, %add3A_240, %rem3A_231 : i32
    %dma_wait3A = arith.constant 0 : i32
    %dma_wait3A_242 = arith.constant 0 : i32
    %dma_wait3A_243 = arith.constant 0 : i32
    %dma_wait3A_244 = tpu.memref_slice %arg8[%dma_wait3A, %dma_wait3A_242, %dma_wait3A_243] : memref<2x24x512xf32, #tpu.memory_space<vmem>> -> memref<1x24x512xf32, #tpu.memory_space<vmem>>
    %dma_wait3A_245 = tpu.memref_squeeze %dma_wait3A_244 : memref<1x24x512xf32, #tpu.memory_space<vmem>> -> memref<24x512xf32, #tpu.memory_space<vmem>>
    %dma_wait3A_246 = arith.constant 0 : i32
    %dma_wait3A_247 = arith.constant 0 : i32
    %dma_wait3A_248 = tpu.memref_slice %arg4[%select_n3A_185, %select_n3A_225, %select_n3A_241, %dma_wait3A_246, %dma_wait3A_247] : memref<2x24x24x24x512xf32, #tpu.memory_space<hbm>> -> memref<1x1x1x24x512xf32, #tpu.memory_space<hbm>>
    %dma_wait3A_249 = tpu.memref_squeeze %dma_wait3A_248 : memref<1x1x1x24x512xf32, #tpu.memory_space<hbm>> -> memref<24x512xf32, #tpu.memory_space<hbm>>
    %dma_wait3A_250 = arith.constant 0 : i32
    %dma_wait3A_251 = arith.constant 0 : i32
    %dma_wait3A_252 = tpu.memref_slice %arg4[%select_n3A_185, %select_n3A_225, %select_n3A_241, %dma_wait3A_250, %dma_wait3A_251] : memref<2x24x24x24x512xf32, #tpu.memory_space<hbm>> -> memref<1x1x1x24x512xf32, #tpu.memory_space<hbm>>
    %dma_wait3A_253 = tpu.memref_squeeze %dma_wait3A_252 : memref<1x1x1x24x512xf32, #tpu.memory_space<hbm>> -> memref<24x512xf32, #tpu.memory_space<hbm>>
    %dma_wait3A_254 = arith.constant 0 : i32
    %dma_wait3A_255 = arith.constant 0 : i32
    %dma_wait3A_256 = tpu.memref_slice %arg8[%dma_wait3A, %dma_wait3A_254, %dma_wait3A_255] : memref<2x24x512xf32, #tpu.memory_space<vmem>> -> memref<1x24x512xf32, #tpu.memory_space<vmem>>
    %dma_wait3A_257 = tpu.memref_squeeze %dma_wait3A_256 : memref<1x24x512xf32, #tpu.memory_space<vmem>> -> memref<24x512xf32, #tpu.memory_space<vmem>>
    tpu.wait_dma2 semaphore(%arg9 : memref<!tpu.dma_semaphore, #tpu.memory_space<semaphore_mem>>) src(%dma_wait3A_257 : memref<24x512xf32, #tpu.memory_space<vmem>>) dst(%dma_wait3A_253 : memref<24x512xf32, #tpu.memory_space<hbm>>)
    %add3A_258 = arith.constant 36 : i32
    %add3A_259 = arith.addi %mul3A_55, %add3A_258 : i32
    %sub3A_260 = arith.constant 1 : i32
    %sub3A_261 = arith.subi %add3A_259, %sub3A_260 : i32
    %jit3A_262 = arith.constant 576 : i32
    %div3A_263 = arith.divsi %sub3A_261, %jit3A_262 : i32
    %sign3A_264 = arith.constant 0 : i32
    %sign3A_265 = arith.cmpi sgt, %sub3A_261, %sign3A_264 : i32
    %sign3A_266 = arith.extui %sign3A_265 : i1 to i32
    %sign3A_267 = arith.constant 0 : i32
    %sign3A_268 = arith.cmpi slt, %sub3A_261, %sign3A_267 : i32
    %sign3A_269 = arith.extui %sign3A_268 : i1 to i32
    %sign3A_270 = arith.subi %sign3A_266, %sign3A_269 : i32
    %sign3A_271 = arith.constant 0 : i32
    %sign3A_272 = arith.cmpi sgt, %jit3A_262, %sign3A_271 : i32
    %sign3A_273 = arith.extui %sign3A_272 : i1 to i32
    %sign3A_274 = arith.constant 0 : i32
    %sign3A_275 = arith.cmpi slt, %jit3A_262, %sign3A_274 : i32
    %sign3A_276 = arith.extui %sign3A_275 : i1 to i32
    %sign3A_277 = arith.subi %sign3A_273, %sign3A_276 : i32
    %ne3A_278 = arith.cmpi ne, %sign3A_270, %sign3A_277 : i32
    %rem3A_279 = arith.remsi %sub3A_261, %jit3A_262 : i32
    %ne3A_280 = arith.constant 0 : i32
    %ne3A_281 = arith.cmpi ne, %rem3A_279, %ne3A_280 : i32
    %and3A_282 = arith.andi %ne3A_278, %ne3A_281 : i1
    %sub3A_283 = arith.constant 1 : i32
    %sub3A_284 = arith.subi %div3A_263, %sub3A_283 : i32
    %select_n3A_285 = arith.select %and3A_282, %sub3A_284, %div3A_263 : i32
    %jit3A_286 = arith.constant 576 : i32
    %eq3A_287 = arith.constant 0 : i32
    %eq3A_288 = arith.cmpi eq, %jit3A_286, %eq3A_287 : i32
    %jit3A_289 = arith.constant 1 : i32
    %select_n3A_290 = arith.select %eq3A_288, %jit3A_289, %jit3A_286 : i32
    %rem3A_291 = arith.remsi %sub3A_261, %select_n3A_290 : i32
    %ne3A_292 = arith.constant 0 : i32
    %ne3A_293 = arith.cmpi ne, %rem3A_291, %ne3A_292 : i32
    %lt3A_294 = arith.constant 0 : i32
    %lt3A_295 = arith.cmpi slt, %rem3A_291, %lt3A_294 : i32
    %lt3A_296 = arith.constant 0 : i32
    %lt3A_297 = arith.cmpi slt, %select_n3A_290, %lt3A_296 : i32
    %ne3A_298 = arith.xori %lt3A_295, %lt3A_297 : i1
    %and3A_299 = arith.andi %ne3A_298, %ne3A_293 : i1
    %add3A_300 = arith.addi %rem3A_291, %select_n3A_290 : i32
    %select_n3A_301 = arith.select %and3A_299, %add3A_300, %rem3A_291 : i32
    %jit3A_302 = arith.constant 24 : i32
    %div3A_303 = arith.divsi %select_n3A_301, %jit3A_302 : i32
    %sign3A_304 = arith.constant 0 : i32
    %sign3A_305 = arith.cmpi sgt, %select_n3A_301, %sign3A_304 : i32
    %sign3A_306 = arith.extui %sign3A_305 : i1 to i32
    %sign3A_307 = arith.constant 0 : i32
    %sign3A_308 = arith.cmpi slt, %select_n3A_301, %sign3A_307 : i32
    %sign3A_309 = arith.extui %sign3A_308 : i1 to i32
    %sign3A_310 = arith.subi %sign3A_306, %sign3A_309 : i32
    %sign3A_311 = arith.constant 0 : i32
    %sign3A_312 = arith.cmpi sgt, %jit3A_302, %sign3A_311 : i32
    %sign3A_313 = arith.extui %sign3A_312 : i1 to i32
    %sign3A_314 = arith.constant 0 : i32
    %sign3A_315 = arith.cmpi slt, %jit3A_302, %sign3A_314 : i32
    %sign3A_316 = arith.extui %sign3A_315 : i1 to i32
    %sign3A_317 = arith.subi %sign3A_313, %sign3A_316 : i32
    %ne3A_318 = arith.cmpi ne, %sign3A_310, %sign3A_317 : i32
    %rem3A_319 = arith.remsi %select_n3A_301, %jit3A_302 : i32
    %ne3A_320 = arith.constant 0 : i32
    %ne3A_321 = arith.cmpi ne, %rem3A_319, %ne3A_320 : i32
    %and3A_322 = arith.andi %ne3A_318, %ne3A_321 : i1
    %sub3A_323 = arith.constant 1 : i32
    %sub3A_324 = arith.subi %div3A_303, %sub3A_323 : i32
    %select_n3A_325 = arith.select %and3A_322, %sub3A_324, %div3A_303 : i32
    %jit3A_326 = arith.constant 24 : i32
    %eq3A_327 = arith.constant 0 : i32
    %eq3A_328 = arith.cmpi eq, %jit3A_326, %eq3A_327 : i32
    %jit3A_329 = arith.constant 1 : i32
    %select_n3A_330 = arith.select %eq3A_328, %jit3A_329, %jit3A_326 : i32
    %rem3A_331 = arith.remsi %select_n3A_301, %select_n3A_330 : i32
    %ne3A_332 = arith.constant 0 : i32
    %ne3A_333 = arith.cmpi ne, %rem3A_331, %ne3A_332 : i32
    %lt3A_334 = arith.constant 0 : i32
    %lt3A_335 = arith.cmpi slt, %rem3A_331, %lt3A_334 : i32
    %lt3A_336 = arith.constant 0 : i32
    %lt3A_337 = arith.cmpi slt, %select_n3A_330, %lt3A_336 : i32
    %ne3A_338 = arith.xori %lt3A_335, %lt3A_337 : i1
    %and3A_339 = arith.andi %ne3A_338, %ne3A_333 : i1
    %add3A_340 = arith.addi %rem3A_331, %select_n3A_330 : i32
    %select_n3A_341 = arith.select %and3A_339, %add3A_340, %rem3A_331 : i32
    %dma_wait3A_342 = arith.constant 1 : i32
    %dma_wait3A_343 = arith.constant 0 : i32
    %dma_wait3A_344 = arith.constant 0 : i32
    %dma_wait3A_345 = tpu.memref_slice %arg8[%dma_wait3A_342, %dma_wait3A_343, %dma_wait3A_344] : memref<2x24x512xf32, #tpu.memory_space<vmem>> -> memref<1x24x512xf32, #tpu.memory_space<vmem>>
    %dma_wait3A_346 = tpu.memref_squeeze %dma_wait3A_345 : memref<1x24x512xf32, #tpu.memory_space<vmem>> -> memref<24x512xf32, #tpu.memory_space<vmem>>
    %dma_wait3A_347 = arith.constant 0 : i32
    %dma_wait3A_348 = arith.constant 0 : i32
    %dma_wait3A_349 = tpu.memref_slice %arg4[%select_n3A_285, %select_n3A_325, %select_n3A_341, %dma_wait3A_347, %dma_wait3A_348] : memref<2x24x24x24x512xf32, #tpu.memory_space<hbm>> -> memref<1x1x1x24x512xf32, #tpu.memory_space<hbm>>
    %dma_wait3A_350 = tpu.memref_squeeze %dma_wait3A_349 : memref<1x1x1x24x512xf32, #tpu.memory_space<hbm>> -> memref<24x512xf32, #tpu.memory_space<hbm>>
    %dma_wait3A_351 = arith.constant 0 : i32
    %dma_wait3A_352 = arith.constant 0 : i32
    %dma_wait3A_353 = tpu.memref_slice %arg4[%select_n3A_285, %select_n3A_325, %select_n3A_341, %dma_wait3A_351, %dma_wait3A_352] : memref<2x24x24x24x512xf32, #tpu.memory_space<hbm>> -> memref<1x1x1x24x512xf32, #tpu.memory_space<hbm>>
    %dma_wait3A_354 = tpu.memref_squeeze %dma_wait3A_353 : memref<1x1x1x24x512xf32, #tpu.memory_space<hbm>> -> memref<24x512xf32, #tpu.memory_space<hbm>>
    %dma_wait3A_355 = arith.constant 0 : i32
    %dma_wait3A_356 = arith.constant 0 : i32
    %dma_wait3A_357 = tpu.memref_slice %arg8[%dma_wait3A_342, %dma_wait3A_355, %dma_wait3A_356] : memref<2x24x512xf32, #tpu.memory_space<vmem>> -> memref<1x24x512xf32, #tpu.memory_space<vmem>>
    %dma_wait3A_358 = tpu.memref_squeeze %dma_wait3A_357 : memref<1x24x512xf32, #tpu.memory_space<vmem>> -> memref<24x512xf32, #tpu.memory_space<vmem>>
    tpu.wait_dma2 semaphore(%arg10 : memref<!tpu.dma_semaphore, #tpu.memory_space<semaphore_mem>>) src(%dma_wait3A_358 : memref<24x512xf32, #tpu.memory_space<vmem>>) dst(%dma_wait3A_354 : memref<24x512xf32, #tpu.memory_space<hbm>>)
    return
  }
}

</mosaic_0001>

<sc_bundles>
// kernel: kernel.3.cloned.1.call-start
scs
__scs_entry_jumppad:
0x0: {  	(pc) =	sbr.rel $0x88, $3  }
0x1: {  	(tag) =	ssettag $0x0;
	lr =	simm.s32 $0x1  }
0x2: {  	[smem:$0x3F9F] =	sst lr;
	_ =	strace $0xD0000000  }
0x3: {  	_ = 	snop  }
0x4: {  	_ = 	snop  }
0x5: {  	_ = 	snop  }
0x6: {  	_ = 	snop  }
0x7: {  	_ = 	snop  }
__scs_overlays_trampoline_lowered:
0x8: {  	[smem:$0x3FAE] =	sst s0  }
0x9: {  	[smem:$0x3FAF] =	sst s1  }
0xa: {  	[smem:$0x3FB0] =	sst s2  }
0xb: {  	[smem:$0x3FB1] =	sst s3  }
0xc: {  	[smem:$0x3FB2] =	sst s4  }
0xd: {  	[smem:$0x3FB3] =	sst s5  }
0xe: {  	[smem:$0x3FB4] =	sst s6  }
0xf: {  	[smem:$0x3FB5] =	sst s7  }
0x10: {  	[smem:$0x3FB6] =	sst s8  }
0x11: {  	[smem:$0x3FB7] =	sst s9;
	s0 =	simm.s32 @!p0 $0x0  }
0x12: {  	s1 =	sld [smem:$0x3F9D];
	s0 =	simm.s32 @p0 $0x1  }
0x13: {  	[smem:$0x3FB8] =	sst s0;
	s0 =	simm.s32 @!p1 $0x0  }
0x14: {  	s2 =	sld [smem:$0x3F9C];
	s0 =	simm.s32 @p1 $0x1  }
0x15: {  	[smem:$0x3FB9] =	sst s0;
	s0 =	simm.s32 @!p2 $0x0  }
0x16: {  	s3 =	sld [smem:$0x3FDB];
	s0 =	simm.s32 @p2 $0x1  }
0x17: {  	s4 =	simm.s32 $0x1BF5;
	[smem:$0x3FBB] =	sst s0  }
0x18: {  	s0 =	sld [smem:$0x3F9E];
	_ =	swait.ge [sflag:s4], $0x0  }
0x19: {  	s7 =	sld [smem:$0x3F9F]  }
0x1a: {  	s8 =	sadd.s32 $0xFFFFE003, lr  }
0x1b: {  	s9 =	sadd.s32 $0xFFFFFEF7, lr;
	s5 =	simm.s32 $0xFFFFFFFF;
	p2 =	slt.u32 s8, $0xFFFFF086  }
0x1c: {  	p1 =	slt.u32 s9, $0xF7A;
	s5 =	simm.s32 @!p2 $0x0  }
0x1d: {  	s5 =	simm.s32 @p1 $0x1;
	p0 =	seq.s32 s7, s2  }
0x1e: {  	s7 =	smul.u32 @!p0 $0xF7A, s2;
	p2 =	seq.s32 @!p0 s5, $0x0  }
0x1f: {  	s9 =	smul.u32 $0xF7A, s1;
	s8 =	simm.s32 @!p0 $0x1BF5;
	p2 =	por !p2, p0  }
0x20: {  	[sflag:s8] =	ssyncset.s32 @!p0 $0xFFFFF086;
	s6 =	sadd.s32 @!p0 s3, s7;
	s7 =	simm.s32 @!p0 $0x108  }
0x21: {  	s3 =	sadd.s32 s3, s9;
	s6 =	sadd.s32 @!p0 $0x88, s6;
	s7 =	simm.s32 @p2 $0x1082  }
0x22: {  	[simem:s7], [sflag:s8] =	dma.local @!p0 [hbm:s6], $0xF7A  }
0x23: {  	s9 =	sor.u32 $0xD0000000, s2;
	s6 =	simm.s32 $0x108;
	_ =	swait.ge @!p0 [sflag:s8], $0x0  }
0x24: {  	s3 =	sadd.s32 $0x88, s3;
	s6 =	simm.s32 @!p1 $0x1082;
	[sflag:s4] =	ssyncset.s32 $0xFFFFF086  }
0x25: {  	[simem:s6], [sflag:s4] =	dma.local [hbm:s3], $0xF7A  }
0x26: {  	[smem:$0x3F9F] =	sst s1;
	(tag) =	ssettag s2;
	_ =	strace s9  }
0x27: {  	s1 =	sld [smem:$0x3FAF]  }
0x28: {  	s2 =	sld [smem:$0x3FB0]  }
0x29: {  	s4 =	sld [smem:$0x3FB2]  }
0x2a: {  	p0 =	seq.s32 s5, $0x0;
	s5 =	sld [smem:$0x3FB3]  }
0x2b: {  	s6 =	sld [smem:$0x3FB4]  }
0x2c: {  	s7 =	sld [smem:$0x3FB5]  }
0x2d: {  	s3 =	simm.s32 $0x108;
	s8 =	sld [smem:$0x3FB6]  }
0x2e: {  	s3 =	simm.s32 @!p0 $0x1082;
	s9 =	sld [smem:$0x3FB7]  }
0x2f: {  	lr =	sadd.s32 s0, s3;
	s0 =	sld [smem:$0x3FAE]  }
0x30: {  	s3 =	sld [smem:$0x3FB1]  }
0x31: {  	[smem:$0x3FBA] =	sst s10  }
0x32: {  	s10 =	sld [smem:$0x3FB8];
	_ =	sdelay $0x3  }
0x33: {  	p0 =	seq.s32 s10, $0x1;
	s10 =	sld [smem:$0x3FBA];
	_ =	sdelay $0x3  }
0x34: {  	[smem:$0x3FBA] =	sst s10  }
0x35: {  	s10 =	sld [smem:$0x3FB9];
	_ =	sdelay $0x3  }
0x36: {  	p1 =	seq.s32 s10, $0x1;
	s10 =	sld [smem:$0x3FBA];
	_ =	sdelay $0x3  }
0x37: {  	[smem:$0x3FBA] =	sst s10  }
0x38: {  	s10 =	sld [smem:$0x3FBB]  }
0x39: {  	_ = 	snop;
	(pc) =	sbr.ind lr, $3  }
0x3a: {  	_ = 	snop  }
0x3b: {  	_ = 	snop  }
0x3c: {  	p2 =	seq.s32 s10, $0x1;
	s10 =	sld [smem:$0x3FBA]  }
0x3d: {  	_ =	shalt  }
0x3e: {  	_ =	shalt  }
0x3f: {  	_ =	shalt  }
0x40: {  	_ =	shalt  }
0x41: {  	_ =	shalt  }
0x42: {  	_ =	shalt  }
0x43: {  	_ =	shalt  }
0x44: {  	_ =	shalt  }
0x45: {  	_ =	shalt  }
0x46: {  	_ =	shalt  }
0x47: {  	_ =	shalt  }
0x48: {  	_ =	shalt  }
0x49: {  	_ =	shalt  }
0x4a: {  	_ =	shalt  }
0x4b: {  	_ =	shalt  }
0x4c: {  	_ =	shalt  }
0x4d: {  	_ =	shalt  }
0x4e: {  	_ =	shalt  }
0x4f: {  	_ =	shalt  }
0x50: {  	_ =	shalt  }
0x51: {  	_ =	shalt  }
0x52: {  	_ =	shalt  }
0x53: {  	_ =	shalt  }
0x54: {  	_ =	shalt  }
0x55: {  	_ =	shalt  }
0x56: {  	_ =	shalt  }
0x57: {  	_ =	shalt  }
0x58: {  	_ =	shalt  }
0x59: {  	_ =	shalt  }
0x5a: {  	_ =	shalt  }
0x5b: {  	_ =	shalt  }
0x5c: {  	_ =	shalt  }
0x5d: {  	_ =	shalt  }
0x5e: {  	_ =	shalt  }
0x5f: {  	_ =	shalt  }
0x60: {  	_ =	shalt  }
0x61: {  	_ =	shalt  }
0x62: {  	_ =	shalt  }
0x63: {  	_ =	shalt  }
0x64: {  	_ =	shalt  }
0x65: {  	_ =	shalt  }
0x66: {  	_ =	shalt  }
0x67: {  	_ =	shalt  }
0x68: {  	_ =	shalt  }
0x69: {  	_ =	shalt  }
0x6a: {  	_ =	shalt  }
0x6b: {  	_ =	shalt  }
0x6c: {  	_ =	shalt  }
0x6d: {  	_ =	shalt  }
0x6e: {  	_ =	shalt  }
0x6f: {  	_ =	shalt  }
0x70: {  	_ =	shalt  }
0x71: {  	_ =	shalt  }
0x72: {  	_ =	shalt  }
0x73: {  	_ =	shalt  }
0x74: {  	_ =	shalt  }
0x75: {  	_ =	shalt  }
0x76: {  	_ =	shalt  }
0x77: {  	_ =	shalt  }
0x78: {  	_ =	shalt  }
0x79: {  	_ =	shalt  }
0x7a: {  	_ =	shalt  }
0x7b: {  	_ =	shalt  }
0x7c: {  	_ =	shalt  }
0x7d: {  	_ =	shalt  }
0x7e: {  	_ =	shalt  }
0x7f: {  	_ =	shalt  }
0x80: {  	_ =	shalt  }
0x81: {  	_ =	shalt  }
0x82: {  	_ =	shalt  }
0x83: {  	_ =	shalt  }
0x84: {  	_ =	shalt  }
0x85: {  	_ =	shalt  }
0x86: {  	_ =	shalt  }
0x87: {  	_ =	shalt  }
.Lfunc_end0:
.L_simem_size_0:
called_computation_lowered:
.L_overlay_start_0:
0x88: {  	s2 =	sld [smem:$0x3FD9]  }
0x89: {  	s3 =	sld [smem:$0x3FFE];
	_ =	sdelay $0x1  }
0x8a: {  	s1 =	srdreg.scid  }
0x8b: {  	s0 =	sand.u32 $0x1, s1  }
0x8c: {  	s17 =	sshll.u32 s0, $0xA;
	s2 =	sadd.s32 s3, s2  }
0x8d: {  	s2 =	sadd.s32 s2, s17  }
0x8e: {  	[smem:$0x3FC6] =	sst s2  }
0x8f: {  	_ = 	snop  }
0x90: {  	s2 =	sld [smem:$0x3FC9]  }
0x91: {  	s18 =	sld [smem:$0x3FD0];
	(tm) =	ssettm $0x1  }
0x92: {  	s4 =	sld [smem:$0x3FFB];
	_ =	sdelay $0x3  }
0x93: {  	_ =	strace s4  }
0x94: {  	s4 =	sld [smem:$0x3FFC];
	_ =	sdelay $0x3  }
0x95: {  	_ =	strace s4  }
0x96: {  	s4 =	sld [smem:$0x3FFD];
	_ =	sdelay $0x3  }
0x97: {  	_ =	strace s4  }
0x98: {  	_ =	strace $0x8FFFFFFF  }
0x99: {  	s19 =	sld [smem:$0x3FDB];
	_ =	sdelay $0x1  }
0x9a: {  	s5 =	simm.s32 $_scs_section_size  }
0x9b: {  	s6 =	simm.s32 $_size__tile_overlayer_lowered;
	s7 =	simm.s32 $_tile_overlayer_lowered  }
0x9c: {  	s22 =	simm.s32 $0x1BFF;
	s21 =	sshll.u32 s7, $0x1;
	s4 =	sadd.s32 s5, s19  }
0x9d: {  	s8 =	simm.s32 $0x0;
	s20 =	sshll.u32 s6, $0x1;
	s6 =	sadd.s32 s21, s4  }
0x9e: {  	[timem:s8], [sflag:s22] =	dma.local [hbm:s6], s20  }
0x9f: {  	_ =	swait.ge [sflag:s22], s20  }
0xa0: {  	s5 =	ssub.s32 $0x0, s20;
	[sflag:s22] =	ssyncset.done $0x0  }
0xa1: {  	[sflag:s22] =	ssyncadd.s32 s5;
	_ =	sdelay $0x1  }
0xa2: {  	s23 =	simm.s32 $0x1B8B  }
0xa3: {  	_ =	swait.ge [sflag:s23], $0x1  }
0xa4: {  	[sflag:s23] =	ssyncset.done $0x0  }
0xa5: {  	s25 =	simm.s32 $0x1B8E;
	s24 =	sld [smem:$0x3FFE];
	[sflag:s23] =	ssyncadd.s32 $0xFFFFFFFF  }
0xa6: {  	s26 =	simm.s32 $execute0_lowered;
	[smem:$0x3FD2] =	sst s25  }
0xa7: {  	s6 =	sshll.u32 s26, $0x1;
	_ =	strace $0x80000046;
	[dreg:$0x1] =	wrdreg $0xFFFFFFFF  }
0xa8: {  	s28 =	simm.s32 $_size_execute0_lowered;
	s4 =	sadd.s32 s4, s6;
	[dreg:$0x0] =	wrdreg $0x0  }
0xa9: {  	s6 =	sshll.u32 s28, $0x1;
	[dreg:$0x2] =	wrdreg s4  }
0xaa: {  	[dreg:$0x3] =	wrdreg s6  }
0xab: {  	[dreg:$0x4] =	wrdreg $0xC0  }
0xac: {  	_ =	task [dreg:s8], $0x5FFFF  }
0xad: {  	[dreg:$0x1] =	wrdreg $0xFFFFFFFF  }
0xae: {  	[dreg:$0x0] =	wrdreg $0x60  }
0xaf: {  	[dreg:$0x2] =	wrdreg s2  }
0xb0: {  	[dreg:$0x3] =	wrdreg s24  }
0xb1: {  	[dreg:$0x4] =	wrdreg s18  }
0xb2: {  	[dreg:$0x5] =	wrdreg $0x9  }
0xb3: {  	_ =	task.clear_ibuf [dreg:s8], $0x6FFFF;
	_ =	strace $0x90000046  }
0xb4: {  	s29 =	simm.s32 $0x9;
	_ =	strace $0x80000048  }
0xb5: {  	_ =	swait.ge [sflag:s29], $0x1  }
0xb6: {  	[sflag:s29] =	ssyncadd.s32 $0xFFFFFFFF  }
0xb7: {  	_ =	strace $0x90000048  }
0xb8: {  	_ =	sfence  }
0xb9: {  	s30 =	sld [smem:$0x0];
	_ =	sdelay $0x2  }
0xba: {  	s31 =	sshll.u32 s1, $0xD;
	s1 =	sshrl.u32 s1, $0x2  }
0xbb: {  	s3 =	sand.u32 $0x4000, s31;
	s1 =	sadd.s32 s1, s30  }
0xbc: {  	s0 =	sor.u32 s3, s0;
	s1 =	sshll.u32 s1, $0x11  }
0xbd: {  	s0 =	sor.u32 s1, s0  }
0xbe: {  	s0 =	sadd.s32 $0x8F2B, s0  }
0xbf: {  	[sflag:s0] =	ssyncadd.remote.s32 $0x1  }
0xc0: {  	_ =	sfence.sel $0xFFFF  }
0xc1: {  	[dreg:$0x0] =	wrdreg $0xFFFFFFFF;
	(pc) =	sbr.abs _section_cstart, $3  }
0xc2: {  	[dreg:$0x1] =	wrdreg $0xFFFFFFFF  }
0xc3: {  	_ =	task.clear_ibuf [dreg:s8], $0x2FFFF;
	_ =	strace $0x9FFFFFFF  }
0xc4: {  	(tm) =	ssettm $0x7FFFFFFF  }
0xc5: {  	_ =	shalt  }
tec
execute0_lowered:
.L_overlay_start_1:
0x0: {  	(tag) =	ssettag $0x1  }
0x1: {  	s0 =	srdreg.scid;
	s4 =	stileid.u32  }
0x2: {  	s0 =	sand.u32 $0x1, s0;
	s1 =	sshll.u32 s4, $0x1  }
0x3: {  	s1 =	sor.u32 s0, s1  }
0x4: {  	s1 =	smul.u32 $0x24, s1;
	_ =	sdelay $0x1  }
0x5: {  	s3 =	sadd.s32 $0xFDC0, s1;
	p0 =	slt.u32 s1, $0x240  }
0x6: {  	s3 =	smov.u32 @p0 s1  }
0x7: {  	s7 =	rddreg [dreg:$0x1];
	s2 =	sand.u32 $0xFFFC, s3  }
0x8: {  	s11 =	simm.s32 $0x200;
	s12 =	simm.s32 $0x3000;
	s2 =	smul.u32 $0xAAAB, s2  }
0x9: {  	s13 =	simm.s32 $0x3;
	s14 =	simm.s32 $0x800;
	s15 =	simm.s32 $0x8000  }
0xa: {  	s16 =	simm.s32 $0x4;
	s17 =	simm.s32 $0xB000;
	s5 =	sshrl.u32 s2, $0x14  }
0xb: {  	s4 =	sshrl.u32 s4, $0x3;
	s31 =	sadd.s32 $0x400, s7;
	s6 =	smul.u32 $0x18, s5  }
0xc: {  	s8 =	smul.u32 $0x120000, s4;
	s4 =	rddreg [dreg:$0x2];
	s0 =	ssub.s32 $0x2, s0  }
0xd: {  	s30 =	sshrl.u32 s0, $0x1;
	s9 =	smul.u32 $0xC000, s5;
	s3 =	ssub.s32 s3, s6  }
0xe: {  	s0 =	ssub.s32 s0, s30;
	s2 =	rddreg [dreg:$0x0];
	s3 =	sshll.u32 s3, $0x9  }
0xf: {  	v1 =	vlaneseq.u32;
	s5 =	simm.s32 $0x0;
	s29 =	sadd.s32 s8, s9;
	s3 =	sand.u32 $0xF800, s3  }
0x10: {  	v0 =	vand.u32 $0x7, v1;
	s0 =	smax.u32 s0, $0x1;
	[smem:$0x7FF] =	sst s5;
	s3 =	sor.u32 s3, s29  }
0x11: {  	v0 =	vmul.u32 $0x2, v0;
	_ =	strace $0x80000047;
	[dreg:$0x4] =	wrdreg s31;
	s3 =	sshrl.u32 s3, $0x3  }
0x12: {  	s18 =	simm.s32 $0x1;
	v3 =	vshrl.u32 v1, $0x3;
	[dreg:$0x6] =	wrdreg s0;
	s3 =	sadd.s32 s2, s3  }
0x13: {  	s19 =	simm.s32 $0x2;
	s20 =	simm.s32 $0x0;
	v1 =	vimm.s32 $0x0;
	v3 =	vadd.s32 $0xFFFFFFFF, v3;
	v2 =	vor.u32 $0x1, v0;
	[dreg:$0x5] =	wrdreg s3  }
.LBB2_1:
0x14: {  	s0 =	rddreg [dreg:$0x4];
	s3 =	simm.s32 $0x1000;
	s30 =	simm.s32 $0x5  }
0x15: {  	[tilespmem:s3], [sflag:$0x5] =	stream.linear.gather [hbm4b:s0+s5], $0x6800, $0x38;
	[tilespmem:$0xE000] =	vst v63  }
0x16: {  	_ =	swait.ge [sflag:s30], $0x6800  }
0x17: {  	[sflag:s30] =	ssyncset.done $0x0  }
0x18: {  	s21 =	simm.s32 $0x0;
	s31 =	rddreg [dreg:$0x5];
	[sflag:s30] =	ssyncadd.s32 $0xFFFF9800  }
0x19: {  	[tilespmem:s5], [sflag:$0x3] =	stream.strided.gather [hbm4b:s31+s11], $0x800, s12, s11, $0x38;
	[tilespmem:$0xE000] =	vst v63  }
.LBB2_2:
0x1a: {  	s0 =	sshll.u32 s21, $0x1  }
0x1b: {  	s25 =	sadd.s32 s1, s0  }
0x1c: {  	s0 =	sor.u32 $0x1, s25  }
0x1d: {  	s3 =	smulhi.u32 $0x38E38E39, s0;
	_ =	sdelay $0x1  }
0x1e: {  	s3 =	sshrl.u32 s3, $0x7  }
0x1f: {  	s3 =	smul.u32 $0x240, s3;
	_ =	sdelay $0x1  }
0x20: {  	s0 =	ssub.s32 s0, s3  }
0x21: {  	s3 =	smul.u32 $0xAAB, s0  }
0x22: {  	s6 =	smulhi.u32 $0x38E38E39, s25  }
0x23: {  	s22 =	sshrl.u32 s3, $0x10  }
0x24: {  	s24 =	sshrl.u32 s6, $0x7;
	s3 =	smul.u32 $0x18, s22  }
0x25: {  	s6 =	smul.u32 $0x120000, s24  }
0x26: {  	s9 =	smul.u32 $0xC000, s22;
	s0 =	ssub.s32 s0, s3  }
0x27: {  	s23 =	sand.u32 $0xFFFF, s0  }
0x28: {  	s10 =	sadd.s32 s6, s9;
	s26 =	sshll.u32 s23, $0x9  }
0x29: {  	_ =	swait.ge [sflag:s13], $0x800;
	s0 =	sor.u32 s26, s10  }
0x2a: {  	[sflag:s13] =	ssyncset.done $0x0;
	s0 =	sshrl.u32 s0, $0x3  }
0x2b: {  	[sflag:s13] =	ssyncadd.s32 $0xFFFFF800;
	s26 =	simm.s32 $0x0;
	s0 =	sadd.s32 s2, s0  }
0x2c: {  	[tilespmem:s14], [sflag:$0x4] =	stream.strided.gather [hbm4b:s0+s11], $0x800, s12, s11, $0x38;
	[tilespmem:$0xE000] =	vst v63  }
0x2d: {  	v4 =	vld [tilespmem:s26+$0x40]  }
0x2e: {  	v5 =	vld [tilespmem:s26+$0x50];
	_ =	sdelay $0x3  }
0x2f: {  	vm1 =	vge.f32 v4, $1.000000000e+03  }
0x30: {  	vm0 =	vge.f32 v5, $1.000000000e+03;
	vm8 =	vge.f32 v4, $1.000000000e+02;
	vm9 =	vge.f32 v4, $8.000000000e+02  }
0x31: {  	vm2 =	vge.f32 v5, $8.000000000e+02;
	vm10 =	vge.f32 v4, $6.000000000e+01;
	vm4 =	vge.f32 v5, $6.000000000e+01  }
0x32: {  	vm3 =	vge.f32 v5, $1.000000000e+02;
	vm11 =	vge.f32 v4, $2.000000000e+01;
	vm12 =	vge.f32 v4, $4.000000000e+01  }
0x33: {  	vm5 =	vge.f32 v5, $4.000000000e+01;
	vm13 =	vge.f32 v4, $-1.000000000e+01;
	vm7 =	vge.f32 v5, $-1.000000000e+01  }
0x34: {  	vm6 =	vge.f32 v5, $2.000000000e+01;
	vm14 =	vge.f32 v4, $-1.000000000e+02;
	vm15 =	vge.f32 v4, $-5.000000000e+01  }
0x35: {  	v7 =	vsel vm9, $0x1, v1;
	vm9 =	vge.f32 v5, $-5.000000000e+01;
	v6 =	vsel vm12, $0x1, v1  }
0x36: {  	vm12 =	vge.f32 v4, $-4.000000000e+02;
	v8 =	vsel vm10, $0x1, v1;
	vm10 =	vge.f32 v5, $-4.000000000e+02  }
0x37: {  	v9 =	vsel vm8, $0x1, v1;
	vm8 =	vge.f32 v5, $-1.000000000e+02;
	v10 =	vsel vm15, $0x1, v1  }
0x38: {  	vm15 =	vge.f32 v4, $-1.000000000e+03;
	v11 =	vsel vm13, $0x1, v1;
	vm13 =	vge.f32 v4, $-9.000000000e+02  }
0x39: {  	v12 =	vsel vm11, $0x1, v1;
	vm11 =	vge.f32 v5, $-1.000000000e+03;
	v13 =	vsel vm14, $0x1, v1  }
0x3a: {  	v4 =	vsel vm15, $0x1, v1;
	vm15 =	vge.f32 v5, $-9.000000000e+02;
	v5 =	vsel vm12, $0x1, v1  }
0x3b: {  	v14 =	vsel vm13, $0x1, v1;
	v15 =	vsel vm11, $0x1, v1;
	v16 =	vsel vm15, $0x1, v1  }
0x3c: {  	v4 =	vadd.s32 v14, v4;
	v14 =	vadd.s32 v16, v15;
	v15 =	vsel vm10, $0x1, v1  }
0x3d: {  	v4 =	vadd.s32 v5, v4;
	v5 =	vadd.s32 v15, v14;
	v14 =	vsel vm8, $0x1, v1  }
0x3e: {  	v4 =	vadd.s32 v13, v4;
	v13 =	vsel vm9, $0x1, v1;
	v5 =	vadd.s32 v14, v5  }
0x3f: {  	v4 =	vadd.s32 v10, v4;
	v10 =	vsel vm7, $0x1, v1;
	v5 =	vadd.s32 v13, v5  }
0x40: {  	v11 =	vadd.s32 v11, v4;
	v4 =	vld [tilespmem:s26+$0x0];
	v5 =	vadd.s32 v10, v5;
	v10 =	vsel vm6, $0x1, v1  }
0x41: {  	v11 =	vadd.s32 v12, v11;
	v5 =	vadd.s32 v10, v5;
	v10 =	vsel vm5, $0x1, v1  }
0x42: {  	v6 =	vadd.s32 v6, v11;
	v11 =	vsel vm4, $0x1, v1;
	v10 =	vadd.s32 v10, v5  }
0x43: {  	v5 =	vld [tilespmem:s26+$0x10];
	v6 =	vadd.s32 v8, v6;
	v8 =	vadd.s32 v11, v10;
	v10 =	vsel vm3, $0x1, v1  }
0x44: {  	v9 =	vadd.s32 v9, v6;
	v11 =	vsel vm1, $0x1, v1;
	v8 =	vadd.s32 v10, v8  }
0x45: {  	v6 =	vld [tilespmem:s26+$0x20];
	v10 =	vsel vm2, $0x1, v1;
	v9 =	vadd.s32 v7, v9;
	vm1 =	vge.f32 v4, $-9.000000000e+02  }
0x46: {  	v8 =	vadd.s32 v10, v8;
	v10 =	vsel vm0, $0x1, v1;
	v9 =	vadd.s32 v11, v9  }
0x47: {  	v7 =	vld [tilespmem:s26+$0x30];
	vm0 =	vge.f32 v4, $-1.000000000e+03;
	v8 =	vadd.s32 v10, v8;
	v10 =	vperm.xlane v9, v0  }
0x48: {  	v9 =	vperm.xlane v9, v2;
	v11 =	vperm.xlane v8, v0;
	vm2 =	vge.f32 v5, $-1.000000000e+03  }
0x49: {  	v8 =	vperm.xlane v8, v2;
	vm3 =	vge.f32 v5, $-9.000000000e+02;
	v10 =	vshll.u32 v10, $0x4  }
0x4a: {  	vm4 =	vge.f32 v6, $-1.000000000e+03;
	vm5 =	vge.f32 v6, $-9.000000000e+02;
	v12 =	vsel vm2, $0x1, v1  }
0x4b: {  	vm2 =	vge.f32 v6, $-4.000000000e+02;
	v11 =	vshll.u32 v11, $0x4;
	v9 =	vadd.s32 v9, v10  }
0x4c: {  	vm6 =	vge.f32 v7, $-1.000000000e+03;
	v10 =	vsel vm0, $0x1, v1;
	vm0 =	vge.f32 v7, $-9.000000000e+02  }
0x4d: {  	v13 =	vsel vm4, $0x1, v1;
	v14 =	vsel vm5, $0x1, v1;
	v8 =	vadd.s32 v8, v11  }
0x4e: {  	v11 =	vsel vm1, $0x1, v1;
	vm1 =	vge.f32 v4, $-4.000000000e+02;
	v15 =	vsel vm6, $0x1, v1  }
0x4f: {  	v55 =	vsel vm0, $0x1, v1;
	vm0 =	vge.f32 v5, $-4.000000000e+02;
	v9 =	vsub.s32 v9, v8  }
0x50: {  	v10 =	vadd.s32 v11, v10;
	v11 =	vadd.s32 v14, v13;
	v13 =	vsel vm0, $0x1, v1  }
0x51: {  	v14 =	vadd.s32 v55, v15;
	vm0 =	vge.f32 v4, $-1.000000000e+02;
	v15 =	vsel vm2, $0x1, v1  }
0x52: {  	vm2 =	vge.f32 v6, $-1.000000000e+02;
	v9 =	vand.u32 v3, v9;
	v11 =	vadd.s32 v15, v11  }
0x53: {  	v15 =	vsel vm2, $0x1, v1;
	vm2 =	vge.f32 v6, $-5.000000000e+01;
	v8 =	vadd.s32 v8, v9  }
0x54: {  	v9 =	vsel vm3, $0x1, v1;
	vm3 =	vge.f32 v7, $-4.000000000e+02;
	v11 =	vadd.s32 v15, v11  }
0x55: {  	v15 =	vsel vm2, $0x1, v1;
	vm2 =	vge.f32 v6, $-1.000000000e+01;
	v9 =	vadd.s32 v9, v12  }
0x56: {  	v12 =	vsel vm1, $0x1, v1;
	v56 =	vsel vm3, $0x1, v1;
	vm1 =	vge.f32 v5, $-1.000000000e+02  }
0x57: {  	vm3 =	vge.f32 v7, $-1.000000000e+02;
	v11 =	vadd.s32 v15, v11;
	v15 =	vsel vm2, $0x1, v1  }
0x58: {  	vm2 =	vge.f32 v6, $2.000000000e+01;
	v10 =	vadd.s32 v12, v10;
	v9 =	vadd.s32 v13, v9  }
0x59: {  	v12 =	vsel vm0, $0x1, v1;
	v13 =	vsel vm1, $0x1, v1;
	v14 =	vadd.s32 v56, v14  }
0x5a: {  	vm0 =	vge.f32 v4, $-5.000000000e+01;
	v57 =	vsel vm3, $0x1, v1;
	vm1 =	vge.f32 v5, $-5.000000000e+01  }
0x5b: {  	vm3 =	vge.f32 v7, $-5.000000000e+01;
	v11 =	vadd.s32 v15, v11;
	v15 =	vsel vm2, $0x1, v1  }
0x5c: {  	vm2 =	vge.f32 v6, $4.000000000e+01;
	v10 =	vadd.s32 v12, v10;
	v9 =	vadd.s32 v13, v9  }
0x5d: {  	v12 =	vsel vm0, $0x1, v1;
	v13 =	vsel vm1, $0x1, v1;
	v14 =	vadd.s32 v57, v14  }
0x5e: {  	vm0 =	vge.f32 v4, $-1.000000000e+01;
	v58 =	vsel vm3, $0x1, v1;
	vm1 =	vge.f32 v5, $-1.000000000e+01  }
0x5f: {  	vm3 =	vge.f32 v7, $-1.000000000e+01;
	v11 =	vadd.s32 v15, v11;
	v15 =	vsel vm2, $0x1, v1  }
0x60: {  	vm2 =	vge.f32 v6, $6.000000000e+01;
	v10 =	vadd.s32 v12, v10;
	v9 =	vadd.s32 v13, v9  }
0x61: {  	v12 =	vsel vm0, $0x1, v1;
	v13 =	vsel vm1, $0x1, v1;
	v14 =	vadd.s32 v58, v14  }
0x62: {  	vm0 =	vge.f32 v4, $2.000000000e+01;
	v59 =	vsel vm3, $0x1, v1;
	vm1 =	vge.f32 v5, $2.000000000e+01  }
0x63: {  	vm3 =	vge.f32 v7, $2.000000000e+01;
	v11 =	vadd.s32 v15, v11;
	v15 =	vsel vm2, $0x1, v1  }
0x64: {  	vm2 =	vge.f32 v6, $1.000000000e+02;
	v10 =	vadd.s32 v12, v10;
	v9 =	vadd.s32 v13, v9  }
0x65: {  	v12 =	vsel vm0, $0x1, v1;
	v13 =	vsel vm1, $0x1, v1;
	v14 =	vadd.s32 v59, v14  }
0x66: {  	vm0 =	vge.f32 v4, $4.000000000e+01;
	v60 =	vsel vm3, $0x1, v1;
	vm1 =	vge.f32 v5, $4.000000000e+01  }
0x67: {  	vm3 =	vge.f32 v7, $4.000000000e+01;
	v11 =	vadd.s32 v15, v11;
	v15 =	vsel vm2, $0x1, v1  }
0x68: {  	vm2 =	vge.f32 v6, $8.000000000e+02;
	v10 =	vadd.s32 v12, v10;
	v9 =	vadd.s32 v13, v9  }
0x69: {  	v12 =	vsel vm0, $0x1, v1;
	v13 =	vsel vm1, $0x1, v1;
	v14 =	vadd.s32 v60, v14  }
0x6a: {  	vm0 =	vge.f32 v4, $6.000000000e+01;
	v61 =	vsel vm3, $0x1, v1;
	vm1 =	vge.f32 v5, $6.000000000e+01  }
0x6b: {  	vm3 =	vge.f32 v7, $6.000000000e+01;
	v11 =	vadd.s32 v15, v11;
	v10 =	vadd.s32 v12, v10  }
0x6c: {  	v9 =	vadd.s32 v13, v9;
	v12 =	vsel vm0, $0x1, v1;
	v13 =	vsel vm1, $0x1, v1  }
0x6d: {  	v14 =	vadd.s32 v61, v14;
	vm0 =	vge.f32 v4, $1.000000000e+02;
	v62 =	vsel vm3, $0x1, v1  }
0x6e: {  	vm1 =	vge.f32 v5, $1.000000000e+02;
	vm3 =	vge.f32 v7, $1.000000000e+02;
	v10 =	vadd.s32 v12, v10  }
0x6f: {  	v9 =	vadd.s32 v13, v9;
	v12 =	vsel vm0, $0x1, v1;
	v13 =	vsel vm1, $0x1, v1  }
0x70: {  	v14 =	vadd.s32 v62, v14;
	vm0 =	vge.f32 v4, $8.000000000e+02;
	v63 =	vsel vm3, $0x1, v1  }
0x71: {  	vm1 =	vge.f32 v5, $8.000000000e+02;
	vm3 =	vge.f32 v7, $8.000000000e+02;
	v10 =	vadd.s32 v12, v10  }
0x72: {  	v9 =	vadd.s32 v13, v9;
	v12 =	vsel vm0, $0x1, v1;
	v13 =	vsel vm1, $0x1, v1  }
0x73: {  	v14 =	vadd.s32 v63, v14;
	vm0 =	vge.f32 v4, $1.000000000e+03;
	v4 =	vsel vm2, $0x1, v1  }
0x74: {  	v15 =	vsel vm3, $0x1, v1;
	vm1 =	vge.f32 v5, $1.000000000e+03;
	vm2 =	vge.f32 v6, $1.000000000e+03  }
0x75: {  	vm3 =	vge.f32 v7, $1.000000000e+03;
	v5 =	vadd.s32 v12, v10;
	v6 =	vadd.s32 v13, v9  }
0x76: {  	v4 =	vadd.s32 v4, v11;
	v7 =	vsel vm0, $0x1, v1;
	v9 =	vsel vm1, $0x1, v1  }
0x77: {  	s28 =	simm.s32 $0x80;
	[tilespmem:s26+$0x7820] =	vst v8;
	v10 =	vadd.s32 v15, v14;
	v11 =	vsel vm3, $0x1, v1;
	v5 =	vadd.s32 v7, v5  }
0x78: {  	v13 =	vld [tilespmem:s28+$0x40];
	v7 =	vsel vm2, $0x1, v1;
	v6 =	vadd.s32 v9, v6;
	v8 =	vperm.xlane v5, v0  }
0x79: {  	v12 =	vld [tilespmem:s28+$0x50];
	v4 =	vadd.s32 v7, v4;
	v9 =	vperm.xlane v6, v0;
	v5 =	vperm.xlane v5, v2  }
0x7a: {  	v7 =	vadd.s32 v11, v10;
	v6 =	vperm.xlane v6, v2;
	v10 =	vperm.xlane v4, v0  }
0x7b: {  	v11 =	vperm.xlane v7, v0;
	v4 =	vperm.xlane v4, v2  }
0x7c: {  	v7 =	vperm.xlane v7, v2;
	v8 =	vshll.u32 v8, $0x4;
	v9 =	vshll.u32 v9, $0x4  }
0x7d: {  	v8 =	vadd.s32 v5, v8;
	v10 =	vshll.u32 v10, $0x4;
	v11 =	vshll.u32 v11, $0x4  }
0x7e: {  	v5 =	vadd.s32 v6, v9;
	vm8 =	vge.f32 v13, $1.000000000e+03;
	vm2 =	vge.f32 v12, $1.000000000e+03  }
0x7f: {  	vm9 =	vge.f32 v13, $1.000000000e+02;
	vm12 =	vge.f32 v13, $8.000000000e+02;
	vm3 =	vge.f32 v12, $8.000000000e+02  }
0x80: {  	vm11 =	vge.f32 v13, $6.000000000e+01;
	vm5 =	vge.f32 v12, $6.000000000e+01;
	vm4 =	vge.f32 v12, $1.000000000e+02  }
0x81: {  	vm10 =	vge.f32 v13, $2.000000000e+01;
	vm15 =	vge.f32 v13, $4.000000000e+01;
	vm0 =	vge.f32 v12, $-1.000000000e+01  }
0x82: {  	v6 =	vadd.s32 v4, v10;
	v4 =	vadd.s32 v7, v11;
	v11 =	vimm.s32 $0x0  }
0x83: {  	v9 =	vld [tilespmem:s28+$0x10];
	vm6 =	vge.f32 v12, $4.000000000e+01;
	vm14 =	vge.f32 v13, $-1.000000000e+01;
	v11 =	vsel vm0, $0xFFFFFFFF, v11  }
0x84: {  	s31 =	smul.u32 $0x240, s24;
	v7 =	vsub.s32 v8, v5;
	v8 =	vld [tilespmem:s28+$0x0];
	vm0 =	vge.f32 v12, $2.000000000e+01;
	[tilespmem:$0x1FFE0] =	vst v11;
	v11 =	vimm.s32 $0x0  }
0x85: {  	vm13 =	vge.f32 v13, $-1.000000000e+02;
	vm7 =	vge.f32 v12, $-5.000000000e+01;
	v10 =	vld [tilespmem:s28+$0x20];
	v11 =	vsel vm0, $0xFFFFFFFF, v11  }
0x86: {  	s30 =	simm.s32 $0x400;
	s29 =	ssub.s32 s25, s31;
	v6 =	vsub.s32 v6, v4;
	v7 =	vand.u32 v3, v7;
	vm0 =	vge.f32 v13, $-5.000000000e+01;
	[tilespmem:$0x1FFF0] =	vst v11;
	v11 =	vld [tilespmem:s28+$0x30]  }
.LBB2_3:
0x87: {  	v14 =	vimm.s32 $0x0;
	vm1 =	vge.f32 v13, $-4.000000000e+02;
	v15 =	vsel vm11, $0x1, v1  }
0x88: {  	v16 =	vsel vm9, $0x1, v1;
	v17 =	vsel vm0, $0x1, v1;
	v18 =	vsel vm14, $0x1, v1  }
0x89: {  	v19 =	vsel vm10, $0x1, v1;
	v22 =	vsel vm13, $0x1, v1;
	v14 =	vsel vm6, $0xFFFFFFFF, v14  }
0x8a: {  	v55 =	vsel vm7, $0x1, v1;
	v57 =	vld [tilespmem:$0x1FFE0];
	v5 =	vadd.s32 v5, v7;
	[tilespmem:$0x1FF90] =	vst v14;
	v14 =	vimm.s32 $0x0  }
0x8b: {  	vm6 =	vge.f32 v12, $-1.000000000e+03;
	v21 =	vsel vm1, $0x1, v1;
	v14 =	vsel vm5, $0xFFFFFFFF, v14  }
0x8c: {  	v24 =	vsel vm6, $0x1, v1;
	vm5 =	vge.f32 v13, $-9.000000000e+02;
	[tilespmem:$0x1FFA0] =	vst v14;
	v14 =	vimm.s32 $0x0  }
0x8d: {  	v23 =	vsel vm5, $0x1, v1;
	vm1 =	vge.f32 v8, $-9.000000000e+02;
	vm5 =	vge.f32 v10, $-9.000000000e+02  }
0x8e: {  	vm6 =	vge.f32 v11, $-1.000000000e+03;
	v14 =	vsel vm4, $0xFFFFFFFF, v14;
	vm4 =	vge.f32 v13, $-1.000000000e+03  }
0x8f: {  	v13 =	vsel vm12, $0x1, v1;
	vm0 =	vnez.u8 v57;
	[tilespmem:$0x1FFB0] =	vst v14;
	v14 =	vimm.s32 $0x0  }
0x90: {  	v20 =	vsel vm4, $0x1, v1;
	vm4 =	vge.f32 v10, $-1.000000000e+03;
	v14 =	vsel vm3, $0xFFFFFFFF, v14  }
0x91: {  	vm3 =	vge.f32 v12, $-1.000000000e+02;
	v20 =	vadd.s32 v23, v20;
	v23 =	vsel vm5, $0x1, v1  }
0x92: {  	[tilespmem:$0x1FFC0] =	vst v14;
	v14 =	vimm.s32 $0x0;
	v20 =	vadd.s32 v21, v20;
	v54 =	vsel vm3, $0x1, v1  }
0x93: {  	vm3 =	vge.f32 v9, $-9.000000000e+02;
	v14 =	vsel vm2, $0xFFFFFFFF, v14;
	vm2 =	vge.f32 v12, $-4.000000000e+02  }
0x94: {  	v59 =	vld [tilespmem:$0x1FFF0];
	v20 =	vadd.s32 v22, v20;
	[tilespmem:$0x1FFD0] =	vst v14;
	v14 =	vsel vm8, $0x1, v1;
	vm8 =	vge.f32 v12, $-9.000000000e+02  }
0x95: {  	v22 =	vsel vm4, $0x1, v1;
	v17 =	vadd.s32 v17, v20;
	v25 =	vsel vm8, $0x1, v1  }
0x96: {  	v60 =	vld [tilespmem:$0x1FF90];
	v52 =	vsel vm2, $0x1, v1;
	v17 =	vadd.s32 v18, v17;
	v51 =	vadd.s32 v25, v24  }
0x97: {  	v12 =	vsel vm15, $0x1, v1;
	v17 =	vadd.s32 v19, v17;
	v53 =	vadd.s32 v52, v51  }
0x98: {  	v62 =	vld [tilespmem:$0x1FFA0];
	vm2 =	vge.f32 v9, $-1.000000000e+03;
	v12 =	vadd.s32 v12, v17;
	v21 =	vadd.s32 v54, v53  }
0x99: {  	v56 =	vadd.s32 v55, v21;
	v21 =	vsel vm0, $0x1, v1;
	vm0 =	vnez.u8 v59  }
0x9a: {  	v63 =	vld [tilespmem:$0x1FFB0];
	v12 =	vadd.s32 v15, v12;
	v58 =	vadd.s32 v21, v56;
	v20 =	vsel vm0, $0x1, v1  }
0x9b: {  	v12 =	vadd.s32 v16, v12;
	vm0 =	vnez.u8 v60;
	v18 =	vadd.s32 v20, v58;
	v20 =	vld [tilespmem:$0x1FFC0]  }
0x9c: {  	v12 =	vadd.s32 v13, v12;
	v21 =	vsel vm2, $0x1, v1;
	vm2 =	vge.f32 v10, $-4.000000000e+02  }
0x9d: {  	v60 =	vand.u32 v3, v6;
	v19 =	vsel vm0, $0x1, v1;
	vm0 =	vnez.u8 v62  }
0x9e: {  	v27 =	vsel vm2, $0x1, v1;
	vm2 =	vge.f32 v10, $-1.000000000e+02;
	v61 =	vadd.s32 v19, v18  }
0x9f: {  	v18 =	vsel vm0, $0x1, v1;
	vm0 =	vnez.u8 v63;
	v31 =	vsel vm2, $0x1, v1  }
0xa0: {  	v15 =	vadd.s32 v18, v61;
	v17 =	vsel vm0, $0x1, v1;
	vm0 =	vnez.u8 v20  }
0xa1: {  	vm2 =	vge.f32 v10, $-5.000000000e+01;
	v15 =	vadd.s32 v17, v15;
	v16 =	vsel vm0, $0x1, v1  }
0xa2: {  	v35 =	vsel vm2, $0x1, v1;
	vm2 =	vge.f32 v10, $-1.000000000e+01;
	v13 =	vadd.s32 v16, v15;
	v15 =	vld [tilespmem:$0x1FFD0]  }
0xa3: {  	v12 =	vadd.s32 v14, v12;
	v39 =	vsel vm2, $0x1, v1;
	vm2 =	vge.f32 v10, $2.000000000e+01  }
0xa4: {  	v14 =	vperm.xlane v12, v0;
	v43 =	vsel vm2, $0x1, v1;
	vm2 =	vge.f32 v10, $4.000000000e+01  }
0xa5: {  	v12 =	vperm.xlane v12, v2;
	v47 =	vsel vm2, $0x1, v1;
	vm2 =	vge.f32 v10, $6.000000000e+01  }
0xa6: {  	v14 =	vshll.u32 v14, $0x4;
	v51 =	vsel vm2, $0x1, v1;
	vm2 =	vge.f32 v10, $1.000000000e+02  }
0xa7: {  	v12 =	vadd.s32 v12, v14;
	v55 =	vsel vm2, $0x1, v1;
	vm0 =	vnez.u8 v15  }
0xa8: {  	vm2 =	vge.f32 v10, $8.000000000e+02;
	v15 =	vsel vm0, $0x1, v1;
	vm0 =	vge.f32 v8, $-1.000000000e+03  }
0xa9: {  	v13 =	vadd.s32 v15, v13;
	v14 =	vsel vm0, $0x1, v1;
	vm0 =	vge.f32 v11, $-9.000000000e+02  }
0xaa: {  	v15 =	vperm.xlane v13, v0;
	v24 =	vsel vm0, $0x1, v1;
	vm0 =	vge.f32 v9, $-4.000000000e+02  }
0xab: {  	v13 =	vperm.xlane v13, v2;
	v26 =	vsel vm0, $0x1, v1;
	vm0 =	vge.f32 v8, $-1.000000000e+02  }
0xac: {  	v15 =	vshll.u32 v15, $0x4;
	v29 =	vsel vm0, $0x1, v1;
	vm0 =	vge.f32 v8, $-5.000000000e+01  }
0xad: {  	v13 =	vadd.s32 v13, v15;
	v15 =	vsel vm1, $0x1, v1;
	vm1 =	vge.f32 v8, $-4.000000000e+02  }
0xae: {  	v33 =	vsel vm0, $0x1, v1;
	vm0 =	vge.f32 v8, $-1.000000000e+01;
	v12 =	vsub.s32 v12, v13  }
0xaf: {  	v14 =	vadd.s32 v15, v14;
	v15 =	vadd.s32 v23, v22;
	v25 =	vsel vm1, $0x1, v1  }
0xb0: {  	vm1 =	vge.f32 v9, $-1.000000000e+02;
	v37 =	vsel vm0, $0x1, v1;
	vm0 =	vge.f32 v8, $2.000000000e+01  }
0xb1: {  	v12 =	vand.u32 v3, v12;
	v14 =	vadd.s32 v25, v14;
	v15 =	vadd.s32 v27, v15  }
0xb2: {  	v30 =	vsel vm1, $0x1, v1;
	vm1 =	vge.f32 v9, $-5.000000000e+01;
	v41 =	vsel vm0, $0x1, v1  }
0xb3: {  	vm0 =	vge.f32 v8, $4.000000000e+01;
	v12 =	vadd.s32 v13, v12;
	v13 =	vsel vm3, $0x1, v1  }
0xb4: {  	vm3 =	vge.f32 v11, $-4.000000000e+02;
	v14 =	vadd.s32 v29, v14;
	v15 =	vadd.s32 v31, v15  }
0xb5: {  	v34 =	vsel vm1, $0x1, v1;
	vm1 =	vge.f32 v9, $-1.000000000e+01;
	v45 =	vsel vm0, $0x1, v1  }
0xb6: {  	vm0 =	vge.f32 v8, $6.000000000e+01;
	[tilespmem:s28+$0x7820] =	vst v12;
	v12 =	vsel vm6, $0x1, v1;
	v13 =	vadd.s32 v13, v21  }
0xb7: {  	v28 =	vsel vm3, $0x1, v1;
	vm3 =	vge.f32 v11, $-1.000000000e+02;
	v14 =	vadd.s32 v33, v14  }
0xb8: {  	v15 =	vadd.s32 v35, v15;
	v38 =	vsel vm1, $0x1, v1;
	vm1 =	vge.f32 v9, $2.000000000e+01  }
0xb9: {  	v49 =	vsel vm0, $0x1, v1;
	vm0 =	vge.f32 v8, $1.000000000e+02;
	v12 =	vadd.s32 v24, v12  }
0xba: {  	v13 =	vadd.s32 v26, v13;
	v32 =	vsel vm3, $0x1, v1;
	vm3 =	vge.f32 v11, $-5.000000000e+01  }
0xbb: {  	v14 =	vadd.s32 v37, v14;
	v15 =	vadd.s32 v39, v15;
	v42 =	vsel vm1, $0x1, v1  }
0xbc: {  	vm1 =	vge.f32 v9, $4.000000000e+01;
	v53 =	vsel vm0, $0x1, v1;
	vm0 =	vge.f32 v8, $8.000000000e+02  }
0xbd: {  	v12 =	vadd.s32 v28, v12;
	v13 =	vadd.s32 v30, v13;
	v36 =	vsel vm3, $0x1, v1  }
0xbe: {  	vm3 =	vge.f32 v11, $-1.000000000e+01;
	v14 =	vadd.s32 v41, v14;
	v15 =	vadd.s32 v43, v15  }
0xbf: {  	v46 =	vsel vm1, $0x1, v1;
	vm1 =	vge.f32 v9, $6.000000000e+01;
	v57 =	vsel vm0, $0x1, v1  }
0xc0: {  	vm0 =	vge.f32 v8, $1.000000000e+03;
	v8 =	vsel vm2, $0x1, v1;
	vm2 =	vge.f32 v10, $1.000000000e+03  }
0xc1: {  	v12 =	vadd.s32 v32, v12;
	v13 =	vadd.s32 v34, v13;
	v40 =	vsel vm3, $0x1, v1  }
0xc2: {  	vm3 =	vge.f32 v11, $2.000000000e+01;
	v14 =	vadd.s32 v45, v14;
	v15 =	vadd.s32 v47, v15  }
0xc3: {  	v50 =	vsel vm1, $0x1, v1;
	vm1 =	vge.f32 v9, $1.000000000e+02;
	v12 =	vadd.s32 v36, v12  }
0xc4: {  	v13 =	vadd.s32 v38, v13;
	v44 =	vsel vm3, $0x1, v1;
	vm3 =	vge.f32 v11, $4.000000000e+01  }
0xc5: {  	v14 =	vadd.s32 v49, v14;
	v15 =	vadd.s32 v51, v15;
	v54 =	vsel vm1, $0x1, v1  }
0xc6: {  	vm1 =	vge.f32 v9, $8.000000000e+02;
	v12 =	vadd.s32 v40, v12;
	v13 =	vadd.s32 v42, v13  }
0xc7: {  	v48 =	vsel vm3, $0x1, v1;
	vm3 =	vge.f32 v11, $6.000000000e+01;
	v14 =	vadd.s32 v53, v14  }
0xc8: {  	v15 =	vadd.s32 v55, v15;
	v58 =	vsel vm1, $0x1, v1;
	vm1 =	vge.f32 v9, $1.000000000e+03  }
0xc9: {  	v12 =	vadd.s32 v44, v12;
	v13 =	vadd.s32 v46, v13;
	v52 =	vsel vm3, $0x1, v1  }
0xca: {  	vm3 =	vge.f32 v11, $1.000000000e+02;
	v9 =	vadd.s32 v57, v14;
	v8 =	vadd.s32 v8, v15  }
0xcb: {  	v12 =	vadd.s32 v48, v12;
	v13 =	vadd.s32 v50, v13;
	v56 =	vsel vm3, $0x1, v1  }
0xcc: {  	vm3 =	vge.f32 v11, $8.000000000e+02;
	v12 =	vadd.s32 v52, v12;
	v13 =	vadd.s32 v54, v13  }
0xcd: {  	v59 =	vsel vm3, $0x1, v1;
	vm3 =	vge.f32 v11, $1.000000000e+03;
	v11 =	vsel vm0, $0x1, v1  }
0xce: {  	v12 =	vadd.s32 v56, v12;
	v10 =	vadd.s32 v58, v13;
	v13 =	vsel vm1, $0x1, v1  }
0xcf: {  	v9 =	vadd.s32 v11, v9;
	v11 =	vsel vm2, $0x1, v1;
	v14 =	vsel vm3, $0x1, v1  }
0xd0: {  	v10 =	vadd.s32 v13, v10;
	v11 =	vadd.s32 v11, v8;
	v8 =	vperm.xlane v9, v0  }
0xd1: {  	s0 =	sshra.s32 s30, $0x2;
	v12 =	vadd.s32 v59, v12;
	v62 =	vperm.xlane v9, v2;
	v15 =	vperm.xlane v10, v0  }
0xd2: {  	v13 =	vld [tilespmem:s0+$0x40];
	v14 =	vadd.s32 v14, v12;
	v6 =	vperm.xlane v11, v0;
	v63 =	vperm.xlane v10, v2  }
0xd3: {  	v11 =	vperm.xlane v11, v2;
	v61 =	vperm.xlane v14, v0;
	v7 =	vshll.u32 v8, $0x4  }
0xd4: {  	v12 =	vld [tilespmem:s0+$0x50];
	[tilespmem:s26+$0x7800] =	vst v5;
	v14 =	vperm.xlane v14, v2;
	v5 =	vshll.u32 v15, $0x4;
	v7 =	vadd.s32 v62, v7  }
0xd5: {  	v6 =	vshll.u32 v6, $0x4;
	v15 =	vshll.u32 v61, $0x4;
	v5 =	vadd.s32 v63, v5  }
0xd6: {  	v6 =	vadd.s32 v11, v6;
	v14 =	vadd.s32 v14, v15;
	v7 =	vsub.s32 v7, v5  }
0xd7: {  	v15 =	vadd.s32 v4, v60;
	vm8 =	vge.f32 v13, $1.000000000e+03;
	vm9 =	vge.f32 v13, $1.000000000e+02  }
0xd8: {  	vm12 =	vge.f32 v13, $8.000000000e+02;
	vm11 =	vge.f32 v13, $6.000000000e+01;
	vm10 =	vge.f32 v13, $2.000000000e+01  }
0xd9: {  	p0 =	sne.s32 s30, $0x1E00;
	vm15 =	vge.f32 v13, $4.000000000e+01;
	vm14 =	vge.f32 v13, $-1.000000000e+01;
	vm13 =	vge.f32 v13, $-1.000000000e+02  }
.Ltmp0:
0xda: {  	v8 =	vld [tilespmem:s0+$0x0];
	v6 =	vsub.s32 v6, v14;
	v4 =	vmovc v14;
	vm0 =	vge.f32 v12, $-1.000000000e+01;
	v14 =	vimm.s32 $0x0;
	(pc) =	sbr.rel @p0 .LBB2_3-.Ltmp0, $4  }
0xdb: {  	v9 =	vld [tilespmem:s0+$0x10];
	vm2 =	vge.f32 v12, $1.000000000e+03;
	v7 =	vand.u32 v3, v7;
	v14 =	vsel vm0, $0xFFFFFFFF, v14  }
0xdc: {  	v10 =	vld [tilespmem:s0+$0x20];
	vm3 =	vge.f32 v12, $8.000000000e+02;
	vm0 =	vge.f32 v12, $2.000000000e+01;
	[tilespmem:$0x1FFE0] =	vst v14;
	v14 =	vimm.s32 $0x0  }
0xdd: {  	v11 =	vld [tilespmem:s0+$0x30];
	[tilespmem:s26+$0x7810] =	vst v15;
	vm5 =	vge.f32 v12, $6.000000000e+01;
	vm4 =	vge.f32 v12, $1.000000000e+02;
	v14 =	vsel vm0, $0xFFFFFFFF, v14  }
0xde: {  	s30 =	sadd.s32 $0x200, s30;
	s26 =	smov.u32 s28;
	s28 =	smov.u32 s0;
	vm6 =	vge.f32 v12, $4.000000000e+01;
	vm7 =	vge.f32 v12, $-5.000000000e+01;
	vm0 =	vge.f32 v13, $-5.000000000e+01;
	[tilespmem:$0x1FFF0] =	vst v14  }
0xdf: {  	v14 =	vsel vm12, $0x1, v1  }
0xe0: {  	v15 =	vsel vm8, $0x1, v1;
	v16 =	vsel vm15, $0x1, v1;
	v17 =	vsel vm11, $0x1, v1  }
0xe1: {  	v18 =	vsel vm9, $0x1, v1;
	v19 =	vsel vm0, $0x1, v1;
	v20 =	vsel vm14, $0x1, v1  }
0xe2: {  	vm8 =	vge.f32 v13, $-4.000000000e+02;
	v21 =	vsel vm10, $0x1, v1;
	vm1 =	vge.f32 v13, $-1.000000000e+03  }
0xe3: {  	vm9 =	vge.f32 v13, $-9.000000000e+02;
	v49 =	vsel vm13, $0x1, v1;
	vm10 =	vge.f32 v12, $-1.000000000e+03  }
0xe4: {  	vm11 =	vge.f32 v12, $-4.000000000e+02;
	vm12 =	vge.f32 v12, $-9.000000000e+02;
	vm13 =	vge.f32 v12, $-1.000000000e+02  }
0xe5: {  	v53 =	vsel vm7, $0x1, v1;
	v56 =	vsel vm6, $0x1, v1;
	v57 =	vsel vm5, $0x1, v1  }
0xe6: {  	v58 =	vsel vm4, $0x1, v1;
	v59 =	vsel vm3, $0x1, v1;
	v60 =	vsel vm2, $0x1, v1  }
0xe7: {  	vm4 =	vge.f32 v8, $-1.000000000e+03;
	vm5 =	vge.f32 v8, $-9.000000000e+02;
	v6 =	vand.u32 v3, v6  }
0xe8: {  	v5 =	vadd.s32 v5, v7;
	v22 =	vsel vm1, $0x1, v1;
	v23 =	vsel vm8, $0x1, v1  }
0xe9: {  	v24 =	vsel vm9, $0x1, v1;
	v25 =	vsel vm10, $0x1, v1;
	v26 =	vsel vm12, $0x1, v1  }
0xea: {  	v50 =	vsel vm11, $0x1, v1;
	v52 =	vsel vm13, $0x1, v1;
	vm6 =	vge.f32 v9, $-1.000000000e+03  }
0xeb: {  	v63 =	vsel vm5, $0x1, v1;
	vm7 =	vge.f32 v9, $-9.000000000e+02;
	vm12 =	vge.f32 v8, $-4.000000000e+02  }
0xec: {  	vm13 =	vge.f32 v9, $-4.000000000e+02;
	vm5 =	vge.f32 v9, $-1.000000000e+02;
	v4 =	vadd.s32 v4, v6  }
0xed: {  	v22 =	vadd.s32 v24, v22;
	v51 =	vadd.s32 v26, v25;
	vm8 =	vge.f32 v10, $-1.000000000e+03  }
0xee: {  	vm9 =	vge.f32 v10, $-9.000000000e+02;
	v27 =	vsel vm5, $0x1, v1;
	vm5 =	vge.f32 v9, $2.000000000e+01  }
0xef: {  	v54 =	vld [tilespmem:$0x1FFE0];
	v22 =	vadd.s32 v23, v22;
	v12 =	vadd.s32 v50, v51;
	vm10 =	vge.f32 v11, $-1.000000000e+03  }
0xf0: {  	v55 =	vld [tilespmem:$0x1FFF0];
	vm11 =	vge.f32 v11, $-9.000000000e+02;
	v23 =	vsel vm13, $0x1, v1;
	vm13 =	vge.f32 v9, $-1.000000000e+01  }
0xf1: {  	v39 =	vsel vm5, $0x1, v1;
	vm5 =	vge.f32 v9, $1.000000000e+02;
	v13 =	vadd.s32 v49, v22  }
0xf2: {  	v12 =	vadd.s32 v52, v12;
	v22 =	vsel vm12, $0x1, v1;
	vm12 =	vge.f32 v8, $-1.000000000e+01  }
0xf3: {  	v35 =	vsel vm13, $0x1, v1;
	vm13 =	vge.f32 v9, $6.000000000e+01;
	v51 =	vsel vm5, $0x1, v1  }
0xf4: {  	v13 =	vadd.s32 v19, v13;
	vm14 =	vnez.u8 v54;
	v12 =	vadd.s32 v53, v12  }
0xf5: {  	vm15 =	vnez.u8 v55;
	v34 =	vsel vm12, $0x1, v1;
	vm12 =	vge.f32 v8, $6.000000000e+01  }
0xf6: {  	v47 =	vsel vm13, $0x1, v1;
	vm13 =	vge.f32 v9, $1.000000000e+03;
	v19 =	vsel vm14, $0x1, v1  }
0xf7: {  	v13 =	vadd.s32 v20, v13;
	v20 =	vsel vm15, $0x1, v1;
	vm14 =	vge.f32 v10, $-4.000000000e+02  }
0xf8: {  	vm15 =	vge.f32 v11, $-4.000000000e+02;
	v46 =	vsel vm12, $0x1, v1;
	vm12 =	vge.f32 v8, $1.000000000e+03  }
0xf9: {  	v12 =	vadd.s32 v19, v12;
	v13 =	vadd.s32 v21, v13;
	v19 =	vsel vm9, $0x1, v1  }
0xfa: {  	v21 =	vsel vm11, $0x1, v1;
	v24 =	vsel vm14, $0x1, v1;
	v25 =	vsel vm15, $0x1, v1  }
0xfb: {  	vm9 =	vge.f32 v9, $-5.000000000e+01;
	vm11 =	vge.f32 v11, $-5.000000000e+01;
	vm14 =	vge.f32 v10, $-1.000000000e+01  }
0xfc: {  	vm15 =	vge.f32 v11, $-1.000000000e+01;
	v12 =	vadd.s32 v20, v12;
	v13 =	vadd.s32 v16, v13  }
0xfd: {  	v16 =	vsel vm4, $0x1, v1;
	v20 =	vsel vm10, $0x1, v1;
	vm4 =	vge.f32 v8, $-1.000000000e+02  }
0xfe: {  	vm10 =	vge.f32 v10, $-5.000000000e+01;
	v31 =	vsel vm9, $0x1, v1;
	v33 =	vsel vm11, $0x1, v1  }
0xff: {  	v36 =	vsel vm14, $0x1, v1;
	v37 =	vsel vm15, $0x1, v1;
	vm9 =	vge.f32 v9, $4.000000000e+01  }
0x100: {  	vm11 =	vge.f32 v11, $4.000000000e+01;
	vm14 =	vge.f32 v10, $6.000000000e+01;
	vm15 =	vge.f32 v11, $6.000000000e+01  }
0x101: {  	v12 =	vadd.s32 v56, v12;
	v13 =	vadd.s32 v17, v13;
	v26 =	vsel vm4, $0x1, v1  }
0x102: {  	v32 =	vsel vm10, $0x1, v1;
	vm4 =	vge.f32 v8, $2.000000000e+01;
	vm10 =	vge.f32 v10, $4.000000000e+01  }
0x103: {  	v43 =	vsel vm9, $0x1, v1;
	v45 =	vsel vm11, $0x1, v1;
	v48 =	vsel vm14, $0x1, v1  }
0x104: {  	v49 =	vsel vm15, $0x1, v1;
	vm9 =	vge.f32 v9, $8.000000000e+02;
	vm11 =	vge.f32 v11, $8.000000000e+02  }
0x105: {  	vm14 =	vge.f32 v10, $1.000000000e+03;
	vm15 =	vge.f32 v11, $1.000000000e+03;
	v63 =	vadd.s32 v63, v16  }
0x106: {  	v21 =	vadd.s32 v21, v20;
	v12 =	vadd.s32 v57, v12;
	v13 =	vadd.s32 v18, v13  }
0x107: {  	v18 =	vsel vm6, $0x1, v1;
	vm6 =	vge.f32 v10, $-1.000000000e+02;
	v38 =	vsel vm4, $0x1, v1  }
0x108: {  	v44 =	vsel vm10, $0x1, v1;
	vm4 =	vge.f32 v8, $1.000000000e+02;
	vm10 =	vge.f32 v10, $8.000000000e+02  }
0x109: {  	v55 =	vsel vm9, $0x1, v1;
	v57 =	vsel vm15, $0x1, v1;
	v16 =	vadd.s32 v25, v21  }
0x10a: {  	v12 =	vadd.s32 v58, v12;
	v13 =	vadd.s32 v14, v13;
	v28 =	vsel vm6, $0x1, v1  }
0x10b: {  	vm6 =	vge.f32 v10, $2.000000000e+01;
	v50 =	vsel vm4, $0x1, v1;
	v56 =	vsel vm10, $0x1, v1  }
0x10c: {  	v12 =	vadd.s32 v59, v12;
	v13 =	vadd.s32 v15, v13;
	v40 =	vsel vm6, $0x1, v1  }
0x10d: {  	vm6 =	vge.f32 v10, $1.000000000e+02;
	v12 =	vadd.s32 v60, v12;
	v61 =	vperm.xlane v13, v0  }
0x10e: {  	v13 =	vperm.xlane v13, v2;
	v52 =	vsel vm6, $0x1, v1;
	v62 =	vperm.xlane v12, v0  }
0x10f: {  	v60 =	vsel vm12, $0x1, v1;
	v12 =	vperm.xlane v12, v2;
	v14 =	vshll.u32 v61, $0x4  }
0x110: {  	v61 =	vsel vm13, $0x1, v1;
	v15 =	vshll.u32 v62, $0x4;
	v13 =	vadd.s32 v13, v14  }
0x111: {  	v14 =	vsel vm7, $0x1, v1;
	vm7 =	vge.f32 v11, $-1.000000000e+02;
	v62 =	vsel vm14, $0x1, v1  }
0x112: {  	v12 =	vadd.s32 v12, v15;
	v15 =	vsel vm8, $0x1, v1;
	vm8 =	vge.f32 v8, $-5.000000000e+01  }
0x113: {  	v29 =	vsel vm7, $0x1, v1;
	vm7 =	vge.f32 v11, $2.000000000e+01;
	v14 =	vadd.s32 v14, v18  }
0x114: {  	v13 =	vsub.s32 v13, v12;
	v30 =	vsel vm8, $0x1, v1;
	vm8 =	vge.f32 v8, $4.000000000e+01  }
0x115: {  	v41 =	vsel vm7, $0x1, v1;
	vm7 =	vge.f32 v11, $1.000000000e+02;
	v15 =	vadd.s32 v19, v15  }
0x116: {  	v14 =	vadd.s32 v23, v14;
	v16 =	vadd.s32 v29, v16;
	v13 =	vand.u32 v3, v13  }
0x117: {  	v42 =	vsel vm8, $0x1, v1;
	vm8 =	vge.f32 v8, $8.000000000e+02;
	v53 =	vsel vm7, $0x1, v1  }
0x118: {  	v8 =	vsel vm11, $0x1, v1;
	v15 =	vadd.s32 v24, v15;
	v14 =	vadd.s32 v27, v14  }
0x119: {  	v16 =	vadd.s32 v33, v16;
	v54 =	vsel vm8, $0x1, v1;
	v12 =	vadd.s32 v12, v13  }
0x11a: {  	v13 =	vadd.s32 v22, v63;
	v15 =	vadd.s32 v28, v15;
	v14 =	vadd.s32 v31, v14  }
0x11b: {  	v16 =	vadd.s32 v37, v16;
	v13 =	vadd.s32 v26, v13;
	v15 =	vadd.s32 v32, v15  }
0x11c: {  	v14 =	vadd.s32 v35, v14;
	v16 =	vadd.s32 v41, v16;
	v13 =	vadd.s32 v30, v13  }
0x11d: {  	v15 =	vadd.s32 v36, v15;
	v14 =	vadd.s32 v39, v14;
	v16 =	vadd.s32 v45, v16  }
0x11e: {  	v13 =	vadd.s32 v34, v13;
	v15 =	vadd.s32 v40, v15;
	v14 =	vadd.s32 v43, v14  }
0x11f: {  	v16 =	vadd.s32 v49, v16;
	v13 =	vadd.s32 v38, v13;
	v15 =	vadd.s32 v44, v15  }
0x120: {  	v14 =	vadd.s32 v47, v14;
	v16 =	vadd.s32 v53, v16;
	v13 =	vadd.s32 v42, v13  }
0x121: {  	v15 =	vadd.s32 v48, v15;
	v14 =	vadd.s32 v51, v14;
	v8 =	vadd.s32 v8, v16  }
0x122: {  	v13 =	vadd.s32 v46, v13;
	v15 =	vadd.s32 v52, v15;
	v14 =	vadd.s32 v55, v14  }
0x123: {  	v8 =	vadd.s32 v57, v8;
	v13 =	vadd.s32 v50, v13;
	v15 =	vadd.s32 v56, v15  }
0x124: {  	v10 =	vadd.s32 v61, v14;
	v57 =	vperm.xlane v8, v0;
	v8 =	vperm.xlane v8, v2  }
0x125: {  	v13 =	vadd.s32 v54, v13;
	v11 =	vadd.s32 v62, v15;
	v14 =	vperm.xlane v10, v0  }
0x126: {  	v10 =	vperm.xlane v10, v2;
	v9 =	vadd.s32 v60, v13;
	v15 =	vperm.xlane v11, v0  }
0x127: {  	v11 =	vperm.xlane v11, v2;
	v62 =	vshll.u32 v57, $0x4;
	v13 =	vperm.xlane v9, v0  }
0x128: {  	v58 =	vperm.xlane v9, v2;
	v60 =	vshll.u32 v14, $0x4;
	v61 =	vshll.u32 v15, $0x4  }
0x129: {  	[tilespmem:s28+$0x7820] =	vst v12;
	v8 =	vadd.s32 v8, v62;
	v59 =	vshll.u32 v13, $0x4;
	v9 =	vadd.s32 v11, v61  }
0x12a: {  	[tilespmem:s26+$0x7800] =	vst v5;
	v10 =	vadd.s32 v10, v60;
	v7 =	vadd.s32 v58, v59;
	v5 =	vsub.s32 v9, v8  }
0x12b: {  	s0 =	smul.u32 $0xAAAB, s29;
	[tilespmem:s26+$0x7810] =	vst v4;
	v7 =	vsub.s32 v7, v10;
	v4 =	vand.u32 v3, v5  }
0x12c: {  	v63 =	vand.u32 v3, v7;
	v4 =	vadd.s32 v8, v4  }
0x12d: {  	p0 =	seq.s32 s21, $0x0;
	s26 =	sshrl.u32 s0, $0x14;
	v5 =	vadd.s32 v10, v63;
	[tilespmem:s28+$0x7810] =	vst v4  }
0x12e: {  	s3 =	simm.s32 @!p0 $0x1;
	s0 =	smul.u32 $0x18, s26;
	[tilespmem:s28+$0x7800] =	vst v5  }
0x12f: {  	s30 =	simm.s32 $0x7810;
	s31 =	simm.s32 $0x0;
	_ =	swait.ge @!p0 [sflag:s3], $0x3000  }
0x130: {  	s0 =	ssub.s32 s29, s0;
	s29 =	simm.s32 $0x0;
	[sflag:s3] =	ssyncset.done @!p0 $0x0  }
0x131: {  	s28 =	sand.u32 $0xFFFF, s0;
	[sflag:s3] =	ssyncadd.s32 @!p0 $0xFFFFD000;
	s3 =	simm.s32 $0x0  }
.LBB2_5:
0x132: {  	v4 =	vld [tilespmem:s30+$0xFFFFFFF0];
	_ =	sdelay $0x4  }
0x133: {  	v4 =	vshll.u32 v4, $0x9  }
0x134: {  	v4 =	vshra.s32 v4, $0x2  }
0x135: {  	v4 =	vadd.s32 $0x1000, v4  }
0x136: {  	(v2sf) =	vpush v4, $0x0;
	_ =	sdelay $0x5  }
0x137: {  	(v2sf) =	vpush v4, $0x1;
	_ =	sdelay $0x5  }
0x138: {  	(v2sf) =	vpush v4, $0x2;
	_ =	sdelay $0x2  }
0x139: {  	s0 =	spop (v2sf)  }
0x13a: {  	v5 =	vld [tilespmem:s0+$0x0];
	_ =	sdelay $0x1  }
0x13b: {  	(v2sf) =	vpush v4, $0x3;
	s0 =	sand.u32 $0xC00, s31  }
0x13c: {  	s9 =	sand.u32 $0x60, s3;
	s7 =	sor.u32 $0x8000, s0  }
0x13d: {  	s8 =	sor.u32 s9, s7  }
0x13e: {  	s6 =	spop (v2sf);
	[tilespmem:s8+$0x0] =	vst v5  }
0x13f: {  	v5 =	vld [tilespmem:s6+$0x0];
	_ =	sdelay $0x1  }
0x140: {  	(v2sf) =	vpush v4, $0x4  }
0x141: {  	s6 =	sor.u32 $0x10, s9  }
0x142: {  	s7 =	sor.u32 s6, s7  }
0x143: {  	s10 =	spop (v2sf);
	[tilespmem:s7+$0x0] =	vst v5  }
0x144: {  	v5 =	vld [tilespmem:s10+$0x0];
	_ =	sdelay $0x1  }
0x145: {  	(v2sf) =	vpush v4, $0x5;
	_ =	sdelay $0x2  }
0x146: {  	s10 =	spop (v2sf);
	[tilespmem:s8+$0x80] =	vst v5  }
0x147: {  	v5 =	vld [tilespmem:s10+$0x0];
	_ =	sdelay $0x1  }
0x148: {  	(v2sf) =	vpush v4, $0x6;
	_ =	sdelay $0x2  }
0x149: {  	s10 =	spop (v2sf);
	[tilespmem:s7+$0x80] =	vst v5  }
0x14a: {  	v5 =	vld [tilespmem:s10+$0x0];
	_ =	sdelay $0x1  }
0x14b: {  	(v2sf) =	vpush v4, $0x7;
	_ =	sdelay $0x2  }
0x14c: {  	s10 =	spop (v2sf);
	[tilespmem:s8+$0x100] =	vst v5  }
0x14d: {  	v5 =	vld [tilespmem:s10+$0x0];
	_ =	sdelay $0x1  }
0x14e: {  	(v2sf) =	vpush v4, $0x8;
	_ =	sdelay $0x2  }
0x14f: {  	s10 =	spop (v2sf);
	[tilespmem:s7+$0x100] =	vst v5  }
0x150: {  	v5 =	vld [tilespmem:s10+$0x0];
	_ =	sdelay $0x1  }
0x151: {  	(v2sf) =	vpush v4, $0x9;
	_ =	sdelay $0x2  }
0x152: {  	s10 =	spop (v2sf);
	[tilespmem:s8+$0x180] =	vst v5  }
0x153: {  	v5 =	vld [tilespmem:s10+$0x0];
	_ =	sdelay $0x1  }
0x154: {  	(v2sf) =	vpush v4, $0xA;
	_ =	sdelay $0x2  }
0x155: {  	s10 =	spop (v2sf);
	[tilespmem:s7+$0x180] =	vst v5  }
0x156: {  	v5 =	vld [tilespmem:s10+$0x0];
	_ =	sdelay $0x1  }
0x157: {  	(v2sf) =	vpush v4, $0xB;
	_ =	sdelay $0x2  }
0x158: {  	s10 =	spop (v2sf);
	[tilespmem:s8+$0x200] =	vst v5  }
0x159: {  	v5 =	vld [tilespmem:s10+$0x0];
	_ =	sdelay $0x1  }
0x15a: {  	(v2sf) =	vpush v4, $0xC;
	_ =	sdelay $0x2  }
0x15b: {  	s10 =	spop (v2sf);
	[tilespmem:s7+$0x200] =	vst v5  }
0x15c: {  	v5 =	vld [tilespmem:s10+$0x0];
	_ =	sdelay $0x1  }
0x15d: {  	(v2sf) =	vpush v4, $0xD;
	_ =	sdelay $0x2  }
0x15e: {  	s10 =	spop (v2sf);
	[tilespmem:s8+$0x280] =	vst v5  }
0x15f: {  	v5 =	vld [tilespmem:s10+$0x0];
	_ =	sdelay $0x1  }
0x160: {  	(v2sf) =	vpush v4, $0xE;
	_ =	sdelay $0x2  }
0x161: {  	s10 =	spop (v2sf);
	[tilespmem:s7+$0x280] =	vst v5  }
0x162: {  	v5 =	vld [tilespmem:s10+$0x0]  }
0x163: {  	s8 =	sand.u32 $0x3, s29  }
0x164: {  	(v2sf) =	vpush v4, $0xF;
	s7 =	sshll.u32 s8, $0x5  }
0x165: {  	s7 =	sadd.s32 s7, s31  }
0x166: {  	s10 =	sor.u32 $0x300, s7  }
0x167: {  	[tilespmem:s10+$0x8000] =	vst v5;
	s10 =	spop (v2sf)  }
0x168: {  	v4 =	vld [tilespmem:s10+$0x0];
	_ =	sdelay $0x2  }
0x169: {  	s7 =	sadd.s32 $0x10, s7  }
0x16a: {  	s10 =	sor.u32 $0x300, s7  }
0x16b: {  	[tilespmem:s10+$0x8000] =	vst v4;
	s10 =	spop (v2sf)  }
0x16c: {  	v4 =	vld [tilespmem:s10+$0x0];
	_ =	sdelay $0x2  }
0x16d: {  	s10 =	sor.u32 s31, s3  }
0x16e: {  	s8 =	sor.u32 $0x380, s10  }
0x16f: {  	s10 =	spop (v2sf);
	[tilespmem:s8+$0x8000] =	vst v4  }
0x170: {  	v4 =	vld [tilespmem:s10+$0x0];
	_ =	sdelay $0x3  }
0x171: {  	s7 =	sor.u32 $0x380, s7  }
0x172: {  	[tilespmem:s7+$0x8000] =	vst v4  }
0x173: {  	v4 =	vld [tilespmem:s30+$0x0];
	_ =	sdelay $0x4  }
0x174: {  	v4 =	vshll.u32 v4, $0x9  }
0x175: {  	v4 =	vshra.s32 v4, $0x2  }
0x176: {  	v4 =	vadd.s32 $0x1000, v4  }
0x177: {  	(v2sf) =	vpush v4, $0x0;
	_ =	sdelay $0x5  }
0x178: {  	(v2sf) =	vpush v4, $0x1;
	_ =	sdelay $0x5  }
0x179: {  	(v2sf) =	vpush v4, $0x2;
	_ =	sdelay $0x2  }
0x17a: {  	s8 =	spop (v2sf)  }
0x17b: {  	v5 =	vld [tilespmem:s8+$0x0];
	_ =	sdelay $0x1  }
0x17c: {  	(v2sf) =	vpush v4, $0x3  }
0x17d: {  	s7 =	sor.u32 $0x9000, s0  }
0x17e: {  	s10 =	sor.u32 s9, s7  }
0x17f: {  	[tilespmem:s10+$0x0] =	vst v5;
	s10 =	spop (v2sf)  }
0x180: {  	v5 =	vld [tilespmem:s10+$0x0];
	_ =	sdelay $0x1  }
0x181: {  	(v2sf) =	vpush v4, $0x4;
	_ =	sdelay $0x1  }
0x182: {  	s7 =	sor.u32 s6, s7  }
0x183: {  	s8 =	spop (v2sf);
	[tilespmem:s7+$0x0] =	vst v5  }
0x184: {  	v5 =	vld [tilespmem:s8+$0x0];
	_ =	sdelay $0x1  }
0x185: {  	(v2sf) =	vpush v4, $0x5  }
0x186: {  	s7 =	sor.u32 $0x9080, s0  }
0x187: {  	s10 =	sor.u32 s9, s7  }
0x188: {  	[tilespmem:s10+$0x0] =	vst v5;
	s10 =	spop (v2sf)  }
0x189: {  	v5 =	vld [tilespmem:s10+$0x0];
	_ =	sdelay $0x1  }
0x18a: {  	(v2sf) =	vpush v4, $0x6;
	_ =	sdelay $0x1  }
0x18b: {  	s7 =	sor.u32 s6, s7  }
0x18c: {  	s8 =	spop (v2sf);
	[tilespmem:s7+$0x0] =	vst v5  }
0x18d: {  	v5 =	vld [tilespmem:s8+$0x0];
	_ =	sdelay $0x1  }
0x18e: {  	(v2sf) =	vpush v4, $0x7  }
0x18f: {  	s7 =	sor.u32 $0x9100, s0  }
0x190: {  	s10 =	sor.u32 s9, s7  }
0x191: {  	[tilespmem:s10+$0x0] =	vst v5;
	s10 =	spop (v2sf)  }
0x192: {  	v5 =	vld [tilespmem:s10+$0x0];
	_ =	sdelay $0x1  }
0x193: {  	(v2sf) =	vpush v4, $0x8;
	_ =	sdelay $0x1  }
0x194: {  	s7 =	sor.u32 s6, s7  }
0x195: {  	s8 =	spop (v2sf);
	[tilespmem:s7+$0x0] =	vst v5  }
0x196: {  	v5 =	vld [tilespmem:s8+$0x0];
	_ =	sdelay $0x1  }
0x197: {  	(v2sf) =	vpush v4, $0x9  }
0x198: {  	s7 =	sor.u32 $0x9180, s0  }
0x199: {  	s10 =	sor.u32 s9, s7  }
0x19a: {  	[tilespmem:s10+$0x0] =	vst v5;
	s10 =	spop (v2sf)  }
0x19b: {  	v5 =	vld [tilespmem:s10+$0x0];
	_ =	sdelay $0x1  }
0x19c: {  	(v2sf) =	vpush v4, $0xA;
	_ =	sdelay $0x1  }
0x19d: {  	s7 =	sor.u32 s6, s7  }
0x19e: {  	s8 =	spop (v2sf);
	[tilespmem:s7+$0x0] =	vst v5  }
0x19f: {  	v5 =	vld [tilespmem:s8+$0x0];
	_ =	sdelay $0x1  }
0x1a0: {  	(v2sf) =	vpush v4, $0xB  }
0x1a1: {  	s7 =	sor.u32 $0x9200, s0  }
0x1a2: {  	s10 =	sor.u32 s9, s7  }
0x1a3: {  	[tilespmem:s10+$0x0] =	vst v5;
	s10 =	spop (v2sf)  }
0x1a4: {  	v5 =	vld [tilespmem:s10+$0x0];
	_ =	sdelay $0x1  }
0x1a5: {  	(v2sf) =	vpush v4, $0xC;
	_ =	sdelay $0x1  }
0x1a6: {  	s7 =	sor.u32 s6, s7  }
0x1a7: {  	s8 =	spop (v2sf);
	[tilespmem:s7+$0x0] =	vst v5  }
0x1a8: {  	v5 =	vld [tilespmem:s8+$0x0];
	_ =	sdelay $0x1  }
0x1a9: {  	(v2sf) =	vpush v4, $0xD  }
0x1aa: {  	s7 =	sor.u32 $0x9280, s0  }
0x1ab: {  	s10 =	sor.u32 s9, s7  }
0x1ac: {  	[tilespmem:s10+$0x0] =	vst v5;
	s10 =	spop (v2sf)  }
0x1ad: {  	v5 =	vld [tilespmem:s10+$0x0];
	_ =	sdelay $0x1  }
0x1ae: {  	(v2sf) =	vpush v4, $0xE;
	_ =	sdelay $0x1  }
0x1af: {  	s7 =	sor.u32 s6, s7  }
0x1b0: {  	s8 =	spop (v2sf);
	[tilespmem:s7+$0x0] =	vst v5  }
0x1b1: {  	v5 =	vld [tilespmem:s8+$0x0];
	_ =	sdelay $0x1  }
0x1b2: {  	(v2sf) =	vpush v4, $0xF  }
0x1b3: {  	s7 =	sor.u32 $0x9300, s0  }
0x1b4: {  	s10 =	sor.u32 s9, s7  }
0x1b5: {  	[tilespmem:s10+$0x0] =	vst v5;
	s10 =	spop (v2sf)  }
0x1b6: {  	v4 =	vld [tilespmem:s10+$0x0];
	_ =	sdelay $0x3  }
0x1b7: {  	s7 =	sor.u32 s6, s7  }
0x1b8: {  	s8 =	spop (v2sf);
	[tilespmem:s7+$0x0] =	vst v4  }
0x1b9: {  	v4 =	vld [tilespmem:s8+$0x0];
	_ =	sdelay $0x2  }
0x1ba: {  	s7 =	sor.u32 $0x9380, s0  }
0x1bb: {  	s10 =	sor.u32 s9, s7  }
0x1bc: {  	[tilespmem:s10+$0x0] =	vst v4;
	s10 =	spop (v2sf)  }
0x1bd: {  	v4 =	vld [tilespmem:s10+$0x0];
	_ =	sdelay $0x3  }
0x1be: {  	s7 =	sor.u32 s6, s7  }
0x1bf: {  	[tilespmem:s7+$0x0] =	vst v4  }
0x1c0: {  	v4 =	vld [tilespmem:s30+$0x10];
	_ =	sdelay $0x4  }
0x1c1: {  	v4 =	vshll.u32 v4, $0x9  }
0x1c2: {  	v4 =	vshra.s32 v4, $0x2  }
0x1c3: {  	v4 =	vadd.s32 $0x1000, v4  }
0x1c4: {  	(v2sf) =	vpush v4, $0x0;
	_ =	sdelay $0x5  }
0x1c5: {  	(v2sf) =	vpush v4, $0x1;
	_ =	sdelay $0x5  }
0x1c6: {  	(v2sf) =	vpush v4, $0x2;
	_ =	sdelay $0x2  }
0x1c7: {  	s8 =	spop (v2sf)  }
0x1c8: {  	v5 =	vld [tilespmem:s8+$0x0];
	_ =	sdelay $0x1  }
0x1c9: {  	(v2sf) =	vpush v4, $0x3  }
0x1ca: {  	s7 =	sor.u32 $0xA000, s0  }
0x1cb: {  	s10 =	sor.u32 s9, s7  }
0x1cc: {  	[tilespmem:s10+$0x0] =	vst v5;
	s10 =	spop (v2sf)  }
0x1cd: {  	v5 =	vld [tilespmem:s10+$0x0];
	_ =	sdelay $0x1  }
0x1ce: {  	(v2sf) =	vpush v4, $0x4;
	_ =	sdelay $0x1  }
0x1cf: {  	s7 =	sor.u32 s6, s7  }
0x1d0: {  	s8 =	spop (v2sf);
	[tilespmem:s7+$0x0] =	vst v5  }
0x1d1: {  	v5 =	vld [tilespmem:s8+$0x0];
	_ =	sdelay $0x1  }
0x1d2: {  	(v2sf) =	vpush v4, $0x5  }
0x1d3: {  	s7 =	sor.u32 $0xA080, s0  }
0x1d4: {  	s10 =	sor.u32 s9, s7  }
0x1d5: {  	[tilespmem:s10+$0x0] =	vst v5;
	s10 =	spop (v2sf)  }
0x1d6: {  	v5 =	vld [tilespmem:s10+$0x0];
	_ =	sdelay $0x1  }
0x1d7: {  	(v2sf) =	vpush v4, $0x6;
	_ =	sdelay $0x1  }
0x1d8: {  	s7 =	sor.u32 s6, s7  }
0x1d9: {  	s8 =	spop (v2sf);
	[tilespmem:s7+$0x0] =	vst v5  }
0x1da: {  	v5 =	vld [tilespmem:s8+$0x0];
	_ =	sdelay $0x1  }
0x1db: {  	(v2sf) =	vpush v4, $0x7  }
0x1dc: {  	s7 =	sor.u32 $0xA100, s0  }
0x1dd: {  	s10 =	sor.u32 s9, s7  }
0x1de: {  	[tilespmem:s10+$0x0] =	vst v5;
	s10 =	spop (v2sf)  }
0x1df: {  	v5 =	vld [tilespmem:s10+$0x0];
	_ =	sdelay $0x1  }
0x1e0: {  	(v2sf) =	vpush v4, $0x8;
	_ =	sdelay $0x1  }
0x1e1: {  	s7 =	sor.u32 s6, s7  }
0x1e2: {  	s8 =	spop (v2sf);
	[tilespmem:s7+$0x0] =	vst v5  }
0x1e3: {  	v5 =	vld [tilespmem:s8+$0x0];
	_ =	sdelay $0x1  }
0x1e4: {  	(v2sf) =	vpush v4, $0x9  }
0x1e5: {  	s7 =	sor.u32 $0xA180, s0  }
0x1e6: {  	s10 =	sor.u32 s9, s7  }
0x1e7: {  	[tilespmem:s10+$0x0] =	vst v5;
	s10 =	spop (v2sf)  }
0x1e8: {  	v5 =	vld [tilespmem:s10+$0x0];
	_ =	sdelay $0x1  }
0x1e9: {  	(v2sf) =	vpush v4, $0xA;
	_ =	sdelay $0x1  }
0x1ea: {  	s7 =	sor.u32 s6, s7  }
0x1eb: {  	s8 =	spop (v2sf);
	[tilespmem:s7+$0x0] =	vst v5  }
0x1ec: {  	v5 =	vld [tilespmem:s8+$0x0];
	_ =	sdelay $0x1  }
0x1ed: {  	(v2sf) =	vpush v4, $0xB  }
0x1ee: {  	s7 =	sor.u32 $0xA200, s0  }
0x1ef: {  	s10 =	sor.u32 s9, s7  }
0x1f0: {  	[tilespmem:s10+$0x0] =	vst v5;
	s10 =	spop (v2sf)  }
0x1f1: {  	v5 =	vld [tilespmem:s10+$0x0];
	_ =	sdelay $0x1  }
0x1f2: {  	(v2sf) =	vpush v4, $0xC;
	_ =	sdelay $0x1  }
0x1f3: {  	s7 =	sor.u32 s6, s7  }
0x1f4: {  	s8 =	spop (v2sf);
	[tilespmem:s7+$0x0] =	vst v5  }
0x1f5: {  	v5 =	vld [tilespmem:s8+$0x0];
	_ =	sdelay $0x1  }
0x1f6: {  	(v2sf) =	vpush v4, $0xD  }
0x1f7: {  	s7 =	sor.u32 $0xA280, s0  }
0x1f8: {  	s10 =	sor.u32 s9, s7  }
0x1f9: {  	[tilespmem:s10+$0x0] =	vst v5;
	s10 =	spop (v2sf)  }
0x1fa: {  	v5 =	vld [tilespmem:s10+$0x0];
	_ =	sdelay $0x1  }
0x1fb: {  	(v2sf) =	vpush v4, $0xE;
	_ =	sdelay $0x1  }
0x1fc: {  	s7 =	sor.u32 s6, s7  }
0x1fd: {  	s8 =	spop (v2sf);
	[tilespmem:s7+$0x0] =	vst v5  }
0x1fe: {  	v5 =	vld [tilespmem:s8+$0x0];
	_ =	sdelay $0x1  }
0x1ff: {  	(v2sf) =	vpush v4, $0xF  }
0x200: {  	s7 =	sor.u32 $0xA300, s0  }
0x201: {  	s8 =	sor.u32 s9, s7  }
0x202: {  	s10 =	spop (v2sf);
	[tilespmem:s8+$0x0] =	vst v5  }
0x203: {  	v4 =	vld [tilespmem:s10+$0x0];
	_ =	sdelay $0x3  }
0x204: {  	s7 =	sor.u32 s6, s7  }
0x205: {  	s10 =	spop (v2sf);
	[tilespmem:s7+$0x0] =	vst v4  }
0x206: {  	v4 =	vld [tilespmem:s10+$0x0];
	_ =	sdelay $0x2  }
0x207: {  	s0 =	sor.u32 $0xA380, s0  }
0x208: {  	s9 =	sor.u32 s9, s0  }
0x209: {  	s10 =	spop (v2sf);
	[tilespmem:s9+$0x0] =	vst v4  }
0x20a: {  	p1 =	sne.s32 s3, $0x1E0;
	v4 =	vld [tilespmem:s10+$0x0]  }
.Ltmp1:
0x20b: {  	_ = 	snop;
	(pc) =	sbr.rel @p1 .LBB2_5-.Ltmp1, $3  }
0x20c: {  	_ =	sdelay $0x1  }
0x20d: {  	s29 =	sadd.s32 $0x1, s29;
	s0 =	sor.u32 s6, s0  }
0x20e: {  	s31 =	sadd.s32 $0x100, s31;
	s3 =	sadd.s32 $0x20, s3;
	s30 =	sadd.s32 $0x80, s30;
	[tilespmem:s0+$0x0] =	vst v4  }
0x20f: {  	p1 =	sgt.u32 s21, $0x10  }
0x210: {  	s24 =	smul.u32 $0x6C0000, s24;
	s0 =	sadd.s32 @!p1 $0x2, s25  }
0x211: {  	s3 =	smulhi.u32 @!p1 $0x38E38E39, s0  }
0x212: {  	s6 =	smul.u32 $0x48000, s26  }
0x213: {  	s7 =	smul.u32 $0x3000, s28;
	s3 =	sshrl.u32 @!p1 s3, $0x7  }
0x214: {  	s6 =	sadd.s32 s24, s6;
	s8 =	smul.u32 @!p1 $0x240, s3  }
0x215: {  	s6 =	sadd.s32 s7, s6  }
0x216: {  	s6 =	sshrl.u32 s6, $0x3;
	s0 =	ssub.s32 @!p1 s0, s8  }
0x217: {  	s6 =	sadd.s32 s4, s6;
	s7 =	smul.u32 @!p1 $0xAAB, s0  }
0x218: {  	[hbm4b:s6+s5] =	stream.linear.scatter [tilespmem:s15], [sflag:$0x1], $0x3000, $0x38;
	[tilespmem:$0xE000] =	vst v63  }
0x219: {  	s6 =	sshrl.u32 @!p1 s7, $0x10  }
0x21a: {  	s7 =	smul.u32 @!p1 $0x18, s6  }
0x21b: {  	s3 =	smul.u32 @!p1 $0x120000, s3  }
0x21c: {  	s6 =	smul.u32 @!p1 $0xC000, s6;
	s0 =	ssub.s32 @!p1 s0, s7  }
0x21d: {  	s0 =	sshll.u32 @!p1 s0, $0x9  }
0x21e: {  	_ =	swait.ge [sflag:s16], $0x800;
	s3 =	sadd.s32 @!p1 s3, s6;
	s0 =	sand.u32 @!p1 $0xFE00, s0  }
0x21f: {  	s25 =	simm.s32 $0x0;
	[sflag:s16] =	ssyncset.done $0x0;
	s0 =	sor.u32 @!p1 s0, s3  }
0x220: {  	[sflag:s16] =	ssyncadd.s32 $0xFFFFF800;
	s6 =	simm.s32 @!p1 $0x3000;
	s0 =	sshrl.u32 @!p1 s0, $0x3  }
0x221: {  	s7 =	simm.s32 @!p1 $0x0;
	s3 =	simm.s32 @!p1 $0x200;
	s0 =	sadd.s32 @!p1 s2, s0  }
0x222: {  	[tilespmem:s7], [sflag:$0x3] =	stream.strided.gather @!p1 [hbm4b:s0+s3], $0x800, s6, s3, $0x38;
	[tilespmem:$0xE000] =	vst v63  }
0x223: {  	v4 =	vld [tilespmem:s25+$0x840]  }
0x224: {  	v5 =	vld [tilespmem:s25+$0x850];
	_ =	sdelay $0x3  }
0x225: {  	vm1 =	vge.f32 v4, $1.000000000e+03  }
0x226: {  	vm0 =	vge.f32 v5, $1.000000000e+03;
	vm8 =	vge.f32 v4, $1.000000000e+02;
	vm9 =	vge.f32 v4, $8.000000000e+02  }
0x227: {  	vm2 =	vge.f32 v5, $8.000000000e+02;
	vm10 =	vge.f32 v4, $6.000000000e+01;
	vm4 =	vge.f32 v5, $6.000000000e+01  }
0x228: {  	vm3 =	vge.f32 v5, $1.000000000e+02;
	vm11 =	vge.f32 v4, $2.000000000e+01;
	vm12 =	vge.f32 v4, $4.000000000e+01  }
0x229: {  	vm5 =	vge.f32 v5, $4.000000000e+01;
	vm13 =	vge.f32 v4, $-1.000000000e+01;
	vm7 =	vge.f32 v5, $-1.000000000e+01  }
0x22a: {  	vm6 =	vge.f32 v5, $2.000000000e+01;
	vm14 =	vge.f32 v4, $-1.000000000e+02;
	vm15 =	vge.f32 v4, $-5.000000000e+01  }
0x22b: {  	v7 =	vsel vm9, $0x1, v1;
	vm9 =	vge.f32 v5, $-5.000000000e+01;
	v6 =	vsel vm12, $0x1, v1  }
0x22c: {  	vm12 =	vge.f32 v4, $-4.000000000e+02;
	v8 =	vsel vm10, $0x1, v1;
	vm10 =	vge.f32 v5, $-4.000000000e+02  }
0x22d: {  	v9 =	vsel vm8, $0x1, v1;
	vm8 =	vge.f32 v5, $-1.000000000e+02;
	v10 =	vsel vm15, $0x1, v1  }
0x22e: {  	vm15 =	vge.f32 v4, $-1.000000000e+03;
	v11 =	vsel vm13, $0x1, v1;
	vm13 =	vge.f32 v4, $-9.000000000e+02  }
0x22f: {  	v12 =	vsel vm11, $0x1, v1;
	vm11 =	vge.f32 v5, $-1.000000000e+03;
	v13 =	vsel vm14, $0x1, v1  }
0x230: {  	v4 =	vsel vm15, $0x1, v1;
	vm15 =	vge.f32 v5, $-9.000000000e+02;
	v5 =	vsel vm12, $0x1, v1  }
0x231: {  	v14 =	vsel vm13, $0x1, v1;
	v15 =	vsel vm11, $0x1, v1;
	v16 =	vsel vm15, $0x1, v1  }
0x232: {  	v4 =	vadd.s32 v14, v4;
	v14 =	vadd.s32 v16, v15;
	v15 =	vsel vm10, $0x1, v1  }
0x233: {  	v4 =	vadd.s32 v5, v4;
	v5 =	vadd.s32 v15, v14;
	v14 =	vsel vm8, $0x1, v1  }
0x234: {  	v4 =	vadd.s32 v13, v4;
	v13 =	vsel vm9, $0x1, v1;
	v5 =	vadd.s32 v14, v5  }
0x235: {  	v4 =	vadd.s32 v10, v4;
	v10 =	vsel vm7, $0x1, v1;
	v5 =	vadd.s32 v13, v5  }
0x236: {  	v11 =	vadd.s32 v11, v4;
	v4 =	vld [tilespmem:s25+$0x800];
	v5 =	vadd.s32 v10, v5;
	v10 =	vsel vm6, $0x1, v1  }
0x237: {  	v11 =	vadd.s32 v12, v11;
	v5 =	vadd.s32 v10, v5;
	v10 =	vsel vm5, $0x1, v1  }
0x238: {  	v6 =	vadd.s32 v6, v11;
	v11 =	vsel vm4, $0x1, v1;
	v10 =	vadd.s32 v10, v5  }
0x239: {  	v5 =	vld [tilespmem:s25+$0x810];
	v6 =	vadd.s32 v8, v6;
	v8 =	vadd.s32 v11, v10;
	v10 =	vsel vm3, $0x1, v1  }
0x23a: {  	v9 =	vadd.s32 v9, v6;
	v11 =	vsel vm1, $0x1, v1;
	v8 =	vadd.s32 v10, v8  }
0x23b: {  	v6 =	vld [tilespmem:s25+$0x820];
	v10 =	vsel vm2, $0x1, v1;
	v9 =	vadd.s32 v7, v9;
	vm1 =	vge.f32 v4, $-9.000000000e+02  }
0x23c: {  	v8 =	vadd.s32 v10, v8;
	v10 =	vsel vm0, $0x1, v1;
	v9 =	vadd.s32 v11, v9  }
0x23d: {  	v7 =	vld [tilespmem:s25+$0x830];
	vm0 =	vge.f32 v4, $-1.000000000e+03;
	v8 =	vadd.s32 v10, v8;
	v10 =	vperm.xlane v9, v0  }
0x23e: {  	v9 =	vperm.xlane v9, v2;
	v11 =	vperm.xlane v8, v0;
	vm2 =	vge.f32 v5, $-1.000000000e+03  }
0x23f: {  	v8 =	vperm.xlane v8, v2;
	vm3 =	vge.f32 v5, $-9.000000000e+02;
	v10 =	vshll.u32 v10, $0x4  }
0x240: {  	vm4 =	vge.f32 v6, $-1.000000000e+03;
	vm5 =	vge.f32 v6, $-9.000000000e+02;
	v12 =	vsel vm2, $0x1, v1  }
0x241: {  	vm2 =	vge.f32 v6, $-4.000000000e+02;
	v11 =	vshll.u32 v11, $0x4;
	v9 =	vadd.s32 v9, v10  }
0x242: {  	vm6 =	vge.f32 v7, $-1.000000000e+03;
	v10 =	vsel vm0, $0x1, v1;
	vm0 =	vge.f32 v7, $-9.000000000e+02  }
0x243: {  	v13 =	vsel vm4, $0x1, v1;
	v14 =	vsel vm5, $0x1, v1;
	v8 =	vadd.s32 v8, v11  }
0x244: {  	v11 =	vsel vm1, $0x1, v1;
	vm1 =	vge.f32 v4, $-4.000000000e+02;
	v15 =	vsel vm6, $0x1, v1  }
0x245: {  	v55 =	vsel vm0, $0x1, v1;
	vm0 =	vge.f32 v5, $-4.000000000e+02;
	v9 =	vsub.s32 v9, v8  }
0x246: {  	v10 =	vadd.s32 v11, v10;
	v11 =	vadd.s32 v14, v13;
	v13 =	vsel vm0, $0x1, v1  }
0x247: {  	v14 =	vadd.s32 v55, v15;
	vm0 =	vge.f32 v4, $-1.000000000e+02;
	v15 =	vsel vm2, $0x1, v1  }
0x248: {  	vm2 =	vge.f32 v6, $-1.000000000e+02;
	v9 =	vand.u32 v3, v9;
	v11 =	vadd.s32 v15, v11  }
0x249: {  	v15 =	vsel vm2, $0x1, v1;
	vm2 =	vge.f32 v6, $-5.000000000e+01;
	v8 =	vadd.s32 v8, v9  }
0x24a: {  	v9 =	vsel vm3, $0x1, v1;
	vm3 =	vge.f32 v7, $-4.000000000e+02;
	v11 =	vadd.s32 v15, v11  }
0x24b: {  	v15 =	vsel vm2, $0x1, v1;
	vm2 =	vge.f32 v6, $-1.000000000e+01;
	v9 =	vadd.s32 v9, v12  }
0x24c: {  	v12 =	vsel vm1, $0x1, v1;
	v56 =	vsel vm3, $0x1, v1;
	vm1 =	vge.f32 v5, $-1.000000000e+02  }
0x24d: {  	vm3 =	vge.f32 v7, $-1.000000000e+02;
	v11 =	vadd.s32 v15, v11;
	v15 =	vsel vm2, $0x1, v1  }
0x24e: {  	vm2 =	vge.f32 v6, $2.000000000e+01;
	v10 =	vadd.s32 v12, v10;
	v9 =	vadd.s32 v13, v9  }
0x24f: {  	v12 =	vsel vm0, $0x1, v1;
	v13 =	vsel vm1, $0x1, v1;
	v14 =	vadd.s32 v56, v14  }
0x250: {  	vm0 =	vge.f32 v4, $-5.000000000e+01;
	v57 =	vsel vm3, $0x1, v1;
	vm1 =	vge.f32 v5, $-5.000000000e+01  }
0x251: {  	vm3 =	vge.f32 v7, $-5.000000000e+01;
	v11 =	vadd.s32 v15, v11;
	v15 =	vsel vm2, $0x1, v1  }
0x252: {  	vm2 =	vge.f32 v6, $4.000000000e+01;
	v10 =	vadd.s32 v12, v10;
	v9 =	vadd.s32 v13, v9  }
0x253: {  	v12 =	vsel vm0, $0x1, v1;
	v13 =	vsel vm1, $0x1, v1;
	v14 =	vadd.s32 v57, v14  }
0x254: {  	vm0 =	vge.f32 v4, $-1.000000000e+01;
	v58 =	vsel vm3, $0x1, v1;
	vm1 =	vge.f32 v5, $-1.000000000e+01  }
0x255: {  	vm3 =	vge.f32 v7, $-1.000000000e+01;
	v11 =	vadd.s32 v15, v11;
	v15 =	vsel vm2, $0x1, v1  }
0x256: {  	vm2 =	vge.f32 v6, $6.000000000e+01;
	v10 =	vadd.s32 v12, v10;
	v9 =	vadd.s32 v13, v9  }
0x257: {  	v12 =	vsel vm0, $0x1, v1;
	v13 =	vsel vm1, $0x1, v1;
	v14 =	vadd.s32 v58, v14  }
0x258: {  	vm0 =	vge.f32 v4, $2.000000000e+01;
	v59 =	vsel vm3, $0x1, v1;
	vm1 =	vge.f32 v5, $2.000000000e+01  }
0x259: {  	vm3 =	vge.f32 v7, $2.000000000e+01;
	v11 =	vadd.s32 v15, v11;
	v15 =	vsel vm2, $0x1, v1  }
0x25a: {  	vm2 =	vge.f32 v6, $1.000000000e+02;
	v10 =	vadd.s32 v12, v10;
	v9 =	vadd.s32 v13, v9  }
0x25b: {  	v12 =	vsel vm0, $0x1, v1;
	v13 =	vsel vm1, $0x1, v1;
	v14 =	vadd.s32 v59, v14  }
0x25c: {  	vm0 =	vge.f32 v4, $4.000000000e+01;
	v60 =	vsel vm3, $0x1, v1;
	vm1 =	vge.f32 v5, $4.000000000e+01  }
0x25d: {  	vm3 =	vge.f32 v7, $4.000000000e+01;
	v11 =	vadd.s32 v15, v11;
	v15 =	vsel vm2, $0x1, v1  }
0x25e: {  	vm2 =	vge.f32 v6, $8.000000000e+02;
	v10 =	vadd.s32 v12, v10;
	v9 =	vadd.s32 v13, v9  }
0x25f: {  	v12 =	vsel vm0, $0x1, v1;
	v13 =	vsel vm1, $0x1, v1;
	v14 =	vadd.s32 v60, v14  }
0x260: {  	vm0 =	vge.f32 v4, $6.000000000e+01;
	v61 =	vsel vm3, $0x1, v1;
	vm1 =	vge.f32 v5, $6.000000000e+01  }
0x261: {  	vm3 =	vge.f32 v7, $6.000000000e+01;
	v11 =	vadd.s32 v15, v11;
	v10 =	vadd.s32 v12, v10  }
0x262: {  	v9 =	vadd.s32 v13, v9;
	v12 =	vsel vm0, $0x1, v1;
	v13 =	vsel vm1, $0x1, v1  }
0x263: {  	v14 =	vadd.s32 v61, v14;
	vm0 =	vge.f32 v4, $1.000000000e+02;
	v62 =	vsel vm3, $0x1, v1  }
0x264: {  	vm1 =	vge.f32 v5, $1.000000000e+02;
	vm3 =	vge.f32 v7, $1.000000000e+02;
	v10 =	vadd.s32 v12, v10  }
0x265: {  	v9 =	vadd.s32 v13, v9;
	v12 =	vsel vm0, $0x1, v1;
	v13 =	vsel vm1, $0x1, v1  }
0x266: {  	v14 =	vadd.s32 v62, v14;
	vm0 =	vge.f32 v4, $8.000000000e+02;
	v63 =	vsel vm3, $0x1, v1  }
0x267: {  	vm1 =	vge.f32 v5, $8.000000000e+02;
	vm3 =	vge.f32 v7, $8.000000000e+02;
	v10 =	vadd.s32 v12, v10  }
0x268: {  	v9 =	vadd.s32 v13, v9;
	v12 =	vsel vm0, $0x1, v1;
	v13 =	vsel vm1, $0x1, v1  }
0x269: {  	v14 =	vadd.s32 v63, v14;
	vm0 =	vge.f32 v4, $1.000000000e+03;
	v4 =	vsel vm2, $0x1, v1  }
0x26a: {  	v15 =	vsel vm3, $0x1, v1;
	vm1 =	vge.f32 v5, $1.000000000e+03;
	vm2 =	vge.f32 v6, $1.000000000e+03  }
0x26b: {  	vm3 =	vge.f32 v7, $1.000000000e+03;
	v5 =	vadd.s32 v12, v10;
	v6 =	vadd.s32 v13, v9  }
0x26c: {  	v4 =	vadd.s32 v4, v11;
	v7 =	vsel vm0, $0x1, v1;
	v9 =	vsel vm1, $0x1, v1  }
0x26d: {  	s26 =	simm.s32 $0x80;
	[tilespmem:s25+$0x7820] =	vst v8;
	v10 =	vadd.s32 v15, v14;
	v11 =	vsel vm3, $0x1, v1;
	v5 =	vadd.s32 v7, v5  }
0x26e: {  	v13 =	vld [tilespmem:s26+$0x840];
	v7 =	vsel vm2, $0x1, v1;
	v6 =	vadd.s32 v9, v6;
	v8 =	vperm.xlane v5, v0  }
0x26f: {  	v12 =	vld [tilespmem:s26+$0x850];
	v4 =	vadd.s32 v7, v4;
	v9 =	vperm.xlane v6, v0;
	v5 =	vperm.xlane v5, v2  }
0x270: {  	v7 =	vadd.s32 v11, v10;
	v6 =	vperm.xlane v6, v2;
	v10 =	vperm.xlane v4, v0  }
0x271: {  	v11 =	vperm.xlane v7, v0;
	v4 =	vperm.xlane v4, v2  }
0x272: {  	v7 =	vperm.xlane v7, v2;
	v8 =	vshll.u32 v8, $0x4;
	v9 =	vshll.u32 v9, $0x4  }
0x273: {  	v8 =	vadd.s32 v5, v8;
	v10 =	vshll.u32 v10, $0x4;
	v11 =	vshll.u32 v11, $0x4  }
0x274: {  	v5 =	vadd.s32 v6, v9;
	vm8 =	vge.f32 v13, $1.000000000e+03;
	vm2 =	vge.f32 v12, $1.000000000e+03  }
0x275: {  	vm9 =	vge.f32 v13, $1.000000000e+02;
	vm12 =	vge.f32 v13, $8.000000000e+02;
	vm3 =	vge.f32 v12, $8.000000000e+02  }
0x276: {  	vm11 =	vge.f32 v13, $6.000000000e+01;
	vm5 =	vge.f32 v12, $6.000000000e+01;
	vm4 =	vge.f32 v12, $1.000000000e+02  }
0x277: {  	vm10 =	vge.f32 v13, $2.000000000e+01;
	vm15 =	vge.f32 v13, $4.000000000e+01;
	vm0 =	vge.f32 v12, $-1.000000000e+01  }
0x278: {  	v6 =	vadd.s32 v4, v10;
	v4 =	vadd.s32 v7, v11;
	v11 =	vimm.s32 $0x0  }
0x279: {  	v9 =	vld [tilespmem:s26+$0x810];
	vm6 =	vge.f32 v12, $4.000000000e+01;
	vm14 =	vge.f32 v13, $-1.000000000e+01;
	v11 =	vsel vm0, $0xFFFFFFFF, v11  }
0x27a: {  	v7 =	vsub.s32 v8, v5;
	v8 =	vld [tilespmem:s26+$0x800];
	vm0 =	vge.f32 v12, $2.000000000e+01;
	[tilespmem:$0x1FF70] =	vst v11;
	v11 =	vimm.s32 $0x0  }
0x27b: {  	vm13 =	vge.f32 v13, $-1.000000000e+02;
	vm7 =	vge.f32 v12, $-5.000000000e+01;
	v10 =	vld [tilespmem:s26+$0x820];
	v11 =	vsel vm0, $0xFFFFFFFF, v11  }
0x27c: {  	s28 =	simm.s32 $0x400;
	v6 =	vsub.s32 v6, v4;
	v7 =	vand.u32 v3, v7;
	vm0 =	vge.f32 v13, $-5.000000000e+01;
	[tilespmem:$0x1FF80] =	vst v11;
	v11 =	vld [tilespmem:s26+$0x830]  }
.LBB2_7:
0x27d: {  	v14 =	vimm.s32 $0x0;
	vm1 =	vge.f32 v13, $-4.000000000e+02;
	v15 =	vsel vm11, $0x1, v1  }
0x27e: {  	v16 =	vsel vm9, $0x1, v1;
	v17 =	vsel vm0, $0x1, v1;
	v18 =	vsel vm14, $0x1, v1  }
0x27f: {  	v19 =	vsel vm10, $0x1, v1;
	v22 =	vsel vm13, $0x1, v1;
	v14 =	vsel vm6, $0xFFFFFFFF, v14  }
0x280: {  	v55 =	vsel vm7, $0x1, v1;
	v57 =	vld [tilespmem:$0x1FF70];
	v5 =	vadd.s32 v5, v7;
	[tilespmem:$0x1FF20] =	vst v14;
	v14 =	vimm.s32 $0x0  }
0x281: {  	vm6 =	vge.f32 v12, $-1.000000000e+03;
	v21 =	vsel vm1, $0x1, v1;
	v14 =	vsel vm5, $0xFFFFFFFF, v14  }
0x282: {  	v24 =	vsel vm6, $0x1, v1;
	vm5 =	vge.f32 v13, $-9.000000000e+02;
	[tilespmem:$0x1FF30] =	vst v14;
	v14 =	vimm.s32 $0x0  }
0x283: {  	v23 =	vsel vm5, $0x1, v1;
	vm1 =	vge.f32 v8, $-9.000000000e+02;
	vm5 =	vge.f32 v10, $-9.000000000e+02  }
0x284: {  	vm6 =	vge.f32 v11, $-1.000000000e+03;
	v14 =	vsel vm4, $0xFFFFFFFF, v14;
	vm4 =	vge.f32 v13, $-1.000000000e+03  }
0x285: {  	v13 =	vsel vm12, $0x1, v1;
	vm0 =	vnez.u8 v57;
	[tilespmem:$0x1FF40] =	vst v14;
	v14 =	vimm.s32 $0x0  }
0x286: {  	v20 =	vsel vm4, $0x1, v1;
	vm4 =	vge.f32 v10, $-1.000000000e+03;
	v14 =	vsel vm3, $0xFFFFFFFF, v14  }
0x287: {  	vm3 =	vge.f32 v12, $-1.000000000e+02;
	v20 =	vadd.s32 v23, v20;
	v23 =	vsel vm5, $0x1, v1  }
0x288: {  	[tilespmem:$0x1FF50] =	vst v14;
	v14 =	vimm.s32 $0x0;
	v20 =	vadd.s32 v21, v20;
	v54 =	vsel vm3, $0x1, v1  }
0x289: {  	vm3 =	vge.f32 v9, $-9.000000000e+02;
	v14 =	vsel vm2, $0xFFFFFFFF, v14;
	vm2 =	vge.f32 v12, $-4.000000000e+02  }
0x28a: {  	v59 =	vld [tilespmem:$0x1FF80];
	v20 =	vadd.s32 v22, v20;
	[tilespmem:$0x1FF60] =	vst v14;
	v14 =	vsel vm8, $0x1, v1;
	vm8 =	vge.f32 v12, $-9.000000000e+02  }
0x28b: {  	v22 =	vsel vm4, $0x1, v1;
	v17 =	vadd.s32 v17, v20;
	v25 =	vsel vm8, $0x1, v1  }
0x28c: {  	v60 =	vld [tilespmem:$0x1FF20];
	v52 =	vsel vm2, $0x1, v1;
	v17 =	vadd.s32 v18, v17;
	v51 =	vadd.s32 v25, v24  }
0x28d: {  	v12 =	vsel vm15, $0x1, v1;
	v17 =	vadd.s32 v19, v17;
	v53 =	vadd.s32 v52, v51  }
0x28e: {  	v62 =	vld [tilespmem:$0x1FF30];
	vm2 =	vge.f32 v9, $-1.000000000e+03;
	v12 =	vadd.s32 v12, v17;
	v21 =	vadd.s32 v54, v53  }
0x28f: {  	v56 =	vadd.s32 v55, v21;
	v21 =	vsel vm0, $0x1, v1;
	vm0 =	vnez.u8 v59  }
0x290: {  	v63 =	vld [tilespmem:$0x1FF40];
	v12 =	vadd.s32 v15, v12;
	v58 =	vadd.s32 v21, v56;
	v20 =	vsel vm0, $0x1, v1  }
0x291: {  	v12 =	vadd.s32 v16, v12;
	vm0 =	vnez.u8 v60;
	v18 =	vadd.s32 v20, v58;
	v20 =	vld [tilespmem:$0x1FF50]  }
0x292: {  	v12 =	vadd.s32 v13, v12;
	v21 =	vsel vm2, $0x1, v1;
	vm2 =	vge.f32 v10, $-4.000000000e+02  }
0x293: {  	v60 =	vand.u32 v3, v6;
	v19 =	vsel vm0, $0x1, v1;
	vm0 =	vnez.u8 v62  }
0x294: {  	v27 =	vsel vm2, $0x1, v1;
	vm2 =	vge.f32 v10, $-1.000000000e+02;
	v61 =	vadd.s32 v19, v18  }
0x295: {  	v18 =	vsel vm0, $0x1, v1;
	vm0 =	vnez.u8 v63;
	v31 =	vsel vm2, $0x1, v1  }
0x296: {  	v15 =	vadd.s32 v18, v61;
	v17 =	vsel vm0, $0x1, v1;
	vm0 =	vnez.u8 v20  }
0x297: {  	vm2 =	vge.f32 v10, $-5.000000000e+01;
	v15 =	vadd.s32 v17, v15;
	v16 =	vsel vm0, $0x1, v1  }
0x298: {  	v35 =	vsel vm2, $0x1, v1;
	vm2 =	vge.f32 v10, $-1.000000000e+01;
	v13 =	vadd.s32 v16, v15;
	v15 =	vld [tilespmem:$0x1FF60]  }
0x299: {  	v12 =	vadd.s32 v14, v12;
	v39 =	vsel vm2, $0x1, v1;
	vm2 =	vge.f32 v10, $2.000000000e+01  }
0x29a: {  	v14 =	vperm.xlane v12, v0;
	v43 =	vsel vm2, $0x1, v1;
	vm2 =	vge.f32 v10, $4.000000000e+01  }
0x29b: {  	v12 =	vperm.xlane v12, v2;
	v47 =	vsel vm2, $0x1, v1;
	vm2 =	vge.f32 v10, $6.000000000e+01  }
0x29c: {  	v14 =	vshll.u32 v14, $0x4;
	v51 =	vsel vm2, $0x1, v1;
	vm2 =	vge.f32 v10, $1.000000000e+02  }
0x29d: {  	v12 =	vadd.s32 v12, v14;
	v55 =	vsel vm2, $0x1, v1;
	vm0 =	vnez.u8 v15  }
0x29e: {  	vm2 =	vge.f32 v10, $8.000000000e+02;
	v15 =	vsel vm0, $0x1, v1;
	vm0 =	vge.f32 v8, $-1.000000000e+03  }
0x29f: {  	v13 =	vadd.s32 v15, v13;
	v14 =	vsel vm0, $0x1, v1;
	vm0 =	vge.f32 v11, $-9.000000000e+02  }
0x2a0: {  	v15 =	vperm.xlane v13, v0;
	v24 =	vsel vm0, $0x1, v1;
	vm0 =	vge.f32 v9, $-4.000000000e+02  }
0x2a1: {  	v13 =	vperm.xlane v13, v2;
	v26 =	vsel vm0, $0x1, v1;
	vm0 =	vge.f32 v8, $-1.000000000e+02  }
0x2a2: {  	v15 =	vshll.u32 v15, $0x4;
	v29 =	vsel vm0, $0x1, v1;
	vm0 =	vge.f32 v8, $-5.000000000e+01  }
0x2a3: {  	v13 =	vadd.s32 v13, v15;
	v15 =	vsel vm1, $0x1, v1;
	vm1 =	vge.f32 v8, $-4.000000000e+02  }
0x2a4: {  	v33 =	vsel vm0, $0x1, v1;
	vm0 =	vge.f32 v8, $-1.000000000e+01;
	v12 =	vsub.s32 v12, v13  }
0x2a5: {  	v14 =	vadd.s32 v15, v14;
	v15 =	vadd.s32 v23, v22;
	v25 =	vsel vm1, $0x1, v1  }
0x2a6: {  	vm1 =	vge.f32 v9, $-1.000000000e+02;
	v37 =	vsel vm0, $0x1, v1;
	vm0 =	vge.f32 v8, $2.000000000e+01  }
0x2a7: {  	v12 =	vand.u32 v3, v12;
	v14 =	vadd.s32 v25, v14;
	v15 =	vadd.s32 v27, v15  }
0x2a8: {  	v30 =	vsel vm1, $0x1, v1;
	vm1 =	vge.f32 v9, $-5.000000000e+01;
	v41 =	vsel vm0, $0x1, v1  }
0x2a9: {  	vm0 =	vge.f32 v8, $4.000000000e+01;
	v12 =	vadd.s32 v13, v12;
	v13 =	vsel vm3, $0x1, v1  }
0x2aa: {  	vm3 =	vge.f32 v11, $-4.000000000e+02;
	v14 =	vadd.s32 v29, v14;
	v15 =	vadd.s32 v31, v15  }
0x2ab: {  	v34 =	vsel vm1, $0x1, v1;
	vm1 =	vge.f32 v9, $-1.000000000e+01;
	v45 =	vsel vm0, $0x1, v1  }
0x2ac: {  	vm0 =	vge.f32 v8, $6.000000000e+01;
	[tilespmem:s26+$0x7820] =	vst v12;
	v12 =	vsel vm6, $0x1, v1;
	v13 =	vadd.s32 v13, v21  }
0x2ad: {  	v28 =	vsel vm3, $0x1, v1;
	vm3 =	vge.f32 v11, $-1.000000000e+02;
	v14 =	vadd.s32 v33, v14  }
0x2ae: {  	v15 =	vadd.s32 v35, v15;
	v38 =	vsel vm1, $0x1, v1;
	vm1 =	vge.f32 v9, $2.000000000e+01  }
0x2af: {  	v49 =	vsel vm0, $0x1, v1;
	vm0 =	vge.f32 v8, $1.000000000e+02;
	v12 =	vadd.s32 v24, v12  }
0x2b0: {  	v13 =	vadd.s32 v26, v13;
	v32 =	vsel vm3, $0x1, v1;
	vm3 =	vge.f32 v11, $-5.000000000e+01  }
0x2b1: {  	v14 =	vadd.s32 v37, v14;
	v15 =	vadd.s32 v39, v15;
	v42 =	vsel vm1, $0x1, v1  }
0x2b2: {  	vm1 =	vge.f32 v9, $4.000000000e+01;
	v53 =	vsel vm0, $0x1, v1;
	vm0 =	vge.f32 v8, $8.000000000e+02  }
0x2b3: {  	v12 =	vadd.s32 v28, v12;
	v13 =	vadd.s32 v30, v13;
	v36 =	vsel vm3, $0x1, v1  }
0x2b4: {  	vm3 =	vge.f32 v11, $-1.000000000e+01;
	v14 =	vadd.s32 v41, v14;
	v15 =	vadd.s32 v43, v15  }
0x2b5: {  	v46 =	vsel vm1, $0x1, v1;
	vm1 =	vge.f32 v9, $6.000000000e+01;
	v57 =	vsel vm0, $0x1, v1  }
0x2b6: {  	vm0 =	vge.f32 v8, $1.000000000e+03;
	v8 =	vsel vm2, $0x1, v1;
	vm2 =	vge.f32 v10, $1.000000000e+03  }
0x2b7: {  	v12 =	vadd.s32 v32, v12;
	v13 =	vadd.s32 v34, v13;
	v40 =	vsel vm3, $0x1, v1  }
0x2b8: {  	vm3 =	vge.f32 v11, $2.000000000e+01;
	v14 =	vadd.s32 v45, v14;
	v15 =	vadd.s32 v47, v15  }
0x2b9: {  	v50 =	vsel vm1, $0x1, v1;
	vm1 =	vge.f32 v9, $1.000000000e+02;
	v12 =	vadd.s32 v36, v12  }
0x2ba: {  	v13 =	vadd.s32 v38, v13;
	v44 =	vsel vm3, $0x1, v1;
	vm3 =	vge.f32 v11, $4.000000000e+01  }
0x2bb: {  	v14 =	vadd.s32 v49, v14;
	v15 =	vadd.s32 v51, v15;
	v54 =	vsel vm1, $0x1, v1  }
0x2bc: {  	vm1 =	vge.f32 v9, $8.000000000e+02;
	v12 =	vadd.s32 v40, v12;
	v13 =	vadd.s32 v42, v13  }
0x2bd: {  	v48 =	vsel vm3, $0x1, v1;
	vm3 =	vge.f32 v11, $6.000000000e+01;
	v14 =	vadd.s32 v53, v14  }
0x2be: {  	v15 =	vadd.s32 v55, v15;
	v58 =	vsel vm1, $0x1, v1;
	vm1 =	vge.f32 v9, $1.000000000e+03  }
0x2bf: {  	v12 =	vadd.s32 v44, v12;
	v13 =	vadd.s32 v46, v13;
	v52 =	vsel vm3, $0x1, v1  }
0x2c0: {  	vm3 =	vge.f32 v11, $1.000000000e+02;
	v9 =	vadd.s32 v57, v14;
	v8 =	vadd.s32 v8, v15  }
0x2c1: {  	v12 =	vadd.s32 v48, v12;
	v13 =	vadd.s32 v50, v13;
	v56 =	vsel vm3, $0x1, v1  }
0x2c2: {  	vm3 =	vge.f32 v11, $8.000000000e+02;
	v12 =	vadd.s32 v52, v12;
	v13 =	vadd.s32 v54, v13  }
0x2c3: {  	v59 =	vsel vm3, $0x1, v1;
	vm3 =	vge.f32 v11, $1.000000000e+03;
	v11 =	vsel vm0, $0x1, v1  }
0x2c4: {  	v12 =	vadd.s32 v56, v12;
	v10 =	vadd.s32 v58, v13;
	v13 =	vsel vm1, $0x1, v1  }
0x2c5: {  	v9 =	vadd.s32 v11, v9;
	v11 =	vsel vm2, $0x1, v1;
	v14 =	vsel vm3, $0x1, v1  }
0x2c6: {  	v10 =	vadd.s32 v13, v10;
	v11 =	vadd.s32 v11, v8;
	v8 =	vperm.xlane v9, v0  }
0x2c7: {  	s0 =	sshra.s32 s28, $0x2;
	v12 =	vadd.s32 v59, v12;
	v62 =	vperm.xlane v9, v2;
	v15 =	vperm.xlane v10, v0  }
0x2c8: {  	v13 =	vld [tilespmem:s0+$0x840];
	v14 =	vadd.s32 v14, v12;
	v6 =	vperm.xlane v11, v0;
	v63 =	vperm.xlane v10, v2  }
0x2c9: {  	v11 =	vperm.xlane v11, v2;
	v61 =	vperm.xlane v14, v0;
	v7 =	vshll.u32 v8, $0x4  }
0x2ca: {  	v12 =	vld [tilespmem:s0+$0x850];
	[tilespmem:s25+$0x7800] =	vst v5;
	v14 =	vperm.xlane v14, v2;
	v5 =	vshll.u32 v15, $0x4;
	v7 =	vadd.s32 v62, v7  }
0x2cb: {  	v6 =	vshll.u32 v6, $0x4;
	v15 =	vshll.u32 v61, $0x4;
	v5 =	vadd.s32 v63, v5  }
0x2cc: {  	v6 =	vadd.s32 v11, v6;
	v14 =	vadd.s32 v14, v15;
	v7 =	vsub.s32 v7, v5  }
0x2cd: {  	v15 =	vadd.s32 v4, v60;
	vm8 =	vge.f32 v13, $1.000000000e+03;
	vm9 =	vge.f32 v13, $1.000000000e+02  }
0x2ce: {  	vm12 =	vge.f32 v13, $8.000000000e+02;
	vm11 =	vge.f32 v13, $6.000000000e+01;
	vm10 =	vge.f32 v13, $2.000000000e+01  }
0x2cf: {  	p1 =	sne.s32 s28, $0x1E00;
	vm15 =	vge.f32 v13, $4.000000000e+01;
	vm14 =	vge.f32 v13, $-1.000000000e+01;
	vm13 =	vge.f32 v13, $-1.000000000e+02  }
.Ltmp2:
0x2d0: {  	v8 =	vld [tilespmem:s0+$0x800];
	v6 =	vsub.s32 v6, v14;
	v4 =	vmovc v14;
	vm0 =	vge.f32 v12, $-1.000000000e+01;
	v14 =	vimm.s32 $0x0;
	(pc) =	sbr.rel @p1 .LBB2_7-.Ltmp2, $4  }
0x2d1: {  	v9 =	vld [tilespmem:s0+$0x810];
	vm2 =	vge.f32 v12, $1.000000000e+03;
	v7 =	vand.u32 v3, v7;
	v14 =	vsel vm0, $0xFFFFFFFF, v14  }
0x2d2: {  	v10 =	vld [tilespmem:s0+$0x820];
	vm3 =	vge.f32 v12, $8.000000000e+02;
	vm0 =	vge.f32 v12, $2.000000000e+01;
	[tilespmem:$0x1FF70] =	vst v14;
	v14 =	vimm.s32 $0x0  }
0x2d3: {  	v11 =	vld [tilespmem:s0+$0x830];
	[tilespmem:s25+$0x7810] =	vst v15;
	vm5 =	vge.f32 v12, $6.000000000e+01;
	vm4 =	vge.f32 v12, $1.000000000e+02;
	v14 =	vsel vm0, $0xFFFFFFFF, v14  }
0x2d4: {  	s28 =	sadd.s32 $0x200, s28;
	s25 =	smov.u32 s26;
	s26 =	smov.u32 s0;
	vm6 =	vge.f32 v12, $4.000000000e+01;
	vm7 =	vge.f32 v12, $-5.000000000e+01;
	vm0 =	vge.f32 v13, $-5.000000000e+01;
	[tilespmem:$0x1FF80] =	vst v14  }
0x2d5: {  	v14 =	vsel vm12, $0x1, v1  }
0x2d6: {  	v15 =	vsel vm8, $0x1, v1;
	v16 =	vsel vm15, $0x1, v1;
	v17 =	vsel vm11, $0x1, v1  }
0x2d7: {  	v18 =	vsel vm9, $0x1, v1;
	v19 =	vsel vm0, $0x1, v1;
	v20 =	vsel vm14, $0x1, v1  }
0x2d8: {  	vm8 =	vge.f32 v13, $-4.000000000e+02;
	v21 =	vsel vm10, $0x1, v1;
	vm1 =	vge.f32 v13, $-1.000000000e+03  }
0x2d9: {  	vm9 =	vge.f32 v13, $-9.000000000e+02;
	v49 =	vsel vm13, $0x1, v1;
	vm10 =	vge.f32 v12, $-1.000000000e+03  }
0x2da: {  	vm11 =	vge.f32 v12, $-4.000000000e+02;
	vm12 =	vge.f32 v12, $-9.000000000e+02;
	vm13 =	vge.f32 v12, $-1.000000000e+02  }
0x2db: {  	v53 =	vsel vm7, $0x1, v1;
	v56 =	vsel vm6, $0x1, v1;
	v57 =	vsel vm5, $0x1, v1  }
0x2dc: {  	v58 =	vsel vm4, $0x1, v1;
	v59 =	vsel vm3, $0x1, v1;
	v60 =	vsel vm2, $0x1, v1  }
0x2dd: {  	vm4 =	vge.f32 v8, $-1.000000000e+03;
	vm5 =	vge.f32 v8, $-9.000000000e+02;
	v6 =	vand.u32 v3, v6  }
0x2de: {  	v5 =	vadd.s32 v5, v7;
	v22 =	vsel vm1, $0x1, v1;
	v23 =	vsel vm8, $0x1, v1  }
0x2df: {  	v24 =	vsel vm9, $0x1, v1;
	v25 =	vsel vm10, $0x1, v1;
	v26 =	vsel vm12, $0x1, v1  }
0x2e0: {  	v50 =	vsel vm11, $0x1, v1;
	v52 =	vsel vm13, $0x1, v1;
	vm6 =	vge.f32 v9, $-1.000000000e+03  }
0x2e1: {  	v63 =	vsel vm5, $0x1, v1;
	vm7 =	vge.f32 v9, $-9.000000000e+02;
	vm12 =	vge.f32 v8, $-4.000000000e+02  }
0x2e2: {  	vm13 =	vge.f32 v9, $-4.000000000e+02;
	vm5 =	vge.f32 v9, $-1.000000000e+02;
	v4 =	vadd.s32 v4, v6  }
0x2e3: {  	v22 =	vadd.s32 v24, v22;
	v51 =	vadd.s32 v26, v25;
	vm8 =	vge.f32 v10, $-1.000000000e+03  }
0x2e4: {  	vm9 =	vge.f32 v10, $-9.000000000e+02;
	v27 =	vsel vm5, $0x1, v1;
	vm5 =	vge.f32 v9, $2.000000000e+01  }
0x2e5: {  	v54 =	vld [tilespmem:$0x1FF70];
	v22 =	vadd.s32 v23, v22;
	v12 =	vadd.s32 v50, v51;
	vm10 =	vge.f32 v11, $-1.000000000e+03  }
0x2e6: {  	v55 =	vld [tilespmem:$0x1FF80];
	vm11 =	vge.f32 v11, $-9.000000000e+02;
	v23 =	vsel vm13, $0x1, v1;
	vm13 =	vge.f32 v9, $-1.000000000e+01  }
0x2e7: {  	v39 =	vsel vm5, $0x1, v1;
	vm5 =	vge.f32 v9, $1.000000000e+02;
	v13 =	vadd.s32 v49, v22  }
0x2e8: {  	v12 =	vadd.s32 v52, v12;
	v22 =	vsel vm12, $0x1, v1;
	vm12 =	vge.f32 v8, $-1.000000000e+01  }
0x2e9: {  	v35 =	vsel vm13, $0x1, v1;
	vm13 =	vge.f32 v9, $6.000000000e+01;
	v51 =	vsel vm5, $0x1, v1  }
0x2ea: {  	v13 =	vadd.s32 v19, v13;
	vm14 =	vnez.u8 v54;
	v12 =	vadd.s32 v53, v12  }
0x2eb: {  	vm15 =	vnez.u8 v55;
	v34 =	vsel vm12, $0x1, v1;
	vm12 =	vge.f32 v8, $6.000000000e+01  }
0x2ec: {  	v47 =	vsel vm13, $0x1, v1;
	vm13 =	vge.f32 v9, $1.000000000e+03;
	v19 =	vsel vm14, $0x1, v1  }
0x2ed: {  	v13 =	vadd.s32 v20, v13;
	v20 =	vsel vm15, $0x1, v1;
	vm14 =	vge.f32 v10, $-4.000000000e+02  }
0x2ee: {  	vm15 =	vge.f32 v11, $-4.000000000e+02;
	v46 =	vsel vm12, $0x1, v1;
	vm12 =	vge.f32 v8, $1.000000000e+03  }
0x2ef: {  	v12 =	vadd.s32 v19, v12;
	v13 =	vadd.s32 v21, v13;
	v19 =	vsel vm9, $0x1, v1  }
0x2f0: {  	v21 =	vsel vm11, $0x1, v1;
	v24 =	vsel vm14, $0x1, v1;
	v25 =	vsel vm15, $0x1, v1  }
0x2f1: {  	vm9 =	vge.f32 v9, $-5.000000000e+01;
	vm11 =	vge.f32 v11, $-5.000000000e+01;
	vm14 =	vge.f32 v10, $-1.000000000e+01  }
0x2f2: {  	vm15 =	vge.f32 v11, $-1.000000000e+01;
	v12 =	vadd.s32 v20, v12;
	v13 =	vadd.s32 v16, v13  }
0x2f3: {  	v16 =	vsel vm4, $0x1, v1;
	v20 =	vsel vm10, $0x1, v1;
	vm4 =	vge.f32 v8, $-1.000000000e+02  }
0x2f4: {  	vm10 =	vge.f32 v10, $-5.000000000e+01;
	v31 =	vsel vm9, $0x1, v1;
	v33 =	vsel vm11, $0x1, v1  }
0x2f5: {  	v36 =	vsel vm14, $0x1, v1;
	v37 =	vsel vm15, $0x1, v1;
	vm9 =	vge.f32 v9, $4.000000000e+01  }
0x2f6: {  	vm11 =	vge.f32 v11, $4.000000000e+01;
	vm14 =	vge.f32 v10, $6.000000000e+01;
	vm15 =	vge.f32 v11, $6.000000000e+01  }
0x2f7: {  	v12 =	vadd.s32 v56, v12;
	v13 =	vadd.s32 v17, v13;
	v26 =	vsel vm4, $0x1, v1  }
0x2f8: {  	v32 =	vsel vm10, $0x1, v1;
	vm4 =	vge.f32 v8, $2.000000000e+01;
	vm10 =	vge.f32 v10, $4.000000000e+01  }
0x2f9: {  	v43 =	vsel vm9, $0x1, v1;
	v45 =	vsel vm11, $0x1, v1;
	v48 =	vsel vm14, $0x1, v1  }
0x2fa: {  	v49 =	vsel vm15, $0x1, v1;
	vm9 =	vge.f32 v9, $8.000000000e+02;
	vm11 =	vge.f32 v11, $8.000000000e+02  }
0x2fb: {  	vm14 =	vge.f32 v10, $1.000000000e+03;
	vm15 =	vge.f32 v11, $1.000000000e+03;
	v63 =	vadd.s32 v63, v16  }
0x2fc: {  	v21 =	vadd.s32 v21, v20;
	v12 =	vadd.s32 v57, v12;
	v13 =	vadd.s32 v18, v13  }
0x2fd: {  	v18 =	vsel vm6, $0x1, v1;
	vm6 =	vge.f32 v10, $-1.000000000e+02;
	v38 =	vsel vm4, $0x1, v1  }
0x2fe: {  	v44 =	vsel vm10, $0x1, v1;
	vm4 =	vge.f32 v8, $1.000000000e+02;
	vm10 =	vge.f32 v10, $8.000000000e+02  }
0x2ff: {  	v55 =	vsel vm9, $0x1, v1;
	v57 =	vsel vm15, $0x1, v1;
	v16 =	vadd.s32 v25, v21  }
0x300: {  	v12 =	vadd.s32 v58, v12;
	v13 =	vadd.s32 v14, v13;
	v28 =	vsel vm6, $0x1, v1  }
0x301: {  	vm6 =	vge.f32 v10, $2.000000000e+01;
	v50 =	vsel vm4, $0x1, v1;
	v56 =	vsel vm10, $0x1, v1  }
0x302: {  	v12 =	vadd.s32 v59, v12;
	v13 =	vadd.s32 v15, v13;
	v40 =	vsel vm6, $0x1, v1  }
0x303: {  	vm6 =	vge.f32 v10, $1.000000000e+02;
	v12 =	vadd.s32 v60, v12;
	v61 =	vperm.xlane v13, v0  }
0x304: {  	v13 =	vperm.xlane v13, v2;
	v52 =	vsel vm6, $0x1, v1;
	v62 =	vperm.xlane v12, v0  }
0x305: {  	v60 =	vsel vm12, $0x1, v1;
	v12 =	vperm.xlane v12, v2;
	v14 =	vshll.u32 v61, $0x4  }
0x306: {  	v61 =	vsel vm13, $0x1, v1;
	v15 =	vshll.u32 v62, $0x4;
	v13 =	vadd.s32 v13, v14  }
0x307: {  	v14 =	vsel vm7, $0x1, v1;
	vm7 =	vge.f32 v11, $-1.000000000e+02;
	v62 =	vsel vm14, $0x1, v1  }
0x308: {  	v12 =	vadd.s32 v12, v15;
	v15 =	vsel vm8, $0x1, v1;
	vm8 =	vge.f32 v8, $-5.000000000e+01  }
0x309: {  	v29 =	vsel vm7, $0x1, v1;
	vm7 =	vge.f32 v11, $2.000000000e+01;
	v14 =	vadd.s32 v14, v18  }
0x30a: {  	v13 =	vsub.s32 v13, v12;
	v30 =	vsel vm8, $0x1, v1;
	vm8 =	vge.f32 v8, $4.000000000e+01  }
0x30b: {  	v41 =	vsel vm7, $0x1, v1;
	vm7 =	vge.f32 v11, $1.000000000e+02;
	v15 =	vadd.s32 v19, v15  }
0x30c: {  	v14 =	vadd.s32 v23, v14;
	v16 =	vadd.s32 v29, v16;
	v13 =	vand.u32 v3, v13  }
0x30d: {  	v42 =	vsel vm8, $0x1, v1;
	vm8 =	vge.f32 v8, $8.000000000e+02;
	v53 =	vsel vm7, $0x1, v1  }
0x30e: {  	v8 =	vsel vm11, $0x1, v1;
	v15 =	vadd.s32 v24, v15;
	v14 =	vadd.s32 v27, v14  }
0x30f: {  	v16 =	vadd.s32 v33, v16;
	v54 =	vsel vm8, $0x1, v1;
	v12 =	vadd.s32 v12, v13  }
0x310: {  	v13 =	vadd.s32 v22, v63;
	v15 =	vadd.s32 v28, v15;
	v14 =	vadd.s32 v31, v14  }
0x311: {  	v16 =	vadd.s32 v37, v16;
	v13 =	vadd.s32 v26, v13;
	v15 =	vadd.s32 v32, v15  }
0x312: {  	v14 =	vadd.s32 v35, v14;
	v16 =	vadd.s32 v41, v16;
	v13 =	vadd.s32 v30, v13  }
0x313: {  	v15 =	vadd.s32 v36, v15;
	v14 =	vadd.s32 v39, v14;
	v16 =	vadd.s32 v45, v16  }
0x314: {  	v13 =	vadd.s32 v34, v13;
	v15 =	vadd.s32 v40, v15;
	v14 =	vadd.s32 v43, v14  }
0x315: {  	v16 =	vadd.s32 v49, v16;
	v13 =	vadd.s32 v38, v13;
	v15 =	vadd.s32 v44, v15  }
0x316: {  	v14 =	vadd.s32 v47, v14;
	v16 =	vadd.s32 v53, v16;
	v13 =	vadd.s32 v42, v13  }
0x317: {  	v15 =	vadd.s32 v48, v15;
	v14 =	vadd.s32 v51, v14;
	v8 =	vadd.s32 v8, v16  }
0x318: {  	v13 =	vadd.s32 v46, v13;
	v15 =	vadd.s32 v52, v15;
	v14 =	vadd.s32 v55, v14  }
0x319: {  	v8 =	vadd.s32 v57, v8;
	v13 =	vadd.s32 v50, v13;
	v15 =	vadd.s32 v56, v15  }
0x31a: {  	v10 =	vadd.s32 v61, v14;
	v57 =	vperm.xlane v8, v0;
	v8 =	vperm.xlane v8, v2  }
0x31b: {  	v13 =	vadd.s32 v54, v13;
	v11 =	vadd.s32 v62, v15;
	v14 =	vperm.xlane v10, v0  }
0x31c: {  	v10 =	vperm.xlane v10, v2;
	v9 =	vadd.s32 v60, v13;
	v15 =	vperm.xlane v11, v0  }
0x31d: {  	v11 =	vperm.xlane v11, v2;
	v62 =	vshll.u32 v57, $0x4;
	v13 =	vperm.xlane v9, v0  }
0x31e: {  	v58 =	vperm.xlane v9, v2;
	v60 =	vshll.u32 v14, $0x4;
	v61 =	vshll.u32 v15, $0x4  }
0x31f: {  	[tilespmem:s26+$0x7820] =	vst v12;
	v8 =	vadd.s32 v8, v62;
	v59 =	vshll.u32 v13, $0x4;
	v9 =	vadd.s32 v11, v61  }
0x320: {  	[tilespmem:s25+$0x7800] =	vst v5;
	v10 =	vadd.s32 v10, v60;
	v7 =	vadd.s32 v58, v59;
	v5 =	vsub.s32 v9, v8  }
0x321: {  	[tilespmem:s25+$0x7810] =	vst v4;
	v7 =	vsub.s32 v7, v10;
	v4 =	vand.u32 v3, v5  }
0x322: {  	v63 =	vand.u32 v3, v7;
	v4 =	vadd.s32 v8, v4  }
0x323: {  	v5 =	vadd.s32 v10, v63;
	[tilespmem:s26+$0x7810] =	vst v4  }
0x324: {  	s0 =	simm.s32 @!p0 $0x2;
	[tilespmem:s26+$0x7800] =	vst v5  }
0x325: {  	_ =	swait.ge @!p0 [sflag:s0], $0x3000  }
0x326: {  	s28 =	simm.s32 $0x0;
	[sflag:s0] =	ssyncset.done @!p0 $0x0  }
0x327: {  	s25 =	simm.s32 $0x0;
	s26 =	simm.s32 $0x7820;
	[sflag:s0] =	ssyncadd.s32 @!p0 $0xFFFFD000  }
.LBB2_9:
0x328: {  	v4 =	vld [tilespmem:s26+$0xFFFFFFE0];
	_ =	sdelay $0x4  }
0x329: {  	v4 =	vshll.u32 v4, $0x9  }
0x32a: {  	v4 =	vshra.s32 v4, $0x2  }
0x32b: {  	v4 =	vadd.s32 $0x1000, v4  }
0x32c: {  	(v2sf) =	vpush v4, $0x0;
	_ =	sdelay $0x5  }
0x32d: {  	(v2sf) =	vpush v4, $0x1;
	_ =	sdelay $0x5  }
0x32e: {  	(v2sf) =	vpush v4, $0x2;
	_ =	sdelay $0x2  }
0x32f: {  	s0 =	spop (v2sf)  }
0x330: {  	v5 =	vld [tilespmem:s0+$0x0];
	_ =	sdelay $0x1  }
0x331: {  	s3 =	sand.u32 $0xC00, s25;
	(v2sf) =	vpush v4, $0x3  }
0x332: {  	s29 =	sand.u32 $0x60, s28;
	s10 =	sor.u32 $0xB000, s3  }
0x333: {  	s6 =	sor.u32 s29, s10  }
0x334: {  	s31 =	spop (v2sf);
	[tilespmem:s6+$0x0] =	vst v5  }
0x335: {  	v5 =	vld [tilespmem:s31+$0x0];
	_ =	sdelay $0x1  }
0x336: {  	(v2sf) =	vpush v4, $0x4  }
0x337: {  	s30 =	sor.u32 $0x10, s29  }
0x338: {  	s0 =	sor.u32 s30, s10  }
0x339: {  	s6 =	spop (v2sf);
	[tilespmem:s0+$0x0] =	vst v5  }
0x33a: {  	v5 =	vld [tilespmem:s6+$0x0];
	_ =	sdelay $0x1  }
0x33b: {  	(v2sf) =	vpush v4, $0x5  }
0x33c: {  	s7 =	sor.u32 $0xB080, s3  }
0x33d: {  	s8 =	sor.u32 s29, s7  }
0x33e: {  	s9 =	spop (v2sf);
	[tilespmem:s8+$0x0] =	vst v5  }
0x33f: {  	v5 =	vld [tilespmem:s9+$0x0];
	_ =	sdelay $0x1  }
0x340: {  	(v2sf) =	vpush v4, $0x6;
	_ =	sdelay $0x1  }
0x341: {  	s0 =	sor.u32 s30, s7  }
0x342: {  	s10 =	spop (v2sf);
	[tilespmem:s0+$0x0] =	vst v5  }
0x343: {  	v5 =	vld [tilespmem:s10+$0x0];
	_ =	sdelay $0x1  }
0x344: {  	(v2sf) =	vpush v4, $0x7  }
0x345: {  	s31 =	sor.u32 $0xB100, s3  }
0x346: {  	s7 =	sor.u32 s29, s31  }
0x347: {  	s8 =	spop (v2sf);
	[tilespmem:s7+$0x0] =	vst v5  }
0x348: {  	v5 =	vld [tilespmem:s8+$0x0];
	_ =	sdelay $0x1  }
0x349: {  	(v2sf) =	vpush v4, $0x8;
	_ =	sdelay $0x1  }
0x34a: {  	s0 =	sor.u32 s30, s31  }
0x34b: {  	s9 =	spop (v2sf);
	[tilespmem:s0+$0x0] =	vst v5  }
0x34c: {  	v5 =	vld [tilespmem:s9+$0x0];
	_ =	sdelay $0x1  }
0x34d: {  	(v2sf) =	vpush v4, $0x9  }
0x34e: {  	s10 =	sor.u32 $0xB180, s3  }
0x34f: {  	s31 =	sor.u32 s29, s10  }
0x350: {  	s7 =	spop (v2sf);
	[tilespmem:s31+$0x0] =	vst v5  }
0x351: {  	v5 =	vld [tilespmem:s7+$0x0];
	_ =	sdelay $0x1  }
0x352: {  	(v2sf) =	vpush v4, $0xA;
	_ =	sdelay $0x1  }
0x353: {  	s0 =	sor.u32 s30, s10  }
0x354: {  	s8 =	spop (v2sf);
	[tilespmem:s0+$0x0] =	vst v5  }
0x355: {  	v5 =	vld [tilespmem:s8+$0x0];
	_ =	sdelay $0x1  }
0x356: {  	(v2sf) =	vpush v4, $0xB  }
0x357: {  	s9 =	sor.u32 $0xB200, s3  }
0x358: {  	s10 =	sor.u32 s29, s9  }
0x359: {  	s31 =	spop (v2sf);
	[tilespmem:s10+$0x0] =	vst v5  }
0x35a: {  	v5 =	vld [tilespmem:s31+$0x0];
	_ =	sdelay $0x1  }
0x35b: {  	(v2sf) =	vpush v4, $0xC;
	_ =	sdelay $0x1  }
0x35c: {  	s0 =	sor.u32 s30, s9  }
0x35d: {  	s6 =	spop (v2sf);
	[tilespmem:s0+$0x0] =	vst v5  }
0x35e: {  	v5 =	vld [tilespmem:s6+$0x0];
	_ =	sdelay $0x1  }
0x35f: {  	(v2sf) =	vpush v4, $0xD  }
0x360: {  	s7 =	sor.u32 $0xB280, s3  }
0x361: {  	s8 =	sor.u32 s29, s7  }
0x362: {  	s9 =	spop (v2sf);
	[tilespmem:s8+$0x0] =	vst v5  }
0x363: {  	v5 =	vld [tilespmem:s9+$0x0];
	_ =	sdelay $0x1  }
0x364: {  	(v2sf) =	vpush v4, $0xE;
	_ =	sdelay $0x1  }
0x365: {  	s0 =	sor.u32 s30, s7  }
0x366: {  	s10 =	spop (v2sf);
	[tilespmem:s0+$0x0] =	vst v5  }
0x367: {  	v5 =	vld [tilespmem:s10+$0x0];
	_ =	sdelay $0x1  }
0x368: {  	(v2sf) =	vpush v4, $0xF  }
0x369: {  	s31 =	sor.u32 $0xB300, s3  }
0x36a: {  	s7 =	sor.u32 s29, s31  }
0x36b: {  	s8 =	spop (v2sf);
	[tilespmem:s7+$0x0] =	vst v5  }
0x36c: {  	v4 =	vld [tilespmem:s8+$0x0];
	_ =	sdelay $0x3  }
0x36d: {  	s0 =	sor.u32 s30, s31  }
0x36e: {  	s9 =	spop (v2sf);
	[tilespmem:s0+$0x0] =	vst v4  }
0x36f: {  	v4 =	vld [tilespmem:s9+$0x0];
	_ =	sdelay $0x2  }
0x370: {  	s10 =	sor.u32 $0xB380, s3  }
0x371: {  	s31 =	sor.u32 s29, s10  }
0x372: {  	s7 =	spop (v2sf);
	[tilespmem:s31+$0x0] =	vst v4  }
0x373: {  	v4 =	vld [tilespmem:s7+$0x0];
	_ =	sdelay $0x3  }
0x374: {  	s0 =	sor.u32 s30, s10  }
0x375: {  	[tilespmem:s0+$0x0] =	vst v4  }
0x376: {  	v4 =	vld [tilespmem:s26+$0xFFFFFFF0];
	_ =	sdelay $0x4  }
0x377: {  	v4 =	vshll.u32 v4, $0x9  }
0x378: {  	v4 =	vshra.s32 v4, $0x2  }
0x379: {  	v4 =	vadd.s32 $0x1000, v4  }
0x37a: {  	(v2sf) =	vpush v4, $0x0;
	_ =	sdelay $0x5  }
0x37b: {  	(v2sf) =	vpush v4, $0x1;
	_ =	sdelay $0x5  }
0x37c: {  	(v2sf) =	vpush v4, $0x2;
	_ =	sdelay $0x2  }
0x37d: {  	s8 =	spop (v2sf)  }
0x37e: {  	v5 =	vld [tilespmem:s8+$0x0];
	_ =	sdelay $0x1  }
0x37f: {  	(v2sf) =	vpush v4, $0x3  }
0x380: {  	s9 =	sor.u32 $0xC000, s3  }
0x381: {  	s10 =	sor.u32 s29, s9  }
0x382: {  	s31 =	spop (v2sf);
	[tilespmem:s10+$0x0] =	vst v5  }
0x383: {  	v5 =	vld [tilespmem:s31+$0x0];
	_ =	sdelay $0x1  }
0x384: {  	(v2sf) =	vpush v4, $0x4;
	_ =	sdelay $0x1  }
0x385: {  	s0 =	sor.u32 s30, s9  }
0x386: {  	s6 =	spop (v2sf);
	[tilespmem:s0+$0x0] =	vst v5  }
0x387: {  	v5 =	vld [tilespmem:s6+$0x0];
	_ =	sdelay $0x1  }
0x388: {  	(v2sf) =	vpush v4, $0x5  }
0x389: {  	s7 =	sor.u32 $0xC080, s3  }
0x38a: {  	s8 =	sor.u32 s29, s7  }
0x38b: {  	s9 =	spop (v2sf);
	[tilespmem:s8+$0x0] =	vst v5  }
0x38c: {  	v5 =	vld [tilespmem:s9+$0x0];
	_ =	sdelay $0x1  }
0x38d: {  	(v2sf) =	vpush v4, $0x6;
	_ =	sdelay $0x1  }
0x38e: {  	s0 =	sor.u32 s30, s7  }
0x38f: {  	s10 =	spop (v2sf);
	[tilespmem:s0+$0x0] =	vst v5  }
0x390: {  	v5 =	vld [tilespmem:s10+$0x0];
	_ =	sdelay $0x1  }
0x391: {  	(v2sf) =	vpush v4, $0x7  }
0x392: {  	s31 =	sor.u32 $0xC100, s3  }
0x393: {  	s7 =	sor.u32 s29, s31  }
0x394: {  	s8 =	spop (v2sf);
	[tilespmem:s7+$0x0] =	vst v5  }
0x395: {  	v5 =	vld [tilespmem:s8+$0x0];
	_ =	sdelay $0x1  }
0x396: {  	(v2sf) =	vpush v4, $0x8;
	_ =	sdelay $0x1  }
0x397: {  	s0 =	sor.u32 s30, s31  }
0x398: {  	s9 =	spop (v2sf);
	[tilespmem:s0+$0x0] =	vst v5  }
0x399: {  	v5 =	vld [tilespmem:s9+$0x0];
	_ =	sdelay $0x1  }
0x39a: {  	(v2sf) =	vpush v4, $0x9  }
0x39b: {  	s10 =	sor.u32 $0xC180, s3  }
0x39c: {  	s31 =	sor.u32 s29, s10  }
0x39d: {  	s7 =	spop (v2sf);
	[tilespmem:s31+$0x0] =	vst v5  }
0x39e: {  	v5 =	vld [tilespmem:s7+$0x0];
	_ =	sdelay $0x1  }
0x39f: {  	(v2sf) =	vpush v4, $0xA;
	_ =	sdelay $0x1  }
0x3a0: {  	s0 =	sor.u32 s30, s10  }
0x3a1: {  	s8 =	spop (v2sf);
	[tilespmem:s0+$0x0] =	vst v5  }
0x3a2: {  	v5 =	vld [tilespmem:s8+$0x0];
	_ =	sdelay $0x1  }
0x3a3: {  	(v2sf) =	vpush v4, $0xB  }
0x3a4: {  	s9 =	sor.u32 $0xC200, s3  }
0x3a5: {  	s10 =	sor.u32 s29, s9  }
0x3a6: {  	s31 =	spop (v2sf);
	[tilespmem:s10+$0x0] =	vst v5  }
0x3a7: {  	v5 =	vld [tilespmem:s31+$0x0];
	_ =	sdelay $0x1  }
0x3a8: {  	(v2sf) =	vpush v4, $0xC;
	_ =	sdelay $0x1  }
0x3a9: {  	s0 =	sor.u32 s30, s9  }
0x3aa: {  	s6 =	spop (v2sf);
	[tilespmem:s0+$0x0] =	vst v5  }
0x3ab: {  	v5 =	vld [tilespmem:s6+$0x0];
	_ =	sdelay $0x1  }
0x3ac: {  	(v2sf) =	vpush v4, $0xD  }
0x3ad: {  	s7 =	sor.u32 $0xC280, s3  }
0x3ae: {  	s8 =	sor.u32 s29, s7  }
0x3af: {  	s9 =	spop (v2sf);
	[tilespmem:s8+$0x0] =	vst v5  }
0x3b0: {  	v5 =	vld [tilespmem:s9+$0x0];
	_ =	sdelay $0x1  }
0x3b1: {  	(v2sf) =	vpush v4, $0xE;
	_ =	sdelay $0x1  }
0x3b2: {  	s0 =	sor.u32 s30, s7  }
0x3b3: {  	s10 =	spop (v2sf);
	[tilespmem:s0+$0x0] =	vst v5  }
0x3b4: {  	v5 =	vld [tilespmem:s10+$0x0];
	_ =	sdelay $0x1  }
0x3b5: {  	(v2sf) =	vpush v4, $0xF  }
0x3b6: {  	s31 =	sor.u32 $0xC300, s3  }
0x3b7: {  	s7 =	sor.u32 s29, s31  }
0x3b8: {  	s8 =	spop (v2sf);
	[tilespmem:s7+$0x0] =	vst v5  }
0x3b9: {  	v4 =	vld [tilespmem:s8+$0x0];
	_ =	sdelay $0x3  }
0x3ba: {  	s0 =	sor.u32 s30, s31  }
0x3bb: {  	s9 =	spop (v2sf);
	[tilespmem:s0+$0x0] =	vst v4  }
0x3bc: {  	v4 =	vld [tilespmem:s9+$0x0];
	_ =	sdelay $0x2  }
0x3bd: {  	s10 =	sor.u32 $0xC380, s3  }
0x3be: {  	s31 =	sor.u32 s29, s10  }
0x3bf: {  	s7 =	spop (v2sf);
	[tilespmem:s31+$0x0] =	vst v4  }
0x3c0: {  	v4 =	vld [tilespmem:s7+$0x0];
	_ =	sdelay $0x3  }
0x3c1: {  	s0 =	sor.u32 s30, s10  }
0x3c2: {  	[tilespmem:s0+$0x0] =	vst v4  }
0x3c3: {  	v4 =	vld [tilespmem:s26+$0x0];
	_ =	sdelay $0x4  }
0x3c4: {  	v4 =	vshll.u32 v4, $0x9  }
0x3c5: {  	v4 =	vshra.s32 v4, $0x2  }
0x3c6: {  	v4 =	vadd.s32 $0x1000, v4  }
0x3c7: {  	(v2sf) =	vpush v4, $0x0;
	_ =	sdelay $0x5  }
0x3c8: {  	(v2sf) =	vpush v4, $0x1;
	_ =	sdelay $0x5  }
0x3c9: {  	(v2sf) =	vpush v4, $0x2;
	_ =	sdelay $0x2  }
0x3ca: {  	s8 =	spop (v2sf)  }
0x3cb: {  	v5 =	vld [tilespmem:s8+$0x0];
	_ =	sdelay $0x1  }
0x3cc: {  	(v2sf) =	vpush v4, $0x3  }
0x3cd: {  	s9 =	sor.u32 $0xD000, s3  }
0x3ce: {  	s10 =	sor.u32 s29, s9  }
0x3cf: {  	s31 =	spop (v2sf);
	[tilespmem:s10+$0x0] =	vst v5  }
0x3d0: {  	v5 =	vld [tilespmem:s31+$0x0];
	_ =	sdelay $0x1  }
0x3d1: {  	(v2sf) =	vpush v4, $0x4;
	_ =	sdelay $0x1  }
0x3d2: {  	s0 =	sor.u32 s30, s9  }
0x3d3: {  	s6 =	spop (v2sf);
	[tilespmem:s0+$0x0] =	vst v5  }
0x3d4: {  	v5 =	vld [tilespmem:s6+$0x0];
	_ =	sdelay $0x1  }
0x3d5: {  	(v2sf) =	vpush v4, $0x5  }
0x3d6: {  	s7 =	sor.u32 $0xD080, s3  }
0x3d7: {  	s8 =	sor.u32 s29, s7  }
0x3d8: {  	s9 =	spop (v2sf);
	[tilespmem:s8+$0x0] =	vst v5  }
0x3d9: {  	v5 =	vld [tilespmem:s9+$0x0];
	_ =	sdelay $0x1  }
0x3da: {  	(v2sf) =	vpush v4, $0x6;
	_ =	sdelay $0x1  }
0x3db: {  	s0 =	sor.u32 s30, s7  }
0x3dc: {  	s10 =	spop (v2sf);
	[tilespmem:s0+$0x0] =	vst v5  }
0x3dd: {  	v5 =	vld [tilespmem:s10+$0x0];
	_ =	sdelay $0x1  }
0x3de: {  	(v2sf) =	vpush v4, $0x7  }
0x3df: {  	s31 =	sor.u32 $0xD100, s3  }
0x3e0: {  	s7 =	sor.u32 s29, s31  }
0x3e1: {  	s8 =	spop (v2sf);
	[tilespmem:s7+$0x0] =	vst v5  }
0x3e2: {  	v5 =	vld [tilespmem:s8+$0x0];
	_ =	sdelay $0x1  }
0x3e3: {  	(v2sf) =	vpush v4, $0x8;
	_ =	sdelay $0x1  }
0x3e4: {  	s0 =	sor.u32 s30, s31  }
0x3e5: {  	s9 =	spop (v2sf);
	[tilespmem:s0+$0x0] =	vst v5  }
0x3e6: {  	v5 =	vld [tilespmem:s9+$0x0];
	_ =	sdelay $0x1  }
0x3e7: {  	(v2sf) =	vpush v4, $0x9  }
0x3e8: {  	s10 =	sor.u32 $0xD180, s3  }
0x3e9: {  	s31 =	sor.u32 s29, s10  }
0x3ea: {  	s7 =	spop (v2sf);
	[tilespmem:s31+$0x0] =	vst v5  }
0x3eb: {  	v5 =	vld [tilespmem:s7+$0x0];
	_ =	sdelay $0x1  }
0x3ec: {  	(v2sf) =	vpush v4, $0xA;
	_ =	sdelay $0x1  }
0x3ed: {  	s0 =	sor.u32 s30, s10  }
0x3ee: {  	s8 =	spop (v2sf);
	[tilespmem:s0+$0x0] =	vst v5  }
0x3ef: {  	v5 =	vld [tilespmem:s8+$0x0];
	_ =	sdelay $0x1  }
0x3f0: {  	(v2sf) =	vpush v4, $0xB  }
0x3f1: {  	s9 =	sor.u32 $0xD200, s3  }
0x3f2: {  	s10 =	sor.u32 s29, s9  }
0x3f3: {  	s31 =	spop (v2sf);
	[tilespmem:s10+$0x0] =	vst v5  }
0x3f4: {  	v5 =	vld [tilespmem:s31+$0x0];
	_ =	sdelay $0x1  }
0x3f5: {  	(v2sf) =	vpush v4, $0xC;
	_ =	sdelay $0x1  }
0x3f6: {  	s0 =	sor.u32 s30, s9  }
0x3f7: {  	s6 =	spop (v2sf);
	[tilespmem:s0+$0x0] =	vst v5  }
0x3f8: {  	v5 =	vld [tilespmem:s6+$0x0];
	_ =	sdelay $0x1  }
0x3f9: {  	(v2sf) =	vpush v4, $0xD  }
0x3fa: {  	s7 =	sor.u32 $0xD280, s3  }
0x3fb: {  	s8 =	sor.u32 s29, s7  }
0x3fc: {  	s9 =	spop (v2sf);
	[tilespmem:s8+$0x0] =	vst v5  }
0x3fd: {  	v5 =	vld [tilespmem:s9+$0x0];
	_ =	sdelay $0x1  }
0x3fe: {  	(v2sf) =	vpush v4, $0xE;
	_ =	sdelay $0x1  }
0x3ff: {  	s0 =	sor.u32 s30, s7  }
0x400: {  	s10 =	spop (v2sf);
	[tilespmem:s0+$0x0] =	vst v5  }
0x401: {  	v5 =	vld [tilespmem:s10+$0x0];
	_ =	sdelay $0x1  }
0x402: {  	(v2sf) =	vpush v4, $0xF  }
0x403: {  	s31 =	sor.u32 $0xD300, s3  }
0x404: {  	s7 =	sor.u32 s29, s31  }
0x405: {  	s8 =	spop (v2sf);
	[tilespmem:s7+$0x0] =	vst v5  }
0x406: {  	v4 =	vld [tilespmem:s8+$0x0];
	_ =	sdelay $0x3  }
0x407: {  	s0 =	sor.u32 s30, s31  }
0x408: {  	s9 =	spop (v2sf);
	[tilespmem:s0+$0x0] =	vst v4  }
0x409: {  	v4 =	vld [tilespmem:s9+$0x0];
	_ =	sdelay $0x2  }
0x40a: {  	s10 =	sor.u32 $0xD380, s3  }
0x40b: {  	s3 =	sor.u32 s29, s10  }
0x40c: {  	s31 =	spop (v2sf);
	[tilespmem:s3+$0x0] =	vst v4  }
0x40d: {  	p0 =	sne.s32 s28, $0x1E0;
	v4 =	vld [tilespmem:s31+$0x0]  }
.Ltmp3:
0x40e: {  	_ = 	snop;
	(pc) =	sbr.rel @p0 .LBB2_9-.Ltmp3, $3  }
0x40f: {  	_ =	sdelay $0x1  }
0x410: {  	s0 =	sor.u32 s30, s10  }
0x411: {  	s25 =	sadd.s32 $0x100, s25;
	s28 =	sadd.s32 $0x20, s28;
	s26 =	sadd.s32 $0x80, s26;
	[tilespmem:s0+$0x0] =	vst v4  }
0x412: {  	s0 =	smul.u32 $0x48000, s22;
	s21 =	sadd.s32 $0x1, s21  }
0x413: {  	s3 =	smul.u32 $0x3000, s23;
	p0 =	sne.s32 s21, $0x12  }
.Ltmp4:
0x414: {  	s0 =	sadd.s32 s24, s0;
	(pc) =	sbr.rel @p0 .LBB2_2-.Ltmp4, $4  }
0x415: {  	s0 =	sadd.s32 s3, s0  }
0x416: {  	s0 =	sshrl.u32 s0, $0x3  }
0x417: {  	s0 =	sadd.s32 s4, s0  }
0x418: {  	[hbm4b:s0+s5] =	stream.linear.scatter [tilespmem:s17], [sflag:$0x2], $0x3000, $0x38;
	[tilespmem:$0xE000] =	vst v63  }
0x419: {  	_ =	swait.ge [sflag:s18], $0x3000  }
0x41a: {  	[sflag:s18] =	ssyncset.done $0x0  }
0x41b: {  	[sflag:s18] =	ssyncadd.s32 $0xFFFFD000  }
0x41c: {  	_ =	swait.ge [sflag:s19], $0x3000  }
0x41d: {  	s20 =	sadd.s32 $0x1, s20;
	s0 =	rddreg [dreg:$0x6]  }
0x41e: {  	p0 =	sne.s32 s20, s0  }
.Ltmp5:
0x41f: {  	_ = 	snop;
	(pc) =	sbr.rel @p0 .LBB2_1-.Ltmp5, $3  }
0x420: {  	_ =	sdelay $0x1  }
0x421: {  	[sflag:s19] =	ssyncset.done $0x0  }
0x422: {  	[sflag:s19] =	ssyncadd.s32 $0xFFFFD000  }
0x423: {  	_ =	sfence.sel $0x180000  }
0x424: {  	[bflag:$0x0] =	sbarrier.arrive $0xFFFF  }
0x425: {  	_ =	strace $0x90000047  }
0x426: {  	s0 =	stileid.u32;
	[bflag:$0x2] =	sbarrier.arrive $0xFFFF  }
0x427: {  	p0 =	sne.s32 s0, $0x0;
	s0 =	rddreg [dreg:$0x3]  }
0x428: {  	s0 =	sadd.s32 @!p0 $0x100000, s0  }
0x429: {  	[sflag:s0] =	ssyncadd.tile.s32 @!p0 $0x1;
	_ =	shalt  }
.Lfunc_end2:
_tile_overlayer_lowered:
.L_overlay_start_2:
0x42a: {  	(tag) =	ssettag $0x2  }
0x42b: {  	s0 =	rddreg [dreg:$0x0];
	s2 =	stileid.u32  }
0x42c: {  	s1 =	rddreg [dreg:$0x1];
	p0 =	sne.s32 s2, $0x0  }
0x42d: {  	s3 =	rddreg [dreg:$0x2];
	[bflag:$0x3] =	sbarrier.arrive $0xFFFF;
	s2 =	simm.s32 @!p0 $0x1C05  }
0x42e: {  	[timem:s3], [sflag:s2] =	dma.local @!p0 [hbm:s0], s1  }
0x42f: {  	s0 =	simm.s32 @!p0 $0x5  }
0x430: {  	_ =	swait.ge @!p0 [sflag:s0], s1  }
0x431: {  	s1 =	ssub.s32 @!p0 $0x0, s1;
	[sflag:s0] =	ssyncset.done @!p0 $0x0  }
0x432: {  	[sflag:s0] =	ssyncadd.s32 @!p0 s1  }
0x433: {  	[bflag:$0x3] =	sbarrier.arrive $0xFFFF  }
0x434: {  	_ =	shalt  }

</sc_bundles>
